<compile_context>
chip_gen: v7x
topology: tpu7x:2x2x1
jax: 0.10.2.dev20260603
libtpu: 0.0.44.dev20260713+nightly
codegen_flags: <defaults>
</compile_context>

<pallas_src>
import functools

import jax
import jax.numpy as jnp
from jax import lax
from jax.experimental import pallas as pl
from jax.experimental.pallas import tpu as pltpu
from jax.experimental.pallas import tpu_sc as plsc

N_USERS = 1000000
N_STATEMENTS = 100000
N_FACTORS = 16
BATCH = 16384

NC = 2
NS = 16
NW = NC * NS
B_PER_W = BATCH // NW
CHUNK = 128
N_CHUNKS = B_PER_W // CHUNK
L = 16
N_GROUPS = B_PER_W // L
UI_ROWS = (N_USERS + 127) // 128
SI_ROWS = (N_STATEMENTS + 127) // 128


def _mf_kernel(uidx_hbm, sidx_hbm, uf_hbm, sf_hbm, ui_hbm, si_hbm, g_hbm,
               out_hbm,
               uidx_v, sidx_v, utile_v, stile_v, uint_v, sint_v, g_v, acc_v,
               sem):
    wid = lax.axis_index("s") * NC + lax.axis_index("c")
    base = wid * B_PER_W

    pltpu.sync_copy(uidx_hbm.at[wid], uidx_v)
    pltpu.sync_copy(sidx_hbm.at[wid], sidx_v)
    pltpu.sync_copy(g_hbm, g_v)

    lane = lax.iota(jnp.int32, L)

    def idx_vec(ref, g):
        return ref[g // 8, pl.ds((g % 8) * L, L)]

    def issue_group(g, buf):
        iuv = idx_vec(uidx_v, g)
        isv = idx_vec(sidx_v, g)
        tu = iuv >> 3
        ts = isv >> 3
        for i in range(L):
            pltpu.async_copy(uf_hbm.at[tu[i]], utile_v.at[buf, i], sem)
            pltpu.async_copy(sf_hbm.at[ts[i]], stile_v.at[buf, i], sem)
        pltpu.async_copy(ui_hbm.at[iuv >> 7], uint_v.at[buf], sem)
        pltpu.async_copy(si_hbm.at[isv >> 7], sint_v.at[buf], sem)

    def wait_group(buf):
        for i in range(L):
            pltpu.make_async_copy(uf_hbm.at[0], utile_v.at[buf, i], sem).wait()
            pltpu.make_async_copy(sf_hbm.at[0], stile_v.at[buf, i], sem).wait()
        pltpu.make_async_copy(ui_hbm.at[lane], uint_v.at[buf], sem).wait()
        pltpu.make_async_copy(si_hbm.at[lane], sint_v.at[buf], sem).wait()

    def compute_group(g, buf):
        iuv = idx_vec(uidx_v, g)
        isv = idx_vec(sidx_v, g)
        su = iuv & 7
        ss = isv & 7
        ub = utile_v.at[buf]
        sb = stile_v.at[buf]
        acc = g_v[...]
        acc = acc + plsc.load_gather(uint_v.at[buf], [lane, iuv & 127])
        acc = acc + plsc.load_gather(sint_v.at[buf], [lane, isv & 127])
        for k in range(N_FACTORS):
            colk = jnp.full((L,), k, jnp.int32)
            u = plsc.load_gather(ub, [lane, su, colk])
            s = plsc.load_gather(sb, [lane, ss, colk])
            acc = acc + u * s
        acc_v[pl.ds(g * L, L)] = acc

    issue_group(0, 0)

    def body(g, carry):
        buf = lax.rem(g, 2)
        wait_group(buf)

        @pl.when(g + 1 < N_GROUPS)
        def _issue_next():
            issue_group(g + 1, 1 - buf)

        compute_group(g, buf)
        return carry

    lax.fori_loop(0, N_GROUPS, body, 0)

    pltpu.sync_copy(acc_v, out_hbm.at[pl.ds(base, B_PER_W)])


@jax.jit
def _mf(uidx, sidx, uf3, sf3, ui2, si2, g):
    mesh = plsc.VectorSubcoreMesh(core_axis_name="c", subcore_axis_name="s")
    kern = functools.partial(
        pl.kernel,
        mesh=mesh,
        out_type=jax.ShapeDtypeStruct((BATCH,), jnp.float32),
        compiler_params=pltpu.CompilerParams(needs_layout_passes=False),
        scratch_types=[
            pltpu.VMEM((N_CHUNKS, CHUNK), jnp.int32),
            pltpu.VMEM((N_CHUNKS, CHUNK), jnp.int32),
            pltpu.VMEM((2, L, 8, N_FACTORS), jnp.float32),
            pltpu.VMEM((2, L, 8, N_FACTORS), jnp.float32),
            pltpu.VMEM((2, L, 128), jnp.float32),
            pltpu.VMEM((2, L, 128), jnp.float32),
            pltpu.VMEM((L,), jnp.float32),
            pltpu.VMEM((B_PER_W,), jnp.float32),
            pltpu.SemaphoreType.DMA,
        ],
    )(_mf_kernel)
    return kern(uidx, sidx, uf3, sf3, ui2, si2, g)


def kernel(user_indexes, statement_indexes, user_factors, statement_factors,
           user_intercepts, statement_intercepts, global_intercept):
    uidx = user_indexes.astype(jnp.int32).reshape(NW, N_CHUNKS, CHUNK)
    sidx = statement_indexes.astype(jnp.int32).reshape(NW, N_CHUNKS, CHUNK)
    uf3 = user_factors.reshape(N_USERS // 8, 8, N_FACTORS)
    sf3 = statement_factors.reshape(N_STATEMENTS // 8, 8, N_FACTORS)
    ui2 = jnp.pad(user_intercepts.reshape(N_USERS),
                  (0, UI_ROWS * 128 - N_USERS)).reshape(UI_ROWS, 128)
    si2 = jnp.pad(statement_intercepts.reshape(N_STATEMENTS),
                  (0, SI_ROWS * 128 - N_STATEMENTS)).reshape(SI_ROWS, 128)
    g = jnp.broadcast_to(global_intercept.reshape(()), (L,))
    return _mf(uidx, sidx, uf3, sf3, ui2, si2, g)

# --- scband reference (transcript-rebuilt; emitter-appended) ---
"""Pipeline reference for scband-matrix-factorization-47622597378486 (READ-ONLY COPY).

The authoritative reference and input builder live on the scoring server;
editing this copy changes nothing except your own understanding.
"""

import jax, jax.numpy as jnp
import numpy as np

N_USERS = 1000000
N_STATEMENTS = 100000
N_FACTORS = 16
BATCH = 16384

def _xavier_uniform(key, shape):
    fan_in, fan_out = shape[1], shape[0]
    limit = float(np.sqrt(6.0 / (fan_in + fan_out)))
    return jax.random.uniform(key, shape, dtype=jnp.float32, minval=-limit, maxval=limit)

def setup_inputs(seed: int = 0) -> dict:
    key = jax.random.key(seed)
    k1, k2, k3, k4 = jax.random.split(key, 4)
    user_indexes = jax.random.randint(k1, (BATCH,), 0, N_USERS, dtype=jnp.int64 if jax.config.jax_enable_x64 else jnp.int32)
    statement_indexes = jax.random.randint(k2, (BATCH,), 0, N_STATEMENTS, dtype=jnp.int64 if jax.config.jax_enable_x64 else jnp.int32)
    user_factors = _xavier_uniform(k3, (N_USERS, N_FACTORS))
    statement_factors = _xavier_uniform(k4, (N_STATEMENTS, N_FACTORS))
    user_intercepts = jnp.zeros((N_USERS, 1), dtype=jnp.float32)
    statement_intercepts = jnp.zeros((N_STATEMENTS, 1), dtype=jnp.float32)
    global_intercept = jnp.zeros((1, 1), dtype=jnp.float32)
    return {
        "user_indexes": user_indexes,
        "statement_indexes": statement_indexes,
        "user_factors": user_factors,
        "statement_factors": statement_factors,
        "user_intercepts": user_intercepts,
        "statement_intercepts": statement_intercepts,
        "global_intercept": global_intercept,
    }

def reference(user_indexes, statement_indexes, user_factors, statement_factors, user_intercepts, statement_intercepts, global_intercept):
    user_embedding = jnp.take(user_factors, user_indexes, axis=0)
    statement_embedding = jnp.take(statement_factors, statement_indexes, axis=0)
    user_intercept = jnp.take(user_intercepts, user_indexes, axis=0).squeeze()
    statement_intercept = jnp.take(statement_intercepts, statement_indexes, axis=0).squeeze()
    dot_product = (user_embedding * statement_embedding).sum(axis=-1)
    return (global_intercept + user_intercept + statement_intercept + dot_product).squeeze()

if __name__ == "__main__":
    import jax
    _d = setup_inputs()
    print(jax.jit(kernel)(*tuple(_d.values())))

</pallas_src>

<mosaic_0001>
#map = affine_map<(d0, d1) -> (0, 0, 0)>
#map1 = affine_map<(d0, d1) -> (0, 0)>
#map2 = affine_map<(d0, d1) -> (0)>
module attributes {stable_mosaic.version = 14 : i64} {
  func.func @_mf_kernel(%arg0: i32, %arg1: i32, %arg2: memref<32x4x128xi32, #tpu.memory_space<hbm>>, %arg3: memref<32x4x128xi32, #tpu.memory_space<hbm>>, %arg4: memref<125000x8x16xf32, #tpu.memory_space<hbm>>, %arg5: memref<12500x8x16xf32, #tpu.memory_space<hbm>>, %arg6: memref<7813x128xf32, #tpu.memory_space<hbm>>, %arg7: memref<782x128xf32, #tpu.memory_space<hbm>>, %arg8: memref<16xf32, #tpu.memory_space<hbm>>, %arg9: memref<16384xf32, #tpu.memory_space<hbm>>, %arg10: memref<4x128xi32, #tpu.memory_space<vmem>>, %arg11: memref<4x128xi32, #tpu.memory_space<vmem>>, %arg12: memref<2x16x8x16xf32, #tpu.memory_space<vmem>>, %arg13: memref<2x16x8x16xf32, #tpu.memory_space<vmem>>, %arg14: memref<2x16x128xf32, #tpu.memory_space<vmem>>, %arg15: memref<2x16x128xf32, #tpu.memory_space<vmem>>, %arg16: memref<16xf32, #tpu.memory_space<vmem>>, %arg17: memref<512xf32, #tpu.memory_space<vmem>>, %arg18: memref<!tpu.dma_semaphore, #tpu.memory_space<semaphore_mem>>) attributes {dimension_semantics = [#tpu.dimension_semantics<core_parallel>, #tpu.dimension_semantics<subcore_parallel>], iteration_bounds = array<i64: 2, 16>, scalar_prefetch = 0 : i64, scratch_operands = 9 : i64, tpu.core_type = #tpu.core_type<sc_vector_subcore>, window_params = [{transform_indices = #map}, {transform_indices = #map}, {transform_indices = #map}, {transform_indices = #map}, {transform_indices = #map1}, {transform_indices = #map1}, {transform_indices = #map2}, {transform_indices = #map2}]} {
    %mul3A = arith.constant 2 : i32
    %mul3A_0 = arith.muli %arg1, %mul3A : i32
    %add3A = arith.addi %mul3A_0, %arg0 : i32
    %mul3A_1 = arith.constant 512 : i32
    %mul3A_2 = arith.muli %add3A, %mul3A_1 : i32
    "tpu.region"() ({
      %run_scoped3A = tpu.sem_alloc : memref<!tpu.dma_semaphore, #tpu.memory_space<semaphore_mem>>
      %dma_start3A_679 = arith.constant 0 : i32
      %dma_start3A_680 = arith.constant 0 : i32
      %dma_start3A_681 = tpu.memref_slice %arg2[%add3A, %dma_start3A_679, %dma_start3A_680] : memref<32x4x128xi32, #tpu.memory_space<hbm>> -> memref<1x4x128xi32, #tpu.memory_space<hbm>>
      %dma_start3A_682 = tpu.memref_squeeze %dma_start3A_681 : memref<1x4x128xi32, #tpu.memory_space<hbm>> -> memref<4x128xi32, #tpu.memory_space<hbm>>
      %dma_start3A_683 = arith.constant 0 : i32
      %dma_start3A_684 = arith.constant 0 : i32
      %dma_start3A_685 = tpu.memref_slice %arg2[%add3A, %dma_start3A_683, %dma_start3A_684] : memref<32x4x128xi32, #tpu.memory_space<hbm>> -> memref<1x4x128xi32, #tpu.memory_space<hbm>>
      %dma_start3A_686 = tpu.memref_squeeze %dma_start3A_685 : memref<1x4x128xi32, #tpu.memory_space<hbm>> -> memref<4x128xi32, #tpu.memory_space<hbm>>
      tpu.enqueue_dma source(%dma_start3A_686 : memref<4x128xi32, #tpu.memory_space<hbm>>) target(%arg10 : memref<4x128xi32, #tpu.memory_space<vmem>>) target_semaphore(%run_scoped3A : memref<!tpu.dma_semaphore, #tpu.memory_space<semaphore_mem>>)
      %dma_wait3A = arith.constant 0 : i32
      %dma_wait3A_687 = arith.constant 0 : i32
      %dma_wait3A_688 = tpu.memref_slice %arg2[%add3A, %dma_wait3A, %dma_wait3A_687] : memref<32x4x128xi32, #tpu.memory_space<hbm>> -> memref<1x4x128xi32, #tpu.memory_space<hbm>>
      %dma_wait3A_689 = tpu.memref_squeeze %dma_wait3A_688 : memref<1x4x128xi32, #tpu.memory_space<hbm>> -> memref<4x128xi32, #tpu.memory_space<hbm>>
      %dma_wait3A_690 = arith.constant 0 : i32
      %dma_wait3A_691 = arith.constant 0 : i32
      %dma_wait3A_692 = tpu.memref_slice %arg2[%add3A, %dma_wait3A_690, %dma_wait3A_691] : memref<32x4x128xi32, #tpu.memory_space<hbm>> -> memref<1x4x128xi32, #tpu.memory_space<hbm>>
      %dma_wait3A_693 = tpu.memref_squeeze %dma_wait3A_692 : memref<1x4x128xi32, #tpu.memory_space<hbm>> -> memref<4x128xi32, #tpu.memory_space<hbm>>
      tpu.wait_dma2 semaphore(%run_scoped3A : memref<!tpu.dma_semaphore, #tpu.memory_space<semaphore_mem>>) src(%dma_wait3A_693 : memref<4x128xi32, #tpu.memory_space<hbm>>) dst(%arg10 : memref<4x128xi32, #tpu.memory_space<vmem>>)
      tpu.yield
    }) : () -> ()
    "tpu.region"() ({
      %run_scoped3A = tpu.sem_alloc : memref<!tpu.dma_semaphore, #tpu.memory_space<semaphore_mem>>
      %dma_start3A_679 = arith.constant 0 : i32
      %dma_start3A_680 = arith.constant 0 : i32
      %dma_start3A_681 = tpu.memref_slice %arg3[%add3A, %dma_start3A_679, %dma_start3A_680] : memref<32x4x128xi32, #tpu.memory_space<hbm>> -> memref<1x4x128xi32, #tpu.memory_space<hbm>>
      %dma_start3A_682 = tpu.memref_squeeze %dma_start3A_681 : memref<1x4x128xi32, #tpu.memory_space<hbm>> -> memref<4x128xi32, #tpu.memory_space<hbm>>
      %dma_start3A_683 = arith.constant 0 : i32
      %dma_start3A_684 = arith.constant 0 : i32
      %dma_start3A_685 = tpu.memref_slice %arg3[%add3A, %dma_start3A_683, %dma_start3A_684] : memref<32x4x128xi32, #tpu.memory_space<hbm>> -> memref<1x4x128xi32, #tpu.memory_space<hbm>>
      %dma_start3A_686 = tpu.memref_squeeze %dma_start3A_685 : memref<1x4x128xi32, #tpu.memory_space<hbm>> -> memref<4x128xi32, #tpu.memory_space<hbm>>
      tpu.enqueue_dma source(%dma_start3A_686 : memref<4x128xi32, #tpu.memory_space<hbm>>) target(%arg11 : memref<4x128xi32, #tpu.memory_space<vmem>>) target_semaphore(%run_scoped3A : memref<!tpu.dma_semaphore, #tpu.memory_space<semaphore_mem>>)
      %dma_wait3A = arith.constant 0 : i32
      %dma_wait3A_687 = arith.constant 0 : i32
      %dma_wait3A_688 = tpu.memref_slice %arg3[%add3A, %dma_wait3A, %dma_wait3A_687] : memref<32x4x128xi32, #tpu.memory_space<hbm>> -> memref<1x4x128xi32, #tpu.memory_space<hbm>>
      %dma_wait3A_689 = tpu.memref_squeeze %dma_wait3A_688 : memref<1x4x128xi32, #tpu.memory_space<hbm>> -> memref<4x128xi32, #tpu.memory_space<hbm>>
      %dma_wait3A_690 = arith.constant 0 : i32
      %dma_wait3A_691 = arith.constant 0 : i32
      %dma_wait3A_692 = tpu.memref_slice %arg3[%add3A, %dma_wait3A_690, %dma_wait3A_691] : memref<32x4x128xi32, #tpu.memory_space<hbm>> -> memref<1x4x128xi32, #tpu.memory_space<hbm>>
      %dma_wait3A_693 = tpu.memref_squeeze %dma_wait3A_692 : memref<1x4x128xi32, #tpu.memory_space<hbm>> -> memref<4x128xi32, #tpu.memory_space<hbm>>
      tpu.wait_dma2 semaphore(%run_scoped3A : memref<!tpu.dma_semaphore, #tpu.memory_space<semaphore_mem>>) src(%dma_wait3A_693 : memref<4x128xi32, #tpu.memory_space<hbm>>) dst(%arg11 : memref<4x128xi32, #tpu.memory_space<vmem>>)
      tpu.yield
    }) : () -> ()
    "tpu.region"() ({
      %run_scoped3A = tpu.sem_alloc : memref<!tpu.dma_semaphore, #tpu.memory_space<semaphore_mem>>
      tpu.enqueue_dma source(%arg8 : memref<16xf32, #tpu.memory_space<hbm>>) target(%arg16 : memref<16xf32, #tpu.memory_space<vmem>>) target_semaphore(%run_scoped3A : memref<!tpu.dma_semaphore, #tpu.memory_space<semaphore_mem>>)
      tpu.wait_dma2 semaphore(%run_scoped3A : memref<!tpu.dma_semaphore, #tpu.memory_space<semaphore_mem>>) src(%arg8 : memref<16xf32, #tpu.memory_space<hbm>>) dst(%arg16 : memref<16xf32, #tpu.memory_space<vmem>>)
      tpu.yield
    }) : () -> ()
    %iota3A = tpu.iota {dimensions = array<i32: 0>} : vector<16xi32>
    %get3A = arith.constant 0 : i32
    %get3A_3 = arith.index_cast %get3A : i32 to index
    %get3A_4 = arith.constant 0 : index
    %get3A_5 = tpu.vector_load %arg10[%get3A_3, %get3A_4] {strides = array<i32>} : memref<4x128xi32, #tpu.memory_space<vmem>>, vector<16xi32>,
    %get3A_6 = arith.constant 0 : i32
    %get3A_7 = arith.index_cast %get3A_6 : i32 to index
    %get3A_8 = arith.constant 0 : index
    %get3A_9 = tpu.vector_load %arg11[%get3A_7, %get3A_8] {strides = array<i32>} : memref<4x128xi32, #tpu.memory_space<vmem>>, vector<16xi32>,
    %shift_right_arithmetic3A = arith.constant 3 : i32
    %shift_right_arithmetic3A_10 = vector.broadcast %shift_right_arithmetic3A : i32 to vector<16xi32>
    %shift_right_arithmetic3A_11 = arith.shrsi %get3A_5, %shift_right_arithmetic3A_10 : vector<16xi32>
    %shift_right_arithmetic3A_12 = arith.constant 3 : i32
    %shift_right_arithmetic3A_13 = vector.broadcast %shift_right_arithmetic3A_12 : i32 to vector<16xi32>
    %shift_right_arithmetic3A_14 = arith.shrsi %get3A_9, %shift_right_arithmetic3A_13 : vector<16xi32>
    %slice3A = vector.extract_strided_slice %shift_right_arithmetic3A_11 {offsets = [0], sizes = [1], strides = [1]} : vector<16xi32> to vector<1xi32>
    %squeeze3A = vector.extract %slice3A[0] : i32 from vector<1xi32>
    %dma_start3A = arith.constant 0 : i32
    %dma_start3A_15 = arith.constant 0 : i32
    %dma_start3A_16 = arith.constant 0 : i32
    %dma_start3A_17 = arith.constant 0 : i32
    %dma_start3A_18 = tpu.memref_slice %arg12[%dma_start3A, %dma_start3A_15, %dma_start3A_16, %dma_start3A_17] : memref<2x16x8x16xf32, #tpu.memory_space<vmem>> -> memref<1x1x8x16xf32, #tpu.memory_space<vmem>>
    %dma_start3A_19 = tpu.memref_squeeze %dma_start3A_18 : memref<1x1x8x16xf32, #tpu.memory_space<vmem>> -> memref<8x16xf32, #tpu.memory_space<vmem>>
    %dma_start3A_20 = arith.constant 0 : i32
    %dma_start3A_21 = arith.constant 0 : i32
    %dma_start3A_22 = tpu.memref_slice %arg4[%squeeze3A, %dma_start3A_20, %dma_start3A_21] : memref<125000x8x16xf32, #tpu.memory_space<hbm>> -> memref<1x8x16xf32, #tpu.memory_space<hbm>>
    %dma_start3A_23 = tpu.memref_squeeze %dma_start3A_22 : memref<1x8x16xf32, #tpu.memory_space<hbm>> -> memref<8x16xf32, #tpu.memory_space<hbm>>
    %dma_start3A_24 = arith.constant 0 : i32
    %dma_start3A_25 = arith.constant 0 : i32
    %dma_start3A_26 = tpu.memref_slice %arg12[%dma_start3A, %dma_start3A_15, %dma_start3A_24, %dma_start3A_25] : memref<2x16x8x16xf32, #tpu.memory_space<vmem>> -> memref<1x1x8x16xf32, #tpu.memory_space<vmem>>
    %dma_start3A_27 = tpu.memref_squeeze %dma_start3A_26 : memref<1x1x8x16xf32, #tpu.memory_space<vmem>> -> memref<8x16xf32, #tpu.memory_space<vmem>>
    %dma_start3A_28 = arith.constant 0 : i32
    %dma_start3A_29 = arith.constant 0 : i32
    %dma_start3A_30 = tpu.memref_slice %arg4[%squeeze3A, %dma_start3A_28, %dma_start3A_29] : memref<125000x8x16xf32, #tpu.memory_space<hbm>> -> memref<1x8x16xf32, #tpu.memory_space<hbm>>
    %dma_start3A_31 = tpu.memref_squeeze %dma_start3A_30 : memref<1x8x16xf32, #tpu.memory_space<hbm>> -> memref<8x16xf32, #tpu.memory_space<hbm>>
    tpu.enqueue_dma source(%dma_start3A_31 : memref<8x16xf32, #tpu.memory_space<hbm>>) target(%dma_start3A_27 : memref<8x16xf32, #tpu.memory_space<vmem>>) target_semaphore(%arg18 : memref<!tpu.dma_semaphore, #tpu.memory_space<semaphore_mem>>)
    %slice3A_32 = vector.extract_strided_slice %shift_right_arithmetic3A_14 {offsets = [0], sizes = [1], strides = [1]} : vector<16xi32> to vector<1xi32>
    %squeeze3A_33 = vector.extract %slice3A_32[0] : i32 from vector<1xi32>
    %dma_start3A_34 = arith.constant 0 : i32
    %dma_start3A_35 = arith.constant 0 : i32
    %dma_start3A_36 = arith.constant 0 : i32
    %dma_start3A_37 = arith.constant 0 : i32
    %dma_start3A_38 = tpu.memref_slice %arg13[%dma_start3A_34, %dma_start3A_35, %dma_start3A_36, %dma_start3A_37] : memref<2x16x8x16xf32, #tpu.memory_space<vmem>> -> memref<1x1x8x16xf32, #tpu.memory_space<vmem>>
    %dma_start3A_39 = tpu.memref_squeeze %dma_start3A_38 : memref<1x1x8x16xf32, #tpu.memory_space<vmem>> -> memref<8x16xf32, #tpu.memory_space<vmem>>
    %dma_start3A_40 = arith.constant 0 : i32
    %dma_start3A_41 = arith.constant 0 : i32
    %dma_start3A_42 = tpu.memref_slice %arg5[%squeeze3A_33, %dma_start3A_40, %dma_start3A_41] : memref<12500x8x16xf32, #tpu.memory_space<hbm>> -> memref<1x8x16xf32, #tpu.memory_space<hbm>>
    %dma_start3A_43 = tpu.memref_squeeze %dma_start3A_42 : memref<1x8x16xf32, #tpu.memory_space<hbm>> -> memref<8x16xf32, #tpu.memory_space<hbm>>
    %dma_start3A_44 = arith.constant 0 : i32
    %dma_start3A_45 = arith.constant 0 : i32
    %dma_start3A_46 = tpu.memref_slice %arg13[%dma_start3A_34, %dma_start3A_35, %dma_start3A_44, %dma_start3A_45] : memref<2x16x8x16xf32, #tpu.memory_space<vmem>> -> memref<1x1x8x16xf32, #tpu.memory_space<vmem>>
    %dma_start3A_47 = tpu.memref_squeeze %dma_start3A_46 : memref<1x1x8x16xf32, #tpu.memory_space<vmem>> -> memref<8x16xf32, #tpu.memory_space<vmem>>
    %dma_start3A_48 = arith.constant 0 : i32
    %dma_start3A_49 = arith.constant 0 : i32
    %dma_start3A_50 = tpu.memref_slice %arg5[%squeeze3A_33, %dma_start3A_48, %dma_start3A_49] : memref<12500x8x16xf32, #tpu.memory_space<hbm>> -> memref<1x8x16xf32, #tpu.memory_space<hbm>>
    %dma_start3A_51 = tpu.memref_squeeze %dma_start3A_50 : memref<1x8x16xf32, #tpu.memory_space<hbm>> -> memref<8x16xf32, #tpu.memory_space<hbm>>
    tpu.enqueue_dma source(%dma_start3A_51 : memref<8x16xf32, #tpu.memory_space<hbm>>) target(%dma_start3A_47 : memref<8x16xf32, #tpu.memory_space<vmem>>) target_semaphore(%arg18 : memref<!tpu.dma_semaphore, #tpu.memory_space<semaphore_mem>>)
    %slice3A_52 = vector.extract_strided_slice %shift_right_arithmetic3A_11 {offsets = [1], sizes = [1], strides = [1]} : vector<16xi32> to vector<1xi32>
    %squeeze3A_53 = vector.extract %slice3A_52[0] : i32 from vector<1xi32>
    %dma_start3A_54 = arith.constant 0 : i32
    %dma_start3A_55 = arith.constant 1 : i32
    %dma_start3A_56 = arith.constant 0 : i32
    %dma_start3A_57 = arith.constant 0 : i32
    %dma_start3A_58 = tpu.memref_slice %arg12[%dma_start3A_54, %dma_start3A_55, %dma_start3A_56, %dma_start3A_57] : memref<2x16x8x16xf32, #tpu.memory_space<vmem>> -> memref<1x1x8x16xf32, #tpu.memory_space<vmem>>
    %dma_start3A_59 = tpu.memref_squeeze %dma_start3A_58 : memref<1x1x8x16xf32, #tpu.memory_space<vmem>> -> memref<8x16xf32, #tpu.memory_space<vmem>>
    %dma_start3A_60 = arith.constant 0 : i32
    %dma_start3A_61 = arith.constant 0 : i32
    %dma_start3A_62 = tpu.memref_slice %arg4[%squeeze3A_53, %dma_start3A_60, %dma_start3A_61] : memref<125000x8x16xf32, #tpu.memory_space<hbm>> -> memref<1x8x16xf32, #tpu.memory_space<hbm>>
    %dma_start3A_63 = tpu.memref_squeeze %dma_start3A_62 : memref<1x8x16xf32, #tpu.memory_space<hbm>> -> memref<8x16xf32, #tpu.memory_space<hbm>>
    %dma_start3A_64 = arith.constant 0 : i32
    %dma_start3A_65 = arith.constant 0 : i32
    %dma_start3A_66 = tpu.memref_slice %arg12[%dma_start3A_54, %dma_start3A_55, %dma_start3A_64, %dma_start3A_65] : memref<2x16x8x16xf32, #tpu.memory_space<vmem>> -> memref<1x1x8x16xf32, #tpu.memory_space<vmem>>
    %dma_start3A_67 = tpu.memref_squeeze %dma_start3A_66 : memref<1x1x8x16xf32, #tpu.memory_space<vmem>> -> memref<8x16xf32, #tpu.memory_space<vmem>>
    %dma_start3A_68 = arith.constant 0 : i32
    %dma_start3A_69 = arith.constant 0 : i32
    %dma_start3A_70 = tpu.memref_slice %arg4[%squeeze3A_53, %dma_start3A_68, %dma_start3A_69] : memref<125000x8x16xf32, #tpu.memory_space<hbm>> -> memref<1x8x16xf32, #tpu.memory_space<hbm>>
    %dma_start3A_71 = tpu.memref_squeeze %dma_start3A_70 : memref<1x8x16xf32, #tpu.memory_space<hbm>> -> memref<8x16xf32, #tpu.memory_space<hbm>>
    tpu.enqueue_dma source(%dma_start3A_71 : memref<8x16xf32, #tpu.memory_space<hbm>>) target(%dma_start3A_67 : memref<8x16xf32, #tpu.memory_space<vmem>>) target_semaphore(%arg18 : memref<!tpu.dma_semaphore, #tpu.memory_space<semaphore_mem>>)
    %slice3A_72 = vector.extract_strided_slice %shift_right_arithmetic3A_14 {offsets = [1], sizes = [1], strides = [1]} : vector<16xi32> to vector<1xi32>
    %squeeze3A_73 = vector.extract %slice3A_72[0] : i32 from vector<1xi32>
    %dma_start3A_74 = arith.constant 0 : i32
    %dma_start3A_75 = arith.constant 1 : i32
    %dma_start3A_76 = arith.constant 0 : i32
    %dma_start3A_77 = arith.constant 0 : i32
    %dma_start3A_78 = tpu.memref_slice %arg13[%dma_start3A_74, %dma_start3A_75, %dma_start3A_76, %dma_start3A_77] : memref<2x16x8x16xf32, #tpu.memory_space<vmem>> -> memref<1x1x8x16xf32, #tpu.memory_space<vmem>>
    %dma_start3A_79 = tpu.memref_squeeze %dma_start3A_78 : memref<1x1x8x16xf32, #tpu.memory_space<vmem>> -> memref<8x16xf32, #tpu.memory_space<vmem>>
    %dma_start3A_80 = arith.constant 0 : i32
    %dma_start3A_81 = arith.constant 0 : i32
    %dma_start3A_82 = tpu.memref_slice %arg5[%squeeze3A_73, %dma_start3A_80, %dma_start3A_81] : memref<12500x8x16xf32, #tpu.memory_space<hbm>> -> memref<1x8x16xf32, #tpu.memory_space<hbm>>
    %dma_start3A_83 = tpu.memref_squeeze %dma_start3A_82 : memref<1x8x16xf32, #tpu.memory_space<hbm>> -> memref<8x16xf32, #tpu.memory_space<hbm>>
    %dma_start3A_84 = arith.constant 0 : i32
    %dma_start3A_85 = arith.constant 0 : i32
    %dma_start3A_86 = tpu.memref_slice %arg13[%dma_start3A_74, %dma_start3A_75, %dma_start3A_84, %dma_start3A_85] : memref<2x16x8x16xf32, #tpu.memory_space<vmem>> -> memref<1x1x8x16xf32, #tpu.memory_space<vmem>>
    %dma_start3A_87 = tpu.memref_squeeze %dma_start3A_86 : memref<1x1x8x16xf32, #tpu.memory_space<vmem>> -> memref<8x16xf32, #tpu.memory_space<vmem>>
    %dma_start3A_88 = arith.constant 0 : i32
    %dma_start3A_89 = arith.constant 0 : i32
    %dma_start3A_90 = tpu.memref_slice %arg5[%squeeze3A_73, %dma_start3A_88, %dma_start3A_89] : memref<12500x8x16xf32, #tpu.memory_space<hbm>> -> memref<1x8x16xf32, #tpu.memory_space<hbm>>
    %dma_start3A_91 = tpu.memref_squeeze %dma_start3A_90 : memref<1x8x16xf32, #tpu.memory_space<hbm>> -> memref<8x16xf32, #tpu.memory_space<hbm>>
    tpu.enqueue_dma source(%dma_start3A_91 : memref<8x16xf32, #tpu.memory_space<hbm>>) target(%dma_start3A_87 : memref<8x16xf32, #tpu.memory_space<vmem>>) target_semaphore(%arg18 : memref<!tpu.dma_semaphore, #tpu.memory_space<semaphore_mem>>)
    %slice3A_92 = vector.extract_strided_slice %shift_right_arithmetic3A_11 {offsets = [2], sizes = [1], strides = [1]} : vector<16xi32> to vector<1xi32>
    %squeeze3A_93 = vector.extract %slice3A_92[0] : i32 from vector<1xi32>
    %dma_start3A_94 = arith.constant 0 : i32
    %dma_start3A_95 = arith.constant 2 : i32
    %dma_start3A_96 = arith.constant 0 : i32
    %dma_start3A_97 = arith.constant 0 : i32
    %dma_start3A_98 = tpu.memref_slice %arg12[%dma_start3A_94, %dma_start3A_95, %dma_start3A_96, %dma_start3A_97] : memref<2x16x8x16xf32, #tpu.memory_space<vmem>> -> memref<1x1x8x16xf32, #tpu.memory_space<vmem>>
    %dma_start3A_99 = tpu.memref_squeeze %dma_start3A_98 : memref<1x1x8x16xf32, #tpu.memory_space<vmem>> -> memref<8x16xf32, #tpu.memory_space<vmem>>
    %dma_start3A_100 = arith.constant 0 : i32
    %dma_start3A_101 = arith.constant 0 : i32
    %dma_start3A_102 = tpu.memref_slice %arg4[%squeeze3A_93, %dma_start3A_100, %dma_start3A_101] : memref<125000x8x16xf32, #tpu.memory_space<hbm>> -> memref<1x8x16xf32, #tpu.memory_space<hbm>>
    %dma_start3A_103 = tpu.memref_squeeze %dma_start3A_102 : memref<1x8x16xf32, #tpu.memory_space<hbm>> -> memref<8x16xf32, #tpu.memory_space<hbm>>
    %dma_start3A_104 = arith.constant 0 : i32
    %dma_start3A_105 = arith.constant 0 : i32
    %dma_start3A_106 = tpu.memref_slice %arg12[%dma_start3A_94, %dma_start3A_95, %dma_start3A_104, %dma_start3A_105] : memref<2x16x8x16xf32, #tpu.memory_space<vmem>> -> memref<1x1x8x16xf32, #tpu.memory_space<vmem>>
    %dma_start3A_107 = tpu.memref_squeeze %dma_start3A_106 : memref<1x1x8x16xf32, #tpu.memory_space<vmem>> -> memref<8x16xf32, #tpu.memory_space<vmem>>
    %dma_start3A_108 = arith.constant 0 : i32
    %dma_start3A_109 = arith.constant 0 : i32
    %dma_start3A_110 = tpu.memref_slice %arg4[%squeeze3A_93, %dma_start3A_108, %dma_start3A_109] : memref<125000x8x16xf32, #tpu.memory_space<hbm>> -> memref<1x8x16xf32, #tpu.memory_space<hbm>>
    %dma_start3A_111 = tpu.memref_squeeze %dma_start3A_110 : memref<1x8x16xf32, #tpu.memory_space<hbm>> -> memref<8x16xf32, #tpu.memory_space<hbm>>
    tpu.enqueue_dma source(%dma_start3A_111 : memref<8x16xf32, #tpu.memory_space<hbm>>) target(%dma_start3A_107 : memref<8x16xf32, #tpu.memory_space<vmem>>) target_semaphore(%arg18 : memref<!tpu.dma_semaphore, #tpu.memory_space<semaphore_mem>>)
    %slice3A_112 = vector.extract_strided_slice %shift_right_arithmetic3A_14 {offsets = [2], sizes = [1], strides = [1]} : vector<16xi32> to vector<1xi32>
    %squeeze3A_113 = vector.extract %slice3A_112[0] : i32 from vector<1xi32>
    %dma_start3A_114 = arith.constant 0 : i32
    %dma_start3A_115 = arith.constant 2 : i32
    %dma_start3A_116 = arith.constant 0 : i32
    %dma_start3A_117 = arith.constant 0 : i32
    %dma_start3A_118 = tpu.memref_slice %arg13[%dma_start3A_114, %dma_start3A_115, %dma_start3A_116, %dma_start3A_117] : memref<2x16x8x16xf32, #tpu.memory_space<vmem>> -> memref<1x1x8x16xf32, #tpu.memory_space<vmem>>
    %dma_start3A_119 = tpu.memref_squeeze %dma_start3A_118 : memref<1x1x8x16xf32, #tpu.memory_space<vmem>> -> memref<8x16xf32, #tpu.memory_space<vmem>>
    %dma_start3A_120 = arith.constant 0 : i32
    %dma_start3A_121 = arith.constant 0 : i32
    %dma_start3A_122 = tpu.memref_slice %arg5[%squeeze3A_113, %dma_start3A_120, %dma_start3A_121] : memref<12500x8x16xf32, #tpu.memory_space<hbm>> -> memref<1x8x16xf32, #tpu.memory_space<hbm>>
    %dma_start3A_123 = tpu.memref_squeeze %dma_start3A_122 : memref<1x8x16xf32, #tpu.memory_space<hbm>> -> memref<8x16xf32, #tpu.memory_space<hbm>>
    %dma_start3A_124 = arith.constant 0 : i32
    %dma_start3A_125 = arith.constant 0 : i32
    %dma_start3A_126 = tpu.memref_slice %arg13[%dma_start3A_114, %dma_start3A_115, %dma_start3A_124, %dma_start3A_125] : memref<2x16x8x16xf32, #tpu.memory_space<vmem>> -> memref<1x1x8x16xf32, #tpu.memory_space<vmem>>
    %dma_start3A_127 = tpu.memref_squeeze %dma_start3A_126 : memref<1x1x8x16xf32, #tpu.memory_space<vmem>> -> memref<8x16xf32, #tpu.memory_space<vmem>>
    %dma_start3A_128 = arith.constant 0 : i32
    %dma_start3A_129 = arith.constant 0 : i32
    %dma_start3A_130 = tpu.memref_slice %arg5[%squeeze3A_113, %dma_start3A_128, %dma_start3A_129] : memref<12500x8x16xf32, #tpu.memory_space<hbm>> -> memref<1x8x16xf32, #tpu.memory_space<hbm>>
    %dma_start3A_131 = tpu.memref_squeeze %dma_start3A_130 : memref<1x8x16xf32, #tpu.memory_space<hbm>> -> memref<8x16xf32, #tpu.memory_space<hbm>>
    tpu.enqueue_dma source(%dma_start3A_131 : memref<8x16xf32, #tpu.memory_space<hbm>>) target(%dma_start3A_127 : memref<8x16xf32, #tpu.memory_space<vmem>>) target_semaphore(%arg18 : memref<!tpu.dma_semaphore, #tpu.memory_space<semaphore_mem>>)
    %slice3A_132 = vector.extract_strided_slice %shift_right_arithmetic3A_11 {offsets = [3], sizes = [1], strides = [1]} : vector<16xi32> to vector<1xi32>
    %squeeze3A_133 = vector.extract %slice3A_132[0] : i32 from vector<1xi32>
    %dma_start3A_134 = arith.constant 0 : i32
    %dma_start3A_135 = arith.constant 3 : i32
    %dma_start3A_136 = arith.constant 0 : i32
    %dma_start3A_137 = arith.constant 0 : i32
    %dma_start3A_138 = tpu.memref_slice %arg12[%dma_start3A_134, %dma_start3A_135, %dma_start3A_136, %dma_start3A_137] : memref<2x16x8x16xf32, #tpu.memory_space<vmem>> -> memref<1x1x8x16xf32, #tpu.memory_space<vmem>>
    %dma_start3A_139 = tpu.memref_squeeze %dma_start3A_138 : memref<1x1x8x16xf32, #tpu.memory_space<vmem>> -> memref<8x16xf32, #tpu.memory_space<vmem>>
    %dma_start3A_140 = arith.constant 0 : i32
    %dma_start3A_141 = arith.constant 0 : i32
    %dma_start3A_142 = tpu.memref_slice %arg4[%squeeze3A_133, %dma_start3A_140, %dma_start3A_141] : memref<125000x8x16xf32, #tpu.memory_space<hbm>> -> memref<1x8x16xf32, #tpu.memory_space<hbm>>
    %dma_start3A_143 = tpu.memref_squeeze %dma_start3A_142 : memref<1x8x16xf32, #tpu.memory_space<hbm>> -> memref<8x16xf32, #tpu.memory_space<hbm>>
    %dma_start3A_144 = arith.constant 0 : i32
    %dma_start3A_145 = arith.constant 0 : i32
    %dma_start3A_146 = tpu.memref_slice %arg12[%dma_start3A_134, %dma_start3A_135, %dma_start3A_144, %dma_start3A_145] : memref<2x16x8x16xf32, #tpu.memory_space<vmem>> -> memref<1x1x8x16xf32, #tpu.memory_space<vmem>>
    %dma_start3A_147 = tpu.memref_squeeze %dma_start3A_146 : memref<1x1x8x16xf32, #tpu.memory_space<vmem>> -> memref<8x16xf32, #tpu.memory_space<vmem>>
    %dma_start3A_148 = arith.constant 0 : i32
    %dma_start3A_149 = arith.constant 0 : i32
    %dma_start3A_150 = tpu.memref_slice %arg4[%squeeze3A_133, %dma_start3A_148, %dma_start3A_149] : memref<125000x8x16xf32, #tpu.memory_space<hbm>> -> memref<1x8x16xf32, #tpu.memory_space<hbm>>
    %dma_start3A_151 = tpu.memref_squeeze %dma_start3A_150 : memref<1x8x16xf32, #tpu.memory_space<hbm>> -> memref<8x16xf32, #tpu.memory_space<hbm>>
    tpu.enqueue_dma source(%dma_start3A_151 : memref<8x16xf32, #tpu.memory_space<hbm>>) target(%dma_start3A_147 : memref<8x16xf32, #tpu.memory_space<vmem>>) target_semaphore(%arg18 : memref<!tpu.dma_semaphore, #tpu.memory_space<semaphore_mem>>)
    %slice3A_152 = vector.extract_strided_slice %shift_right_arithmetic3A_14 {offsets = [3], sizes = [1], strides = [1]} : vector<16xi32> to vector<1xi32>
    %squeeze3A_153 = vector.extract %slice3A_152[0] : i32 from vector<1xi32>
    %dma_start3A_154 = arith.constant 0 : i32
    %dma_start3A_155 = arith.constant 3 : i32
    %dma_start3A_156 = arith.constant 0 : i32
    %dma_start3A_157 = arith.constant 0 : i32
    %dma_start3A_158 = tpu.memref_slice %arg13[%dma_start3A_154, %dma_start3A_155, %dma_start3A_156, %dma_start3A_157] : memref<2x16x8x16xf32, #tpu.memory_space<vmem>> -> memref<1x1x8x16xf32, #tpu.memory_space<vmem>>
    %dma_start3A_159 = tpu.memref_squeeze %dma_start3A_158 : memref<1x1x8x16xf32, #tpu.memory_space<vmem>> -> memref<8x16xf32, #tpu.memory_space<vmem>>
    %dma_start3A_160 = arith.constant 0 : i32
    %dma_start3A_161 = arith.constant 0 : i32
    %dma_start3A_162 = tpu.memref_slice %arg5[%squeeze3A_153, %dma_start3A_160, %dma_start3A_161] : memref<12500x8x16xf32, #tpu.memory_space<hbm>> -> memref<1x8x16xf32, #tpu.memory_space<hbm>>
    %dma_start3A_163 = tpu.memref_squeeze %dma_start3A_162 : memref<1x8x16xf32, #tpu.memory_space<hbm>> -> memref<8x16xf32, #tpu.memory_space<hbm>>
    %dma_start3A_164 = arith.constant 0 : i32
    %dma_start3A_165 = arith.constant 0 : i32
    %dma_start3A_166 = tpu.memref_slice %arg13[%dma_start3A_154, %dma_start3A_155, %dma_start3A_164, %dma_start3A_165] : memref<2x16x8x16xf32, #tpu.memory_space<vmem>> -> memref<1x1x8x16xf32, #tpu.memory_space<vmem>>
    %dma_start3A_167 = tpu.memref_squeeze %dma_start3A_166 : memref<1x1x8x16xf32, #tpu.memory_space<vmem>> -> memref<8x16xf32, #tpu.memory_space<vmem>>
    %dma_start3A_168 = arith.constant 0 : i32
    %dma_start3A_169 = arith.constant 0 : i32
    %dma_start3A_170 = tpu.memref_slice %arg5[%squeeze3A_153, %dma_start3A_168, %dma_start3A_169] : memref<12500x8x16xf32, #tpu.memory_space<hbm>> -> memref<1x8x16xf32, #tpu.memory_space<hbm>>
    %dma_start3A_171 = tpu.memref_squeeze %dma_start3A_170 : memref<1x8x16xf32, #tpu.memory_space<hbm>> -> memref<8x16xf32, #tpu.memory_space<hbm>>
    tpu.enqueue_dma source(%dma_start3A_171 : memref<8x16xf32, #tpu.memory_space<hbm>>) target(%dma_start3A_167 : memref<8x16xf32, #tpu.memory_space<vmem>>) target_semaphore(%arg18 : memref<!tpu.dma_semaphore, #tpu.memory_space<semaphore_mem>>)
    %slice3A_172 = vector.extract_strided_slice %shift_right_arithmetic3A_11 {offsets = [4], sizes = [1], strides = [1]} : vector<16xi32> to vector<1xi32>
    %squeeze3A_173 = vector.extract %slice3A_172[0] : i32 from vector<1xi32>
    %dma_start3A_174 = arith.constant 0 : i32
    %dma_start3A_175 = arith.constant 4 : i32
    %dma_start3A_176 = arith.constant 0 : i32
    %dma_start3A_177 = arith.constant 0 : i32
    %dma_start3A_178 = tpu.memref_slice %arg12[%dma_start3A_174, %dma_start3A_175, %dma_start3A_176, %dma_start3A_177] : memref<2x16x8x16xf32, #tpu.memory_space<vmem>> -> memref<1x1x8x16xf32, #tpu.memory_space<vmem>>
    %dma_start3A_179 = tpu.memref_squeeze %dma_start3A_178 : memref<1x1x8x16xf32, #tpu.memory_space<vmem>> -> memref<8x16xf32, #tpu.memory_space<vmem>>
    %dma_start3A_180 = arith.constant 0 : i32
    %dma_start3A_181 = arith.constant 0 : i32
    %dma_start3A_182 = tpu.memref_slice %arg4[%squeeze3A_173, %dma_start3A_180, %dma_start3A_181] : memref<125000x8x16xf32, #tpu.memory_space<hbm>> -> memref<1x8x16xf32, #tpu.memory_space<hbm>>
    %dma_start3A_183 = tpu.memref_squeeze %dma_start3A_182 : memref<1x8x16xf32, #tpu.memory_space<hbm>> -> memref<8x16xf32, #tpu.memory_space<hbm>>
    %dma_start3A_184 = arith.constant 0 : i32
    %dma_start3A_185 = arith.constant 0 : i32
    %dma_start3A_186 = tpu.memref_slice %arg12[%dma_start3A_174, %dma_start3A_175, %dma_start3A_184, %dma_start3A_185] : memref<2x16x8x16xf32, #tpu.memory_space<vmem>> -> memref<1x1x8x16xf32, #tpu.memory_space<vmem>>
    %dma_start3A_187 = tpu.memref_squeeze %dma_start3A_186 : memref<1x1x8x16xf32, #tpu.memory_space<vmem>> -> memref<8x16xf32, #tpu.memory_space<vmem>>
    %dma_start3A_188 = arith.constant 0 : i32
    %dma_start3A_189 = arith.constant 0 : i32
    %dma_start3A_190 = tpu.memref_slice %arg4[%squeeze3A_173, %dma_start3A_188, %dma_start3A_189] : memref<125000x8x16xf32, #tpu.memory_space<hbm>> -> memref<1x8x16xf32, #tpu.memory_space<hbm>>
    %dma_start3A_191 = tpu.memref_squeeze %dma_start3A_190 : memref<1x8x16xf32, #tpu.memory_space<hbm>> -> memref<8x16xf32, #tpu.memory_space<hbm>>
    tpu.enqueue_dma source(%dma_start3A_191 : memref<8x16xf32, #tpu.memory_space<hbm>>) target(%dma_start3A_187 : memref<8x16xf32, #tpu.memory_space<vmem>>) target_semaphore(%arg18 : memref<!tpu.dma_semaphore, #tpu.memory_space<semaphore_mem>>)
    %slice3A_192 = vector.extract_strided_slice %shift_right_arithmetic3A_14 {offsets = [4], sizes = [1], strides = [1]} : vector<16xi32> to vector<1xi32>
    %squeeze3A_193 = vector.extract %slice3A_192[0] : i32 from vector<1xi32>
    %dma_start3A_194 = arith.constant 0 : i32
    %dma_start3A_195 = arith.constant 4 : i32
    %dma_start3A_196 = arith.constant 0 : i32
    %dma_start3A_197 = arith.constant 0 : i32
    %dma_start3A_198 = tpu.memref_slice %arg13[%dma_start3A_194, %dma_start3A_195, %dma_start3A_196, %dma_start3A_197] : memref<2x16x8x16xf32, #tpu.memory_space<vmem>> -> memref<1x1x8x16xf32, #tpu.memory_space<vmem>>
    %dma_start3A_199 = tpu.memref_squeeze %dma_start3A_198 : memref<1x1x8x16xf32, #tpu.memory_space<vmem>> -> memref<8x16xf32, #tpu.memory_space<vmem>>
    %dma_start3A_200 = arith.constant 0 : i32
    %dma_start3A_201 = arith.constant 0 : i32
    %dma_start3A_202 = tpu.memref_slice %arg5[%squeeze3A_193, %dma_start3A_200, %dma_start3A_201] : memref<12500x8x16xf32, #tpu.memory_space<hbm>> -> memref<1x8x16xf32, #tpu.memory_space<hbm>>
    %dma_start3A_203 = tpu.memref_squeeze %dma_start3A_202 : memref<1x8x16xf32, #tpu.memory_space<hbm>> -> memref<8x16xf32, #tpu.memory_space<hbm>>
    %dma_start3A_204 = arith.constant 0 : i32
    %dma_start3A_205 = arith.constant 0 : i32
    %dma_start3A_206 = tpu.memref_slice %arg13[%dma_start3A_194, %dma_start3A_195, %dma_start3A_204, %dma_start3A_205] : memref<2x16x8x16xf32, #tpu.memory_space<vmem>> -> memref<1x1x8x16xf32, #tpu.memory_space<vmem>>
    %dma_start3A_207 = tpu.memref_squeeze %dma_start3A_206 : memref<1x1x8x16xf32, #tpu.memory_space<vmem>> -> memref<8x16xf32, #tpu.memory_space<vmem>>
    %dma_start3A_208 = arith.constant 0 : i32
    %dma_start3A_209 = arith.constant 0 : i32
    %dma_start3A_210 = tpu.memref_slice %arg5[%squeeze3A_193, %dma_start3A_208, %dma_start3A_209] : memref<12500x8x16xf32, #tpu.memory_space<hbm>> -> memref<1x8x16xf32, #tpu.memory_space<hbm>>
    %dma_start3A_211 = tpu.memref_squeeze %dma_start3A_210 : memref<1x8x16xf32, #tpu.memory_space<hbm>> -> memref<8x16xf32, #tpu.memory_space<hbm>>
    tpu.enqueue_dma source(%dma_start3A_211 : memref<8x16xf32, #tpu.memory_space<hbm>>) target(%dma_start3A_207 : memref<8x16xf32, #tpu.memory_space<vmem>>) target_semaphore(%arg18 : memref<!tpu.dma_semaphore, #tpu.memory_space<semaphore_mem>>)
    %slice3A_212 = vector.extract_strided_slice %shift_right_arithmetic3A_11 {offsets = [5], sizes = [1], strides = [1]} : vector<16xi32> to vector<1xi32>
    %squeeze3A_213 = vector.extract %slice3A_212[0] : i32 from vector<1xi32>
    %dma_start3A_214 = arith.constant 0 : i32
    %dma_start3A_215 = arith.constant 5 : i32
    %dma_start3A_216 = arith.constant 0 : i32
    %dma_start3A_217 = arith.constant 0 : i32
    %dma_start3A_218 = tpu.memref_slice %arg12[%dma_start3A_214, %dma_start3A_215, %dma_start3A_216, %dma_start3A_217] : memref<2x16x8x16xf32, #tpu.memory_space<vmem>> -> memref<1x1x8x16xf32, #tpu.memory_space<vmem>>
    %dma_start3A_219 = tpu.memref_squeeze %dma_start3A_218 : memref<1x1x8x16xf32, #tpu.memory_space<vmem>> -> memref<8x16xf32, #tpu.memory_space<vmem>>
    %dma_start3A_220 = arith.constant 0 : i32
    %dma_start3A_221 = arith.constant 0 : i32
    %dma_start3A_222 = tpu.memref_slice %arg4[%squeeze3A_213, %dma_start3A_220, %dma_start3A_221] : memref<125000x8x16xf32, #tpu.memory_space<hbm>> -> memref<1x8x16xf32, #tpu.memory_space<hbm>>
    %dma_start3A_223 = tpu.memref_squeeze %dma_start3A_222 : memref<1x8x16xf32, #tpu.memory_space<hbm>> -> memref<8x16xf32, #tpu.memory_space<hbm>>
    %dma_start3A_224 = arith.constant 0 : i32
    %dma_start3A_225 = arith.constant 0 : i32
    %dma_start3A_226 = tpu.memref_slice %arg12[%dma_start3A_214, %dma_start3A_215, %dma_start3A_224, %dma_start3A_225] : memref<2x16x8x16xf32, #tpu.memory_space<vmem>> -> memref<1x1x8x16xf32, #tpu.memory_space<vmem>>
    %dma_start3A_227 = tpu.memref_squeeze %dma_start3A_226 : memref<1x1x8x16xf32, #tpu.memory_space<vmem>> -> memref<8x16xf32, #tpu.memory_space<vmem>>
    %dma_start3A_228 = arith.constant 0 : i32
    %dma_start3A_229 = arith.constant 0 : i32
    %dma_start3A_230 = tpu.memref_slice %arg4[%squeeze3A_213, %dma_start3A_228, %dma_start3A_229] : memref<125000x8x16xf32, #tpu.memory_space<hbm>> -> memref<1x8x16xf32, #tpu.memory_space<hbm>>
    %dma_start3A_231 = tpu.memref_squeeze %dma_start3A_230 : memref<1x8x16xf32, #tpu.memory_space<hbm>> -> memref<8x16xf32, #tpu.memory_space<hbm>>
    tpu.enqueue_dma source(%dma_start3A_231 : memref<8x16xf32, #tpu.memory_space<hbm>>) target(%dma_start3A_227 : memref<8x16xf32, #tpu.memory_space<vmem>>) target_semaphore(%arg18 : memref<!tpu.dma_semaphore, #tpu.memory_space<semaphore_mem>>)
    %slice3A_232 = vector.extract_strided_slice %shift_right_arithmetic3A_14 {offsets = [5], sizes = [1], strides = [1]} : vector<16xi32> to vector<1xi32>
    %squeeze3A_233 = vector.extract %slice3A_232[0] : i32 from vector<1xi32>
    %dma_start3A_234 = arith.constant 0 : i32
    %dma_start3A_235 = arith.constant 5 : i32
    %dma_start3A_236 = arith.constant 0 : i32
    %dma_start3A_237 = arith.constant 0 : i32
    %dma_start3A_238 = tpu.memref_slice %arg13[%dma_start3A_234, %dma_start3A_235, %dma_start3A_236, %dma_start3A_237] : memref<2x16x8x16xf32, #tpu.memory_space<vmem>> -> memref<1x1x8x16xf32, #tpu.memory_space<vmem>>
    %dma_start3A_239 = tpu.memref_squeeze %dma_start3A_238 : memref<1x1x8x16xf32, #tpu.memory_space<vmem>> -> memref<8x16xf32, #tpu.memory_space<vmem>>
    %dma_start3A_240 = arith.constant 0 : i32
    %dma_start3A_241 = arith.constant 0 : i32
    %dma_start3A_242 = tpu.memref_slice %arg5[%squeeze3A_233, %dma_start3A_240, %dma_start3A_241] : memref<12500x8x16xf32, #tpu.memory_space<hbm>> -> memref<1x8x16xf32, #tpu.memory_space<hbm>>
    %dma_start3A_243 = tpu.memref_squeeze %dma_start3A_242 : memref<1x8x16xf32, #tpu.memory_space<hbm>> -> memref<8x16xf32, #tpu.memory_space<hbm>>
    %dma_start3A_244 = arith.constant 0 : i32
    %dma_start3A_245 = arith.constant 0 : i32
    %dma_start3A_246 = tpu.memref_slice %arg13[%dma_start3A_234, %dma_start3A_235, %dma_start3A_244, %dma_start3A_245] : memref<2x16x8x16xf32, #tpu.memory_space<vmem>> -> memref<1x1x8x16xf32, #tpu.memory_space<vmem>>
    %dma_start3A_247 = tpu.memref_squeeze %dma_start3A_246 : memref<1x1x8x16xf32, #tpu.memory_space<vmem>> -> memref<8x16xf32, #tpu.memory_space<vmem>>
    %dma_start3A_248 = arith.constant 0 : i32
    %dma_start3A_249 = arith.constant 0 : i32
    %dma_start3A_250 = tpu.memref_slice %arg5[%squeeze3A_233, %dma_start3A_248, %dma_start3A_249] : memref<12500x8x16xf32, #tpu.memory_space<hbm>> -> memref<1x8x16xf32, #tpu.memory_space<hbm>>
    %dma_start3A_251 = tpu.memref_squeeze %dma_start3A_250 : memref<1x8x16xf32, #tpu.memory_space<hbm>> -> memref<8x16xf32, #tpu.memory_space<hbm>>
    tpu.enqueue_dma source(%dma_start3A_251 : memref<8x16xf32, #tpu.memory_space<hbm>>) target(%dma_start3A_247 : memref<8x16xf32, #tpu.memory_space<vmem>>) target_semaphore(%arg18 : memref<!tpu.dma_semaphore, #tpu.memory_space<semaphore_mem>>)
    %slice3A_252 = vector.extract_strided_slice %shift_right_arithmetic3A_11 {offsets = [6], sizes = [1], strides = [1]} : vector<16xi32> to vector<1xi32>
    %squeeze3A_253 = vector.extract %slice3A_252[0] : i32 from vector<1xi32>
    %dma_start3A_254 = arith.constant 0 : i32
    %dma_start3A_255 = arith.constant 6 : i32
    %dma_start3A_256 = arith.constant 0 : i32
    %dma_start3A_257 = arith.constant 0 : i32
    %dma_start3A_258 = tpu.memref_slice %arg12[%dma_start3A_254, %dma_start3A_255, %dma_start3A_256, %dma_start3A_257] : memref<2x16x8x16xf32, #tpu.memory_space<vmem>> -> memref<1x1x8x16xf32, #tpu.memory_space<vmem>>
    %dma_start3A_259 = tpu.memref_squeeze %dma_start3A_258 : memref<1x1x8x16xf32, #tpu.memory_space<vmem>> -> memref<8x16xf32, #tpu.memory_space<vmem>>
    %dma_start3A_260 = arith.constant 0 : i32
    %dma_start3A_261 = arith.constant 0 : i32
    %dma_start3A_262 = tpu.memref_slice %arg4[%squeeze3A_253, %dma_start3A_260, %dma_start3A_261] : memref<125000x8x16xf32, #tpu.memory_space<hbm>> -> memref<1x8x16xf32, #tpu.memory_space<hbm>>
    %dma_start3A_263 = tpu.memref_squeeze %dma_start3A_262 : memref<1x8x16xf32, #tpu.memory_space<hbm>> -> memref<8x16xf32, #tpu.memory_space<hbm>>
    %dma_start3A_264 = arith.constant 0 : i32
    %dma_start3A_265 = arith.constant 0 : i32
    %dma_start3A_266 = tpu.memref_slice %arg12[%dma_start3A_254, %dma_start3A_255, %dma_start3A_264, %dma_start3A_265] : memref<2x16x8x16xf32, #tpu.memory_space<vmem>> -> memref<1x1x8x16xf32, #tpu.memory_space<vmem>>
    %dma_start3A_267 = tpu.memref_squeeze %dma_start3A_266 : memref<1x1x8x16xf32, #tpu.memory_space<vmem>> -> memref<8x16xf32, #tpu.memory_space<vmem>>
    %dma_start3A_268 = arith.constant 0 : i32
    %dma_start3A_269 = arith.constant 0 : i32
    %dma_start3A_270 = tpu.memref_slice %arg4[%squeeze3A_253, %dma_start3A_268, %dma_start3A_269] : memref<125000x8x16xf32, #tpu.memory_space<hbm>> -> memref<1x8x16xf32, #tpu.memory_space<hbm>>
    %dma_start3A_271 = tpu.memref_squeeze %dma_start3A_270 : memref<1x8x16xf32, #tpu.memory_space<hbm>> -> memref<8x16xf32, #tpu.memory_space<hbm>>
    tpu.enqueue_dma source(%dma_start3A_271 : memref<8x16xf32, #tpu.memory_space<hbm>>) target(%dma_start3A_267 : memref<8x16xf32, #tpu.memory_space<vmem>>) target_semaphore(%arg18 : memref<!tpu.dma_semaphore, #tpu.memory_space<semaphore_mem>>)
    %slice3A_272 = vector.extract_strided_slice %shift_right_arithmetic3A_14 {offsets = [6], sizes = [1], strides = [1]} : vector<16xi32> to vector<1xi32>
    %squeeze3A_273 = vector.extract %slice3A_272[0] : i32 from vector<1xi32>
    %dma_start3A_274 = arith.constant 0 : i32
    %dma_start3A_275 = arith.constant 6 : i32
    %dma_start3A_276 = arith.constant 0 : i32
    %dma_start3A_277 = arith.constant 0 : i32
    %dma_start3A_278 = tpu.memref_slice %arg13[%dma_start3A_274, %dma_start3A_275, %dma_start3A_276, %dma_start3A_277] : memref<2x16x8x16xf32, #tpu.memory_space<vmem>> -> memref<1x1x8x16xf32, #tpu.memory_space<vmem>>
    %dma_start3A_279 = tpu.memref_squeeze %dma_start3A_278 : memref<1x1x8x16xf32, #tpu.memory_space<vmem>> -> memref<8x16xf32, #tpu.memory_space<vmem>>
    %dma_start3A_280 = arith.constant 0 : i32
    %dma_start3A_281 = arith.constant 0 : i32
    %dma_start3A_282 = tpu.memref_slice %arg5[%squeeze3A_273, %dma_start3A_280, %dma_start3A_281] : memref<12500x8x16xf32, #tpu.memory_space<hbm>> -> memref<1x8x16xf32, #tpu.memory_space<hbm>>
    %dma_start3A_283 = tpu.memref_squeeze %dma_start3A_282 : memref<1x8x16xf32, #tpu.memory_space<hbm>> -> memref<8x16xf32, #tpu.memory_space<hbm>>
    %dma_start3A_284 = arith.constant 0 : i32
    %dma_start3A_285 = arith.constant 0 : i32
    %dma_start3A_286 = tpu.memref_slice %arg13[%dma_start3A_274, %dma_start3A_275, %dma_start3A_284, %dma_start3A_285] : memref<2x16x8x16xf32, #tpu.memory_space<vmem>> -> memref<1x1x8x16xf32, #tpu.memory_space<vmem>>
    %dma_start3A_287 = tpu.memref_squeeze %dma_start3A_286 : memref<1x1x8x16xf32, #tpu.memory_space<vmem>> -> memref<8x16xf32, #tpu.memory_space<vmem>>
    %dma_start3A_288 = arith.constant 0 : i32
    %dma_start3A_289 = arith.constant 0 : i32
    %dma_start3A_290 = tpu.memref_slice %arg5[%squeeze3A_273, %dma_start3A_288, %dma_start3A_289] : memref<12500x8x16xf32, #tpu.memory_space<hbm>> -> memref<1x8x16xf32, #tpu.memory_space<hbm>>
    %dma_start3A_291 = tpu.memref_squeeze %dma_start3A_290 : memref<1x8x16xf32, #tpu.memory_space<hbm>> -> memref<8x16xf32, #tpu.memory_space<hbm>>
    tpu.enqueue_dma source(%dma_start3A_291 : memref<8x16xf32, #tpu.memory_space<hbm>>) target(%dma_start3A_287 : memref<8x16xf32, #tpu.memory_space<vmem>>) target_semaphore(%arg18 : memref<!tpu.dma_semaphore, #tpu.memory_space<semaphore_mem>>)
    %slice3A_292 = vector.extract_strided_slice %shift_right_arithmetic3A_11 {offsets = [7], sizes = [1], strides = [1]} : vector<16xi32> to vector<1xi32>
    %squeeze3A_293 = vector.extract %slice3A_292[0] : i32 from vector<1xi32>
    %dma_start3A_294 = arith.constant 0 : i32
    %dma_start3A_295 = arith.constant 7 : i32
    %dma_start3A_296 = arith.constant 0 : i32
    %dma_start3A_297 = arith.constant 0 : i32
    %dma_start3A_298 = tpu.memref_slice %arg12[%dma_start3A_294, %dma_start3A_295, %dma_start3A_296, %dma_start3A_297] : memref<2x16x8x16xf32, #tpu.memory_space<vmem>> -> memref<1x1x8x16xf32, #tpu.memory_space<vmem>>
    %dma_start3A_299 = tpu.memref_squeeze %dma_start3A_298 : memref<1x1x8x16xf32, #tpu.memory_space<vmem>> -> memref<8x16xf32, #tpu.memory_space<vmem>>
    %dma_start3A_300 = arith.constant 0 : i32
    %dma_start3A_301 = arith.constant 0 : i32
    %dma_start3A_302 = tpu.memref_slice %arg4[%squeeze3A_293, %dma_start3A_300, %dma_start3A_301] : memref<125000x8x16xf32, #tpu.memory_space<hbm>> -> memref<1x8x16xf32, #tpu.memory_space<hbm>>
    %dma_start3A_303 = tpu.memref_squeeze %dma_start3A_302 : memref<1x8x16xf32, #tpu.memory_space<hbm>> -> memref<8x16xf32, #tpu.memory_space<hbm>>
    %dma_start3A_304 = arith.constant 0 : i32
    %dma_start3A_305 = arith.constant 0 : i32
    %dma_start3A_306 = tpu.memref_slice %arg12[%dma_start3A_294, %dma_start3A_295, %dma_start3A_304, %dma_start3A_305] : memref<2x16x8x16xf32, #tpu.memory_space<vmem>> -> memref<1x1x8x16xf32, #tpu.memory_space<vmem>>
    %dma_start3A_307 = tpu.memref_squeeze %dma_start3A_306 : memref<1x1x8x16xf32, #tpu.memory_space<vmem>> -> memref<8x16xf32, #tpu.memory_space<vmem>>
    %dma_start3A_308 = arith.constant 0 : i32
    %dma_start3A_309 = arith.constant 0 : i32
    %dma_start3A_310 = tpu.memref_slice %arg4[%squeeze3A_293, %dma_start3A_308, %dma_start3A_309] : memref<125000x8x16xf32, #tpu.memory_space<hbm>> -> memref<1x8x16xf32, #tpu.memory_space<hbm>>
    %dma_start3A_311 = tpu.memref_squeeze %dma_start3A_310 : memref<1x8x16xf32, #tpu.memory_space<hbm>> -> memref<8x16xf32, #tpu.memory_space<hbm>>
    tpu.enqueue_dma source(%dma_start3A_311 : memref<8x16xf32, #tpu.memory_space<hbm>>) target(%dma_start3A_307 : memref<8x16xf32, #tpu.memory_space<vmem>>) target_semaphore(%arg18 : memref<!tpu.dma_semaphore, #tpu.memory_space<semaphore_mem>>)
    %slice3A_312 = vector.extract_strided_slice %shift_right_arithmetic3A_14 {offsets = [7], sizes = [1], strides = [1]} : vector<16xi32> to vector<1xi32>
    %squeeze3A_313 = vector.extract %slice3A_312[0] : i32 from vector<1xi32>
    %dma_start3A_314 = arith.constant 0 : i32
    %dma_start3A_315 = arith.constant 7 : i32
    %dma_start3A_316 = arith.constant 0 : i32
    %dma_start3A_317 = arith.constant 0 : i32
    %dma_start3A_318 = tpu.memref_slice %arg13[%dma_start3A_314, %dma_start3A_315, %dma_start3A_316, %dma_start3A_317] : memref<2x16x8x16xf32, #tpu.memory_space<vmem>> -> memref<1x1x8x16xf32, #tpu.memory_space<vmem>>
    %dma_start3A_319 = tpu.memref_squeeze %dma_start3A_318 : memref<1x1x8x16xf32, #tpu.memory_space<vmem>> -> memref<8x16xf32, #tpu.memory_space<vmem>>
    %dma_start3A_320 = arith.constant 0 : i32
    %dma_start3A_321 = arith.constant 0 : i32
    %dma_start3A_322 = tpu.memref_slice %arg5[%squeeze3A_313, %dma_start3A_320, %dma_start3A_321] : memref<12500x8x16xf32, #tpu.memory_space<hbm>> -> memref<1x8x16xf32, #tpu.memory_space<hbm>>
    %dma_start3A_323 = tpu.memref_squeeze %dma_start3A_322 : memref<1x8x16xf32, #tpu.memory_space<hbm>> -> memref<8x16xf32, #tpu.memory_space<hbm>>
    %dma_start3A_324 = arith.constant 0 : i32
    %dma_start3A_325 = arith.constant 0 : i32
    %dma_start3A_326 = tpu.memref_slice %arg13[%dma_start3A_314, %dma_start3A_315, %dma_start3A_324, %dma_start3A_325] : memref<2x16x8x16xf32, #tpu.memory_space<vmem>> -> memref<1x1x8x16xf32, #tpu.memory_space<vmem>>
    %dma_start3A_327 = tpu.memref_squeeze %dma_start3A_326 : memref<1x1x8x16xf32, #tpu.memory_space<vmem>> -> memref<8x16xf32, #tpu.memory_space<vmem>>
    %dma_start3A_328 = arith.constant 0 : i32
    %dma_start3A_329 = arith.constant 0 : i32
    %dma_start3A_330 = tpu.memref_slice %arg5[%squeeze3A_313, %dma_start3A_328, %dma_start3A_329] : memref<12500x8x16xf32, #tpu.memory_space<hbm>> -> memref<1x8x16xf32, #tpu.memory_space<hbm>>
    %dma_start3A_331 = tpu.memref_squeeze %dma_start3A_330 : memref<1x8x16xf32, #tpu.memory_space<hbm>> -> memref<8x16xf32, #tpu.memory_space<hbm>>
    tpu.enqueue_dma source(%dma_start3A_331 : memref<8x16xf32, #tpu.memory_space<hbm>>) target(%dma_start3A_327 : memref<8x16xf32, #tpu.memory_space<vmem>>) target_semaphore(%arg18 : memref<!tpu.dma_semaphore, #tpu.memory_space<semaphore_mem>>)
    %slice3A_332 = vector.extract_strided_slice %shift_right_arithmetic3A_11 {offsets = [8], sizes = [1], strides = [1]} : vector<16xi32> to vector<1xi32>
    %squeeze3A_333 = vector.extract %slice3A_332[0] : i32 from vector<1xi32>
    %dma_start3A_334 = arith.constant 0 : i32
    %dma_start3A_335 = arith.constant 8 : i32
    %dma_start3A_336 = arith.constant 0 : i32
    %dma_start3A_337 = arith.constant 0 : i32
    %dma_start3A_338 = tpu.memref_slice %arg12[%dma_start3A_334, %dma_start3A_335, %dma_start3A_336, %dma_start3A_337] : memref<2x16x8x16xf32, #tpu.memory_space<vmem>> -> memref<1x1x8x16xf32, #tpu.memory_space<vmem>>
    %dma_start3A_339 = tpu.memref_squeeze %dma_start3A_338 : memref<1x1x8x16xf32, #tpu.memory_space<vmem>> -> memref<8x16xf32, #tpu.memory_space<vmem>>
    %dma_start3A_340 = arith.constant 0 : i32
    %dma_start3A_341 = arith.constant 0 : i32
    %dma_start3A_342 = tpu.memref_slice %arg4[%squeeze3A_333, %dma_start3A_340, %dma_start3A_341] : memref<125000x8x16xf32, #tpu.memory_space<hbm>> -> memref<1x8x16xf32, #tpu.memory_space<hbm>>
    %dma_start3A_343 = tpu.memref_squeeze %dma_start3A_342 : memref<1x8x16xf32, #tpu.memory_space<hbm>> -> memref<8x16xf32, #tpu.memory_space<hbm>>
    %dma_start3A_344 = arith.constant 0 : i32
    %dma_start3A_345 = arith.constant 0 : i32
    %dma_start3A_346 = tpu.memref_slice %arg12[%dma_start3A_334, %dma_start3A_335, %dma_start3A_344, %dma_start3A_345] : memref<2x16x8x16xf32, #tpu.memory_space<vmem>> -> memref<1x1x8x16xf32, #tpu.memory_space<vmem>>
    %dma_start3A_347 = tpu.memref_squeeze %dma_start3A_346 : memref<1x1x8x16xf32, #tpu.memory_space<vmem>> -> memref<8x16xf32, #tpu.memory_space<vmem>>
    %dma_start3A_348 = arith.constant 0 : i32
    %dma_start3A_349 = arith.constant 0 : i32
    %dma_start3A_350 = tpu.memref_slice %arg4[%squeeze3A_333, %dma_start3A_348, %dma_start3A_349] : memref<125000x8x16xf32, #tpu.memory_space<hbm>> -> memref<1x8x16xf32, #tpu.memory_space<hbm>>
    %dma_start3A_351 = tpu.memref_squeeze %dma_start3A_350 : memref<1x8x16xf32, #tpu.memory_space<hbm>> -> memref<8x16xf32, #tpu.memory_space<hbm>>
    tpu.enqueue_dma source(%dma_start3A_351 : memref<8x16xf32, #tpu.memory_space<hbm>>) target(%dma_start3A_347 : memref<8x16xf32, #tpu.memory_space<vmem>>) target_semaphore(%arg18 : memref<!tpu.dma_semaphore, #tpu.memory_space<semaphore_mem>>)
    %slice3A_352 = vector.extract_strided_slice %shift_right_arithmetic3A_14 {offsets = [8], sizes = [1], strides = [1]} : vector<16xi32> to vector<1xi32>
    %squeeze3A_353 = vector.extract %slice3A_352[0] : i32 from vector<1xi32>
    %dma_start3A_354 = arith.constant 0 : i32
    %dma_start3A_355 = arith.constant 8 : i32
    %dma_start3A_356 = arith.constant 0 : i32
    %dma_start3A_357 = arith.constant 0 : i32
    %dma_start3A_358 = tpu.memref_slice %arg13[%dma_start3A_354, %dma_start3A_355, %dma_start3A_356, %dma_start3A_357] : memref<2x16x8x16xf32, #tpu.memory_space<vmem>> -> memref<1x1x8x16xf32, #tpu.memory_space<vmem>>
    %dma_start3A_359 = tpu.memref_squeeze %dma_start3A_358 : memref<1x1x8x16xf32, #tpu.memory_space<vmem>> -> memref<8x16xf32, #tpu.memory_space<vmem>>
    %dma_start3A_360 = arith.constant 0 : i32
    %dma_start3A_361 = arith.constant 0 : i32
    %dma_start3A_362 = tpu.memref_slice %arg5[%squeeze3A_353, %dma_start3A_360, %dma_start3A_361] : memref<12500x8x16xf32, #tpu.memory_space<hbm>> -> memref<1x8x16xf32, #tpu.memory_space<hbm>>
    %dma_start3A_363 = tpu.memref_squeeze %dma_start3A_362 : memref<1x8x16xf32, #tpu.memory_space<hbm>> -> memref<8x16xf32, #tpu.memory_space<hbm>>
    %dma_start3A_364 = arith.constant 0 : i32
    %dma_start3A_365 = arith.constant 0 : i32
    %dma_start3A_366 = tpu.memref_slice %arg13[%dma_start3A_354, %dma_start3A_355, %dma_start3A_364, %dma_start3A_365] : memref<2x16x8x16xf32, #tpu.memory_space<vmem>> -> memref<1x1x8x16xf32, #tpu.memory_space<vmem>>
    %dma_start3A_367 = tpu.memref_squeeze %dma_start3A_366 : memref<1x1x8x16xf32, #tpu.memory_space<vmem>> -> memref<8x16xf32, #tpu.memory_space<vmem>>
    %dma_start3A_368 = arith.constant 0 : i32
    %dma_start3A_369 = arith.constant 0 : i32
    %dma_start3A_370 = tpu.memref_slice %arg5[%squeeze3A_353, %dma_start3A_368, %dma_start3A_369] : memref<12500x8x16xf32, #tpu.memory_space<hbm>> -> memref<1x8x16xf32, #tpu.memory_space<hbm>>
    %dma_start3A_371 = tpu.memref_squeeze %dma_start3A_370 : memref<1x8x16xf32, #tpu.memory_space<hbm>> -> memref<8x16xf32, #tpu.memory_space<hbm>>
    tpu.enqueue_dma source(%dma_start3A_371 : memref<8x16xf32, #tpu.memory_space<hbm>>) target(%dma_start3A_367 : memref<8x16xf32, #tpu.memory_space<vmem>>) target_semaphore(%arg18 : memref<!tpu.dma_semaphore, #tpu.memory_space<semaphore_mem>>)
    %slice3A_372 = vector.extract_strided_slice %shift_right_arithmetic3A_11 {offsets = [9], sizes = [1], strides = [1]} : vector<16xi32> to vector<1xi32>
    %squeeze3A_373 = vector.extract %slice3A_372[0] : i32 from vector<1xi32>
    %dma_start3A_374 = arith.constant 0 : i32
    %dma_start3A_375 = arith.constant 9 : i32
    %dma_start3A_376 = arith.constant 0 : i32
    %dma_start3A_377 = arith.constant 0 : i32
    %dma_start3A_378 = tpu.memref_slice %arg12[%dma_start3A_374, %dma_start3A_375, %dma_start3A_376, %dma_start3A_377] : memref<2x16x8x16xf32, #tpu.memory_space<vmem>> -> memref<1x1x8x16xf32, #tpu.memory_space<vmem>>
    %dma_start3A_379 = tpu.memref_squeeze %dma_start3A_378 : memref<1x1x8x16xf32, #tpu.memory_space<vmem>> -> memref<8x16xf32, #tpu.memory_space<vmem>>
    %dma_start3A_380 = arith.constant 0 : i32
    %dma_start3A_381 = arith.constant 0 : i32
    %dma_start3A_382 = tpu.memref_slice %arg4[%squeeze3A_373, %dma_start3A_380, %dma_start3A_381] : memref<125000x8x16xf32, #tpu.memory_space<hbm>> -> memref<1x8x16xf32, #tpu.memory_space<hbm>>
    %dma_start3A_383 = tpu.memref_squeeze %dma_start3A_382 : memref<1x8x16xf32, #tpu.memory_space<hbm>> -> memref<8x16xf32, #tpu.memory_space<hbm>>
    %dma_start3A_384 = arith.constant 0 : i32
    %dma_start3A_385 = arith.constant 0 : i32
    %dma_start3A_386 = tpu.memref_slice %arg12[%dma_start3A_374, %dma_start3A_375, %dma_start3A_384, %dma_start3A_385] : memref<2x16x8x16xf32, #tpu.memory_space<vmem>> -> memref<1x1x8x16xf32, #tpu.memory_space<vmem>>
    %dma_start3A_387 = tpu.memref_squeeze %dma_start3A_386 : memref<1x1x8x16xf32, #tpu.memory_space<vmem>> -> memref<8x16xf32, #tpu.memory_space<vmem>>
    %dma_start3A_388 = arith.constant 0 : i32
    %dma_start3A_389 = arith.constant 0 : i32
    %dma_start3A_390 = tpu.memref_slice %arg4[%squeeze3A_373, %dma_start3A_388, %dma_start3A_389] : memref<125000x8x16xf32, #tpu.memory_space<hbm>> -> memref<1x8x16xf32, #tpu.memory_space<hbm>>
    %dma_start3A_391 = tpu.memref_squeeze %dma_start3A_390 : memref<1x8x16xf32, #tpu.memory_space<hbm>> -> memref<8x16xf32, #tpu.memory_space<hbm>>
    tpu.enqueue_dma source(%dma_start3A_391 : memref<8x16xf32, #tpu.memory_space<hbm>>) target(%dma_start3A_387 : memref<8x16xf32, #tpu.memory_space<vmem>>) target_semaphore(%arg18 : memref<!tpu.dma_semaphore, #tpu.memory_space<semaphore_mem>>)
    %slice3A_392 = vector.extract_strided_slice %shift_right_arithmetic3A_14 {offsets = [9], sizes = [1], strides = [1]} : vector<16xi32> to vector<1xi32>
    %squeeze3A_393 = vector.extract %slice3A_392[0] : i32 from vector<1xi32>
    %dma_start3A_394 = arith.constant 0 : i32
    %dma_start3A_395 = arith.constant 9 : i32
    %dma_start3A_396 = arith.constant 0 : i32
    %dma_start3A_397 = arith.constant 0 : i32
    %dma_start3A_398 = tpu.memref_slice %arg13[%dma_start3A_394, %dma_start3A_395, %dma_start3A_396, %dma_start3A_397] : memref<2x16x8x16xf32, #tpu.memory_space<vmem>> -> memref<1x1x8x16xf32, #tpu.memory_space<vmem>>
    %dma_start3A_399 = tpu.memref_squeeze %dma_start3A_398 : memref<1x1x8x16xf32, #tpu.memory_space<vmem>> -> memref<8x16xf32, #tpu.memory_space<vmem>>
    %dma_start3A_400 = arith.constant 0 : i32
    %dma_start3A_401 = arith.constant 0 : i32
    %dma_start3A_402 = tpu.memref_slice %arg5[%squeeze3A_393, %dma_start3A_400, %dma_start3A_401] : memref<12500x8x16xf32, #tpu.memory_space<hbm>> -> memref<1x8x16xf32, #tpu.memory_space<hbm>>
    %dma_start3A_403 = tpu.memref_squeeze %dma_start3A_402 : memref<1x8x16xf32, #tpu.memory_space<hbm>> -> memref<8x16xf32, #tpu.memory_space<hbm>>
    %dma_start3A_404 = arith.constant 0 : i32
    %dma_start3A_405 = arith.constant 0 : i32
    %dma_start3A_406 = tpu.memref_slice %arg13[%dma_start3A_394, %dma_start3A_395, %dma_start3A_404, %dma_start3A_405] : memref<2x16x8x16xf32, #tpu.memory_space<vmem>> -> memref<1x1x8x16xf32, #tpu.memory_space<vmem>>
    %dma_start3A_407 = tpu.memref_squeeze %dma_start3A_406 : memref<1x1x8x16xf32, #tpu.memory_space<vmem>> -> memref<8x16xf32, #tpu.memory_space<vmem>>
    %dma_start3A_408 = arith.constant 0 : i32
    %dma_start3A_409 = arith.constant 0 : i32
    %dma_start3A_410 = tpu.memref_slice %arg5[%squeeze3A_393, %dma_start3A_408, %dma_start3A_409] : memref<12500x8x16xf32, #tpu.memory_space<hbm>> -> memref<1x8x16xf32, #tpu.memory_space<hbm>>
    %dma_start3A_411 = tpu.memref_squeeze %dma_start3A_410 : memref<1x8x16xf32, #tpu.memory_space<hbm>> -> memref<8x16xf32, #tpu.memory_space<hbm>>
    tpu.enqueue_dma source(%dma_start3A_411 : memref<8x16xf32, #tpu.memory_space<hbm>>) target(%dma_start3A_407 : memref<8x16xf32, #tpu.memory_space<vmem>>) target_semaphore(%arg18 : memref<!tpu.dma_semaphore, #tpu.memory_space<semaphore_mem>>)
    %slice3A_412 = vector.extract_strided_slice %shift_right_arithmetic3A_11 {offsets = [10], sizes = [1], strides = [1]} : vector<16xi32> to vector<1xi32>
    %squeeze3A_413 = vector.extract %slice3A_412[0] : i32 from vector<1xi32>
    %dma_start3A_414 = arith.constant 0 : i32
    %dma_start3A_415 = arith.constant 10 : i32
    %dma_start3A_416 = arith.constant 0 : i32
    %dma_start3A_417 = arith.constant 0 : i32
    %dma_start3A_418 = tpu.memref_slice %arg12[%dma_start3A_414, %dma_start3A_415, %dma_start3A_416, %dma_start3A_417] : memref<2x16x8x16xf32, #tpu.memory_space<vmem>> -> memref<1x1x8x16xf32, #tpu.memory_space<vmem>>
    %dma_start3A_419 = tpu.memref_squeeze %dma_start3A_418 : memref<1x1x8x16xf32, #tpu.memory_space<vmem>> -> memref<8x16xf32, #tpu.memory_space<vmem>>
    %dma_start3A_420 = arith.constant 0 : i32
    %dma_start3A_421 = arith.constant 0 : i32
    %dma_start3A_422 = tpu.memref_slice %arg4[%squeeze3A_413, %dma_start3A_420, %dma_start3A_421] : memref<125000x8x16xf32, #tpu.memory_space<hbm>> -> memref<1x8x16xf32, #tpu.memory_space<hbm>>
    %dma_start3A_423 = tpu.memref_squeeze %dma_start3A_422 : memref<1x8x16xf32, #tpu.memory_space<hbm>> -> memref<8x16xf32, #tpu.memory_space<hbm>>
    %dma_start3A_424 = arith.constant 0 : i32
    %dma_start3A_425 = arith.constant 0 : i32
    %dma_start3A_426 = tpu.memref_slice %arg12[%dma_start3A_414, %dma_start3A_415, %dma_start3A_424, %dma_start3A_425] : memref<2x16x8x16xf32, #tpu.memory_space<vmem>> -> memref<1x1x8x16xf32, #tpu.memory_space<vmem>>
    %dma_start3A_427 = tpu.memref_squeeze %dma_start3A_426 : memref<1x1x8x16xf32, #tpu.memory_space<vmem>> -> memref<8x16xf32, #tpu.memory_space<vmem>>
    %dma_start3A_428 = arith.constant 0 : i32
    %dma_start3A_429 = arith.constant 0 : i32
    %dma_start3A_430 = tpu.memref_slice %arg4[%squeeze3A_413, %dma_start3A_428, %dma_start3A_429] : memref<125000x8x16xf32, #tpu.memory_space<hbm>> -> memref<1x8x16xf32, #tpu.memory_space<hbm>>
    %dma_start3A_431 = tpu.memref_squeeze %dma_start3A_430 : memref<1x8x16xf32, #tpu.memory_space<hbm>> -> memref<8x16xf32, #tpu.memory_space<hbm>>
    tpu.enqueue_dma source(%dma_start3A_431 : memref<8x16xf32, #tpu.memory_space<hbm>>) target(%dma_start3A_427 : memref<8x16xf32, #tpu.memory_space<vmem>>) target_semaphore(%arg18 : memref<!tpu.dma_semaphore, #tpu.memory_space<semaphore_mem>>)
    %slice3A_432 = vector.extract_strided_slice %shift_right_arithmetic3A_14 {offsets = [10], sizes = [1], strides = [1]} : vector<16xi32> to vector<1xi32>
    %squeeze3A_433 = vector.extract %slice3A_432[0] : i32 from vector<1xi32>
    %dma_start3A_434 = arith.constant 0 : i32
    %dma_start3A_435 = arith.constant 10 : i32
    %dma_start3A_436 = arith.constant 0 : i32
    %dma_start3A_437 = arith.constant 0 : i32
    %dma_start3A_438 = tpu.memref_slice %arg13[%dma_start3A_434, %dma_start3A_435, %dma_start3A_436, %dma_start3A_437] : memref<2x16x8x16xf32, #tpu.memory_space<vmem>> -> memref<1x1x8x16xf32, #tpu.memory_space<vmem>>
    %dma_start3A_439 = tpu.memref_squeeze %dma_start3A_438 : memref<1x1x8x16xf32, #tpu.memory_space<vmem>> -> memref<8x16xf32, #tpu.memory_space<vmem>>
    %dma_start3A_440 = arith.constant 0 : i32
    %dma_start3A_441 = arith.constant 0 : i32
    %dma_start3A_442 = tpu.memref_slice %arg5[%squeeze3A_433, %dma_start3A_440, %dma_start3A_441] : memref<12500x8x16xf32, #tpu.memory_space<hbm>> -> memref<1x8x16xf32, #tpu.memory_space<hbm>>
    %dma_start3A_443 = tpu.memref_squeeze %dma_start3A_442 : memref<1x8x16xf32, #tpu.memory_space<hbm>> -> memref<8x16xf32, #tpu.memory_space<hbm>>
    %dma_start3A_444 = arith.constant 0 : i32
    %dma_start3A_445 = arith.constant 0 : i32
    %dma_start3A_446 = tpu.memref_slice %arg13[%dma_start3A_434, %dma_start3A_435, %dma_start3A_444, %dma_start3A_445] : memref<2x16x8x16xf32, #tpu.memory_space<vmem>> -> memref<1x1x8x16xf32, #tpu.memory_space<vmem>>
    %dma_start3A_447 = tpu.memref_squeeze %dma_start3A_446 : memref<1x1x8x16xf32, #tpu.memory_space<vmem>> -> memref<8x16xf32, #tpu.memory_space<vmem>>
    %dma_start3A_448 = arith.constant 0 : i32
    %dma_start3A_449 = arith.constant 0 : i32
    %dma_start3A_450 = tpu.memref_slice %arg5[%squeeze3A_433, %dma_start3A_448, %dma_start3A_449] : memref<12500x8x16xf32, #tpu.memory_space<hbm>> -> memref<1x8x16xf32, #tpu.memory_space<hbm>>
    %dma_start3A_451 = tpu.memref_squeeze %dma_start3A_450 : memref<1x8x16xf32, #tpu.memory_space<hbm>> -> memref<8x16xf32, #tpu.memory_space<hbm>>
    tpu.enqueue_dma source(%dma_start3A_451 : memref<8x16xf32, #tpu.memory_space<hbm>>) target(%dma_start3A_447 : memref<8x16xf32, #tpu.memory_space<vmem>>) target_semaphore(%arg18 : memref<!tpu.dma_semaphore, #tpu.memory_space<semaphore_mem>>)
    %slice3A_452 = vector.extract_strided_slice %shift_right_arithmetic3A_11 {offsets = [11], sizes = [1], strides = [1]} : vector<16xi32> to vector<1xi32>
    %squeeze3A_453 = vector.extract %slice3A_452[0] : i32 from vector<1xi32>
    %dma_start3A_454 = arith.constant 0 : i32
    %dma_start3A_455 = arith.constant 11 : i32
    %dma_start3A_456 = arith.constant 0 : i32
    %dma_start3A_457 = arith.constant 0 : i32
    %dma_start3A_458 = tpu.memref_slice %arg12[%dma_start3A_454, %dma_start3A_455, %dma_start3A_456, %dma_start3A_457] : memref<2x16x8x16xf32, #tpu.memory_space<vmem>> -> memref<1x1x8x16xf32, #tpu.memory_space<vmem>>
    %dma_start3A_459 = tpu.memref_squeeze %dma_start3A_458 : memref<1x1x8x16xf32, #tpu.memory_space<vmem>> -> memref<8x16xf32, #tpu.memory_space<vmem>>
    %dma_start3A_460 = arith.constant 0 : i32
    %dma_start3A_461 = arith.constant 0 : i32
    %dma_start3A_462 = tpu.memref_slice %arg4[%squeeze3A_453, %dma_start3A_460, %dma_start3A_461] : memref<125000x8x16xf32, #tpu.memory_space<hbm>> -> memref<1x8x16xf32, #tpu.memory_space<hbm>>
    %dma_start3A_463 = tpu.memref_squeeze %dma_start3A_462 : memref<1x8x16xf32, #tpu.memory_space<hbm>> -> memref<8x16xf32, #tpu.memory_space<hbm>>
    %dma_start3A_464 = arith.constant 0 : i32
    %dma_start3A_465 = arith.constant 0 : i32
    %dma_start3A_466 = tpu.memref_slice %arg12[%dma_start3A_454, %dma_start3A_455, %dma_start3A_464, %dma_start3A_465] : memref<2x16x8x16xf32, #tpu.memory_space<vmem>> -> memref<1x1x8x16xf32, #tpu.memory_space<vmem>>
    %dma_start3A_467 = tpu.memref_squeeze %dma_start3A_466 : memref<1x1x8x16xf32, #tpu.memory_space<vmem>> -> memref<8x16xf32, #tpu.memory_space<vmem>>
    %dma_start3A_468 = arith.constant 0 : i32
    %dma_start3A_469 = arith.constant 0 : i32
    %dma_start3A_470 = tpu.memref_slice %arg4[%squeeze3A_453, %dma_start3A_468, %dma_start3A_469] : memref<125000x8x16xf32, #tpu.memory_space<hbm>> -> memref<1x8x16xf32, #tpu.memory_space<hbm>>
    %dma_start3A_471 = tpu.memref_squeeze %dma_start3A_470 : memref<1x8x16xf32, #tpu.memory_space<hbm>> -> memref<8x16xf32, #tpu.memory_space<hbm>>
    tpu.enqueue_dma source(%dma_start3A_471 : memref<8x16xf32, #tpu.memory_space<hbm>>) target(%dma_start3A_467 : memref<8x16xf32, #tpu.memory_space<vmem>>) target_semaphore(%arg18 : memref<!tpu.dma_semaphore, #tpu.memory_space<semaphore_mem>>)
    %slice3A_472 = vector.extract_strided_slice %shift_right_arithmetic3A_14 {offsets = [11], sizes = [1], strides = [1]} : vector<16xi32> to vector<1xi32>
    %squeeze3A_473 = vector.extract %slice3A_472[0] : i32 from vector<1xi32>
    %dma_start3A_474 = arith.constant 0 : i32
    %dma_start3A_475 = arith.constant 11 : i32
    %dma_start3A_476 = arith.constant 0 : i32
    %dma_start3A_477 = arith.constant 0 : i32
    %dma_start3A_478 = tpu.memref_slice %arg13[%dma_start3A_474, %dma_start3A_475, %dma_start3A_476, %dma_start3A_477] : memref<2x16x8x16xf32, #tpu.memory_space<vmem>> -> memref<1x1x8x16xf32, #tpu.memory_space<vmem>>
    %dma_start3A_479 = tpu.memref_squeeze %dma_start3A_478 : memref<1x1x8x16xf32, #tpu.memory_space<vmem>> -> memref<8x16xf32, #tpu.memory_space<vmem>>
    %dma_start3A_480 = arith.constant 0 : i32
    %dma_start3A_481 = arith.constant 0 : i32
    %dma_start3A_482 = tpu.memref_slice %arg5[%squeeze3A_473, %dma_start3A_480, %dma_start3A_481] : memref<12500x8x16xf32, #tpu.memory_space<hbm>> -> memref<1x8x16xf32, #tpu.memory_space<hbm>>
    %dma_start3A_483 = tpu.memref_squeeze %dma_start3A_482 : memref<1x8x16xf32, #tpu.memory_space<hbm>> -> memref<8x16xf32, #tpu.memory_space<hbm>>
    %dma_start3A_484 = arith.constant 0 : i32
    %dma_start3A_485 = arith.constant 0 : i32
    %dma_start3A_486 = tpu.memref_slice %arg13[%dma_start3A_474, %dma_start3A_475, %dma_start3A_484, %dma_start3A_485] : memref<2x16x8x16xf32, #tpu.memory_space<vmem>> -> memref<1x1x8x16xf32, #tpu.memory_space<vmem>>
    %dma_start3A_487 = tpu.memref_squeeze %dma_start3A_486 : memref<1x1x8x16xf32, #tpu.memory_space<vmem>> -> memref<8x16xf32, #tpu.memory_space<vmem>>
    %dma_start3A_488 = arith.constant 0 : i32
    %dma_start3A_489 = arith.constant 0 : i32
    %dma_start3A_490 = tpu.memref_slice %arg5[%squeeze3A_473, %dma_start3A_488, %dma_start3A_489] : memref<12500x8x16xf32, #tpu.memory_space<hbm>> -> memref<1x8x16xf32, #tpu.memory_space<hbm>>
    %dma_start3A_491 = tpu.memref_squeeze %dma_start3A_490 : memref<1x8x16xf32, #tpu.memory_space<hbm>> -> memref<8x16xf32, #tpu.memory_space<hbm>>
    tpu.enqueue_dma source(%dma_start3A_491 : memref<8x16xf32, #tpu.memory_space<hbm>>) target(%dma_start3A_487 : memref<8x16xf32, #tpu.memory_space<vmem>>) target_semaphore(%arg18 : memref<!tpu.dma_semaphore, #tpu.memory_space<semaphore_mem>>)
    %slice3A_492 = vector.extract_strided_slice %shift_right_arithmetic3A_11 {offsets = [12], sizes = [1], strides = [1]} : vector<16xi32> to vector<1xi32>
    %squeeze3A_493 = vector.extract %slice3A_492[0] : i32 from vector<1xi32>
    %dma_start3A_494 = arith.constant 0 : i32
    %dma_start3A_495 = arith.constant 12 : i32
    %dma_start3A_496 = arith.constant 0 : i32
    %dma_start3A_497 = arith.constant 0 : i32
    %dma_start3A_498 = tpu.memref_slice %arg12[%dma_start3A_494, %dma_start3A_495, %dma_start3A_496, %dma_start3A_497] : memref<2x16x8x16xf32, #tpu.memory_space<vmem>> -> memref<1x1x8x16xf32, #tpu.memory_space<vmem>>
    %dma_start3A_499 = tpu.memref_squeeze %dma_start3A_498 : memref<1x1x8x16xf32, #tpu.memory_space<vmem>> -> memref<8x16xf32, #tpu.memory_space<vmem>>
    %dma_start3A_500 = arith.constant 0 : i32
    %dma_start3A_501 = arith.constant 0 : i32
    %dma_start3A_502 = tpu.memref_slice %arg4[%squeeze3A_493, %dma_start3A_500, %dma_start3A_501] : memref<125000x8x16xf32, #tpu.memory_space<hbm>> -> memref<1x8x16xf32, #tpu.memory_space<hbm>>
    %dma_start3A_503 = tpu.memref_squeeze %dma_start3A_502 : memref<1x8x16xf32, #tpu.memory_space<hbm>> -> memref<8x16xf32, #tpu.memory_space<hbm>>
    %dma_start3A_504 = arith.constant 0 : i32
    %dma_start3A_505 = arith.constant 0 : i32
    %dma_start3A_506 = tpu.memref_slice %arg12[%dma_start3A_494, %dma_start3A_495, %dma_start3A_504, %dma_start3A_505] : memref<2x16x8x16xf32, #tpu.memory_space<vmem>> -> memref<1x1x8x16xf32, #tpu.memory_space<vmem>>
    %dma_start3A_507 = tpu.memref_squeeze %dma_start3A_506 : memref<1x1x8x16xf32, #tpu.memory_space<vmem>> -> memref<8x16xf32, #tpu.memory_space<vmem>>
    %dma_start3A_508 = arith.constant 0 : i32
    %dma_start3A_509 = arith.constant 0 : i32
    %dma_start3A_510 = tpu.memref_slice %arg4[%squeeze3A_493, %dma_start3A_508, %dma_start3A_509] : memref<125000x8x16xf32, #tpu.memory_space<hbm>> -> memref<1x8x16xf32, #tpu.memory_space<hbm>>
    %dma_start3A_511 = tpu.memref_squeeze %dma_start3A_510 : memref<1x8x16xf32, #tpu.memory_space<hbm>> -> memref<8x16xf32, #tpu.memory_space<hbm>>
    tpu.enqueue_dma source(%dma_start3A_511 : memref<8x16xf32, #tpu.memory_space<hbm>>) target(%dma_start3A_507 : memref<8x16xf32, #tpu.memory_space<vmem>>) target_semaphore(%arg18 : memref<!tpu.dma_semaphore, #tpu.memory_space<semaphore_mem>>)
    %slice3A_512 = vector.extract_strided_slice %shift_right_arithmetic3A_14 {offsets = [12], sizes = [1], strides = [1]} : vector<16xi32> to vector<1xi32>
    %squeeze3A_513 = vector.extract %slice3A_512[0] : i32 from vector<1xi32>
    %dma_start3A_514 = arith.constant 0 : i32
    %dma_start3A_515 = arith.constant 12 : i32
    %dma_start3A_516 = arith.constant 0 : i32
    %dma_start3A_517 = arith.constant 0 : i32
    %dma_start3A_518 = tpu.memref_slice %arg13[%dma_start3A_514, %dma_start3A_515, %dma_start3A_516, %dma_start3A_517] : memref<2x16x8x16xf32, #tpu.memory_space<vmem>> -> memref<1x1x8x16xf32, #tpu.memory_space<vmem>>
    %dma_start3A_519 = tpu.memref_squeeze %dma_start3A_518 : memref<1x1x8x16xf32, #tpu.memory_space<vmem>> -> memref<8x16xf32, #tpu.memory_space<vmem>>
    %dma_start3A_520 = arith.constant 0 : i32
    %dma_start3A_521 = arith.constant 0 : i32
    %dma_start3A_522 = tpu.memref_slice %arg5[%squeeze3A_513, %dma_start3A_520, %dma_start3A_521] : memref<12500x8x16xf32, #tpu.memory_space<hbm>> -> memref<1x8x16xf32, #tpu.memory_space<hbm>>
    %dma_start3A_523 = tpu.memref_squeeze %dma_start3A_522 : memref<1x8x16xf32, #tpu.memory_space<hbm>> -> memref<8x16xf32, #tpu.memory_space<hbm>>
    %dma_start3A_524 = arith.constant 0 : i32
    %dma_start3A_525 = arith.constant 0 : i32
    %dma_start3A_526 = tpu.memref_slice %arg13[%dma_start3A_514, %dma_start3A_515, %dma_start3A_524, %dma_start3A_525] : memref<2x16x8x16xf32, #tpu.memory_space<vmem>> -> memref<1x1x8x16xf32, #tpu.memory_space<vmem>>
    %dma_start3A_527 = tpu.memref_squeeze %dma_start3A_526 : memref<1x1x8x16xf32, #tpu.memory_space<vmem>> -> memref<8x16xf32, #tpu.memory_space<vmem>>
    %dma_start3A_528 = arith.constant 0 : i32
    %dma_start3A_529 = arith.constant 0 : i32
    %dma_start3A_530 = tpu.memref_slice %arg5[%squeeze3A_513, %dma_start3A_528, %dma_start3A_529] : memref<12500x8x16xf32, #tpu.memory_space<hbm>> -> memref<1x8x16xf32, #tpu.memory_space<hbm>>
    %dma_start3A_531 = tpu.memref_squeeze %dma_start3A_530 : memref<1x8x16xf32, #tpu.memory_space<hbm>> -> memref<8x16xf32, #tpu.memory_space<hbm>>
    tpu.enqueue_dma source(%dma_start3A_531 : memref<8x16xf32, #tpu.memory_space<hbm>>) target(%dma_start3A_527 : memref<8x16xf32, #tpu.memory_space<vmem>>) target_semaphore(%arg18 : memref<!tpu.dma_semaphore, #tpu.memory_space<semaphore_mem>>)
    %slice3A_532 = vector.extract_strided_slice %shift_right_arithmetic3A_11 {offsets = [13], sizes = [1], strides = [1]} : vector<16xi32> to vector<1xi32>
    %squeeze3A_533 = vector.extract %slice3A_532[0] : i32 from vector<1xi32>
    %dma_start3A_534 = arith.constant 0 : i32
    %dma_start3A_535 = arith.constant 13 : i32
    %dma_start3A_536 = arith.constant 0 : i32
    %dma_start3A_537 = arith.constant 0 : i32
    %dma_start3A_538 = tpu.memref_slice %arg12[%dma_start3A_534, %dma_start3A_535, %dma_start3A_536, %dma_start3A_537] : memref<2x16x8x16xf32, #tpu.memory_space<vmem>> -> memref<1x1x8x16xf32, #tpu.memory_space<vmem>>
    %dma_start3A_539 = tpu.memref_squeeze %dma_start3A_538 : memref<1x1x8x16xf32, #tpu.memory_space<vmem>> -> memref<8x16xf32, #tpu.memory_space<vmem>>
    %dma_start3A_540 = arith.constant 0 : i32
    %dma_start3A_541 = arith.constant 0 : i32
    %dma_start3A_542 = tpu.memref_slice %arg4[%squeeze3A_533, %dma_start3A_540, %dma_start3A_541] : memref<125000x8x16xf32, #tpu.memory_space<hbm>> -> memref<1x8x16xf32, #tpu.memory_space<hbm>>
    %dma_start3A_543 = tpu.memref_squeeze %dma_start3A_542 : memref<1x8x16xf32, #tpu.memory_space<hbm>> -> memref<8x16xf32, #tpu.memory_space<hbm>>
    %dma_start3A_544 = arith.constant 0 : i32
    %dma_start3A_545 = arith.constant 0 : i32
    %dma_start3A_546 = tpu.memref_slice %arg12[%dma_start3A_534, %dma_start3A_535, %dma_start3A_544, %dma_start3A_545] : memref<2x16x8x16xf32, #tpu.memory_space<vmem>> -> memref<1x1x8x16xf32, #tpu.memory_space<vmem>>
    %dma_start3A_547 = tpu.memref_squeeze %dma_start3A_546 : memref<1x1x8x16xf32, #tpu.memory_space<vmem>> -> memref<8x16xf32, #tpu.memory_space<vmem>>
    %dma_start3A_548 = arith.constant 0 : i32
    %dma_start3A_549 = arith.constant 0 : i32
    %dma_start3A_550 = tpu.memref_slice %arg4[%squeeze3A_533, %dma_start3A_548, %dma_start3A_549] : memref<125000x8x16xf32, #tpu.memory_space<hbm>> -> memref<1x8x16xf32, #tpu.memory_space<hbm>>
    %dma_start3A_551 = tpu.memref_squeeze %dma_start3A_550 : memref<1x8x16xf32, #tpu.memory_space<hbm>> -> memref<8x16xf32, #tpu.memory_space<hbm>>
    tpu.enqueue_dma source(%dma_start3A_551 : memref<8x16xf32, #tpu.memory_space<hbm>>) target(%dma_start3A_547 : memref<8x16xf32, #tpu.memory_space<vmem>>) target_semaphore(%arg18 : memref<!tpu.dma_semaphore, #tpu.memory_space<semaphore_mem>>)
    %slice3A_552 = vector.extract_strided_slice %shift_right_arithmetic3A_14 {offsets = [13], sizes = [1], strides = [1]} : vector<16xi32> to vector<1xi32>
    %squeeze3A_553 = vector.extract %slice3A_552[0] : i32 from vector<1xi32>
    %dma_start3A_554 = arith.constant 0 : i32
    %dma_start3A_555 = arith.constant 13 : i32
    %dma_start3A_556 = arith.constant 0 : i32
    %dma_start3A_557 = arith.constant 0 : i32
    %dma_start3A_558 = tpu.memref_slice %arg13[%dma_start3A_554, %dma_start3A_555, %dma_start3A_556, %dma_start3A_557] : memref<2x16x8x16xf32, #tpu.memory_space<vmem>> -> memref<1x1x8x16xf32, #tpu.memory_space<vmem>>
    %dma_start3A_559 = tpu.memref_squeeze %dma_start3A_558 : memref<1x1x8x16xf32, #tpu.memory_space<vmem>> -> memref<8x16xf32, #tpu.memory_space<vmem>>
    %dma_start3A_560 = arith.constant 0 : i32
    %dma_start3A_561 = arith.constant 0 : i32
    %dma_start3A_562 = tpu.memref_slice %arg5[%squeeze3A_553, %dma_start3A_560, %dma_start3A_561] : memref<12500x8x16xf32, #tpu.memory_space<hbm>> -> memref<1x8x16xf32, #tpu.memory_space<hbm>>
    %dma_start3A_563 = tpu.memref_squeeze %dma_start3A_562 : memref<1x8x16xf32, #tpu.memory_space<hbm>> -> memref<8x16xf32, #tpu.memory_space<hbm>>
    %dma_start3A_564 = arith.constant 0 : i32
    %dma_start3A_565 = arith.constant 0 : i32
    %dma_start3A_566 = tpu.memref_slice %arg13[%dma_start3A_554, %dma_start3A_555, %dma_start3A_564, %dma_start3A_565] : memref<2x16x8x16xf32, #tpu.memory_space<vmem>> -> memref<1x1x8x16xf32, #tpu.memory_space<vmem>>
    %dma_start3A_567 = tpu.memref_squeeze %dma_start3A_566 : memref<1x1x8x16xf32, #tpu.memory_space<vmem>> -> memref<8x16xf32, #tpu.memory_space<vmem>>
    %dma_start3A_568 = arith.constant 0 : i32
    %dma_start3A_569 = arith.constant 0 : i32
    %dma_start3A_570 = tpu.memref_slice %arg5[%squeeze3A_553, %dma_start3A_568, %dma_start3A_569] : memref<12500x8x16xf32, #tpu.memory_space<hbm>> -> memref<1x8x16xf32, #tpu.memory_space<hbm>>
    %dma_start3A_571 = tpu.memref_squeeze %dma_start3A_570 : memref<1x8x16xf32, #tpu.memory_space<hbm>> -> memref<8x16xf32, #tpu.memory_space<hbm>>
    tpu.enqueue_dma source(%dma_start3A_571 : memref<8x16xf32, #tpu.memory_space<hbm>>) target(%dma_start3A_567 : memref<8x16xf32, #tpu.memory_space<vmem>>) target_semaphore(%arg18 : memref<!tpu.dma_semaphore, #tpu.memory_space<semaphore_mem>>)
    %slice3A_572 = vector.extract_strided_slice %shift_right_arithmetic3A_11 {offsets = [14], sizes = [1], strides = [1]} : vector<16xi32> to vector<1xi32>
    %squeeze3A_573 = vector.extract %slice3A_572[0] : i32 from vector<1xi32>
    %dma_start3A_574 = arith.constant 0 : i32
    %dma_start3A_575 = arith.constant 14 : i32
    %dma_start3A_576 = arith.constant 0 : i32
    %dma_start3A_577 = arith.constant 0 : i32
    %dma_start3A_578 = tpu.memref_slice %arg12[%dma_start3A_574, %dma_start3A_575, %dma_start3A_576, %dma_start3A_577] : memref<2x16x8x16xf32, #tpu.memory_space<vmem>> -> memref<1x1x8x16xf32, #tpu.memory_space<vmem>>
    %dma_start3A_579 = tpu.memref_squeeze %dma_start3A_578 : memref<1x1x8x16xf32, #tpu.memory_space<vmem>> -> memref<8x16xf32, #tpu.memory_space<vmem>>
    %dma_start3A_580 = arith.constant 0 : i32
    %dma_start3A_581 = arith.constant 0 : i32
    %dma_start3A_582 = tpu.memref_slice %arg4[%squeeze3A_573, %dma_start3A_580, %dma_start3A_581] : memref<125000x8x16xf32, #tpu.memory_space<hbm>> -> memref<1x8x16xf32, #tpu.memory_space<hbm>>
    %dma_start3A_583 = tpu.memref_squeeze %dma_start3A_582 : memref<1x8x16xf32, #tpu.memory_space<hbm>> -> memref<8x16xf32, #tpu.memory_space<hbm>>
    %dma_start3A_584 = arith.constant 0 : i32
    %dma_start3A_585 = arith.constant 0 : i32
    %dma_start3A_586 = tpu.memref_slice %arg12[%dma_start3A_574, %dma_start3A_575, %dma_start3A_584, %dma_start3A_585] : memref<2x16x8x16xf32, #tpu.memory_space<vmem>> -> memref<1x1x8x16xf32, #tpu.memory_space<vmem>>
    %dma_start3A_587 = tpu.memref_squeeze %dma_start3A_586 : memref<1x1x8x16xf32, #tpu.memory_space<vmem>> -> memref<8x16xf32, #tpu.memory_space<vmem>>
    %dma_start3A_588 = arith.constant 0 : i32
    %dma_start3A_589 = arith.constant 0 : i32
    %dma_start3A_590 = tpu.memref_slice %arg4[%squeeze3A_573, %dma_start3A_588, %dma_start3A_589] : memref<125000x8x16xf32, #tpu.memory_space<hbm>> -> memref<1x8x16xf32, #tpu.memory_space<hbm>>
    %dma_start3A_591 = tpu.memref_squeeze %dma_start3A_590 : memref<1x8x16xf32, #tpu.memory_space<hbm>> -> memref<8x16xf32, #tpu.memory_space<hbm>>
    tpu.enqueue_dma source(%dma_start3A_591 : memref<8x16xf32, #tpu.memory_space<hbm>>) target(%dma_start3A_587 : memref<8x16xf32, #tpu.memory_space<vmem>>) target_semaphore(%arg18 : memref<!tpu.dma_semaphore, #tpu.memory_space<semaphore_mem>>)
    %slice3A_592 = vector.extract_strided_slice %shift_right_arithmetic3A_14 {offsets = [14], sizes = [1], strides = [1]} : vector<16xi32> to vector<1xi32>
    %squeeze3A_593 = vector.extract %slice3A_592[0] : i32 from vector<1xi32>
    %dma_start3A_594 = arith.constant 0 : i32
    %dma_start3A_595 = arith.constant 14 : i32
    %dma_start3A_596 = arith.constant 0 : i32
    %dma_start3A_597 = arith.constant 0 : i32
    %dma_start3A_598 = tpu.memref_slice %arg13[%dma_start3A_594, %dma_start3A_595, %dma_start3A_596, %dma_start3A_597] : memref<2x16x8x16xf32, #tpu.memory_space<vmem>> -> memref<1x1x8x16xf32, #tpu.memory_space<vmem>>
    %dma_start3A_599 = tpu.memref_squeeze %dma_start3A_598 : memref<1x1x8x16xf32, #tpu.memory_space<vmem>> -> memref<8x16xf32, #tpu.memory_space<vmem>>
    %dma_start3A_600 = arith.constant 0 : i32
    %dma_start3A_601 = arith.constant 0 : i32
    %dma_start3A_602 = tpu.memref_slice %arg5[%squeeze3A_593, %dma_start3A_600, %dma_start3A_601] : memref<12500x8x16xf32, #tpu.memory_space<hbm>> -> memref<1x8x16xf32, #tpu.memory_space<hbm>>
    %dma_start3A_603 = tpu.memref_squeeze %dma_start3A_602 : memref<1x8x16xf32, #tpu.memory_space<hbm>> -> memref<8x16xf32, #tpu.memory_space<hbm>>
    %dma_start3A_604 = arith.constant 0 : i32
    %dma_start3A_605 = arith.constant 0 : i32
    %dma_start3A_606 = tpu.memref_slice %arg13[%dma_start3A_594, %dma_start3A_595, %dma_start3A_604, %dma_start3A_605] : memref<2x16x8x16xf32, #tpu.memory_space<vmem>> -> memref<1x1x8x16xf32, #tpu.memory_space<vmem>>
    %dma_start3A_607 = tpu.memref_squeeze %dma_start3A_606 : memref<1x1x8x16xf32, #tpu.memory_space<vmem>> -> memref<8x16xf32, #tpu.memory_space<vmem>>
    %dma_start3A_608 = arith.constant 0 : i32
    %dma_start3A_609 = arith.constant 0 : i32
    %dma_start3A_610 = tpu.memref_slice %arg5[%squeeze3A_593, %dma_start3A_608, %dma_start3A_609] : memref<12500x8x16xf32, #tpu.memory_space<hbm>> -> memref<1x8x16xf32, #tpu.memory_space<hbm>>
    %dma_start3A_611 = tpu.memref_squeeze %dma_start3A_610 : memref<1x8x16xf32, #tpu.memory_space<hbm>> -> memref<8x16xf32, #tpu.memory_space<hbm>>
    tpu.enqueue_dma source(%dma_start3A_611 : memref<8x16xf32, #tpu.memory_space<hbm>>) target(%dma_start3A_607 : memref<8x16xf32, #tpu.memory_space<vmem>>) target_semaphore(%arg18 : memref<!tpu.dma_semaphore, #tpu.memory_space<semaphore_mem>>)
    %slice3A_612 = vector.extract_strided_slice %shift_right_arithmetic3A_11 {offsets = [15], sizes = [1], strides = [1]} : vector<16xi32> to vector<1xi32>
    %squeeze3A_613 = vector.extract %slice3A_612[0] : i32 from vector<1xi32>
    %dma_start3A_614 = arith.constant 0 : i32
    %dma_start3A_615 = arith.constant 15 : i32
    %dma_start3A_616 = arith.constant 0 : i32
    %dma_start3A_617 = arith.constant 0 : i32
    %dma_start3A_618 = tpu.memref_slice %arg12[%dma_start3A_614, %dma_start3A_615, %dma_start3A_616, %dma_start3A_617] : memref<2x16x8x16xf32, #tpu.memory_space<vmem>> -> memref<1x1x8x16xf32, #tpu.memory_space<vmem>>
    %dma_start3A_619 = tpu.memref_squeeze %dma_start3A_618 : memref<1x1x8x16xf32, #tpu.memory_space<vmem>> -> memref<8x16xf32, #tpu.memory_space<vmem>>
    %dma_start3A_620 = arith.constant 0 : i32
    %dma_start3A_621 = arith.constant 0 : i32
    %dma_start3A_622 = tpu.memref_slice %arg4[%squeeze3A_613, %dma_start3A_620, %dma_start3A_621] : memref<125000x8x16xf32, #tpu.memory_space<hbm>> -> memref<1x8x16xf32, #tpu.memory_space<hbm>>
    %dma_start3A_623 = tpu.memref_squeeze %dma_start3A_622 : memref<1x8x16xf32, #tpu.memory_space<hbm>> -> memref<8x16xf32, #tpu.memory_space<hbm>>
    %dma_start3A_624 = arith.constant 0 : i32
    %dma_start3A_625 = arith.constant 0 : i32
    %dma_start3A_626 = tpu.memref_slice %arg12[%dma_start3A_614, %dma_start3A_615, %dma_start3A_624, %dma_start3A_625] : memref<2x16x8x16xf32, #tpu.memory_space<vmem>> -> memref<1x1x8x16xf32, #tpu.memory_space<vmem>>
    %dma_start3A_627 = tpu.memref_squeeze %dma_start3A_626 : memref<1x1x8x16xf32, #tpu.memory_space<vmem>> -> memref<8x16xf32, #tpu.memory_space<vmem>>
    %dma_start3A_628 = arith.constant 0 : i32
    %dma_start3A_629 = arith.constant 0 : i32
    %dma_start3A_630 = tpu.memref_slice %arg4[%squeeze3A_613, %dma_start3A_628, %dma_start3A_629] : memref<125000x8x16xf32, #tpu.memory_space<hbm>> -> memref<1x8x16xf32, #tpu.memory_space<hbm>>
    %dma_start3A_631 = tpu.memref_squeeze %dma_start3A_630 : memref<1x8x16xf32, #tpu.memory_space<hbm>> -> memref<8x16xf32, #tpu.memory_space<hbm>>
    tpu.enqueue_dma source(%dma_start3A_631 : memref<8x16xf32, #tpu.memory_space<hbm>>) target(%dma_start3A_627 : memref<8x16xf32, #tpu.memory_space<vmem>>) target_semaphore(%arg18 : memref<!tpu.dma_semaphore, #tpu.memory_space<semaphore_mem>>)
    %slice3A_632 = vector.extract_strided_slice %shift_right_arithmetic3A_14 {offsets = [15], sizes = [1], strides = [1]} : vector<16xi32> to vector<1xi32>
    %squeeze3A_633 = vector.extract %slice3A_632[0] : i32 from vector<1xi32>
    %dma_start3A_634 = arith.constant 0 : i32
    %dma_start3A_635 = arith.constant 15 : i32
    %dma_start3A_636 = arith.constant 0 : i32
    %dma_start3A_637 = arith.constant 0 : i32
    %dma_start3A_638 = tpu.memref_slice %arg13[%dma_start3A_634, %dma_start3A_635, %dma_start3A_636, %dma_start3A_637] : memref<2x16x8x16xf32, #tpu.memory_space<vmem>> -> memref<1x1x8x16xf32, #tpu.memory_space<vmem>>
    %dma_start3A_639 = tpu.memref_squeeze %dma_start3A_638 : memref<1x1x8x16xf32, #tpu.memory_space<vmem>> -> memref<8x16xf32, #tpu.memory_space<vmem>>
    %dma_start3A_640 = arith.constant 0 : i32
    %dma_start3A_641 = arith.constant 0 : i32
    %dma_start3A_642 = tpu.memref_slice %arg5[%squeeze3A_633, %dma_start3A_640, %dma_start3A_641] : memref<12500x8x16xf32, #tpu.memory_space<hbm>> -> memref<1x8x16xf32, #tpu.memory_space<hbm>>
    %dma_start3A_643 = tpu.memref_squeeze %dma_start3A_642 : memref<1x8x16xf32, #tpu.memory_space<hbm>> -> memref<8x16xf32, #tpu.memory_space<hbm>>
    %dma_start3A_644 = arith.constant 0 : i32
    %dma_start3A_645 = arith.constant 0 : i32
    %dma_start3A_646 = tpu.memref_slice %arg13[%dma_start3A_634, %dma_start3A_635, %dma_start3A_644, %dma_start3A_645] : memref<2x16x8x16xf32, #tpu.memory_space<vmem>> -> memref<1x1x8x16xf32, #tpu.memory_space<vmem>>
    %dma_start3A_647 = tpu.memref_squeeze %dma_start3A_646 : memref<1x1x8x16xf32, #tpu.memory_space<vmem>> -> memref<8x16xf32, #tpu.memory_space<vmem>>
    %dma_start3A_648 = arith.constant 0 : i32
    %dma_start3A_649 = arith.constant 0 : i32
    %dma_start3A_650 = tpu.memref_slice %arg5[%squeeze3A_633, %dma_start3A_648, %dma_start3A_649] : memref<12500x8x16xf32, #tpu.memory_space<hbm>> -> memref<1x8x16xf32, #tpu.memory_space<hbm>>
    %dma_start3A_651 = tpu.memref_squeeze %dma_start3A_650 : memref<1x8x16xf32, #tpu.memory_space<hbm>> -> memref<8x16xf32, #tpu.memory_space<hbm>>
    tpu.enqueue_dma source(%dma_start3A_651 : memref<8x16xf32, #tpu.memory_space<hbm>>) target(%dma_start3A_647 : memref<8x16xf32, #tpu.memory_space<vmem>>) target_semaphore(%arg18 : memref<!tpu.dma_semaphore, #tpu.memory_space<semaphore_mem>>)
    %shift_right_arithmetic3A_652 = arith.constant 7 : i32
    %shift_right_arithmetic3A_653 = vector.broadcast %shift_right_arithmetic3A_652 : i32 to vector<16xi32>
    %shift_right_arithmetic3A_654 = arith.shrsi %get3A_5, %shift_right_arithmetic3A_653 : vector<16xi32>
    %dma_start3A_655 = arith.constant 0 : i32
    %dma_start3A_656 = arith.constant 0 : i32
    %dma_start3A_657 = arith.constant 0 : i32
    %dma_start3A_658 = tpu.memref_slice %arg14[%dma_start3A_655, %dma_start3A_656, %dma_start3A_657] : memref<2x16x128xf32, #tpu.memory_space<vmem>> -> memref<1x16x128xf32, #tpu.memory_space<vmem>>
    %dma_start3A_659 = tpu.memref_squeeze %dma_start3A_658 : memref<1x16x128xf32, #tpu.memory_space<vmem>> -> memref<16x128xf32, #tpu.memory_space<vmem>>
    %dma_start3A_660 = arith.constant 0 : i32
    %dma_start3A_661 = arith.constant 0 : i32
    %dma_start3A_662 = tpu.memref_slice %arg6[%dma_start3A_660, %dma_start3A_661] : memref<7813x128xf32, #tpu.memory_space<hbm>> -> memref<7813x128xf32, #tpu.memory_space<hbm>>
    tpu.enqueue_indirect_dma source(%dma_start3A_662 : memref<7813x128xf32, #tpu.memory_space<hbm>>) target(%dma_start3A_659 : memref<16x128xf32, #tpu.memory_space<vmem>>) offsets(%shift_right_arithmetic3A_654 : vector<16xi32>) semaphore(%arg18 : memref<!tpu.dma_semaphore, #tpu.memory_space<semaphore_mem>>)
    %shift_right_arithmetic3A_663 = arith.constant 7 : i32
    %shift_right_arithmetic3A_664 = vector.broadcast %shift_right_arithmetic3A_663 : i32 to vector<16xi32>
    %shift_right_arithmetic3A_665 = arith.shrsi %get3A_9, %shift_right_arithmetic3A_664 : vector<16xi32>
    %dma_start3A_666 = arith.constant 0 : i32
    %dma_start3A_667 = arith.constant 0 : i32
    %dma_start3A_668 = arith.constant 0 : i32
    %dma_start3A_669 = tpu.memref_slice %arg15[%dma_start3A_666, %dma_start3A_667, %dma_start3A_668] : memref<2x16x128xf32, #tpu.memory_space<vmem>> -> memref<1x16x128xf32, #tpu.memory_space<vmem>>
    %dma_start3A_670 = tpu.memref_squeeze %dma_start3A_669 : memref<1x16x128xf32, #tpu.memory_space<vmem>> -> memref<16x128xf32, #tpu.memory_space<vmem>>
    %dma_start3A_671 = arith.constant 0 : i32
    %dma_start3A_672 = arith.constant 0 : i32
    %dma_start3A_673 = tpu.memref_slice %arg7[%dma_start3A_671, %dma_start3A_672] : memref<782x128xf32, #tpu.memory_space<hbm>> -> memref<782x128xf32, #tpu.memory_space<hbm>>
    tpu.enqueue_indirect_dma source(%dma_start3A_673 : memref<782x128xf32, #tpu.memory_space<hbm>>) target(%dma_start3A_670 : memref<16x128xf32, #tpu.memory_space<vmem>>) offsets(%shift_right_arithmetic3A_665 : vector<16xi32>) semaphore(%arg18 : memref<!tpu.dma_semaphore, #tpu.memory_space<semaphore_mem>>)
    %scan3A = arith.constant 0 : i32
    %scan3A_674 = arith.constant 0 : i32
    %scan3A_675 = arith.constant 32 : i32
    %scan3A_676 = arith.addi %scan3A_674, %scan3A_675 : i32
    %scan3A_677 = arith.constant 1 : i32
    scf.for %scan3A_679 = %scan3A_674 to %scan3A_676 step %scan3A_677  : i32 {
      %rem3A = arith.constant 2 : i32
      %rem3A_680 = arith.remsi %scan3A_679, %rem3A : i32
      %dma_wait3A = arith.constant 0 : i32
      %dma_wait3A_681 = arith.constant 0 : i32
      %dma_wait3A_682 = arith.constant 0 : i32
      %dma_wait3A_683 = arith.constant 0 : i32
      %dma_wait3A_684 = tpu.memref_slice %arg12[%rem3A_680, %dma_wait3A_681, %dma_wait3A_682, %dma_wait3A_683] : memref<2x16x8x16xf32, #tpu.memory_space<vmem>> -> memref<1x1x8x16xf32, #tpu.memory_space<vmem>>
      %dma_wait3A_685 = tpu.memref_squeeze %dma_wait3A_684 : memref<1x1x8x16xf32, #tpu.memory_space<vmem>> -> memref<8x16xf32, #tpu.memory_space<vmem>>
      %dma_wait3A_686 = arith.constant 0 : i32
      %dma_wait3A_687 = arith.constant 0 : i32
      %dma_wait3A_688 = tpu.memref_slice %arg4[%dma_wait3A, %dma_wait3A_686, %dma_wait3A_687] : memref<125000x8x16xf32, #tpu.memory_space<hbm>> -> memref<1x8x16xf32, #tpu.memory_space<hbm>>
      %dma_wait3A_689 = tpu.memref_squeeze %dma_wait3A_688 : memref<1x8x16xf32, #tpu.memory_space<hbm>> -> memref<8x16xf32, #tpu.memory_space<hbm>>
      %dma_wait3A_690 = arith.constant 0 : i32
      %dma_wait3A_691 = arith.constant 0 : i32
      %dma_wait3A_692 = tpu.memref_slice %arg12[%rem3A_680, %dma_wait3A_681, %dma_wait3A_690, %dma_wait3A_691] : memref<2x16x8x16xf32, #tpu.memory_space<vmem>> -> memref<1x1x8x16xf32, #tpu.memory_space<vmem>>
      %dma_wait3A_693 = tpu.memref_squeeze %dma_wait3A_692 : memref<1x1x8x16xf32, #tpu.memory_space<vmem>> -> memref<8x16xf32, #tpu.memory_space<vmem>>
      %dma_wait3A_694 = arith.constant 0 : i32
      %dma_wait3A_695 = arith.constant 0 : i32
      %dma_wait3A_696 = tpu.memref_slice %arg4[%dma_wait3A, %dma_wait3A_694, %dma_wait3A_695] : memref<125000x8x16xf32, #tpu.memory_space<hbm>> -> memref<1x8x16xf32, #tpu.memory_space<hbm>>
      %dma_wait3A_697 = tpu.memref_squeeze %dma_wait3A_696 : memref<1x8x16xf32, #tpu.memory_space<hbm>> -> memref<8x16xf32, #tpu.memory_space<hbm>>
      tpu.wait_dma2 semaphore(%arg18 : memref<!tpu.dma_semaphore, #tpu.memory_space<semaphore_mem>>) src(%dma_wait3A_697 : memref<8x16xf32, #tpu.memory_space<hbm>>) dst(%dma_wait3A_693 : memref<8x16xf32, #tpu.memory_space<vmem>>)
      %dma_wait3A_698 = arith.constant 0 : i32
      %dma_wait3A_699 = arith.constant 0 : i32
      %dma_wait3A_700 = arith.constant 0 : i32
      %dma_wait3A_701 = arith.constant 0 : i32
      %dma_wait3A_702 = tpu.memref_slice %arg13[%rem3A_680, %dma_wait3A_699, %dma_wait3A_700, %dma_wait3A_701] : memref<2x16x8x16xf32, #tpu.memory_space<vmem>> -> memref<1x1x8x16xf32, #tpu.memory_space<vmem>>
      %dma_wait3A_703 = tpu.memref_squeeze %dma_wait3A_702 : memref<1x1x8x16xf32, #tpu.memory_space<vmem>> -> memref<8x16xf32, #tpu.memory_space<vmem>>
      %dma_wait3A_704 = arith.constant 0 : i32
      %dma_wait3A_705 = arith.constant 0 : i32
      %dma_wait3A_706 = tpu.memref_slice %arg5[%dma_wait3A_698, %dma_wait3A_704, %dma_wait3A_705] : memref<12500x8x16xf32, #tpu.memory_space<hbm>> -> memref<1x8x16xf32, #tpu.memory_space<hbm>>
      %dma_wait3A_707 = tpu.memref_squeeze %dma_wait3A_706 : memref<1x8x16xf32, #tpu.memory_space<hbm>> -> memref<8x16xf32, #tpu.memory_space<hbm>>
      %dma_wait3A_708 = arith.constant 0 : i32
      %dma_wait3A_709 = arith.constant 0 : i32
      %dma_wait3A_710 = tpu.memref_slice %arg13[%rem3A_680, %dma_wait3A_699, %dma_wait3A_708, %dma_wait3A_709] : memref<2x16x8x16xf32, #tpu.memory_space<vmem>> -> memref<1x1x8x16xf32, #tpu.memory_space<vmem>>
      %dma_wait3A_711 = tpu.memref_squeeze %dma_wait3A_710 : memref<1x1x8x16xf32, #tpu.memory_space<vmem>> -> memref<8x16xf32, #tpu.memory_space<vmem>>
      %dma_wait3A_712 = arith.constant 0 : i32
      %dma_wait3A_713 = arith.constant 0 : i32
      %dma_wait3A_714 = tpu.memref_slice %arg5[%dma_wait3A_698, %dma_wait3A_712, %dma_wait3A_713] : memref<12500x8x16xf32, #tpu.memory_space<hbm>> -> memref<1x8x16xf32, #tpu.memory_space<hbm>>
      %dma_wait3A_715 = tpu.memref_squeeze %dma_wait3A_714 : memref<1x8x16xf32, #tpu.memory_space<hbm>> -> memref<8x16xf32, #tpu.memory_space<hbm>>
      tpu.wait_dma2 semaphore(%arg18 : memref<!tpu.dma_semaphore, #tpu.memory_space<semaphore_mem>>) src(%dma_wait3A_715 : memref<8x16xf32, #tpu.memory_space<hbm>>) dst(%dma_wait3A_711 : memref<8x16xf32, #tpu.memory_space<vmem>>)
      %dma_wait3A_716 = arith.constant 0 : i32
      %dma_wait3A_717 = arith.constant 1 : i32
      %dma_wait3A_718 = arith.constant 0 : i32
      %dma_wait3A_719 = arith.constant 0 : i32
      %dma_wait3A_720 = tpu.memref_slice %arg12[%rem3A_680, %dma_wait3A_717, %dma_wait3A_718, %dma_wait3A_719] : memref<2x16x8x16xf32, #tpu.memory_space<vmem>> -> memref<1x1x8x16xf32, #tpu.memory_space<vmem>>
      %dma_wait3A_721 = tpu.memref_squeeze %dma_wait3A_720 : memref<1x1x8x16xf32, #tpu.memory_space<vmem>> -> memref<8x16xf32, #tpu.memory_space<vmem>>
      %dma_wait3A_722 = arith.constant 0 : i32
      %dma_wait3A_723 = arith.constant 0 : i32
      %dma_wait3A_724 = tpu.memref_slice %arg4[%dma_wait3A_716, %dma_wait3A_722, %dma_wait3A_723] : memref<125000x8x16xf32, #tpu.memory_space<hbm>> -> memref<1x8x16xf32, #tpu.memory_space<hbm>>
      %dma_wait3A_725 = tpu.memref_squeeze %dma_wait3A_724 : memref<1x8x16xf32, #tpu.memory_space<hbm>> -> memref<8x16xf32, #tpu.memory_space<hbm>>
      %dma_wait3A_726 = arith.constant 0 : i32
      %dma_wait3A_727 = arith.constant 0 : i32
      %dma_wait3A_728 = tpu.memref_slice %arg12[%rem3A_680, %dma_wait3A_717, %dma_wait3A_726, %dma_wait3A_727] : memref<2x16x8x16xf32, #tpu.memory_space<vmem>> -> memref<1x1x8x16xf32, #tpu.memory_space<vmem>>
      %dma_wait3A_729 = tpu.memref_squeeze %dma_wait3A_728 : memref<1x1x8x16xf32, #tpu.memory_space<vmem>> -> memref<8x16xf32, #tpu.memory_space<vmem>>
      %dma_wait3A_730 = arith.constant 0 : i32
      %dma_wait3A_731 = arith.constant 0 : i32
      %dma_wait3A_732 = tpu.memref_slice %arg4[%dma_wait3A_716, %dma_wait3A_730, %dma_wait3A_731] : memref<125000x8x16xf32, #tpu.memory_space<hbm>> -> memref<1x8x16xf32, #tpu.memory_space<hbm>>
      %dma_wait3A_733 = tpu.memref_squeeze %dma_wait3A_732 : memref<1x8x16xf32, #tpu.memory_space<hbm>> -> memref<8x16xf32, #tpu.memory_space<hbm>>
      tpu.wait_dma2 semaphore(%arg18 : memref<!tpu.dma_semaphore, #tpu.memory_space<semaphore_mem>>) src(%dma_wait3A_733 : memref<8x16xf32, #tpu.memory_space<hbm>>) dst(%dma_wait3A_729 : memref<8x16xf32, #tpu.memory_space<vmem>>)
      %dma_wait3A_734 = arith.constant 0 : i32
      %dma_wait3A_735 = arith.constant 1 : i32
      %dma_wait3A_736 = arith.constant 0 : i32
      %dma_wait3A_737 = arith.constant 0 : i32
      %dma_wait3A_738 = tpu.memref_slice %arg13[%rem3A_680, %dma_wait3A_735, %dma_wait3A_736, %dma_wait3A_737] : memref<2x16x8x16xf32, #tpu.memory_space<vmem>> -> memref<1x1x8x16xf32, #tpu.memory_space<vmem>>
      %dma_wait3A_739 = tpu.memref_squeeze %dma_wait3A_738 : memref<1x1x8x16xf32, #tpu.memory_space<vmem>> -> memref<8x16xf32, #tpu.memory_space<vmem>>
      %dma_wait3A_740 = arith.constant 0 : i32
      %dma_wait3A_741 = arith.constant 0 : i32
      %dma_wait3A_742 = tpu.memref_slice %arg5[%dma_wait3A_734, %dma_wait3A_740, %dma_wait3A_741] : memref<12500x8x16xf32, #tpu.memory_space<hbm>> -> memref<1x8x16xf32, #tpu.memory_space<hbm>>
      %dma_wait3A_743 = tpu.memref_squeeze %dma_wait3A_742 : memref<1x8x16xf32, #tpu.memory_space<hbm>> -> memref<8x16xf32, #tpu.memory_space<hbm>>
      %dma_wait3A_744 = arith.constant 0 : i32
      %dma_wait3A_745 = arith.constant 0 : i32
      %dma_wait3A_746 = tpu.memref_slice %arg13[%rem3A_680, %dma_wait3A_735, %dma_wait3A_744, %dma_wait3A_745] : memref<2x16x8x16xf32, #tpu.memory_space<vmem>> -> memref<1x1x8x16xf32, #tpu.memory_space<vmem>>
      %dma_wait3A_747 = tpu.memref_squeeze %dma_wait3A_746 : memref<1x1x8x16xf32, #tpu.memory_space<vmem>> -> memref<8x16xf32, #tpu.memory_space<vmem>>
      %dma_wait3A_748 = arith.constant 0 : i32
      %dma_wait3A_749 = arith.constant 0 : i32
      %dma_wait3A_750 = tpu.memref_slice %arg5[%dma_wait3A_734, %dma_wait3A_748, %dma_wait3A_749] : memref<12500x8x16xf32, #tpu.memory_space<hbm>> -> memref<1x8x16xf32, #tpu.memory_space<hbm>>
      %dma_wait3A_751 = tpu.memref_squeeze %dma_wait3A_750 : memref<1x8x16xf32, #tpu.memory_space<hbm>> -> memref<8x16xf32, #tpu.memory_space<hbm>>
      tpu.wait_dma2 semaphore(%arg18 : memref<!tpu.dma_semaphore, #tpu.memory_space<semaphore_mem>>) src(%dma_wait3A_751 : memref<8x16xf32, #tpu.memory_space<hbm>>) dst(%dma_wait3A_747 : memref<8x16xf32, #tpu.memory_space<vmem>>)
      %dma_wait3A_752 = arith.constant 0 : i32
      %dma_wait3A_753 = arith.constant 2 : i32
      %dma_wait3A_754 = arith.constant 0 : i32
      %dma_wait3A_755 = arith.constant 0 : i32
      %dma_wait3A_756 = tpu.memref_slice %arg12[%rem3A_680, %dma_wait3A_753, %dma_wait3A_754, %dma_wait3A_755] : memref<2x16x8x16xf32, #tpu.memory_space<vmem>> -> memref<1x1x8x16xf32, #tpu.memory_space<vmem>>
      %dma_wait3A_757 = tpu.memref_squeeze %dma_wait3A_756 : memref<1x1x8x16xf32, #tpu.memory_space<vmem>> -> memref<8x16xf32, #tpu.memory_space<vmem>>
      %dma_wait3A_758 = arith.constant 0 : i32
      %dma_wait3A_759 = arith.constant 0 : i32
      %dma_wait3A_760 = tpu.memref_slice %arg4[%dma_wait3A_752, %dma_wait3A_758, %dma_wait3A_759] : memref<125000x8x16xf32, #tpu.memory_space<hbm>> -> memref<1x8x16xf32, #tpu.memory_space<hbm>>
      %dma_wait3A_761 = tpu.memref_squeeze %dma_wait3A_760 : memref<1x8x16xf32, #tpu.memory_space<hbm>> -> memref<8x16xf32, #tpu.memory_space<hbm>>
      %dma_wait3A_762 = arith.constant 0 : i32
      %dma_wait3A_763 = arith.constant 0 : i32
      %dma_wait3A_764 = tpu.memref_slice %arg12[%rem3A_680, %dma_wait3A_753, %dma_wait3A_762, %dma_wait3A_763] : memref<2x16x8x16xf32, #tpu.memory_space<vmem>> -> memref<1x1x8x16xf32, #tpu.memory_space<vmem>>
      %dma_wait3A_765 = tpu.memref_squeeze %dma_wait3A_764 : memref<1x1x8x16xf32, #tpu.memory_space<vmem>> -> memref<8x16xf32, #tpu.memory_space<vmem>>
      %dma_wait3A_766 = arith.constant 0 : i32
      %dma_wait3A_767 = arith.constant 0 : i32
      %dma_wait3A_768 = tpu.memref_slice %arg4[%dma_wait3A_752, %dma_wait3A_766, %dma_wait3A_767] : memref<125000x8x16xf32, #tpu.memory_space<hbm>> -> memref<1x8x16xf32, #tpu.memory_space<hbm>>
      %dma_wait3A_769 = tpu.memref_squeeze %dma_wait3A_768 : memref<1x8x16xf32, #tpu.memory_space<hbm>> -> memref<8x16xf32, #tpu.memory_space<hbm>>
      tpu.wait_dma2 semaphore(%arg18 : memref<!tpu.dma_semaphore, #tpu.memory_space<semaphore_mem>>) src(%dma_wait3A_769 : memref<8x16xf32, #tpu.memory_space<hbm>>) dst(%dma_wait3A_765 : memref<8x16xf32, #tpu.memory_space<vmem>>)
      %dma_wait3A_770 = arith.constant 0 : i32
      %dma_wait3A_771 = arith.constant 2 : i32
      %dma_wait3A_772 = arith.constant 0 : i32
      %dma_wait3A_773 = arith.constant 0 : i32
      %dma_wait3A_774 = tpu.memref_slice %arg13[%rem3A_680, %dma_wait3A_771, %dma_wait3A_772, %dma_wait3A_773] : memref<2x16x8x16xf32, #tpu.memory_space<vmem>> -> memref<1x1x8x16xf32, #tpu.memory_space<vmem>>
      %dma_wait3A_775 = tpu.memref_squeeze %dma_wait3A_774 : memref<1x1x8x16xf32, #tpu.memory_space<vmem>> -> memref<8x16xf32, #tpu.memory_space<vmem>>
      %dma_wait3A_776 = arith.constant 0 : i32
      %dma_wait3A_777 = arith.constant 0 : i32
      %dma_wait3A_778 = tpu.memref_slice %arg5[%dma_wait3A_770, %dma_wait3A_776, %dma_wait3A_777] : memref<12500x8x16xf32, #tpu.memory_space<hbm>> -> memref<1x8x16xf32, #tpu.memory_space<hbm>>
      %dma_wait3A_779 = tpu.memref_squeeze %dma_wait3A_778 : memref<1x8x16xf32, #tpu.memory_space<hbm>> -> memref<8x16xf32, #tpu.memory_space<hbm>>
      %dma_wait3A_780 = arith.constant 0 : i32
      %dma_wait3A_781 = arith.constant 0 : i32
      %dma_wait3A_782 = tpu.memref_slice %arg13[%rem3A_680, %dma_wait3A_771, %dma_wait3A_780, %dma_wait3A_781] : memref<2x16x8x16xf32, #tpu.memory_space<vmem>> -> memref<1x1x8x16xf32, #tpu.memory_space<vmem>>
      %dma_wait3A_783 = tpu.memref_squeeze %dma_wait3A_782 : memref<1x1x8x16xf32, #tpu.memory_space<vmem>> -> memref<8x16xf32, #tpu.memory_space<vmem>>
      %dma_wait3A_784 = arith.constant 0 : i32
      %dma_wait3A_785 = arith.constant 0 : i32
      %dma_wait3A_786 = tpu.memref_slice %arg5[%dma_wait3A_770, %dma_wait3A_784, %dma_wait3A_785] : memref<12500x8x16xf32, #tpu.memory_space<hbm>> -> memref<1x8x16xf32, #tpu.memory_space<hbm>>
      %dma_wait3A_787 = tpu.memref_squeeze %dma_wait3A_786 : memref<1x8x16xf32, #tpu.memory_space<hbm>> -> memref<8x16xf32, #tpu.memory_space<hbm>>
      tpu.wait_dma2 semaphore(%arg18 : memref<!tpu.dma_semaphore, #tpu.memory_space<semaphore_mem>>) src(%dma_wait3A_787 : memref<8x16xf32, #tpu.memory_space<hbm>>) dst(%dma_wait3A_783 : memref<8x16xf32, #tpu.memory_space<vmem>>)
      %dma_wait3A_788 = arith.constant 0 : i32
      %dma_wait3A_789 = arith.constant 3 : i32
      %dma_wait3A_790 = arith.constant 0 : i32
      %dma_wait3A_791 = arith.constant 0 : i32
      %dma_wait3A_792 = tpu.memref_slice %arg12[%rem3A_680, %dma_wait3A_789, %dma_wait3A_790, %dma_wait3A_791] : memref<2x16x8x16xf32, #tpu.memory_space<vmem>> -> memref<1x1x8x16xf32, #tpu.memory_space<vmem>>
      %dma_wait3A_793 = tpu.memref_squeeze %dma_wait3A_792 : memref<1x1x8x16xf32, #tpu.memory_space<vmem>> -> memref<8x16xf32, #tpu.memory_space<vmem>>
      %dma_wait3A_794 = arith.constant 0 : i32
      %dma_wait3A_795 = arith.constant 0 : i32
      %dma_wait3A_796 = tpu.memref_slice %arg4[%dma_wait3A_788, %dma_wait3A_794, %dma_wait3A_795] : memref<125000x8x16xf32, #tpu.memory_space<hbm>> -> memref<1x8x16xf32, #tpu.memory_space<hbm>>
      %dma_wait3A_797 = tpu.memref_squeeze %dma_wait3A_796 : memref<1x8x16xf32, #tpu.memory_space<hbm>> -> memref<8x16xf32, #tpu.memory_space<hbm>>
      %dma_wait3A_798 = arith.constant 0 : i32
      %dma_wait3A_799 = arith.constant 0 : i32
      %dma_wait3A_800 = tpu.memref_slice %arg12[%rem3A_680, %dma_wait3A_789, %dma_wait3A_798, %dma_wait3A_799] : memref<2x16x8x16xf32, #tpu.memory_space<vmem>> -> memref<1x1x8x16xf32, #tpu.memory_space<vmem>>
      %dma_wait3A_801 = tpu.memref_squeeze %dma_wait3A_800 : memref<1x1x8x16xf32, #tpu.memory_space<vmem>> -> memref<8x16xf32, #tpu.memory_space<vmem>>
      %dma_wait3A_802 = arith.constant 0 : i32
      %dma_wait3A_803 = arith.constant 0 : i32
      %dma_wait3A_804 = tpu.memref_slice %arg4[%dma_wait3A_788, %dma_wait3A_802, %dma_wait3A_803] : memref<125000x8x16xf32, #tpu.memory_space<hbm>> -> memref<1x8x16xf32, #tpu.memory_space<hbm>>
      %dma_wait3A_805 = tpu.memref_squeeze %dma_wait3A_804 : memref<1x8x16xf32, #tpu.memory_space<hbm>> -> memref<8x16xf32, #tpu.memory_space<hbm>>
      tpu.wait_dma2 semaphore(%arg18 : memref<!tpu.dma_semaphore, #tpu.memory_space<semaphore_mem>>) src(%dma_wait3A_805 : memref<8x16xf32, #tpu.memory_space<hbm>>) dst(%dma_wait3A_801 : memref<8x16xf32, #tpu.memory_space<vmem>>)
      %dma_wait3A_806 = arith.constant 0 : i32
      %dma_wait3A_807 = arith.constant 3 : i32
      %dma_wait3A_808 = arith.constant 0 : i32
      %dma_wait3A_809 = arith.constant 0 : i32
      %dma_wait3A_810 = tpu.memref_slice %arg13[%rem3A_680, %dma_wait3A_807, %dma_wait3A_808, %dma_wait3A_809] : memref<2x16x8x16xf32, #tpu.memory_space<vmem>> -> memref<1x1x8x16xf32, #tpu.memory_space<vmem>>
      %dma_wait3A_811 = tpu.memref_squeeze %dma_wait3A_810 : memref<1x1x8x16xf32, #tpu.memory_space<vmem>> -> memref<8x16xf32, #tpu.memory_space<vmem>>
      %dma_wait3A_812 = arith.constant 0 : i32
      %dma_wait3A_813 = arith.constant 0 : i32
      %dma_wait3A_814 = tpu.memref_slice %arg5[%dma_wait3A_806, %dma_wait3A_812, %dma_wait3A_813] : memref<12500x8x16xf32, #tpu.memory_space<hbm>> -> memref<1x8x16xf32, #tpu.memory_space<hbm>>
      %dma_wait3A_815 = tpu.memref_squeeze %dma_wait3A_814 : memref<1x8x16xf32, #tpu.memory_space<hbm>> -> memref<8x16xf32, #tpu.memory_space<hbm>>
      %dma_wait3A_816 = arith.constant 0 : i32
      %dma_wait3A_817 = arith.constant 0 : i32
      %dma_wait3A_818 = tpu.memref_slice %arg13[%rem3A_680, %dma_wait3A_807, %dma_wait3A_816, %dma_wait3A_817] : memref<2x16x8x16xf32, #tpu.memory_space<vmem>> -> memref<1x1x8x16xf32, #tpu.memory_space<vmem>>
      %dma_wait3A_819 = tpu.memref_squeeze %dma_wait3A_818 : memref<1x1x8x16xf32, #tpu.memory_space<vmem>> -> memref<8x16xf32, #tpu.memory_space<vmem>>
      %dma_wait3A_820 = arith.constant 0 : i32
      %dma_wait3A_821 = arith.constant 0 : i32
      %dma_wait3A_822 = tpu.memref_slice %arg5[%dma_wait3A_806, %dma_wait3A_820, %dma_wait3A_821] : memref<12500x8x16xf32, #tpu.memory_space<hbm>> -> memref<1x8x16xf32, #tpu.memory_space<hbm>>
      %dma_wait3A_823 = tpu.memref_squeeze %dma_wait3A_822 : memref<1x8x16xf32, #tpu.memory_space<hbm>> -> memref<8x16xf32, #tpu.memory_space<hbm>>
      tpu.wait_dma2 semaphore(%arg18 : memref<!tpu.dma_semaphore, #tpu.memory_space<semaphore_mem>>) src(%dma_wait3A_823 : memref<8x16xf32, #tpu.memory_space<hbm>>) dst(%dma_wait3A_819 : memref<8x16xf32, #tpu.memory_space<vmem>>)
      %dma_wait3A_824 = arith.constant 0 : i32
      %dma_wait3A_825 = arith.constant 4 : i32
      %dma_wait3A_826 = arith.constant 0 : i32
      %dma_wait3A_827 = arith.constant 0 : i32
      %dma_wait3A_828 = tpu.memref_slice %arg12[%rem3A_680, %dma_wait3A_825, %dma_wait3A_826, %dma_wait3A_827] : memref<2x16x8x16xf32, #tpu.memory_space<vmem>> -> memref<1x1x8x16xf32, #tpu.memory_space<vmem>>
      %dma_wait3A_829 = tpu.memref_squeeze %dma_wait3A_828 : memref<1x1x8x16xf32, #tpu.memory_space<vmem>> -> memref<8x16xf32, #tpu.memory_space<vmem>>
      %dma_wait3A_830 = arith.constant 0 : i32
      %dma_wait3A_831 = arith.constant 0 : i32
      %dma_wait3A_832 = tpu.memref_slice %arg4[%dma_wait3A_824, %dma_wait3A_830, %dma_wait3A_831] : memref<125000x8x16xf32, #tpu.memory_space<hbm>> -> memref<1x8x16xf32, #tpu.memory_space<hbm>>
      %dma_wait3A_833 = tpu.memref_squeeze %dma_wait3A_832 : memref<1x8x16xf32, #tpu.memory_space<hbm>> -> memref<8x16xf32, #tpu.memory_space<hbm>>
      %dma_wait3A_834 = arith.constant 0 : i32
      %dma_wait3A_835 = arith.constant 0 : i32
      %dma_wait3A_836 = tpu.memref_slice %arg12[%rem3A_680, %dma_wait3A_825, %dma_wait3A_834, %dma_wait3A_835] : memref<2x16x8x16xf32, #tpu.memory_space<vmem>> -> memref<1x1x8x16xf32, #tpu.memory_space<vmem>>
      %dma_wait3A_837 = tpu.memref_squeeze %dma_wait3A_836 : memref<1x1x8x16xf32, #tpu.memory_space<vmem>> -> memref<8x16xf32, #tpu.memory_space<vmem>>
      %dma_wait3A_838 = arith.constant 0 : i32
      %dma_wait3A_839 = arith.constant 0 : i32
      %dma_wait3A_840 = tpu.memref_slice %arg4[%dma_wait3A_824, %dma_wait3A_838, %dma_wait3A_839] : memref<125000x8x16xf32, #tpu.memory_space<hbm>> -> memref<1x8x16xf32, #tpu.memory_space<hbm>>
      %dma_wait3A_841 = tpu.memref_squeeze %dma_wait3A_840 : memref<1x8x16xf32, #tpu.memory_space<hbm>> -> memref<8x16xf32, #tpu.memory_space<hbm>>
      tpu.wait_dma2 semaphore(%arg18 : memref<!tpu.dma_semaphore, #tpu.memory_space<semaphore_mem>>) src(%dma_wait3A_841 : memref<8x16xf32, #tpu.memory_space<hbm>>) dst(%dma_wait3A_837 : memref<8x16xf32, #tpu.memory_space<vmem>>)
      %dma_wait3A_842 = arith.constant 0 : i32
      %dma_wait3A_843 = arith.constant 4 : i32
      %dma_wait3A_844 = arith.constant 0 : i32
      %dma_wait3A_845 = arith.constant 0 : i32
      %dma_wait3A_846 = tpu.memref_slice %arg13[%rem3A_680, %dma_wait3A_843, %dma_wait3A_844, %dma_wait3A_845] : memref<2x16x8x16xf32, #tpu.memory_space<vmem>> -> memref<1x1x8x16xf32, #tpu.memory_space<vmem>>
      %dma_wait3A_847 = tpu.memref_squeeze %dma_wait3A_846 : memref<1x1x8x16xf32, #tpu.memory_space<vmem>> -> memref<8x16xf32, #tpu.memory_space<vmem>>
      %dma_wait3A_848 = arith.constant 0 : i32
      %dma_wait3A_849 = arith.constant 0 : i32
      %dma_wait3A_850 = tpu.memref_slice %arg5[%dma_wait3A_842, %dma_wait3A_848, %dma_wait3A_849] : memref<12500x8x16xf32, #tpu.memory_space<hbm>> -> memref<1x8x16xf32, #tpu.memory_space<hbm>>
      %dma_wait3A_851 = tpu.memref_squeeze %dma_wait3A_850 : memref<1x8x16xf32, #tpu.memory_space<hbm>> -> memref<8x16xf32, #tpu.memory_space<hbm>>
      %dma_wait3A_852 = arith.constant 0 : i32
      %dma_wait3A_853 = arith.constant 0 : i32
      %dma_wait3A_854 = tpu.memref_slice %arg13[%rem3A_680, %dma_wait3A_843, %dma_wait3A_852, %dma_wait3A_853] : memref<2x16x8x16xf32, #tpu.memory_space<vmem>> -> memref<1x1x8x16xf32, #tpu.memory_space<vmem>>
      %dma_wait3A_855 = tpu.memref_squeeze %dma_wait3A_854 : memref<1x1x8x16xf32, #tpu.memory_space<vmem>> -> memref<8x16xf32, #tpu.memory_space<vmem>>
      %dma_wait3A_856 = arith.constant 0 : i32
      %dma_wait3A_857 = arith.constant 0 : i32
      %dma_wait3A_858 = tpu.memref_slice %arg5[%dma_wait3A_842, %dma_wait3A_856, %dma_wait3A_857] : memref<12500x8x16xf32, #tpu.memory_space<hbm>> -> memref<1x8x16xf32, #tpu.memory_space<hbm>>
      %dma_wait3A_859 = tpu.memref_squeeze %dma_wait3A_858 : memref<1x8x16xf32, #tpu.memory_space<hbm>> -> memref<8x16xf32, #tpu.memory_space<hbm>>
      tpu.wait_dma2 semaphore(%arg18 : memref<!tpu.dma_semaphore, #tpu.memory_space<semaphore_mem>>) src(%dma_wait3A_859 : memref<8x16xf32, #tpu.memory_space<hbm>>) dst(%dma_wait3A_855 : memref<8x16xf32, #tpu.memory_space<vmem>>)
      %dma_wait3A_860 = arith.constant 0 : i32
      %dma_wait3A_861 = arith.constant 5 : i32
      %dma_wait3A_862 = arith.constant 0 : i32
      %dma_wait3A_863 = arith.constant 0 : i32
      %dma_wait3A_864 = tpu.memref_slice %arg12[%rem3A_680, %dma_wait3A_861, %dma_wait3A_862, %dma_wait3A_863] : memref<2x16x8x16xf32, #tpu.memory_space<vmem>> -> memref<1x1x8x16xf32, #tpu.memory_space<vmem>>
      %dma_wait3A_865 = tpu.memref_squeeze %dma_wait3A_864 : memref<1x1x8x16xf32, #tpu.memory_space<vmem>> -> memref<8x16xf32, #tpu.memory_space<vmem>>
      %dma_wait3A_866 = arith.constant 0 : i32
      %dma_wait3A_867 = arith.constant 0 : i32
      %dma_wait3A_868 = tpu.memref_slice %arg4[%dma_wait3A_860, %dma_wait3A_866, %dma_wait3A_867] : memref<125000x8x16xf32, #tpu.memory_space<hbm>> -> memref<1x8x16xf32, #tpu.memory_space<hbm>>
      %dma_wait3A_869 = tpu.memref_squeeze %dma_wait3A_868 : memref<1x8x16xf32, #tpu.memory_space<hbm>> -> memref<8x16xf32, #tpu.memory_space<hbm>>
      %dma_wait3A_870 = arith.constant 0 : i32
      %dma_wait3A_871 = arith.constant 0 : i32
      %dma_wait3A_872 = tpu.memref_slice %arg12[%rem3A_680, %dma_wait3A_861, %dma_wait3A_870, %dma_wait3A_871] : memref<2x16x8x16xf32, #tpu.memory_space<vmem>> -> memref<1x1x8x16xf32, #tpu.memory_space<vmem>>
      %dma_wait3A_873 = tpu.memref_squeeze %dma_wait3A_872 : memref<1x1x8x16xf32, #tpu.memory_space<vmem>> -> memref<8x16xf32, #tpu.memory_space<vmem>>
      %dma_wait3A_874 = arith.constant 0 : i32
      %dma_wait3A_875 = arith.constant 0 : i32
      %dma_wait3A_876 = tpu.memref_slice %arg4[%dma_wait3A_860, %dma_wait3A_874, %dma_wait3A_875] : memref<125000x8x16xf32, #tpu.memory_space<hbm>> -> memref<1x8x16xf32, #tpu.memory_space<hbm>>
      %dma_wait3A_877 = tpu.memref_squeeze %dma_wait3A_876 : memref<1x8x16xf32, #tpu.memory_space<hbm>> -> memref<8x16xf32, #tpu.memory_space<hbm>>
      tpu.wait_dma2 semaphore(%arg18 : memref<!tpu.dma_semaphore, #tpu.memory_space<semaphore_mem>>) src(%dma_wait3A_877 : memref<8x16xf32, #tpu.memory_space<hbm>>) dst(%dma_wait3A_873 : memref<8x16xf32, #tpu.memory_space<vmem>>)
      %dma_wait3A_878 = arith.constant 0 : i32
      %dma_wait3A_879 = arith.constant 5 : i32
      %dma_wait3A_880 = arith.constant 0 : i32
      %dma_wait3A_881 = arith.constant 0 : i32
      %dma_wait3A_882 = tpu.memref_slice %arg13[%rem3A_680, %dma_wait3A_879, %dma_wait3A_880, %dma_wait3A_881] : memref<2x16x8x16xf32, #tpu.memory_space<vmem>> -> memref<1x1x8x16xf32, #tpu.memory_space<vmem>>
      %dma_wait3A_883 = tpu.memref_squeeze %dma_wait3A_882 : memref<1x1x8x16xf32, #tpu.memory_space<vmem>> -> memref<8x16xf32, #tpu.memory_space<vmem>>
      %dma_wait3A_884 = arith.constant 0 : i32
      %dma_wait3A_885 = arith.constant 0 : i32
      %dma_wait3A_886 = tpu.memref_slice %arg5[%dma_wait3A_878, %dma_wait3A_884, %dma_wait3A_885] : memref<12500x8x16xf32, #tpu.memory_space<hbm>> -> memref<1x8x16xf32, #tpu.memory_space<hbm>>
      %dma_wait3A_887 = tpu.memref_squeeze %dma_wait3A_886 : memref<1x8x16xf32, #tpu.memory_space<hbm>> -> memref<8x16xf32, #tpu.memory_space<hbm>>
      %dma_wait3A_888 = arith.constant 0 : i32
      %dma_wait3A_889 = arith.constant 0 : i32
      %dma_wait3A_890 = tpu.memref_slice %arg13[%rem3A_680, %dma_wait3A_879, %dma_wait3A_888, %dma_wait3A_889] : memref<2x16x8x16xf32, #tpu.memory_space<vmem>> -> memref<1x1x8x16xf32, #tpu.memory_space<vmem>>
      %dma_wait3A_891 = tpu.memref_squeeze %dma_wait3A_890 : memref<1x1x8x16xf32, #tpu.memory_space<vmem>> -> memref<8x16xf32, #tpu.memory_space<vmem>>
      %dma_wait3A_892 = arith.constant 0 : i32
      %dma_wait3A_893 = arith.constant 0 : i32
      %dma_wait3A_894 = tpu.memref_slice %arg5[%dma_wait3A_878, %dma_wait3A_892, %dma_wait3A_893] : memref<12500x8x16xf32, #tpu.memory_space<hbm>> -> memref<1x8x16xf32, #tpu.memory_space<hbm>>
      %dma_wait3A_895 = tpu.memref_squeeze %dma_wait3A_894 : memref<1x8x16xf32, #tpu.memory_space<hbm>> -> memref<8x16xf32, #tpu.memory_space<hbm>>
      tpu.wait_dma2 semaphore(%arg18 : memref<!tpu.dma_semaphore, #tpu.memory_space<semaphore_mem>>) src(%dma_wait3A_895 : memref<8x16xf32, #tpu.memory_space<hbm>>) dst(%dma_wait3A_891 : memref<8x16xf32, #tpu.memory_space<vmem>>)
      %dma_wait3A_896 = arith.constant 0 : i32
      %dma_wait3A_897 = arith.constant 6 : i32
      %dma_wait3A_898 = arith.constant 0 : i32
      %dma_wait3A_899 = arith.constant 0 : i32
      %dma_wait3A_900 = tpu.memref_slice %arg12[%rem3A_680, %dma_wait3A_897, %dma_wait3A_898, %dma_wait3A_899] : memref<2x16x8x16xf32, #tpu.memory_space<vmem>> -> memref<1x1x8x16xf32, #tpu.memory_space<vmem>>
      %dma_wait3A_901 = tpu.memref_squeeze %dma_wait3A_900 : memref<1x1x8x16xf32, #tpu.memory_space<vmem>> -> memref<8x16xf32, #tpu.memory_space<vmem>>
      %dma_wait3A_902 = arith.constant 0 : i32
      %dma_wait3A_903 = arith.constant 0 : i32
      %dma_wait3A_904 = tpu.memref_slice %arg4[%dma_wait3A_896, %dma_wait3A_902, %dma_wait3A_903] : memref<125000x8x16xf32, #tpu.memory_space<hbm>> -> memref<1x8x16xf32, #tpu.memory_space<hbm>>
      %dma_wait3A_905 = tpu.memref_squeeze %dma_wait3A_904 : memref<1x8x16xf32, #tpu.memory_space<hbm>> -> memref<8x16xf32, #tpu.memory_space<hbm>>
      %dma_wait3A_906 = arith.constant 0 : i32
      %dma_wait3A_907 = arith.constant 0 : i32
      %dma_wait3A_908 = tpu.memref_slice %arg12[%rem3A_680, %dma_wait3A_897, %dma_wait3A_906, %dma_wait3A_907] : memref<2x16x8x16xf32, #tpu.memory_space<vmem>> -> memref<1x1x8x16xf32, #tpu.memory_space<vmem>>
      %dma_wait3A_909 = tpu.memref_squeeze %dma_wait3A_908 : memref<1x1x8x16xf32, #tpu.memory_space<vmem>> -> memref<8x16xf32, #tpu.memory_space<vmem>>
      %dma_wait3A_910 = arith.constant 0 : i32
      %dma_wait3A_911 = arith.constant 0 : i32
      %dma_wait3A_912 = tpu.memref_slice %arg4[%dma_wait3A_896, %dma_wait3A_910, %dma_wait3A_911] : memref<125000x8x16xf32, #tpu.memory_space<hbm>> -> memref<1x8x16xf32, #tpu.memory_space<hbm>>
      %dma_wait3A_913 = tpu.memref_squeeze %dma_wait3A_912 : memref<1x8x16xf32, #tpu.memory_space<hbm>> -> memref<8x16xf32, #tpu.memory_space<hbm>>
      tpu.wait_dma2 semaphore(%arg18 : memref<!tpu.dma_semaphore, #tpu.memory_space<semaphore_mem>>) src(%dma_wait3A_913 : memref<8x16xf32, #tpu.memory_space<hbm>>) dst(%dma_wait3A_909 : memref<8x16xf32, #tpu.memory_space<vmem>>)
      %dma_wait3A_914 = arith.constant 0 : i32
      %dma_wait3A_915 = arith.constant 6 : i32
      %dma_wait3A_916 = arith.constant 0 : i32
      %dma_wait3A_917 = arith.constant 0 : i32
      %dma_wait3A_918 = tpu.memref_slice %arg13[%rem3A_680, %dma_wait3A_915, %dma_wait3A_916, %dma_wait3A_917] : memref<2x16x8x16xf32, #tpu.memory_space<vmem>> -> memref<1x1x8x16xf32, #tpu.memory_space<vmem>>
      %dma_wait3A_919 = tpu.memref_squeeze %dma_wait3A_918 : memref<1x1x8x16xf32, #tpu.memory_space<vmem>> -> memref<8x16xf32, #tpu.memory_space<vmem>>
      %dma_wait3A_920 = arith.constant 0 : i32
      %dma_wait3A_921 = arith.constant 0 : i32
      %dma_wait3A_922 = tpu.memref_slice %arg5[%dma_wait3A_914, %dma_wait3A_920, %dma_wait3A_921] : memref<12500x8x16xf32, #tpu.memory_space<hbm>> -> memref<1x8x16xf32, #tpu.memory_space<hbm>>
      %dma_wait3A_923 = tpu.memref_squeeze %dma_wait3A_922 : memref<1x8x16xf32, #tpu.memory_space<hbm>> -> memref<8x16xf32, #tpu.memory_space<hbm>>
      %dma_wait3A_924 = arith.constant 0 : i32
      %dma_wait3A_925 = arith.constant 0 : i32
      %dma_wait3A_926 = tpu.memref_slice %arg13[%rem3A_680, %dma_wait3A_915, %dma_wait3A_924, %dma_wait3A_925] : memref<2x16x8x16xf32, #tpu.memory_space<vmem>> -> memref<1x1x8x16xf32, #tpu.memory_space<vmem>>
      %dma_wait3A_927 = tpu.memref_squeeze %dma_wait3A_926 : memref<1x1x8x16xf32, #tpu.memory_space<vmem>> -> memref<8x16xf32, #tpu.memory_space<vmem>>
      %dma_wait3A_928 = arith.constant 0 : i32
      %dma_wait3A_929 = arith.constant 0 : i32
      %dma_wait3A_930 = tpu.memref_slice %arg5[%dma_wait3A_914, %dma_wait3A_928, %dma_wait3A_929] : memref<12500x8x16xf32, #tpu.memory_space<hbm>> -> memref<1x8x16xf32, #tpu.memory_space<hbm>>
      %dma_wait3A_931 = tpu.memref_squeeze %dma_wait3A_930 : memref<1x8x16xf32, #tpu.memory_space<hbm>> -> memref<8x16xf32, #tpu.memory_space<hbm>>
      tpu.wait_dma2 semaphore(%arg18 : memref<!tpu.dma_semaphore, #tpu.memory_space<semaphore_mem>>) src(%dma_wait3A_931 : memref<8x16xf32, #tpu.memory_space<hbm>>) dst(%dma_wait3A_927 : memref<8x16xf32, #tpu.memory_space<vmem>>)
      %dma_wait3A_932 = arith.constant 0 : i32
      %dma_wait3A_933 = arith.constant 7 : i32
      %dma_wait3A_934 = arith.constant 0 : i32
      %dma_wait3A_935 = arith.constant 0 : i32
      %dma_wait3A_936 = tpu.memref_slice %arg12[%rem3A_680, %dma_wait3A_933, %dma_wait3A_934, %dma_wait3A_935] : memref<2x16x8x16xf32, #tpu.memory_space<vmem>> -> memref<1x1x8x16xf32, #tpu.memory_space<vmem>>
      %dma_wait3A_937 = tpu.memref_squeeze %dma_wait3A_936 : memref<1x1x8x16xf32, #tpu.memory_space<vmem>> -> memref<8x16xf32, #tpu.memory_space<vmem>>
      %dma_wait3A_938 = arith.constant 0 : i32
      %dma_wait3A_939 = arith.constant 0 : i32
      %dma_wait3A_940 = tpu.memref_slice %arg4[%dma_wait3A_932, %dma_wait3A_938, %dma_wait3A_939] : memref<125000x8x16xf32, #tpu.memory_space<hbm>> -> memref<1x8x16xf32, #tpu.memory_space<hbm>>
      %dma_wait3A_941 = tpu.memref_squeeze %dma_wait3A_940 : memref<1x8x16xf32, #tpu.memory_space<hbm>> -> memref<8x16xf32, #tpu.memory_space<hbm>>
      %dma_wait3A_942 = arith.constant 0 : i32
      %dma_wait3A_943 = arith.constant 0 : i32
      %dma_wait3A_944 = tpu.memref_slice %arg12[%rem3A_680, %dma_wait3A_933, %dma_wait3A_942, %dma_wait3A_943] : memref<2x16x8x16xf32, #tpu.memory_space<vmem>> -> memref<1x1x8x16xf32, #tpu.memory_space<vmem>>
      %dma_wait3A_945 = tpu.memref_squeeze %dma_wait3A_944 : memref<1x1x8x16xf32, #tpu.memory_space<vmem>> -> memref<8x16xf32, #tpu.memory_space<vmem>>
      %dma_wait3A_946 = arith.constant 0 : i32
      %dma_wait3A_947 = arith.constant 0 : i32
      %dma_wait3A_948 = tpu.memref_slice %arg4[%dma_wait3A_932, %dma_wait3A_946, %dma_wait3A_947] : memref<125000x8x16xf32, #tpu.memory_space<hbm>> -> memref<1x8x16xf32, #tpu.memory_space<hbm>>
      %dma_wait3A_949 = tpu.memref_squeeze %dma_wait3A_948 : memref<1x8x16xf32, #tpu.memory_space<hbm>> -> memref<8x16xf32, #tpu.memory_space<hbm>>
      tpu.wait_dma2 semaphore(%arg18 : memref<!tpu.dma_semaphore, #tpu.memory_space<semaphore_mem>>) src(%dma_wait3A_949 : memref<8x16xf32, #tpu.memory_space<hbm>>) dst(%dma_wait3A_945 : memref<8x16xf32, #tpu.memory_space<vmem>>)
      %dma_wait3A_950 = arith.constant 0 : i32
      %dma_wait3A_951 = arith.constant 7 : i32
      %dma_wait3A_952 = arith.constant 0 : i32
      %dma_wait3A_953 = arith.constant 0 : i32
      %dma_wait3A_954 = tpu.memref_slice %arg13[%rem3A_680, %dma_wait3A_951, %dma_wait3A_952, %dma_wait3A_953] : memref<2x16x8x16xf32, #tpu.memory_space<vmem>> -> memref<1x1x8x16xf32, #tpu.memory_space<vmem>>
      %dma_wait3A_955 = tpu.memref_squeeze %dma_wait3A_954 : memref<1x1x8x16xf32, #tpu.memory_space<vmem>> -> memref<8x16xf32, #tpu.memory_space<vmem>>
      %dma_wait3A_956 = arith.constant 0 : i32
      %dma_wait3A_957 = arith.constant 0 : i32
      %dma_wait3A_958 = tpu.memref_slice %arg5[%dma_wait3A_950, %dma_wait3A_956, %dma_wait3A_957] : memref<12500x8x16xf32, #tpu.memory_space<hbm>> -> memref<1x8x16xf32, #tpu.memory_space<hbm>>
      %dma_wait3A_959 = tpu.memref_squeeze %dma_wait3A_958 : memref<1x8x16xf32, #tpu.memory_space<hbm>> -> memref<8x16xf32, #tpu.memory_space<hbm>>
      %dma_wait3A_960 = arith.constant 0 : i32
      %dma_wait3A_961 = arith.constant 0 : i32
      %dma_wait3A_962 = tpu.memref_slice %arg13[%rem3A_680, %dma_wait3A_951, %dma_wait3A_960, %dma_wait3A_961] : memref<2x16x8x16xf32, #tpu.memory_space<vmem>> -> memref<1x1x8x16xf32, #tpu.memory_space<vmem>>
      %dma_wait3A_963 = tpu.memref_squeeze %dma_wait3A_962 : memref<1x1x8x16xf32, #tpu.memory_space<vmem>> -> memref<8x16xf32, #tpu.memory_space<vmem>>
      %dma_wait3A_964 = arith.constant 0 : i32
      %dma_wait3A_965 = arith.constant 0 : i32
      %dma_wait3A_966 = tpu.memref_slice %arg5[%dma_wait3A_950, %dma_wait3A_964, %dma_wait3A_965] : memref<12500x8x16xf32, #tpu.memory_space<hbm>> -> memref<1x8x16xf32, #tpu.memory_space<hbm>>
      %dma_wait3A_967 = tpu.memref_squeeze %dma_wait3A_966 : memref<1x8x16xf32, #tpu.memory_space<hbm>> -> memref<8x16xf32, #tpu.memory_space<hbm>>
      tpu.wait_dma2 semaphore(%arg18 : memref<!tpu.dma_semaphore, #tpu.memory_space<semaphore_mem>>) src(%dma_wait3A_967 : memref<8x16xf32, #tpu.memory_space<hbm>>) dst(%dma_wait3A_963 : memref<8x16xf32, #tpu.memory_space<vmem>>)
      %dma_wait3A_968 = arith.constant 0 : i32
      %dma_wait3A_969 = arith.constant 8 : i32
      %dma_wait3A_970 = arith.constant 0 : i32
      %dma_wait3A_971 = arith.constant 0 : i32
      %dma_wait3A_972 = tpu.memref_slice %arg12[%rem3A_680, %dma_wait3A_969, %dma_wait3A_970, %dma_wait3A_971] : memref<2x16x8x16xf32, #tpu.memory_space<vmem>> -> memref<1x1x8x16xf32, #tpu.memory_space<vmem>>
      %dma_wait3A_973 = tpu.memref_squeeze %dma_wait3A_972 : memref<1x1x8x16xf32, #tpu.memory_space<vmem>> -> memref<8x16xf32, #tpu.memory_space<vmem>>
      %dma_wait3A_974 = arith.constant 0 : i32
      %dma_wait3A_975 = arith.constant 0 : i32
      %dma_wait3A_976 = tpu.memref_slice %arg4[%dma_wait3A_968, %dma_wait3A_974, %dma_wait3A_975] : memref<125000x8x16xf32, #tpu.memory_space<hbm>> -> memref<1x8x16xf32, #tpu.memory_space<hbm>>
      %dma_wait3A_977 = tpu.memref_squeeze %dma_wait3A_976 : memref<1x8x16xf32, #tpu.memory_space<hbm>> -> memref<8x16xf32, #tpu.memory_space<hbm>>
      %dma_wait3A_978 = arith.constant 0 : i32
      %dma_wait3A_979 = arith.constant 0 : i32
      %dma_wait3A_980 = tpu.memref_slice %arg12[%rem3A_680, %dma_wait3A_969, %dma_wait3A_978, %dma_wait3A_979] : memref<2x16x8x16xf32, #tpu.memory_space<vmem>> -> memref<1x1x8x16xf32, #tpu.memory_space<vmem>>
      %dma_wait3A_981 = tpu.memref_squeeze %dma_wait3A_980 : memref<1x1x8x16xf32, #tpu.memory_space<vmem>> -> memref<8x16xf32, #tpu.memory_space<vmem>>
      %dma_wait3A_982 = arith.constant 0 : i32
      %dma_wait3A_983 = arith.constant 0 : i32
      %dma_wait3A_984 = tpu.memref_slice %arg4[%dma_wait3A_968, %dma_wait3A_982, %dma_wait3A_983] : memref<125000x8x16xf32, #tpu.memory_space<hbm>> -> memref<1x8x16xf32, #tpu.memory_space<hbm>>
      %dma_wait3A_985 = tpu.memref_squeeze %dma_wait3A_984 : memref<1x8x16xf32, #tpu.memory_space<hbm>> -> memref<8x16xf32, #tpu.memory_space<hbm>>
      tpu.wait_dma2 semaphore(%arg18 : memref<!tpu.dma_semaphore, #tpu.memory_space<semaphore_mem>>) src(%dma_wait3A_985 : memref<8x16xf32, #tpu.memory_space<hbm>>) dst(%dma_wait3A_981 : memref<8x16xf32, #tpu.memory_space<vmem>>)
      %dma_wait3A_986 = arith.constant 0 : i32
      %dma_wait3A_987 = arith.constant 8 : i32
      %dma_wait3A_988 = arith.constant 0 : i32
      %dma_wait3A_989 = arith.constant 0 : i32
      %dma_wait3A_990 = tpu.memref_slice %arg13[%rem3A_680, %dma_wait3A_987, %dma_wait3A_988, %dma_wait3A_989] : memref<2x16x8x16xf32, #tpu.memory_space<vmem>> -> memref<1x1x8x16xf32, #tpu.memory_space<vmem>>
      %dma_wait3A_991 = tpu.memref_squeeze %dma_wait3A_990 : memref<1x1x8x16xf32, #tpu.memory_space<vmem>> -> memref<8x16xf32, #tpu.memory_space<vmem>>
      %dma_wait3A_992 = arith.constant 0 : i32
      %dma_wait3A_993 = arith.constant 0 : i32
      %dma_wait3A_994 = tpu.memref_slice %arg5[%dma_wait3A_986, %dma_wait3A_992, %dma_wait3A_993] : memref<12500x8x16xf32, #tpu.memory_space<hbm>> -> memref<1x8x16xf32, #tpu.memory_space<hbm>>
      %dma_wait3A_995 = tpu.memref_squeeze %dma_wait3A_994 : memref<1x8x16xf32, #tpu.memory_space<hbm>> -> memref<8x16xf32, #tpu.memory_space<hbm>>
      %dma_wait3A_996 = arith.constant 0 : i32
      %dma_wait3A_997 = arith.constant 0 : i32
      %dma_wait3A_998 = tpu.memref_slice %arg13[%rem3A_680, %dma_wait3A_987, %dma_wait3A_996, %dma_wait3A_997] : memref<2x16x8x16xf32, #tpu.memory_space<vmem>> -> memref<1x1x8x16xf32, #tpu.memory_space<vmem>>
      %dma_wait3A_999 = tpu.memref_squeeze %dma_wait3A_998 : memref<1x1x8x16xf32, #tpu.memory_space<vmem>> -> memref<8x16xf32, #tpu.memory_space<vmem>>
      %dma_wait3A_1000 = arith.constant 0 : i32
      %dma_wait3A_1001 = arith.constant 0 : i32
      %dma_wait3A_1002 = tpu.memref_slice %arg5[%dma_wait3A_986, %dma_wait3A_1000, %dma_wait3A_1001] : memref<12500x8x16xf32, #tpu.memory_space<hbm>> -> memref<1x8x16xf32, #tpu.memory_space<hbm>>
      %dma_wait3A_1003 = tpu.memref_squeeze %dma_wait3A_1002 : memref<1x8x16xf32, #tpu.memory_space<hbm>> -> memref<8x16xf32, #tpu.memory_space<hbm>>
      tpu.wait_dma2 semaphore(%arg18 : memref<!tpu.dma_semaphore, #tpu.memory_space<semaphore_mem>>) src(%dma_wait3A_1003 : memref<8x16xf32, #tpu.memory_space<hbm>>) dst(%dma_wait3A_999 : memref<8x16xf32, #tpu.memory_space<vmem>>)
      %dma_wait3A_1004 = arith.constant 0 : i32
      %dma_wait3A_1005 = arith.constant 9 : i32
      %dma_wait3A_1006 = arith.constant 0 : i32
      %dma_wait3A_1007 = arith.constant 0 : i32
      %dma_wait3A_1008 = tpu.memref_slice %arg12[%rem3A_680, %dma_wait3A_1005, %dma_wait3A_1006, %dma_wait3A_1007] : memref<2x16x8x16xf32, #tpu.memory_space<vmem>> -> memref<1x1x8x16xf32, #tpu.memory_space<vmem>>
      %dma_wait3A_1009 = tpu.memref_squeeze %dma_wait3A_1008 : memref<1x1x8x16xf32, #tpu.memory_space<vmem>> -> memref<8x16xf32, #tpu.memory_space<vmem>>
      %dma_wait3A_1010 = arith.constant 0 : i32
      %dma_wait3A_1011 = arith.constant 0 : i32
      %dma_wait3A_1012 = tpu.memref_slice %arg4[%dma_wait3A_1004, %dma_wait3A_1010, %dma_wait3A_1011] : memref<125000x8x16xf32, #tpu.memory_space<hbm>> -> memref<1x8x16xf32, #tpu.memory_space<hbm>>
      %dma_wait3A_1013 = tpu.memref_squeeze %dma_wait3A_1012 : memref<1x8x16xf32, #tpu.memory_space<hbm>> -> memref<8x16xf32, #tpu.memory_space<hbm>>
      %dma_wait3A_1014 = arith.constant 0 : i32
      %dma_wait3A_1015 = arith.constant 0 : i32
      %dma_wait3A_1016 = tpu.memref_slice %arg12[%rem3A_680, %dma_wait3A_1005, %dma_wait3A_1014, %dma_wait3A_1015] : memref<2x16x8x16xf32, #tpu.memory_space<vmem>> -> memref<1x1x8x16xf32, #tpu.memory_space<vmem>>
      %dma_wait3A_1017 = tpu.memref_squeeze %dma_wait3A_1016 : memref<1x1x8x16xf32, #tpu.memory_space<vmem>> -> memref<8x16xf32, #tpu.memory_space<vmem>>
      %dma_wait3A_1018 = arith.constant 0 : i32
      %dma_wait3A_1019 = arith.constant 0 : i32
      %dma_wait3A_1020 = tpu.memref_slice %arg4[%dma_wait3A_1004, %dma_wait3A_1018, %dma_wait3A_1019] : memref<125000x8x16xf32, #tpu.memory_space<hbm>> -> memref<1x8x16xf32, #tpu.memory_space<hbm>>
      %dma_wait3A_1021 = tpu.memref_squeeze %dma_wait3A_1020 : memref<1x8x16xf32, #tpu.memory_space<hbm>> -> memref<8x16xf32, #tpu.memory_space<hbm>>
      tpu.wait_dma2 semaphore(%arg18 : memref<!tpu.dma_semaphore, #tpu.memory_space<semaphore_mem>>) src(%dma_wait3A_1021 : memref<8x16xf32, #tpu.memory_space<hbm>>) dst(%dma_wait3A_1017 : memref<8x16xf32, #tpu.memory_space<vmem>>)
      %dma_wait3A_1022 = arith.constant 0 : i32
      %dma_wait3A_1023 = arith.constant 9 : i32
      %dma_wait3A_1024 = arith.constant 0 : i32
      %dma_wait3A_1025 = arith.constant 0 : i32
      %dma_wait3A_1026 = tpu.memref_slice %arg13[%rem3A_680, %dma_wait3A_1023, %dma_wait3A_1024, %dma_wait3A_1025] : memref<2x16x8x16xf32, #tpu.memory_space<vmem>> -> memref<1x1x8x16xf32, #tpu.memory_space<vmem>>
      %dma_wait3A_1027 = tpu.memref_squeeze %dma_wait3A_1026 : memref<1x1x8x16xf32, #tpu.memory_space<vmem>> -> memref<8x16xf32, #tpu.memory_space<vmem>>
      %dma_wait3A_1028 = arith.constant 0 : i32
      %dma_wait3A_1029 = arith.constant 0 : i32
      %dma_wait3A_1030 = tpu.memref_slice %arg5[%dma_wait3A_1022, %dma_wait3A_1028, %dma_wait3A_1029] : memref<12500x8x16xf32, #tpu.memory_space<hbm>> -> memref<1x8x16xf32, #tpu.memory_space<hbm>>
      %dma_wait3A_1031 = tpu.memref_squeeze %dma_wait3A_1030 : memref<1x8x16xf32, #tpu.memory_space<hbm>> -> memref<8x16xf32, #tpu.memory_space<hbm>>
      %dma_wait3A_1032 = arith.constant 0 : i32
      %dma_wait3A_1033 = arith.constant 0 : i32
      %dma_wait3A_1034 = tpu.memref_slice %arg13[%rem3A_680, %dma_wait3A_1023, %dma_wait3A_1032, %dma_wait3A_1033] : memref<2x16x8x16xf32, #tpu.memory_space<vmem>> -> memref<1x1x8x16xf32, #tpu.memory_space<vmem>>
      %dma_wait3A_1035 = tpu.memref_squeeze %dma_wait3A_1034 : memref<1x1x8x16xf32, #tpu.memory_space<vmem>> -> memref<8x16xf32, #tpu.memory_space<vmem>>
      %dma_wait3A_1036 = arith.constant 0 : i32
      %dma_wait3A_1037 = arith.constant 0 : i32
      %dma_wait3A_1038 = tpu.memref_slice %arg5[%dma_wait3A_1022, %dma_wait3A_1036, %dma_wait3A_1037] : memref<12500x8x16xf32, #tpu.memory_space<hbm>> -> memref<1x8x16xf32, #tpu.memory_space<hbm>>
      %dma_wait3A_1039 = tpu.memref_squeeze %dma_wait3A_1038 : memref<1x8x16xf32, #tpu.memory_space<hbm>> -> memref<8x16xf32, #tpu.memory_space<hbm>>
      tpu.wait_dma2 semaphore(%arg18 : memref<!tpu.dma_semaphore, #tpu.memory_space<semaphore_mem>>) src(%dma_wait3A_1039 : memref<8x16xf32, #tpu.memory_space<hbm>>) dst(%dma_wait3A_1035 : memref<8x16xf32, #tpu.memory_space<vmem>>)
      %dma_wait3A_1040 = arith.constant 0 : i32
      %dma_wait3A_1041 = arith.constant 10 : i32
      %dma_wait3A_1042 = arith.constant 0 : i32
      %dma_wait3A_1043 = arith.constant 0 : i32
      %dma_wait3A_1044 = tpu.memref_slice %arg12[%rem3A_680, %dma_wait3A_1041, %dma_wait3A_1042, %dma_wait3A_1043] : memref<2x16x8x16xf32, #tpu.memory_space<vmem>> -> memref<1x1x8x16xf32, #tpu.memory_space<vmem>>
      %dma_wait3A_1045 = tpu.memref_squeeze %dma_wait3A_1044 : memref<1x1x8x16xf32, #tpu.memory_space<vmem>> -> memref<8x16xf32, #tpu.memory_space<vmem>>
      %dma_wait3A_1046 = arith.constant 0 : i32
      %dma_wait3A_1047 = arith.constant 0 : i32
      %dma_wait3A_1048 = tpu.memref_slice %arg4[%dma_wait3A_1040, %dma_wait3A_1046, %dma_wait3A_1047] : memref<125000x8x16xf32, #tpu.memory_space<hbm>> -> memref<1x8x16xf32, #tpu.memory_space<hbm>>
      %dma_wait3A_1049 = tpu.memref_squeeze %dma_wait3A_1048 : memref<1x8x16xf32, #tpu.memory_space<hbm>> -> memref<8x16xf32, #tpu.memory_space<hbm>>
      %dma_wait3A_1050 = arith.constant 0 : i32
      %dma_wait3A_1051 = arith.constant 0 : i32
      %dma_wait3A_1052 = tpu.memref_slice %arg12[%rem3A_680, %dma_wait3A_1041, %dma_wait3A_1050, %dma_wait3A_1051] : memref<2x16x8x16xf32, #tpu.memory_space<vmem>> -> memref<1x1x8x16xf32, #tpu.memory_space<vmem>>
      %dma_wait3A_1053 = tpu.memref_squeeze %dma_wait3A_1052 : memref<1x1x8x16xf32, #tpu.memory_space<vmem>> -> memref<8x16xf32, #tpu.memory_space<vmem>>
      %dma_wait3A_1054 = arith.constant 0 : i32
      %dma_wait3A_1055 = arith.constant 0 : i32
      %dma_wait3A_1056 = tpu.memref_slice %arg4[%dma_wait3A_1040, %dma_wait3A_1054, %dma_wait3A_1055] : memref<125000x8x16xf32, #tpu.memory_space<hbm>> -> memref<1x8x16xf32, #tpu.memory_space<hbm>>
      %dma_wait3A_1057 = tpu.memref_squeeze %dma_wait3A_1056 : memref<1x8x16xf32, #tpu.memory_space<hbm>> -> memref<8x16xf32, #tpu.memory_space<hbm>>
      tpu.wait_dma2 semaphore(%arg18 : memref<!tpu.dma_semaphore, #tpu.memory_space<semaphore_mem>>) src(%dma_wait3A_1057 : memref<8x16xf32, #tpu.memory_space<hbm>>) dst(%dma_wait3A_1053 : memref<8x16xf32, #tpu.memory_space<vmem>>)
      %dma_wait3A_1058 = arith.constant 0 : i32
      %dma_wait3A_1059 = arith.constant 10 : i32
      %dma_wait3A_1060 = arith.constant 0 : i32
      %dma_wait3A_1061 = arith.constant 0 : i32
      %dma_wait3A_1062 = tpu.memref_slice %arg13[%rem3A_680, %dma_wait3A_1059, %dma_wait3A_1060, %dma_wait3A_1061] : memref<2x16x8x16xf32, #tpu.memory_space<vmem>> -> memref<1x1x8x16xf32, #tpu.memory_space<vmem>>
      %dma_wait3A_1063 = tpu.memref_squeeze %dma_wait3A_1062 : memref<1x1x8x16xf32, #tpu.memory_space<vmem>> -> memref<8x16xf32, #tpu.memory_space<vmem>>
      %dma_wait3A_1064 = arith.constant 0 : i32
      %dma_wait3A_1065 = arith.constant 0 : i32
      %dma_wait3A_1066 = tpu.memref_slice %arg5[%dma_wait3A_1058, %dma_wait3A_1064, %dma_wait3A_1065] : memref<12500x8x16xf32, #tpu.memory_space<hbm>> -> memref<1x8x16xf32, #tpu.memory_space<hbm>>
      %dma_wait3A_1067 = tpu.memref_squeeze %dma_wait3A_1066 : memref<1x8x16xf32, #tpu.memory_space<hbm>> -> memref<8x16xf32, #tpu.memory_space<hbm>>
      %dma_wait3A_1068 = arith.constant 0 : i32
      %dma_wait3A_1069 = arith.constant 0 : i32
      %dma_wait3A_1070 = tpu.memref_slice %arg13[%rem3A_680, %dma_wait3A_1059, %dma_wait3A_1068, %dma_wait3A_1069] : memref<2x16x8x16xf32, #tpu.memory_space<vmem>> -> memref<1x1x8x16xf32, #tpu.memory_space<vmem>>
      %dma_wait3A_1071 = tpu.memref_squeeze %dma_wait3A_1070 : memref<1x1x8x16xf32, #tpu.memory_space<vmem>> -> memref<8x16xf32, #tpu.memory_space<vmem>>
      %dma_wait3A_1072 = arith.constant 0 : i32
      %dma_wait3A_1073 = arith.constant 0 : i32
      %dma_wait3A_1074 = tpu.memref_slice %arg5[%dma_wait3A_1058, %dma_wait3A_1072, %dma_wait3A_1073] : memref<12500x8x16xf32, #tpu.memory_space<hbm>> -> memref<1x8x16xf32, #tpu.memory_space<hbm>>
      %dma_wait3A_1075 = tpu.memref_squeeze %dma_wait3A_1074 : memref<1x8x16xf32, #tpu.memory_space<hbm>> -> memref<8x16xf32, #tpu.memory_space<hbm>>
      tpu.wait_dma2 semaphore(%arg18 : memref<!tpu.dma_semaphore, #tpu.memory_space<semaphore_mem>>) src(%dma_wait3A_1075 : memref<8x16xf32, #tpu.memory_space<hbm>>) dst(%dma_wait3A_1071 : memref<8x16xf32, #tpu.memory_space<vmem>>)
      %dma_wait3A_1076 = arith.constant 0 : i32
      %dma_wait3A_1077 = arith.constant 11 : i32
      %dma_wait3A_1078 = arith.constant 0 : i32
      %dma_wait3A_1079 = arith.constant 0 : i32
      %dma_wait3A_1080 = tpu.memref_slice %arg12[%rem3A_680, %dma_wait3A_1077, %dma_wait3A_1078, %dma_wait3A_1079] : memref<2x16x8x16xf32, #tpu.memory_space<vmem>> -> memref<1x1x8x16xf32, #tpu.memory_space<vmem>>
      %dma_wait3A_1081 = tpu.memref_squeeze %dma_wait3A_1080 : memref<1x1x8x16xf32, #tpu.memory_space<vmem>> -> memref<8x16xf32, #tpu.memory_space<vmem>>
      %dma_wait3A_1082 = arith.constant 0 : i32
      %dma_wait3A_1083 = arith.constant 0 : i32
      %dma_wait3A_1084 = tpu.memref_slice %arg4[%dma_wait3A_1076, %dma_wait3A_1082, %dma_wait3A_1083] : memref<125000x8x16xf32, #tpu.memory_space<hbm>> -> memref<1x8x16xf32, #tpu.memory_space<hbm>>
      %dma_wait3A_1085 = tpu.memref_squeeze %dma_wait3A_1084 : memref<1x8x16xf32, #tpu.memory_space<hbm>> -> memref<8x16xf32, #tpu.memory_space<hbm>>
      %dma_wait3A_1086 = arith.constant 0 : i32
      %dma_wait3A_1087 = arith.constant 0 : i32
      %dma_wait3A_1088 = tpu.memref_slice %arg12[%rem3A_680, %dma_wait3A_1077, %dma_wait3A_1086, %dma_wait3A_1087] : memref<2x16x8x16xf32, #tpu.memory_space<vmem>> -> memref<1x1x8x16xf32, #tpu.memory_space<vmem>>
      %dma_wait3A_1089 = tpu.memref_squeeze %dma_wait3A_1088 : memref<1x1x8x16xf32, #tpu.memory_space<vmem>> -> memref<8x16xf32, #tpu.memory_space<vmem>>
      %dma_wait3A_1090 = arith.constant 0 : i32
      %dma_wait3A_1091 = arith.constant 0 : i32
      %dma_wait3A_1092 = tpu.memref_slice %arg4[%dma_wait3A_1076, %dma_wait3A_1090, %dma_wait3A_1091] : memref<125000x8x16xf32, #tpu.memory_space<hbm>> -> memref<1x8x16xf32, #tpu.memory_space<hbm>>
      %dma_wait3A_1093 = tpu.memref_squeeze %dma_wait3A_1092 : memref<1x8x16xf32, #tpu.memory_space<hbm>> -> memref<8x16xf32, #tpu.memory_space<hbm>>
      tpu.wait_dma2 semaphore(%arg18 : memref<!tpu.dma_semaphore, #tpu.memory_space<semaphore_mem>>) src(%dma_wait3A_1093 : memref<8x16xf32, #tpu.memory_space<hbm>>) dst(%dma_wait3A_1089 : memref<8x16xf32, #tpu.memory_space<vmem>>)
      %dma_wait3A_1094 = arith.constant 0 : i32
      %dma_wait3A_1095 = arith.constant 11 : i32
      %dma_wait3A_1096 = arith.constant 0 : i32
      %dma_wait3A_1097 = arith.constant 0 : i32
      %dma_wait3A_1098 = tpu.memref_slice %arg13[%rem3A_680, %dma_wait3A_1095, %dma_wait3A_1096, %dma_wait3A_1097] : memref<2x16x8x16xf32, #tpu.memory_space<vmem>> -> memref<1x1x8x16xf32, #tpu.memory_space<vmem>>
      %dma_wait3A_1099 = tpu.memref_squeeze %dma_wait3A_1098 : memref<1x1x8x16xf32, #tpu.memory_space<vmem>> -> memref<8x16xf32, #tpu.memory_space<vmem>>
      %dma_wait3A_1100 = arith.constant 0 : i32
      %dma_wait3A_1101 = arith.constant 0 : i32
      %dma_wait3A_1102 = tpu.memref_slice %arg5[%dma_wait3A_1094, %dma_wait3A_1100, %dma_wait3A_1101] : memref<12500x8x16xf32, #tpu.memory_space<hbm>> -> memref<1x8x16xf32, #tpu.memory_space<hbm>>
      %dma_wait3A_1103 = tpu.memref_squeeze %dma_wait3A_1102 : memref<1x8x16xf32, #tpu.memory_space<hbm>> -> memref<8x16xf32, #tpu.memory_space<hbm>>
      %dma_wait3A_1104 = arith.constant 0 : i32
      %dma_wait3A_1105 = arith.constant 0 : i32
      %dma_wait3A_1106 = tpu.memref_slice %arg13[%rem3A_680, %dma_wait3A_1095, %dma_wait3A_1104, %dma_wait3A_1105] : memref<2x16x8x16xf32, #tpu.memory_space<vmem>> -> memref<1x1x8x16xf32, #tpu.memory_space<vmem>>
      %dma_wait3A_1107 = tpu.memref_squeeze %dma_wait3A_1106 : memref<1x1x8x16xf32, #tpu.memory_space<vmem>> -> memref<8x16xf32, #tpu.memory_space<vmem>>
      %dma_wait3A_1108 = arith.constant 0 : i32
      %dma_wait3A_1109 = arith.constant 0 : i32
      %dma_wait3A_1110 = tpu.memref_slice %arg5[%dma_wait3A_1094, %dma_wait3A_1108, %dma_wait3A_1109] : memref<12500x8x16xf32, #tpu.memory_space<hbm>> -> memref<1x8x16xf32, #tpu.memory_space<hbm>>
      %dma_wait3A_1111 = tpu.memref_squeeze %dma_wait3A_1110 : memref<1x8x16xf32, #tpu.memory_space<hbm>> -> memref<8x16xf32, #tpu.memory_space<hbm>>
      tpu.wait_dma2 semaphore(%arg18 : memref<!tpu.dma_semaphore, #tpu.memory_space<semaphore_mem>>) src(%dma_wait3A_1111 : memref<8x16xf32, #tpu.memory_space<hbm>>) dst(%dma_wait3A_1107 : memref<8x16xf32, #tpu.memory_space<vmem>>)
      %dma_wait3A_1112 = arith.constant 0 : i32
      %dma_wait3A_1113 = arith.constant 12 : i32
      %dma_wait3A_1114 = arith.constant 0 : i32
      %dma_wait3A_1115 = arith.constant 0 : i32
      %dma_wait3A_1116 = tpu.memref_slice %arg12[%rem3A_680, %dma_wait3A_1113, %dma_wait3A_1114, %dma_wait3A_1115] : memref<2x16x8x16xf32, #tpu.memory_space<vmem>> -> memref<1x1x8x16xf32, #tpu.memory_space<vmem>>
      %dma_wait3A_1117 = tpu.memref_squeeze %dma_wait3A_1116 : memref<1x1x8x16xf32, #tpu.memory_space<vmem>> -> memref<8x16xf32, #tpu.memory_space<vmem>>
      %dma_wait3A_1118 = arith.constant 0 : i32
      %dma_wait3A_1119 = arith.constant 0 : i32
      %dma_wait3A_1120 = tpu.memref_slice %arg4[%dma_wait3A_1112, %dma_wait3A_1118, %dma_wait3A_1119] : memref<125000x8x16xf32, #tpu.memory_space<hbm>> -> memref<1x8x16xf32, #tpu.memory_space<hbm>>
      %dma_wait3A_1121 = tpu.memref_squeeze %dma_wait3A_1120 : memref<1x8x16xf32, #tpu.memory_space<hbm>> -> memref<8x16xf32, #tpu.memory_space<hbm>>
      %dma_wait3A_1122 = arith.constant 0 : i32
      %dma_wait3A_1123 = arith.constant 0 : i32
      %dma_wait3A_1124 = tpu.memref_slice %arg12[%rem3A_680, %dma_wait3A_1113, %dma_wait3A_1122, %dma_wait3A_1123] : memref<2x16x8x16xf32, #tpu.memory_space<vmem>> -> memref<1x1x8x16xf32, #tpu.memory_space<vmem>>
      %dma_wait3A_1125 = tpu.memref_squeeze %dma_wait3A_1124 : memref<1x1x8x16xf32, #tpu.memory_space<vmem>> -> memref<8x16xf32, #tpu.memory_space<vmem>>
      %dma_wait3A_1126 = arith.constant 0 : i32
      %dma_wait3A_1127 = arith.constant 0 : i32
      %dma_wait3A_1128 = tpu.memref_slice %arg4[%dma_wait3A_1112, %dma_wait3A_1126, %dma_wait3A_1127] : memref<125000x8x16xf32, #tpu.memory_space<hbm>> -> memref<1x8x16xf32, #tpu.memory_space<hbm>>
      %dma_wait3A_1129 = tpu.memref_squeeze %dma_wait3A_1128 : memref<1x8x16xf32, #tpu.memory_space<hbm>> -> memref<8x16xf32, #tpu.memory_space<hbm>>
      tpu.wait_dma2 semaphore(%arg18 : memref<!tpu.dma_semaphore, #tpu.memory_space<semaphore_mem>>) src(%dma_wait3A_1129 : memref<8x16xf32, #tpu.memory_space<hbm>>) dst(%dma_wait3A_1125 : memref<8x16xf32, #tpu.memory_space<vmem>>)
      %dma_wait3A_1130 = arith.constant 0 : i32
      %dma_wait3A_1131 = arith.constant 12 : i32
      %dma_wait3A_1132 = arith.constant 0 : i32
      %dma_wait3A_1133 = arith.constant 0 : i32
      %dma_wait3A_1134 = tpu.memref_slice %arg13[%rem3A_680, %dma_wait3A_1131, %dma_wait3A_1132, %dma_wait3A_1133] : memref<2x16x8x16xf32, #tpu.memory_space<vmem>> -> memref<1x1x8x16xf32, #tpu.memory_space<vmem>>
      %dma_wait3A_1135 = tpu.memref_squeeze %dma_wait3A_1134 : memref<1x1x8x16xf32, #tpu.memory_space<vmem>> -> memref<8x16xf32, #tpu.memory_space<vmem>>
      %dma_wait3A_1136 = arith.constant 0 : i32
      %dma_wait3A_1137 = arith.constant 0 : i32
      %dma_wait3A_1138 = tpu.memref_slice %arg5[%dma_wait3A_1130, %dma_wait3A_1136, %dma_wait3A_1137] : memref<12500x8x16xf32, #tpu.memory_space<hbm>> -> memref<1x8x16xf32, #tpu.memory_space<hbm>>
      %dma_wait3A_1139 = tpu.memref_squeeze %dma_wait3A_1138 : memref<1x8x16xf32, #tpu.memory_space<hbm>> -> memref<8x16xf32, #tpu.memory_space<hbm>>
      %dma_wait3A_1140 = arith.constant 0 : i32
      %dma_wait3A_1141 = arith.constant 0 : i32
      %dma_wait3A_1142 = tpu.memref_slice %arg13[%rem3A_680, %dma_wait3A_1131, %dma_wait3A_1140, %dma_wait3A_1141] : memref<2x16x8x16xf32, #tpu.memory_space<vmem>> -> memref<1x1x8x16xf32, #tpu.memory_space<vmem>>
      %dma_wait3A_1143 = tpu.memref_squeeze %dma_wait3A_1142 : memref<1x1x8x16xf32, #tpu.memory_space<vmem>> -> memref<8x16xf32, #tpu.memory_space<vmem>>
      %dma_wait3A_1144 = arith.constant 0 : i32
      %dma_wait3A_1145 = arith.constant 0 : i32
      %dma_wait3A_1146 = tpu.memref_slice %arg5[%dma_wait3A_1130, %dma_wait3A_1144, %dma_wait3A_1145] : memref<12500x8x16xf32, #tpu.memory_space<hbm>> -> memref<1x8x16xf32, #tpu.memory_space<hbm>>
      %dma_wait3A_1147 = tpu.memref_squeeze %dma_wait3A_1146 : memref<1x8x16xf32, #tpu.memory_space<hbm>> -> memref<8x16xf32, #tpu.memory_space<hbm>>
      tpu.wait_dma2 semaphore(%arg18 : memref<!tpu.dma_semaphore, #tpu.memory_space<semaphore_mem>>) src(%dma_wait3A_1147 : memref<8x16xf32, #tpu.memory_space<hbm>>) dst(%dma_wait3A_1143 : memref<8x16xf32, #tpu.memory_space<vmem>>)
      %dma_wait3A_1148 = arith.constant 0 : i32
      %dma_wait3A_1149 = arith.constant 13 : i32
      %dma_wait3A_1150 = arith.constant 0 : i32
      %dma_wait3A_1151 = arith.constant 0 : i32
      %dma_wait3A_1152 = tpu.memref_slice %arg12[%rem3A_680, %dma_wait3A_1149, %dma_wait3A_1150, %dma_wait3A_1151] : memref<2x16x8x16xf32, #tpu.memory_space<vmem>> -> memref<1x1x8x16xf32, #tpu.memory_space<vmem>>
      %dma_wait3A_1153 = tpu.memref_squeeze %dma_wait3A_1152 : memref<1x1x8x16xf32, #tpu.memory_space<vmem>> -> memref<8x16xf32, #tpu.memory_space<vmem>>
      %dma_wait3A_1154 = arith.constant 0 : i32
      %dma_wait3A_1155 = arith.constant 0 : i32
      %dma_wait3A_1156 = tpu.memref_slice %arg4[%dma_wait3A_1148, %dma_wait3A_1154, %dma_wait3A_1155] : memref<125000x8x16xf32, #tpu.memory_space<hbm>> -> memref<1x8x16xf32, #tpu.memory_space<hbm>>
      %dma_wait3A_1157 = tpu.memref_squeeze %dma_wait3A_1156 : memref<1x8x16xf32, #tpu.memory_space<hbm>> -> memref<8x16xf32, #tpu.memory_space<hbm>>
      %dma_wait3A_1158 = arith.constant 0 : i32
      %dma_wait3A_1159 = arith.constant 0 : i32
      %dma_wait3A_1160 = tpu.memref_slice %arg12[%rem3A_680, %dma_wait3A_1149, %dma_wait3A_1158, %dma_wait3A_1159] : memref<2x16x8x16xf32, #tpu.memory_space<vmem>> -> memref<1x1x8x16xf32, #tpu.memory_space<vmem>>
      %dma_wait3A_1161 = tpu.memref_squeeze %dma_wait3A_1160 : memref<1x1x8x16xf32, #tpu.memory_space<vmem>> -> memref<8x16xf32, #tpu.memory_space<vmem>>
      %dma_wait3A_1162 = arith.constant 0 : i32
      %dma_wait3A_1163 = arith.constant 0 : i32
      %dma_wait3A_1164 = tpu.memref_slice %arg4[%dma_wait3A_1148, %dma_wait3A_1162, %dma_wait3A_1163] : memref<125000x8x16xf32, #tpu.memory_space<hbm>> -> memref<1x8x16xf32, #tpu.memory_space<hbm>>
      %dma_wait3A_1165 = tpu.memref_squeeze %dma_wait3A_1164 : memref<1x8x16xf32, #tpu.memory_space<hbm>> -> memref<8x16xf32, #tpu.memory_space<hbm>>
      tpu.wait_dma2 semaphore(%arg18 : memref<!tpu.dma_semaphore, #tpu.memory_space<semaphore_mem>>) src(%dma_wait3A_1165 : memref<8x16xf32, #tpu.memory_space<hbm>>) dst(%dma_wait3A_1161 : memref<8x16xf32, #tpu.memory_space<vmem>>)
      %dma_wait3A_1166 = arith.constant 0 : i32
      %dma_wait3A_1167 = arith.constant 13 : i32
      %dma_wait3A_1168 = arith.constant 0 : i32
      %dma_wait3A_1169 = arith.constant 0 : i32
      %dma_wait3A_1170 = tpu.memref_slice %arg13[%rem3A_680, %dma_wait3A_1167, %dma_wait3A_1168, %dma_wait3A_1169] : memref<2x16x8x16xf32, #tpu.memory_space<vmem>> -> memref<1x1x8x16xf32, #tpu.memory_space<vmem>>
      %dma_wait3A_1171 = tpu.memref_squeeze %dma_wait3A_1170 : memref<1x1x8x16xf32, #tpu.memory_space<vmem>> -> memref<8x16xf32, #tpu.memory_space<vmem>>
      %dma_wait3A_1172 = arith.constant 0 : i32
      %dma_wait3A_1173 = arith.constant 0 : i32
      %dma_wait3A_1174 = tpu.memref_slice %arg5[%dma_wait3A_1166, %dma_wait3A_1172, %dma_wait3A_1173] : memref<12500x8x16xf32, #tpu.memory_space<hbm>> -> memref<1x8x16xf32, #tpu.memory_space<hbm>>
      %dma_wait3A_1175 = tpu.memref_squeeze %dma_wait3A_1174 : memref<1x8x16xf32, #tpu.memory_space<hbm>> -> memref<8x16xf32, #tpu.memory_space<hbm>>
      %dma_wait3A_1176 = arith.constant 0 : i32
      %dma_wait3A_1177 = arith.constant 0 : i32
      %dma_wait3A_1178 = tpu.memref_slice %arg13[%rem3A_680, %dma_wait3A_1167, %dma_wait3A_1176, %dma_wait3A_1177] : memref<2x16x8x16xf32, #tpu.memory_space<vmem>> -> memref<1x1x8x16xf32, #tpu.memory_space<vmem>>
      %dma_wait3A_1179 = tpu.memref_squeeze %dma_wait3A_1178 : memref<1x1x8x16xf32, #tpu.memory_space<vmem>> -> memref<8x16xf32, #tpu.memory_space<vmem>>
      %dma_wait3A_1180 = arith.constant 0 : i32
      %dma_wait3A_1181 = arith.constant 0 : i32
      %dma_wait3A_1182 = tpu.memref_slice %arg5[%dma_wait3A_1166, %dma_wait3A_1180, %dma_wait3A_1181] : memref<12500x8x16xf32, #tpu.memory_space<hbm>> -> memref<1x8x16xf32, #tpu.memory_space<hbm>>
      %dma_wait3A_1183 = tpu.memref_squeeze %dma_wait3A_1182 : memref<1x8x16xf32, #tpu.memory_space<hbm>> -> memref<8x16xf32, #tpu.memory_space<hbm>>
      tpu.wait_dma2 semaphore(%arg18 : memref<!tpu.dma_semaphore, #tpu.memory_space<semaphore_mem>>) src(%dma_wait3A_1183 : memref<8x16xf32, #tpu.memory_space<hbm>>) dst(%dma_wait3A_1179 : memref<8x16xf32, #tpu.memory_space<vmem>>)
      %dma_wait3A_1184 = arith.constant 0 : i32
      %dma_wait3A_1185 = arith.constant 14 : i32
      %dma_wait3A_1186 = arith.constant 0 : i32
      %dma_wait3A_1187 = arith.constant 0 : i32
      %dma_wait3A_1188 = tpu.memref_slice %arg12[%rem3A_680, %dma_wait3A_1185, %dma_wait3A_1186, %dma_wait3A_1187] : memref<2x16x8x16xf32, #tpu.memory_space<vmem>> -> memref<1x1x8x16xf32, #tpu.memory_space<vmem>>
      %dma_wait3A_1189 = tpu.memref_squeeze %dma_wait3A_1188 : memref<1x1x8x16xf32, #tpu.memory_space<vmem>> -> memref<8x16xf32, #tpu.memory_space<vmem>>
      %dma_wait3A_1190 = arith.constant 0 : i32
      %dma_wait3A_1191 = arith.constant 0 : i32
      %dma_wait3A_1192 = tpu.memref_slice %arg4[%dma_wait3A_1184, %dma_wait3A_1190, %dma_wait3A_1191] : memref<125000x8x16xf32, #tpu.memory_space<hbm>> -> memref<1x8x16xf32, #tpu.memory_space<hbm>>
      %dma_wait3A_1193 = tpu.memref_squeeze %dma_wait3A_1192 : memref<1x8x16xf32, #tpu.memory_space<hbm>> -> memref<8x16xf32, #tpu.memory_space<hbm>>
      %dma_wait3A_1194 = arith.constant 0 : i32
      %dma_wait3A_1195 = arith.constant 0 : i32
      %dma_wait3A_1196 = tpu.memref_slice %arg12[%rem3A_680, %dma_wait3A_1185, %dma_wait3A_1194, %dma_wait3A_1195] : memref<2x16x8x16xf32, #tpu.memory_space<vmem>> -> memref<1x1x8x16xf32, #tpu.memory_space<vmem>>
      %dma_wait3A_1197 = tpu.memref_squeeze %dma_wait3A_1196 : memref<1x1x8x16xf32, #tpu.memory_space<vmem>> -> memref<8x16xf32, #tpu.memory_space<vmem>>
      %dma_wait3A_1198 = arith.constant 0 : i32
      %dma_wait3A_1199 = arith.constant 0 : i32
      %dma_wait3A_1200 = tpu.memref_slice %arg4[%dma_wait3A_1184, %dma_wait3A_1198, %dma_wait3A_1199] : memref<125000x8x16xf32, #tpu.memory_space<hbm>> -> memref<1x8x16xf32, #tpu.memory_space<hbm>>
      %dma_wait3A_1201 = tpu.memref_squeeze %dma_wait3A_1200 : memref<1x8x16xf32, #tpu.memory_space<hbm>> -> memref<8x16xf32, #tpu.memory_space<hbm>>
      tpu.wait_dma2 semaphore(%arg18 : memref<!tpu.dma_semaphore, #tpu.memory_space<semaphore_mem>>) src(%dma_wait3A_1201 : memref<8x16xf32, #tpu.memory_space<hbm>>) dst(%dma_wait3A_1197 : memref<8x16xf32, #tpu.memory_space<vmem>>)
      %dma_wait3A_1202 = arith.constant 0 : i32
      %dma_wait3A_1203 = arith.constant 14 : i32
      %dma_wait3A_1204 = arith.constant 0 : i32
      %dma_wait3A_1205 = arith.constant 0 : i32
      %dma_wait3A_1206 = tpu.memref_slice %arg13[%rem3A_680, %dma_wait3A_1203, %dma_wait3A_1204, %dma_wait3A_1205] : memref<2x16x8x16xf32, #tpu.memory_space<vmem>> -> memref<1x1x8x16xf32, #tpu.memory_space<vmem>>
      %dma_wait3A_1207 = tpu.memref_squeeze %dma_wait3A_1206 : memref<1x1x8x16xf32, #tpu.memory_space<vmem>> -> memref<8x16xf32, #tpu.memory_space<vmem>>
      %dma_wait3A_1208 = arith.constant 0 : i32
      %dma_wait3A_1209 = arith.constant 0 : i32
      %dma_wait3A_1210 = tpu.memref_slice %arg5[%dma_wait3A_1202, %dma_wait3A_1208, %dma_wait3A_1209] : memref<12500x8x16xf32, #tpu.memory_space<hbm>> -> memref<1x8x16xf32, #tpu.memory_space<hbm>>
      %dma_wait3A_1211 = tpu.memref_squeeze %dma_wait3A_1210 : memref<1x8x16xf32, #tpu.memory_space<hbm>> -> memref<8x16xf32, #tpu.memory_space<hbm>>
      %dma_wait3A_1212 = arith.constant 0 : i32
      %dma_wait3A_1213 = arith.constant 0 : i32
      %dma_wait3A_1214 = tpu.memref_slice %arg13[%rem3A_680, %dma_wait3A_1203, %dma_wait3A_1212, %dma_wait3A_1213] : memref<2x16x8x16xf32, #tpu.memory_space<vmem>> -> memref<1x1x8x16xf32, #tpu.memory_space<vmem>>
      %dma_wait3A_1215 = tpu.memref_squeeze %dma_wait3A_1214 : memref<1x1x8x16xf32, #tpu.memory_space<vmem>> -> memref<8x16xf32, #tpu.memory_space<vmem>>
      %dma_wait3A_1216 = arith.constant 0 : i32
      %dma_wait3A_1217 = arith.constant 0 : i32
      %dma_wait3A_1218 = tpu.memref_slice %arg5[%dma_wait3A_1202, %dma_wait3A_1216, %dma_wait3A_1217] : memref<12500x8x16xf32, #tpu.memory_space<hbm>> -> memref<1x8x16xf32, #tpu.memory_space<hbm>>
      %dma_wait3A_1219 = tpu.memref_squeeze %dma_wait3A_1218 : memref<1x8x16xf32, #tpu.memory_space<hbm>> -> memref<8x16xf32, #tpu.memory_space<hbm>>
      tpu.wait_dma2 semaphore(%arg18 : memref<!tpu.dma_semaphore, #tpu.memory_space<semaphore_mem>>) src(%dma_wait3A_1219 : memref<8x16xf32, #tpu.memory_space<hbm>>) dst(%dma_wait3A_1215 : memref<8x16xf32, #tpu.memory_space<vmem>>)
      %dma_wait3A_1220 = arith.constant 0 : i32
      %dma_wait3A_1221 = arith.constant 15 : i32
      %dma_wait3A_1222 = arith.constant 0 : i32
      %dma_wait3A_1223 = arith.constant 0 : i32
      %dma_wait3A_1224 = tpu.memref_slice %arg12[%rem3A_680, %dma_wait3A_1221, %dma_wait3A_1222, %dma_wait3A_1223] : memref<2x16x8x16xf32, #tpu.memory_space<vmem>> -> memref<1x1x8x16xf32, #tpu.memory_space<vmem>>
      %dma_wait3A_1225 = tpu.memref_squeeze %dma_wait3A_1224 : memref<1x1x8x16xf32, #tpu.memory_space<vmem>> -> memref<8x16xf32, #tpu.memory_space<vmem>>
      %dma_wait3A_1226 = arith.constant 0 : i32
      %dma_wait3A_1227 = arith.constant 0 : i32
      %dma_wait3A_1228 = tpu.memref_slice %arg4[%dma_wait3A_1220, %dma_wait3A_1226, %dma_wait3A_1227] : memref<125000x8x16xf32, #tpu.memory_space<hbm>> -> memref<1x8x16xf32, #tpu.memory_space<hbm>>
      %dma_wait3A_1229 = tpu.memref_squeeze %dma_wait3A_1228 : memref<1x8x16xf32, #tpu.memory_space<hbm>> -> memref<8x16xf32, #tpu.memory_space<hbm>>
      %dma_wait3A_1230 = arith.constant 0 : i32
      %dma_wait3A_1231 = arith.constant 0 : i32
      %dma_wait3A_1232 = tpu.memref_slice %arg12[%rem3A_680, %dma_wait3A_1221, %dma_wait3A_1230, %dma_wait3A_1231] : memref<2x16x8x16xf32, #tpu.memory_space<vmem>> -> memref<1x1x8x16xf32, #tpu.memory_space<vmem>>
      %dma_wait3A_1233 = tpu.memref_squeeze %dma_wait3A_1232 : memref<1x1x8x16xf32, #tpu.memory_space<vmem>> -> memref<8x16xf32, #tpu.memory_space<vmem>>
      %dma_wait3A_1234 = arith.constant 0 : i32
      %dma_wait3A_1235 = arith.constant 0 : i32
      %dma_wait3A_1236 = tpu.memref_slice %arg4[%dma_wait3A_1220, %dma_wait3A_1234, %dma_wait3A_1235] : memref<125000x8x16xf32, #tpu.memory_space<hbm>> -> memref<1x8x16xf32, #tpu.memory_space<hbm>>
      %dma_wait3A_1237 = tpu.memref_squeeze %dma_wait3A_1236 : memref<1x8x16xf32, #tpu.memory_space<hbm>> -> memref<8x16xf32, #tpu.memory_space<hbm>>
      tpu.wait_dma2 semaphore(%arg18 : memref<!tpu.dma_semaphore, #tpu.memory_space<semaphore_mem>>) src(%dma_wait3A_1237 : memref<8x16xf32, #tpu.memory_space<hbm>>) dst(%dma_wait3A_1233 : memref<8x16xf32, #tpu.memory_space<vmem>>)
      %dma_wait3A_1238 = arith.constant 0 : i32
      %dma_wait3A_1239 = arith.constant 15 : i32
      %dma_wait3A_1240 = arith.constant 0 : i32
      %dma_wait3A_1241 = arith.constant 0 : i32
      %dma_wait3A_1242 = tpu.memref_slice %arg13[%rem3A_680, %dma_wait3A_1239, %dma_wait3A_1240, %dma_wait3A_1241] : memref<2x16x8x16xf32, #tpu.memory_space<vmem>> -> memref<1x1x8x16xf32, #tpu.memory_space<vmem>>
      %dma_wait3A_1243 = tpu.memref_squeeze %dma_wait3A_1242 : memref<1x1x8x16xf32, #tpu.memory_space<vmem>> -> memref<8x16xf32, #tpu.memory_space<vmem>>
      %dma_wait3A_1244 = arith.constant 0 : i32
      %dma_wait3A_1245 = arith.constant 0 : i32
      %dma_wait3A_1246 = tpu.memref_slice %arg5[%dma_wait3A_1238, %dma_wait3A_1244, %dma_wait3A_1245] : memref<12500x8x16xf32, #tpu.memory_space<hbm>> -> memref<1x8x16xf32, #tpu.memory_space<hbm>>
      %dma_wait3A_1247 = tpu.memref_squeeze %dma_wait3A_1246 : memref<1x8x16xf32, #tpu.memory_space<hbm>> -> memref<8x16xf32, #tpu.memory_space<hbm>>
      %dma_wait3A_1248 = arith.constant 0 : i32
      %dma_wait3A_1249 = arith.constant 0 : i32
      %dma_wait3A_1250 = tpu.memref_slice %arg13[%rem3A_680, %dma_wait3A_1239, %dma_wait3A_1248, %dma_wait3A_1249] : memref<2x16x8x16xf32, #tpu.memory_space<vmem>> -> memref<1x1x8x16xf32, #tpu.memory_space<vmem>>
      %dma_wait3A_1251 = tpu.memref_squeeze %dma_wait3A_1250 : memref<1x1x8x16xf32, #tpu.memory_space<vmem>> -> memref<8x16xf32, #tpu.memory_space<vmem>>
      %dma_wait3A_1252 = arith.constant 0 : i32
      %dma_wait3A_1253 = arith.constant 0 : i32
      %dma_wait3A_1254 = tpu.memref_slice %arg5[%dma_wait3A_1238, %dma_wait3A_1252, %dma_wait3A_1253] : memref<12500x8x16xf32, #tpu.memory_space<hbm>> -> memref<1x8x16xf32, #tpu.memory_space<hbm>>
      %dma_wait3A_1255 = tpu.memref_squeeze %dma_wait3A_1254 : memref<1x8x16xf32, #tpu.memory_space<hbm>> -> memref<8x16xf32, #tpu.memory_space<hbm>>
      tpu.wait_dma2 semaphore(%arg18 : memref<!tpu.dma_semaphore, #tpu.memory_space<semaphore_mem>>) src(%dma_wait3A_1255 : memref<8x16xf32, #tpu.memory_space<hbm>>) dst(%dma_wait3A_1251 : memref<8x16xf32, #tpu.memory_space<vmem>>)
      %dma_wait3A_1256 = arith.constant 0 : i32
      %dma_wait3A_1257 = arith.constant 0 : i32
      %dma_wait3A_1258 = tpu.memref_slice %arg14[%rem3A_680, %dma_wait3A_1256, %dma_wait3A_1257] : memref<2x16x128xf32, #tpu.memory_space<vmem>> -> memref<1x16x128xf32, #tpu.memory_space<vmem>>
      %dma_wait3A_1259 = tpu.memref_squeeze %dma_wait3A_1258 : memref<1x16x128xf32, #tpu.memory_space<vmem>> -> memref<16x128xf32, #tpu.memory_space<vmem>>
      %dma_wait3A_1260 = arith.constant 0 : i32
      %dma_wait3A_1261 = arith.constant 0 : i32
      %dma_wait3A_1262 = tpu.memref_slice %arg6[%dma_wait3A_1260, %dma_wait3A_1261] : memref<7813x128xf32, #tpu.memory_space<hbm>> -> memref<7813x128xf32, #tpu.memory_space<hbm>>
      tpu.wait_indirect_dma semaphore(%arg18 : memref<!tpu.dma_semaphore, #tpu.memory_space<semaphore_mem>>) src(%dma_wait3A_1262 : memref<7813x128xf32, #tpu.memory_space<hbm>>) dst(%dma_wait3A_1259 : memref<16x128xf32, #tpu.memory_space<vmem>>)
      %dma_wait3A_1263 = arith.constant 0 : i32
      %dma_wait3A_1264 = arith.constant 0 : i32
      %dma_wait3A_1265 = tpu.memref_slice %arg15[%rem3A_680, %dma_wait3A_1263, %dma_wait3A_1264] : memref<2x16x128xf32, #tpu.memory_space<vmem>> -> memref<1x16x128xf32, #tpu.memory_space<vmem>>
      %dma_wait3A_1266 = tpu.memref_squeeze %dma_wait3A_1265 : memref<1x16x128xf32, #tpu.memory_space<vmem>> -> memref<16x128xf32, #tpu.memory_space<vmem>>
      %dma_wait3A_1267 = arith.constant 0 : i32
      %dma_wait3A_1268 = arith.constant 0 : i32
      %dma_wait3A_1269 = tpu.memref_slice %arg7[%dma_wait3A_1267, %dma_wait3A_1268] : memref<782x128xf32, #tpu.memory_space<hbm>> -> memref<782x128xf32, #tpu.memory_space<hbm>>
      tpu.wait_indirect_dma semaphore(%arg18 : memref<!tpu.dma_semaphore, #tpu.memory_space<semaphore_mem>>) src(%dma_wait3A_1269 : memref<782x128xf32, #tpu.memory_space<hbm>>) dst(%dma_wait3A_1266 : memref<16x128xf32, #tpu.memory_space<vmem>>)
      %add3A_1270 = arith.constant 1 : i32
      %add3A_1271 = arith.addi %scan3A_679, %add3A_1270 : i32
      %lt3A = arith.constant 32 : i32
      %lt3A_1272 = arith.cmpi slt, %add3A_1271, %lt3A : i32
      %convert_element_type3A = arith.extui %lt3A_1272 : i1 to i32
      %cond3A = arith.constant 0 : i32
      %cond3A_1273 = arith.cmpi ne, %convert_element_type3A, %cond3A : i32
      scf.if %cond3A_1273 {
        %add3A_1639 = arith.constant 1 : i32
        %add3A_1640 = arith.addi %scan3A_679, %add3A_1639 : i32
        %sub3A_1641 = arith.constant 1 : i32
        %sub3A_1642 = arith.subi %sub3A_1641, %rem3A_680 : i32
        %jit3A_1643 = arith.constant 8 : i32
        %div3A_1644 = arith.divsi %add3A_1640, %jit3A_1643 : i32
        %sign3A_1645 = arith.constant 0 : i32
        %sign3A_1646 = arith.cmpi sgt, %add3A_1640, %sign3A_1645 : i32
        %sign3A_1647 = arith.extui %sign3A_1646 : i1 to i32
        %sign3A_1648 = arith.constant 0 : i32
        %sign3A_1649 = arith.cmpi slt, %add3A_1640, %sign3A_1648 : i32
        %sign3A_1650 = arith.extui %sign3A_1649 : i1 to i32
        %sign3A_1651 = arith.subi %sign3A_1647, %sign3A_1650 : i32
        %sign3A_1652 = arith.constant 0 : i32
        %sign3A_1653 = arith.cmpi sgt, %jit3A_1643, %sign3A_1652 : i32
        %sign3A_1654 = arith.extui %sign3A_1653 : i1 to i32
        %sign3A_1655 = arith.constant 0 : i32
        %sign3A_1656 = arith.cmpi slt, %jit3A_1643, %sign3A_1655 : i32
        %sign3A_1657 = arith.extui %sign3A_1656 : i1 to i32
        %sign3A_1658 = arith.subi %sign3A_1654, %sign3A_1657 : i32
        %ne3A_1659 = arith.cmpi ne, %sign3A_1651, %sign3A_1658 : i32
        %rem3A_1660 = arith.remsi %add3A_1640, %jit3A_1643 : i32
        %ne3A_1661 = arith.constant 0 : i32
        %ne3A_1662 = arith.cmpi ne, %rem3A_1660, %ne3A_1661 : i32
        %and3A_1663 = arith.andi %ne3A_1659, %ne3A_1662 : i1
        %sub3A_1664 = arith.constant 1 : i32
        %sub3A_1665 = arith.subi %div3A_1644, %sub3A_1664 : i32
        %select_n3A_1666 = arith.select %and3A_1663, %sub3A_1665, %div3A_1644 : i32
        %jit3A_1667 = arith.constant 8 : i32
        %eq3A_1668 = arith.constant 0 : i32
        %eq3A_1669 = arith.cmpi eq, %jit3A_1667, %eq3A_1668 : i32
        %jit3A_1670 = arith.constant 1 : i32
        %select_n3A_1671 = arith.select %eq3A_1669, %jit3A_1670, %jit3A_1667 : i32
        %rem3A_1672 = arith.remsi %add3A_1640, %select_n3A_1671 : i32
        %ne3A_1673 = arith.constant 0 : i32
        %ne3A_1674 = arith.cmpi ne, %rem3A_1672, %ne3A_1673 : i32
        %lt3A_1675 = arith.constant 0 : i32
        %lt3A_1676 = arith.cmpi slt, %rem3A_1672, %lt3A_1675 : i32
        %lt3A_1677 = arith.constant 0 : i32
        %lt3A_1678 = arith.cmpi slt, %select_n3A_1671, %lt3A_1677 : i32
        %ne3A_1679 = arith.xori %lt3A_1676, %lt3A_1678 : i1
        %and3A_1680 = arith.andi %ne3A_1679, %ne3A_1674 : i1
        %add3A_1681 = arith.addi %rem3A_1672, %select_n3A_1671 : i32
        %select_n3A_1682 = arith.select %and3A_1680, %add3A_1681, %rem3A_1672 : i32
        %mul3A_1683 = arith.constant 16 : i32
        %mul3A_1684 = arith.muli %select_n3A_1682, %mul3A_1683 : i32
        %get3A_1685 = arith.index_cast %select_n3A_1666 : i32 to index
        %get3A_1686 = arith.index_cast %mul3A_1684 : i32 to index
        %get3A_1687 = tpu.vector_load %arg10[%get3A_1685, %get3A_1686] {strides = array<i32>} : memref<4x128xi32, #tpu.memory_space<vmem>>, vector<16xi32>,
        %jit3A_1688 = arith.constant 8 : i32
        %div3A_1689 = arith.divsi %add3A_1640, %jit3A_1688 : i32
        %sign3A_1690 = arith.constant 0 : i32
        %sign3A_1691 = arith.cmpi sgt, %add3A_1640, %sign3A_1690 : i32
        %sign3A_1692 = arith.extui %sign3A_1691 : i1 to i32
        %sign3A_1693 = arith.constant 0 : i32
        %sign3A_1694 = arith.cmpi slt, %add3A_1640, %sign3A_1693 : i32
        %sign3A_1695 = arith.extui %sign3A_1694 : i1 to i32
        %sign3A_1696 = arith.subi %sign3A_1692, %sign3A_1695 : i32
        %sign3A_1697 = arith.constant 0 : i32
        %sign3A_1698 = arith.cmpi sgt, %jit3A_1688, %sign3A_1697 : i32
        %sign3A_1699 = arith.extui %sign3A_1698 : i1 to i32
        %sign3A_1700 = arith.constant 0 : i32
        %sign3A_1701 = arith.cmpi slt, %jit3A_1688, %sign3A_1700 : i32
        %sign3A_1702 = arith.extui %sign3A_1701 : i1 to i32
        %sign3A_1703 = arith.subi %sign3A_1699, %sign3A_1702 : i32
        %ne3A_1704 = arith.cmpi ne, %sign3A_1696, %sign3A_1703 : i32
        %rem3A_1705 = arith.remsi %add3A_1640, %jit3A_1688 : i32
        %ne3A_1706 = arith.constant 0 : i32
        %ne3A_1707 = arith.cmpi ne, %rem3A_1705, %ne3A_1706 : i32
        %and3A_1708 = arith.andi %ne3A_1704, %ne3A_1707 : i1
        %sub3A_1709 = arith.constant 1 : i32
        %sub3A_1710 = arith.subi %div3A_1689, %sub3A_1709 : i32
        %select_n3A_1711 = arith.select %and3A_1708, %sub3A_1710, %div3A_1689 : i32
        %jit3A_1712 = arith.constant 8 : i32
        %eq3A_1713 = arith.constant 0 : i32
        %eq3A_1714 = arith.cmpi eq, %jit3A_1712, %eq3A_1713 : i32
        %jit3A_1715 = arith.constant 1 : i32
        %select_n3A_1716 = arith.select %eq3A_1714, %jit3A_1715, %jit3A_1712 : i32
        %rem3A_1717 = arith.remsi %add3A_1640, %select_n3A_1716 : i32
        %ne3A_1718 = arith.constant 0 : i32
        %ne3A_1719 = arith.cmpi ne, %rem3A_1717, %ne3A_1718 : i32
        %lt3A_1720 = arith.constant 0 : i32
        %lt3A_1721 = arith.cmpi slt, %rem3A_1717, %lt3A_1720 : i32
        %lt3A_1722 = arith.constant 0 : i32
        %lt3A_1723 = arith.cmpi slt, %select_n3A_1716, %lt3A_1722 : i32
        %ne3A_1724 = arith.xori %lt3A_1721, %lt3A_1723 : i1
        %and3A_1725 = arith.andi %ne3A_1724, %ne3A_1719 : i1
        %add3A_1726 = arith.addi %rem3A_1717, %select_n3A_1716 : i32
        %select_n3A_1727 = arith.select %and3A_1725, %add3A_1726, %rem3A_1717 : i32
        %mul3A_1728 = arith.constant 16 : i32
        %mul3A_1729 = arith.muli %select_n3A_1727, %mul3A_1728 : i32
        %get3A_1730 = arith.index_cast %select_n3A_1711 : i32 to index
        %get3A_1731 = arith.index_cast %mul3A_1729 : i32 to index
        %get3A_1732 = tpu.vector_load %arg11[%get3A_1730, %get3A_1731] {strides = array<i32>} : memref<4x128xi32, #tpu.memory_space<vmem>>, vector<16xi32>,
        %shift_right_arithmetic3A_1733 = arith.constant 3 : i32
        %shift_right_arithmetic3A_1734 = vector.broadcast %shift_right_arithmetic3A_1733 : i32 to vector<16xi32>
        %shift_right_arithmetic3A_1735 = arith.shrsi %get3A_1687, %shift_right_arithmetic3A_1734 : vector<16xi32>
        %shift_right_arithmetic3A_1736 = arith.constant 3 : i32
        %shift_right_arithmetic3A_1737 = vector.broadcast %shift_right_arithmetic3A_1736 : i32 to vector<16xi32>
        %shift_right_arithmetic3A_1738 = arith.shrsi %get3A_1732, %shift_right_arithmetic3A_1737 : vector<16xi32>
        %slice3A_1739 = vector.extract_strided_slice %shift_right_arithmetic3A_1735 {offsets = [0], sizes = [1], strides = [1]} : vector<16xi32> to vector<1xi32>
        %squeeze3A_1740 = vector.extract %slice3A_1739[0] : i32 from vector<1xi32>
        %dma_start3A_1741 = arith.constant 0 : i32
        %dma_start3A_1742 = arith.constant 0 : i32
        %dma_start3A_1743 = arith.constant 0 : i32
        %dma_start3A_1744 = tpu.memref_slice %arg12[%sub3A_1642, %dma_start3A_1741, %dma_start3A_1742, %dma_start3A_1743] : memref<2x16x8x16xf32, #tpu.memory_space<vmem>> -> memref<1x1x8x16xf32, #tpu.memory_space<vmem>>
        %dma_start3A_1745 = tpu.memref_squeeze %dma_start3A_1744 : memref<1x1x8x16xf32, #tpu.memory_space<vmem>> -> memref<8x16xf32, #tpu.memory_space<vmem>>
        %dma_start3A_1746 = arith.constant 0 : i32
        %dma_start3A_1747 = arith.constant 0 : i32
        %dma_start3A_1748 = tpu.memref_slice %arg4[%squeeze3A_1740, %dma_start3A_1746, %dma_start3A_1747] : memref<125000x8x16xf32, #tpu.memory_space<hbm>> -> memref<1x8x16xf32, #tpu.memory_space<hbm>>
        %dma_start3A_1749 = tpu.memref_squeeze %dma_start3A_1748 : memref<1x8x16xf32, #tpu.memory_space<hbm>> -> memref<8x16xf32, #tpu.memory_space<hbm>>
        %dma_start3A_1750 = arith.constant 0 : i32
        %dma_start3A_1751 = arith.constant 0 : i32
        %dma_start3A_1752 = tpu.memref_slice %arg12[%sub3A_1642, %dma_start3A_1741, %dma_start3A_1750, %dma_start3A_1751] : memref<2x16x8x16xf32, #tpu.memory_space<vmem>> -> memref<1x1x8x16xf32, #tpu.memory_space<vmem>>
        %dma_start3A_1753 = tpu.memref_squeeze %dma_start3A_1752 : memref<1x1x8x16xf32, #tpu.memory_space<vmem>> -> memref<8x16xf32, #tpu.memory_space<vmem>>
        %dma_start3A_1754 = arith.constant 0 : i32
        %dma_start3A_1755 = arith.constant 0 : i32
        %dma_start3A_1756 = tpu.memref_slice %arg4[%squeeze3A_1740, %dma_start3A_1754, %dma_start3A_1755] : memref<125000x8x16xf32, #tpu.memory_space<hbm>> -> memref<1x8x16xf32, #tpu.memory_space<hbm>>
        %dma_start3A_1757 = tpu.memref_squeeze %dma_start3A_1756 : memref<1x8x16xf32, #tpu.memory_space<hbm>> -> memref<8x16xf32, #tpu.memory_space<hbm>>
        tpu.enqueue_dma source(%dma_start3A_1757 : memref<8x16xf32, #tpu.memory_space<hbm>>) target(%dma_start3A_1753 : memref<8x16xf32, #tpu.memory_space<vmem>>) target_semaphore(%arg18 : memref<!tpu.dma_semaphore, #tpu.memory_space<semaphore_mem>>)
        %slice3A_1758 = vector.extract_strided_slice %shift_right_arithmetic3A_1738 {offsets = [0], sizes = [1], strides = [1]} : vector<16xi32> to vector<1xi32>
        %squeeze3A_1759 = vector.extract %slice3A_1758[0] : i32 from vector<1xi32>
        %dma_start3A_1760 = arith.constant 0 : i32
        %dma_start3A_1761 = arith.constant 0 : i32
        %dma_start3A_1762 = arith.constant 0 : i32
        %dma_start3A_1763 = tpu.memref_slice %arg13[%sub3A_1642, %dma_start3A_1760, %dma_start3A_1761, %dma_start3A_1762] : memref<2x16x8x16xf32, #tpu.memory_space<vmem>> -> memref<1x1x8x16xf32, #tpu.memory_space<vmem>>
        %dma_start3A_1764 = tpu.memref_squeeze %dma_start3A_1763 : memref<1x1x8x16xf32, #tpu.memory_space<vmem>> -> memref<8x16xf32, #tpu.memory_space<vmem>>
        %dma_start3A_1765 = arith.constant 0 : i32
        %dma_start3A_1766 = arith.constant 0 : i32
        %dma_start3A_1767 = tpu.memref_slice %arg5[%squeeze3A_1759, %dma_start3A_1765, %dma_start3A_1766] : memref<12500x8x16xf32, #tpu.memory_space<hbm>> -> memref<1x8x16xf32, #tpu.memory_space<hbm>>
        %dma_start3A_1768 = tpu.memref_squeeze %dma_start3A_1767 : memref<1x8x16xf32, #tpu.memory_space<hbm>> -> memref<8x16xf32, #tpu.memory_space<hbm>>
        %dma_start3A_1769 = arith.constant 0 : i32
        %dma_start3A_1770 = arith.constant 0 : i32
        %dma_start3A_1771 = tpu.memref_slice %arg13[%sub3A_1642, %dma_start3A_1760, %dma_start3A_1769, %dma_start3A_1770] : memref<2x16x8x16xf32, #tpu.memory_space<vmem>> -> memref<1x1x8x16xf32, #tpu.memory_space<vmem>>
        %dma_start3A_1772 = tpu.memref_squeeze %dma_start3A_1771 : memref<1x1x8x16xf32, #tpu.memory_space<vmem>> -> memref<8x16xf32, #tpu.memory_space<vmem>>
        %dma_start3A_1773 = arith.constant 0 : i32
        %dma_start3A_1774 = arith.constant 0 : i32
        %dma_start3A_1775 = tpu.memref_slice %arg5[%squeeze3A_1759, %dma_start3A_1773, %dma_start3A_1774] : memref<12500x8x16xf32, #tpu.memory_space<hbm>> -> memref<1x8x16xf32, #tpu.memory_space<hbm>>
        %dma_start3A_1776 = tpu.memref_squeeze %dma_start3A_1775 : memref<1x8x16xf32, #tpu.memory_space<hbm>> -> memref<8x16xf32, #tpu.memory_space<hbm>>
        tpu.enqueue_dma source(%dma_start3A_1776 : memref<8x16xf32, #tpu.memory_space<hbm>>) target(%dma_start3A_1772 : memref<8x16xf32, #tpu.memory_space<vmem>>) target_semaphore(%arg18 : memref<!tpu.dma_semaphore, #tpu.memory_space<semaphore_mem>>)
        %slice3A_1777 = vector.extract_strided_slice %shift_right_arithmetic3A_1735 {offsets = [1], sizes = [1], strides = [1]} : vector<16xi32> to vector<1xi32>
        %squeeze3A_1778 = vector.extract %slice3A_1777[0] : i32 from vector<1xi32>
        %dma_start3A_1779 = arith.constant 1 : i32
        %dma_start3A_1780 = arith.constant 0 : i32
        %dma_start3A_1781 = arith.constant 0 : i32
        %dma_start3A_1782 = tpu.memref_slice %arg12[%sub3A_1642, %dma_start3A_1779, %dma_start3A_1780, %dma_start3A_1781] : memref<2x16x8x16xf32, #tpu.memory_space<vmem>> -> memref<1x1x8x16xf32, #tpu.memory_space<vmem>>
        %dma_start3A_1783 = tpu.memref_squeeze %dma_start3A_1782 : memref<1x1x8x16xf32, #tpu.memory_space<vmem>> -> memref<8x16xf32, #tpu.memory_space<vmem>>
        %dma_start3A_1784 = arith.constant 0 : i32
        %dma_start3A_1785 = arith.constant 0 : i32
        %dma_start3A_1786 = tpu.memref_slice %arg4[%squeeze3A_1778, %dma_start3A_1784, %dma_start3A_1785] : memref<125000x8x16xf32, #tpu.memory_space<hbm>> -> memref<1x8x16xf32, #tpu.memory_space<hbm>>
        %dma_start3A_1787 = tpu.memref_squeeze %dma_start3A_1786 : memref<1x8x16xf32, #tpu.memory_space<hbm>> -> memref<8x16xf32, #tpu.memory_space<hbm>>
        %dma_start3A_1788 = arith.constant 0 : i32
        %dma_start3A_1789 = arith.constant 0 : i32
        %dma_start3A_1790 = tpu.memref_slice %arg12[%sub3A_1642, %dma_start3A_1779, %dma_start3A_1788, %dma_start3A_1789] : memref<2x16x8x16xf32, #tpu.memory_space<vmem>> -> memref<1x1x8x16xf32, #tpu.memory_space<vmem>>
        %dma_start3A_1791 = tpu.memref_squeeze %dma_start3A_1790 : memref<1x1x8x16xf32, #tpu.memory_space<vmem>> -> memref<8x16xf32, #tpu.memory_space<vmem>>
        %dma_start3A_1792 = arith.constant 0 : i32
        %dma_start3A_1793 = arith.constant 0 : i32
        %dma_start3A_1794 = tpu.memref_slice %arg4[%squeeze3A_1778, %dma_start3A_1792, %dma_start3A_1793] : memref<125000x8x16xf32, #tpu.memory_space<hbm>> -> memref<1x8x16xf32, #tpu.memory_space<hbm>>
        %dma_start3A_1795 = tpu.memref_squeeze %dma_start3A_1794 : memref<1x8x16xf32, #tpu.memory_space<hbm>> -> memref<8x16xf32, #tpu.memory_space<hbm>>
        tpu.enqueue_dma source(%dma_start3A_1795 : memref<8x16xf32, #tpu.memory_space<hbm>>) target(%dma_start3A_1791 : memref<8x16xf32, #tpu.memory_space<vmem>>) target_semaphore(%arg18 : memref<!tpu.dma_semaphore, #tpu.memory_space<semaphore_mem>>)
        %slice3A_1796 = vector.extract_strided_slice %shift_right_arithmetic3A_1738 {offsets = [1], sizes = [1], strides = [1]} : vector<16xi32> to vector<1xi32>
        %squeeze3A_1797 = vector.extract %slice3A_1796[0] : i32 from vector<1xi32>
        %dma_start3A_1798 = arith.constant 1 : i32
        %dma_start3A_1799 = arith.constant 0 : i32
        %dma_start3A_1800 = arith.constant 0 : i32
        %dma_start3A_1801 = tpu.memref_slice %arg13[%sub3A_1642, %dma_start3A_1798, %dma_start3A_1799, %dma_start3A_1800] : memref<2x16x8x16xf32, #tpu.memory_space<vmem>> -> memref<1x1x8x16xf32, #tpu.memory_space<vmem>>
        %dma_start3A_1802 = tpu.memref_squeeze %dma_start3A_1801 : memref<1x1x8x16xf32, #tpu.memory_space<vmem>> -> memref<8x16xf32, #tpu.memory_space<vmem>>
        %dma_start3A_1803 = arith.constant 0 : i32
        %dma_start3A_1804 = arith.constant 0 : i32
        %dma_start3A_1805 = tpu.memref_slice %arg5[%squeeze3A_1797, %dma_start3A_1803, %dma_start3A_1804] : memref<12500x8x16xf32, #tpu.memory_space<hbm>> -> memref<1x8x16xf32, #tpu.memory_space<hbm>>
        %dma_start3A_1806 = tpu.memref_squeeze %dma_start3A_1805 : memref<1x8x16xf32, #tpu.memory_space<hbm>> -> memref<8x16xf32, #tpu.memory_space<hbm>>
        %dma_start3A_1807 = arith.constant 0 : i32
        %dma_start3A_1808 = arith.constant 0 : i32
        %dma_start3A_1809 = tpu.memref_slice %arg13[%sub3A_1642, %dma_start3A_1798, %dma_start3A_1807, %dma_start3A_1808] : memref<2x16x8x16xf32, #tpu.memory_space<vmem>> -> memref<1x1x8x16xf32, #tpu.memory_space<vmem>>
        %dma_start3A_1810 = tpu.memref_squeeze %dma_start3A_1809 : memref<1x1x8x16xf32, #tpu.memory_space<vmem>> -> memref<8x16xf32, #tpu.memory_space<vmem>>
        %dma_start3A_1811 = arith.constant 0 : i32
        %dma_start3A_1812 = arith.constant 0 : i32
        %dma_start3A_1813 = tpu.memref_slice %arg5[%squeeze3A_1797, %dma_start3A_1811, %dma_start3A_1812] : memref<12500x8x16xf32, #tpu.memory_space<hbm>> -> memref<1x8x16xf32, #tpu.memory_space<hbm>>
        %dma_start3A_1814 = tpu.memref_squeeze %dma_start3A_1813 : memref<1x8x16xf32, #tpu.memory_space<hbm>> -> memref<8x16xf32, #tpu.memory_space<hbm>>
        tpu.enqueue_dma source(%dma_start3A_1814 : memref<8x16xf32, #tpu.memory_space<hbm>>) target(%dma_start3A_1810 : memref<8x16xf32, #tpu.memory_space<vmem>>) target_semaphore(%arg18 : memref<!tpu.dma_semaphore, #tpu.memory_space<semaphore_mem>>)
        %slice3A_1815 = vector.extract_strided_slice %shift_right_arithmetic3A_1735 {offsets = [2], sizes = [1], strides = [1]} : vector<16xi32> to vector<1xi32>
        %squeeze3A_1816 = vector.extract %slice3A_1815[0] : i32 from vector<1xi32>
        %dma_start3A_1817 = arith.constant 2 : i32
        %dma_start3A_1818 = arith.constant 0 : i32
        %dma_start3A_1819 = arith.constant 0 : i32
        %dma_start3A_1820 = tpu.memref_slice %arg12[%sub3A_1642, %dma_start3A_1817, %dma_start3A_1818, %dma_start3A_1819] : memref<2x16x8x16xf32, #tpu.memory_space<vmem>> -> memref<1x1x8x16xf32, #tpu.memory_space<vmem>>
        %dma_start3A_1821 = tpu.memref_squeeze %dma_start3A_1820 : memref<1x1x8x16xf32, #tpu.memory_space<vmem>> -> memref<8x16xf32, #tpu.memory_space<vmem>>
        %dma_start3A_1822 = arith.constant 0 : i32
        %dma_start3A_1823 = arith.constant 0 : i32
        %dma_start3A_1824 = tpu.memref_slice %arg4[%squeeze3A_1816, %dma_start3A_1822, %dma_start3A_1823] : memref<125000x8x16xf32, #tpu.memory_space<hbm>> -> memref<1x8x16xf32, #tpu.memory_space<hbm>>
        %dma_start3A_1825 = tpu.memref_squeeze %dma_start3A_1824 : memref<1x8x16xf32, #tpu.memory_space<hbm>> -> memref<8x16xf32, #tpu.memory_space<hbm>>
        %dma_start3A_1826 = arith.constant 0 : i32
        %dma_start3A_1827 = arith.constant 0 : i32
        %dma_start3A_1828 = tpu.memref_slice %arg12[%sub3A_1642, %dma_start3A_1817, %dma_start3A_1826, %dma_start3A_1827] : memref<2x16x8x16xf32, #tpu.memory_space<vmem>> -> memref<1x1x8x16xf32, #tpu.memory_space<vmem>>
        %dma_start3A_1829 = tpu.memref_squeeze %dma_start3A_1828 : memref<1x1x8x16xf32, #tpu.memory_space<vmem>> -> memref<8x16xf32, #tpu.memory_space<vmem>>
        %dma_start3A_1830 = arith.constant 0 : i32
        %dma_start3A_1831 = arith.constant 0 : i32
        %dma_start3A_1832 = tpu.memref_slice %arg4[%squeeze3A_1816, %dma_start3A_1830, %dma_start3A_1831] : memref<125000x8x16xf32, #tpu.memory_space<hbm>> -> memref<1x8x16xf32, #tpu.memory_space<hbm>>
        %dma_start3A_1833 = tpu.memref_squeeze %dma_start3A_1832 : memref<1x8x16xf32, #tpu.memory_space<hbm>> -> memref<8x16xf32, #tpu.memory_space<hbm>>
        tpu.enqueue_dma source(%dma_start3A_1833 : memref<8x16xf32, #tpu.memory_space<hbm>>) target(%dma_start3A_1829 : memref<8x16xf32, #tpu.memory_space<vmem>>) target_semaphore(%arg18 : memref<!tpu.dma_semaphore, #tpu.memory_space<semaphore_mem>>)
        %slice3A_1834 = vector.extract_strided_slice %shift_right_arithmetic3A_1738 {offsets = [2], sizes = [1], strides = [1]} : vector<16xi32> to vector<1xi32>
        %squeeze3A_1835 = vector.extract %slice3A_1834[0] : i32 from vector<1xi32>
        %dma_start3A_1836 = arith.constant 2 : i32
        %dma_start3A_1837 = arith.constant 0 : i32
        %dma_start3A_1838 = arith.constant 0 : i32
        %dma_start3A_1839 = tpu.memref_slice %arg13[%sub3A_1642, %dma_start3A_1836, %dma_start3A_1837, %dma_start3A_1838] : memref<2x16x8x16xf32, #tpu.memory_space<vmem>> -> memref<1x1x8x16xf32, #tpu.memory_space<vmem>>
        %dma_start3A_1840 = tpu.memref_squeeze %dma_start3A_1839 : memref<1x1x8x16xf32, #tpu.memory_space<vmem>> -> memref<8x16xf32, #tpu.memory_space<vmem>>
        %dma_start3A_1841 = arith.constant 0 : i32
        %dma_start3A_1842 = arith.constant 0 : i32
        %dma_start3A_1843 = tpu.memref_slice %arg5[%squeeze3A_1835, %dma_start3A_1841, %dma_start3A_1842] : memref<12500x8x16xf32, #tpu.memory_space<hbm>> -> memref<1x8x16xf32, #tpu.memory_space<hbm>>
        %dma_start3A_1844 = tpu.memref_squeeze %dma_start3A_1843 : memref<1x8x16xf32, #tpu.memory_space<hbm>> -> memref<8x16xf32, #tpu.memory_space<hbm>>
        %dma_start3A_1845 = arith.constant 0 : i32
        %dma_start3A_1846 = arith.constant 0 : i32
        %dma_start3A_1847 = tpu.memref_slice %arg13[%sub3A_1642, %dma_start3A_1836, %dma_start3A_1845, %dma_start3A_1846] : memref<2x16x8x16xf32, #tpu.memory_space<vmem>> -> memref<1x1x8x16xf32, #tpu.memory_space<vmem>>
        %dma_start3A_1848 = tpu.memref_squeeze %dma_start3A_1847 : memref<1x1x8x16xf32, #tpu.memory_space<vmem>> -> memref<8x16xf32, #tpu.memory_space<vmem>>
        %dma_start3A_1849 = arith.constant 0 : i32
        %dma_start3A_1850 = arith.constant 0 : i32
        %dma_start3A_1851 = tpu.memref_slice %arg5[%squeeze3A_1835, %dma_start3A_1849, %dma_start3A_1850] : memref<12500x8x16xf32, #tpu.memory_space<hbm>> -> memref<1x8x16xf32, #tpu.memory_space<hbm>>
        %dma_start3A_1852 = tpu.memref_squeeze %dma_start3A_1851 : memref<1x8x16xf32, #tpu.memory_space<hbm>> -> memref<8x16xf32, #tpu.memory_space<hbm>>
        tpu.enqueue_dma source(%dma_start3A_1852 : memref<8x16xf32, #tpu.memory_space<hbm>>) target(%dma_start3A_1848 : memref<8x16xf32, #tpu.memory_space<vmem>>) target_semaphore(%arg18 : memref<!tpu.dma_semaphore, #tpu.memory_space<semaphore_mem>>)
        %slice3A_1853 = vector.extract_strided_slice %shift_right_arithmetic3A_1735 {offsets = [3], sizes = [1], strides = [1]} : vector<16xi32> to vector<1xi32>
        %squeeze3A_1854 = vector.extract %slice3A_1853[0] : i32 from vector<1xi32>
        %dma_start3A_1855 = arith.constant 3 : i32
        %dma_start3A_1856 = arith.constant 0 : i32
        %dma_start3A_1857 = arith.constant 0 : i32
        %dma_start3A_1858 = tpu.memref_slice %arg12[%sub3A_1642, %dma_start3A_1855, %dma_start3A_1856, %dma_start3A_1857] : memref<2x16x8x16xf32, #tpu.memory_space<vmem>> -> memref<1x1x8x16xf32, #tpu.memory_space<vmem>>
        %dma_start3A_1859 = tpu.memref_squeeze %dma_start3A_1858 : memref<1x1x8x16xf32, #tpu.memory_space<vmem>> -> memref<8x16xf32, #tpu.memory_space<vmem>>
        %dma_start3A_1860 = arith.constant 0 : i32
        %dma_start3A_1861 = arith.constant 0 : i32
        %dma_start3A_1862 = tpu.memref_slice %arg4[%squeeze3A_1854, %dma_start3A_1860, %dma_start3A_1861] : memref<125000x8x16xf32, #tpu.memory_space<hbm>> -> memref<1x8x16xf32, #tpu.memory_space<hbm>>
        %dma_start3A_1863 = tpu.memref_squeeze %dma_start3A_1862 : memref<1x8x16xf32, #tpu.memory_space<hbm>> -> memref<8x16xf32, #tpu.memory_space<hbm>>
        %dma_start3A_1864 = arith.constant 0 : i32
        %dma_start3A_1865 = arith.constant 0 : i32
        %dma_start3A_1866 = tpu.memref_slice %arg12[%sub3A_1642, %dma_start3A_1855, %dma_start3A_1864, %dma_start3A_1865] : memref<2x16x8x16xf32, #tpu.memory_space<vmem>> -> memref<1x1x8x16xf32, #tpu.memory_space<vmem>>
        %dma_start3A_1867 = tpu.memref_squeeze %dma_start3A_1866 : memref<1x1x8x16xf32, #tpu.memory_space<vmem>> -> memref<8x16xf32, #tpu.memory_space<vmem>>
        %dma_start3A_1868 = arith.constant 0 : i32
        %dma_start3A_1869 = arith.constant 0 : i32
        %dma_start3A_1870 = tpu.memref_slice %arg4[%squeeze3A_1854, %dma_start3A_1868, %dma_start3A_1869] : memref<125000x8x16xf32, #tpu.memory_space<hbm>> -> memref<1x8x16xf32, #tpu.memory_space<hbm>>
        %dma_start3A_1871 = tpu.memref_squeeze %dma_start3A_1870 : memref<1x8x16xf32, #tpu.memory_space<hbm>> -> memref<8x16xf32, #tpu.memory_space<hbm>>
        tpu.enqueue_dma source(%dma_start3A_1871 : memref<8x16xf32, #tpu.memory_space<hbm>>) target(%dma_start3A_1867 : memref<8x16xf32, #tpu.memory_space<vmem>>) target_semaphore(%arg18 : memref<!tpu.dma_semaphore, #tpu.memory_space<semaphore_mem>>)
        %slice3A_1872 = vector.extract_strided_slice %shift_right_arithmetic3A_1738 {offsets = [3], sizes = [1], strides = [1]} : vector<16xi32> to vector<1xi32>
        %squeeze3A_1873 = vector.extract %slice3A_1872[0] : i32 from vector<1xi32>
        %dma_start3A_1874 = arith.constant 3 : i32
        %dma_start3A_1875 = arith.constant 0 : i32
        %dma_start3A_1876 = arith.constant 0 : i32
        %dma_start3A_1877 = tpu.memref_slice %arg13[%sub3A_1642, %dma_start3A_1874, %dma_start3A_1875, %dma_start3A_1876] : memref<2x16x8x16xf32, #tpu.memory_space<vmem>> -> memref<1x1x8x16xf32, #tpu.memory_space<vmem>>
        %dma_start3A_1878 = tpu.memref_squeeze %dma_start3A_1877 : memref<1x1x8x16xf32, #tpu.memory_space<vmem>> -> memref<8x16xf32, #tpu.memory_space<vmem>>
        %dma_start3A_1879 = arith.constant 0 : i32
        %dma_start3A_1880 = arith.constant 0 : i32
        %dma_start3A_1881 = tpu.memref_slice %arg5[%squeeze3A_1873, %dma_start3A_1879, %dma_start3A_1880] : memref<12500x8x16xf32, #tpu.memory_space<hbm>> -> memref<1x8x16xf32, #tpu.memory_space<hbm>>
        %dma_start3A_1882 = tpu.memref_squeeze %dma_start3A_1881 : memref<1x8x16xf32, #tpu.memory_space<hbm>> -> memref<8x16xf32, #tpu.memory_space<hbm>>
        %dma_start3A_1883 = arith.constant 0 : i32
        %dma_start3A_1884 = arith.constant 0 : i32
        %dma_start3A_1885 = tpu.memref_slice %arg13[%sub3A_1642, %dma_start3A_1874, %dma_start3A_1883, %dma_start3A_1884] : memref<2x16x8x16xf32, #tpu.memory_space<vmem>> -> memref<1x1x8x16xf32, #tpu.memory_space<vmem>>
        %dma_start3A_1886 = tpu.memref_squeeze %dma_start3A_1885 : memref<1x1x8x16xf32, #tpu.memory_space<vmem>> -> memref<8x16xf32, #tpu.memory_space<vmem>>
        %dma_start3A_1887 = arith.constant 0 : i32
        %dma_start3A_1888 = arith.constant 0 : i32
        %dma_start3A_1889 = tpu.memref_slice %arg5[%squeeze3A_1873, %dma_start3A_1887, %dma_start3A_1888] : memref<12500x8x16xf32, #tpu.memory_space<hbm>> -> memref<1x8x16xf32, #tpu.memory_space<hbm>>
        %dma_start3A_1890 = tpu.memref_squeeze %dma_start3A_1889 : memref<1x8x16xf32, #tpu.memory_space<hbm>> -> memref<8x16xf32, #tpu.memory_space<hbm>>
        tpu.enqueue_dma source(%dma_start3A_1890 : memref<8x16xf32, #tpu.memory_space<hbm>>) target(%dma_start3A_1886 : memref<8x16xf32, #tpu.memory_space<vmem>>) target_semaphore(%arg18 : memref<!tpu.dma_semaphore, #tpu.memory_space<semaphore_mem>>)
        %slice3A_1891 = vector.extract_strided_slice %shift_right_arithmetic3A_1735 {offsets = [4], sizes = [1], strides = [1]} : vector<16xi32> to vector<1xi32>
        %squeeze3A_1892 = vector.extract %slice3A_1891[0] : i32 from vector<1xi32>
        %dma_start3A_1893 = arith.constant 4 : i32
        %dma_start3A_1894 = arith.constant 0 : i32
        %dma_start3A_1895 = arith.constant 0 : i32
        %dma_start3A_1896 = tpu.memref_slice %arg12[%sub3A_1642, %dma_start3A_1893, %dma_start3A_1894, %dma_start3A_1895] : memref<2x16x8x16xf32, #tpu.memory_space<vmem>> -> memref<1x1x8x16xf32, #tpu.memory_space<vmem>>
        %dma_start3A_1897 = tpu.memref_squeeze %dma_start3A_1896 : memref<1x1x8x16xf32, #tpu.memory_space<vmem>> -> memref<8x16xf32, #tpu.memory_space<vmem>>
        %dma_start3A_1898 = arith.constant 0 : i32
        %dma_start3A_1899 = arith.constant 0 : i32
        %dma_start3A_1900 = tpu.memref_slice %arg4[%squeeze3A_1892, %dma_start3A_1898, %dma_start3A_1899] : memref<125000x8x16xf32, #tpu.memory_space<hbm>> -> memref<1x8x16xf32, #tpu.memory_space<hbm>>
        %dma_start3A_1901 = tpu.memref_squeeze %dma_start3A_1900 : memref<1x8x16xf32, #tpu.memory_space<hbm>> -> memref<8x16xf32, #tpu.memory_space<hbm>>
        %dma_start3A_1902 = arith.constant 0 : i32
        %dma_start3A_1903 = arith.constant 0 : i32
        %dma_start3A_1904 = tpu.memref_slice %arg12[%sub3A_1642, %dma_start3A_1893, %dma_start3A_1902, %dma_start3A_1903] : memref<2x16x8x16xf32, #tpu.memory_space<vmem>> -> memref<1x1x8x16xf32, #tpu.memory_space<vmem>>
        %dma_start3A_1905 = tpu.memref_squeeze %dma_start3A_1904 : memref<1x1x8x16xf32, #tpu.memory_space<vmem>> -> memref<8x16xf32, #tpu.memory_space<vmem>>
        %dma_start3A_1906 = arith.constant 0 : i32
        %dma_start3A_1907 = arith.constant 0 : i32
        %dma_start3A_1908 = tpu.memref_slice %arg4[%squeeze3A_1892, %dma_start3A_1906, %dma_start3A_1907] : memref<125000x8x16xf32, #tpu.memory_space<hbm>> -> memref<1x8x16xf32, #tpu.memory_space<hbm>>
        %dma_start3A_1909 = tpu.memref_squeeze %dma_start3A_1908 : memref<1x8x16xf32, #tpu.memory_space<hbm>> -> memref<8x16xf32, #tpu.memory_space<hbm>>
        tpu.enqueue_dma source(%dma_start3A_1909 : memref<8x16xf32, #tpu.memory_space<hbm>>) target(%dma_start3A_1905 : memref<8x16xf32, #tpu.memory_space<vmem>>) target_semaphore(%arg18 : memref<!tpu.dma_semaphore, #tpu.memory_space<semaphore_mem>>)
        %slice3A_1910 = vector.extract_strided_slice %shift_right_arithmetic3A_1738 {offsets = [4], sizes = [1], strides = [1]} : vector<16xi32> to vector<1xi32>
        %squeeze3A_1911 = vector.extract %slice3A_1910[0] : i32 from vector<1xi32>
        %dma_start3A_1912 = arith.constant 4 : i32
        %dma_start3A_1913 = arith.constant 0 : i32
        %dma_start3A_1914 = arith.constant 0 : i32
        %dma_start3A_1915 = tpu.memref_slice %arg13[%sub3A_1642, %dma_start3A_1912, %dma_start3A_1913, %dma_start3A_1914] : memref<2x16x8x16xf32, #tpu.memory_space<vmem>> -> memref<1x1x8x16xf32, #tpu.memory_space<vmem>>
        %dma_start3A_1916 = tpu.memref_squeeze %dma_start3A_1915 : memref<1x1x8x16xf32, #tpu.memory_space<vmem>> -> memref<8x16xf32, #tpu.memory_space<vmem>>
        %dma_start3A_1917 = arith.constant 0 : i32
        %dma_start3A_1918 = arith.constant 0 : i32
        %dma_start3A_1919 = tpu.memref_slice %arg5[%squeeze3A_1911, %dma_start3A_1917, %dma_start3A_1918] : memref<12500x8x16xf32, #tpu.memory_space<hbm>> -> memref<1x8x16xf32, #tpu.memory_space<hbm>>
        %dma_start3A_1920 = tpu.memref_squeeze %dma_start3A_1919 : memref<1x8x16xf32, #tpu.memory_space<hbm>> -> memref<8x16xf32, #tpu.memory_space<hbm>>
        %dma_start3A_1921 = arith.constant 0 : i32
        %dma_start3A_1922 = arith.constant 0 : i32
        %dma_start3A_1923 = tpu.memref_slice %arg13[%sub3A_1642, %dma_start3A_1912, %dma_start3A_1921, %dma_start3A_1922] : memref<2x16x8x16xf32, #tpu.memory_space<vmem>> -> memref<1x1x8x16xf32, #tpu.memory_space<vmem>>
        %dma_start3A_1924 = tpu.memref_squeeze %dma_start3A_1923 : memref<1x1x8x16xf32, #tpu.memory_space<vmem>> -> memref<8x16xf32, #tpu.memory_space<vmem>>
        %dma_start3A_1925 = arith.constant 0 : i32
        %dma_start3A_1926 = arith.constant 0 : i32
        %dma_start3A_1927 = tpu.memref_slice %arg5[%squeeze3A_1911, %dma_start3A_1925, %dma_start3A_1926] : memref<12500x8x16xf32, #tpu.memory_space<hbm>> -> memref<1x8x16xf32, #tpu.memory_space<hbm>>
        %dma_start3A_1928 = tpu.memref_squeeze %dma_start3A_1927 : memref<1x8x16xf32, #tpu.memory_space<hbm>> -> memref<8x16xf32, #tpu.memory_space<hbm>>
        tpu.enqueue_dma source(%dma_start3A_1928 : memref<8x16xf32, #tpu.memory_space<hbm>>) target(%dma_start3A_1924 : memref<8x16xf32, #tpu.memory_space<vmem>>) target_semaphore(%arg18 : memref<!tpu.dma_semaphore, #tpu.memory_space<semaphore_mem>>)
        %slice3A_1929 = vector.extract_strided_slice %shift_right_arithmetic3A_1735 {offsets = [5], sizes = [1], strides = [1]} : vector<16xi32> to vector<1xi32>
        %squeeze3A_1930 = vector.extract %slice3A_1929[0] : i32 from vector<1xi32>
        %dma_start3A_1931 = arith.constant 5 : i32
        %dma_start3A_1932 = arith.constant 0 : i32
        %dma_start3A_1933 = arith.constant 0 : i32
        %dma_start3A_1934 = tpu.memref_slice %arg12[%sub3A_1642, %dma_start3A_1931, %dma_start3A_1932, %dma_start3A_1933] : memref<2x16x8x16xf32, #tpu.memory_space<vmem>> -> memref<1x1x8x16xf32, #tpu.memory_space<vmem>>
        %dma_start3A_1935 = tpu.memref_squeeze %dma_start3A_1934 : memref<1x1x8x16xf32, #tpu.memory_space<vmem>> -> memref<8x16xf32, #tpu.memory_space<vmem>>
        %dma_start3A_1936 = arith.constant 0 : i32
        %dma_start3A_1937 = arith.constant 0 : i32
        %dma_start3A_1938 = tpu.memref_slice %arg4[%squeeze3A_1930, %dma_start3A_1936, %dma_start3A_1937] : memref<125000x8x16xf32, #tpu.memory_space<hbm>> -> memref<1x8x16xf32, #tpu.memory_space<hbm>>
        %dma_start3A_1939 = tpu.memref_squeeze %dma_start3A_1938 : memref<1x8x16xf32, #tpu.memory_space<hbm>> -> memref<8x16xf32, #tpu.memory_space<hbm>>
        %dma_start3A_1940 = arith.constant 0 : i32
        %dma_start3A_1941 = arith.constant 0 : i32
        %dma_start3A_1942 = tpu.memref_slice %arg12[%sub3A_1642, %dma_start3A_1931, %dma_start3A_1940, %dma_start3A_1941] : memref<2x16x8x16xf32, #tpu.memory_space<vmem>> -> memref<1x1x8x16xf32, #tpu.memory_space<vmem>>
        %dma_start3A_1943 = tpu.memref_squeeze %dma_start3A_1942 : memref<1x1x8x16xf32, #tpu.memory_space<vmem>> -> memref<8x16xf32, #tpu.memory_space<vmem>>
        %dma_start3A_1944 = arith.constant 0 : i32
        %dma_start3A_1945 = arith.constant 0 : i32
        %dma_start3A_1946 = tpu.memref_slice %arg4[%squeeze3A_1930, %dma_start3A_1944, %dma_start3A_1945] : memref<125000x8x16xf32, #tpu.memory_space<hbm>> -> memref<1x8x16xf32, #tpu.memory_space<hbm>>
        %dma_start3A_1947 = tpu.memref_squeeze %dma_start3A_1946 : memref<1x8x16xf32, #tpu.memory_space<hbm>> -> memref<8x16xf32, #tpu.memory_space<hbm>>
        tpu.enqueue_dma source(%dma_start3A_1947 : memref<8x16xf32, #tpu.memory_space<hbm>>) target(%dma_start3A_1943 : memref<8x16xf32, #tpu.memory_space<vmem>>) target_semaphore(%arg18 : memref<!tpu.dma_semaphore, #tpu.memory_space<semaphore_mem>>)
        %slice3A_1948 = vector.extract_strided_slice %shift_right_arithmetic3A_1738 {offsets = [5], sizes = [1], strides = [1]} : vector<16xi32> to vector<1xi32>
        %squeeze3A_1949 = vector.extract %slice3A_1948[0] : i32 from vector<1xi32>
        %dma_start3A_1950 = arith.constant 5 : i32
        %dma_start3A_1951 = arith.constant 0 : i32
        %dma_start3A_1952 = arith.constant 0 : i32
        %dma_start3A_1953 = tpu.memref_slice %arg13[%sub3A_1642, %dma_start3A_1950, %dma_start3A_1951, %dma_start3A_1952] : memref<2x16x8x16xf32, #tpu.memory_space<vmem>> -> memref<1x1x8x16xf32, #tpu.memory_space<vmem>>
        %dma_start3A_1954 = tpu.memref_squeeze %dma_start3A_1953 : memref<1x1x8x16xf32, #tpu.memory_space<vmem>> -> memref<8x16xf32, #tpu.memory_space<vmem>>
        %dma_start3A_1955 = arith.constant 0 : i32
        %dma_start3A_1956 = arith.constant 0 : i32
        %dma_start3A_1957 = tpu.memref_slice %arg5[%squeeze3A_1949, %dma_start3A_1955, %dma_start3A_1956] : memref<12500x8x16xf32, #tpu.memory_space<hbm>> -> memref<1x8x16xf32, #tpu.memory_space<hbm>>
        %dma_start3A_1958 = tpu.memref_squeeze %dma_start3A_1957 : memref<1x8x16xf32, #tpu.memory_space<hbm>> -> memref<8x16xf32, #tpu.memory_space<hbm>>
        %dma_start3A_1959 = arith.constant 0 : i32
        %dma_start3A_1960 = arith.constant 0 : i32
        %dma_start3A_1961 = tpu.memref_slice %arg13[%sub3A_1642, %dma_start3A_1950, %dma_start3A_1959, %dma_start3A_1960] : memref<2x16x8x16xf32, #tpu.memory_space<vmem>> -> memref<1x1x8x16xf32, #tpu.memory_space<vmem>>
        %dma_start3A_1962 = tpu.memref_squeeze %dma_start3A_1961 : memref<1x1x8x16xf32, #tpu.memory_space<vmem>> -> memref<8x16xf32, #tpu.memory_space<vmem>>
        %dma_start3A_1963 = arith.constant 0 : i32
        %dma_start3A_1964 = arith.constant 0 : i32
        %dma_start3A_1965 = tpu.memref_slice %arg5[%squeeze3A_1949, %dma_start3A_1963, %dma_start3A_1964] : memref<12500x8x16xf32, #tpu.memory_space<hbm>> -> memref<1x8x16xf32, #tpu.memory_space<hbm>>
        %dma_start3A_1966 = tpu.memref_squeeze %dma_start3A_1965 : memref<1x8x16xf32, #tpu.memory_space<hbm>> -> memref<8x16xf32, #tpu.memory_space<hbm>>
        tpu.enqueue_dma source(%dma_start3A_1966 : memref<8x16xf32, #tpu.memory_space<hbm>>) target(%dma_start3A_1962 : memref<8x16xf32, #tpu.memory_space<vmem>>) target_semaphore(%arg18 : memref<!tpu.dma_semaphore, #tpu.memory_space<semaphore_mem>>)
        %slice3A_1967 = vector.extract_strided_slice %shift_right_arithmetic3A_1735 {offsets = [6], sizes = [1], strides = [1]} : vector<16xi32> to vector<1xi32>
        %squeeze3A_1968 = vector.extract %slice3A_1967[0] : i32 from vector<1xi32>
        %dma_start3A_1969 = arith.constant 6 : i32
        %dma_start3A_1970 = arith.constant 0 : i32
        %dma_start3A_1971 = arith.constant 0 : i32
        %dma_start3A_1972 = tpu.memref_slice %arg12[%sub3A_1642, %dma_start3A_1969, %dma_start3A_1970, %dma_start3A_1971] : memref<2x16x8x16xf32, #tpu.memory_space<vmem>> -> memref<1x1x8x16xf32, #tpu.memory_space<vmem>>
        %dma_start3A_1973 = tpu.memref_squeeze %dma_start3A_1972 : memref<1x1x8x16xf32, #tpu.memory_space<vmem>> -> memref<8x16xf32, #tpu.memory_space<vmem>>
        %dma_start3A_1974 = arith.constant 0 : i32
        %dma_start3A_1975 = arith.constant 0 : i32
        %dma_start3A_1976 = tpu.memref_slice %arg4[%squeeze3A_1968, %dma_start3A_1974, %dma_start3A_1975] : memref<125000x8x16xf32, #tpu.memory_space<hbm>> -> memref<1x8x16xf32, #tpu.memory_space<hbm>>
        %dma_start3A_1977 = tpu.memref_squeeze %dma_start3A_1976 : memref<1x8x16xf32, #tpu.memory_space<hbm>> -> memref<8x16xf32, #tpu.memory_space<hbm>>
        %dma_start3A_1978 = arith.constant 0 : i32
        %dma_start3A_1979 = arith.constant 0 : i32
        %dma_start3A_1980 = tpu.memref_slice %arg12[%sub3A_1642, %dma_start3A_1969, %dma_start3A_1978, %dma_start3A_1979] : memref<2x16x8x16xf32, #tpu.memory_space<vmem>> -> memref<1x1x8x16xf32, #tpu.memory_space<vmem>>
        %dma_start3A_1981 = tpu.memref_squeeze %dma_start3A_1980 : memref<1x1x8x16xf32, #tpu.memory_space<vmem>> -> memref<8x16xf32, #tpu.memory_space<vmem>>
        %dma_start3A_1982 = arith.constant 0 : i32
        %dma_start3A_1983 = arith.constant 0 : i32
        %dma_start3A_1984 = tpu.memref_slice %arg4[%squeeze3A_1968, %dma_start3A_1982, %dma_start3A_1983] : memref<125000x8x16xf32, #tpu.memory_space<hbm>> -> memref<1x8x16xf32, #tpu.memory_space<hbm>>
        %dma_start3A_1985 = tpu.memref_squeeze %dma_start3A_1984 : memref<1x8x16xf32, #tpu.memory_space<hbm>> -> memref<8x16xf32, #tpu.memory_space<hbm>>
        tpu.enqueue_dma source(%dma_start3A_1985 : memref<8x16xf32, #tpu.memory_space<hbm>>) target(%dma_start3A_1981 : memref<8x16xf32, #tpu.memory_space<vmem>>) target_semaphore(%arg18 : memref<!tpu.dma_semaphore, #tpu.memory_space<semaphore_mem>>)
        %slice3A_1986 = vector.extract_strided_slice %shift_right_arithmetic3A_1738 {offsets = [6], sizes = [1], strides = [1]} : vector<16xi32> to vector<1xi32>
        %squeeze3A_1987 = vector.extract %slice3A_1986[0] : i32 from vector<1xi32>
        %dma_start3A_1988 = arith.constant 6 : i32
        %dma_start3A_1989 = arith.constant 0 : i32
        %dma_start3A_1990 = arith.constant 0 : i32
        %dma_start3A_1991 = tpu.memref_slice %arg13[%sub3A_1642, %dma_start3A_1988, %dma_start3A_1989, %dma_start3A_1990] : memref<2x16x8x16xf32, #tpu.memory_space<vmem>> -> memref<1x1x8x16xf32, #tpu.memory_space<vmem>>
        %dma_start3A_1992 = tpu.memref_squeeze %dma_start3A_1991 : memref<1x1x8x16xf32, #tpu.memory_space<vmem>> -> memref<8x16xf32, #tpu.memory_space<vmem>>
        %dma_start3A_1993 = arith.constant 0 : i32
        %dma_start3A_1994 = arith.constant 0 : i32
        %dma_start3A_1995 = tpu.memref_slice %arg5[%squeeze3A_1987, %dma_start3A_1993, %dma_start3A_1994] : memref<12500x8x16xf32, #tpu.memory_space<hbm>> -> memref<1x8x16xf32, #tpu.memory_space<hbm>>
        %dma_start3A_1996 = tpu.memref_squeeze %dma_start3A_1995 : memref<1x8x16xf32, #tpu.memory_space<hbm>> -> memref<8x16xf32, #tpu.memory_space<hbm>>
        %dma_start3A_1997 = arith.constant 0 : i32
        %dma_start3A_1998 = arith.constant 0 : i32
        %dma_start3A_1999 = tpu.memref_slice %arg13[%sub3A_1642, %dma_start3A_1988, %dma_start3A_1997, %dma_start3A_1998] : memref<2x16x8x16xf32, #tpu.memory_space<vmem>> -> memref<1x1x8x16xf32, #tpu.memory_space<vmem>>
        %dma_start3A_2000 = tpu.memref_squeeze %dma_start3A_1999 : memref<1x1x8x16xf32, #tpu.memory_space<vmem>> -> memref<8x16xf32, #tpu.memory_space<vmem>>
        %dma_start3A_2001 = arith.constant 0 : i32
        %dma_start3A_2002 = arith.constant 0 : i32
        %dma_start3A_2003 = tpu.memref_slice %arg5[%squeeze3A_1987, %dma_start3A_2001, %dma_start3A_2002] : memref<12500x8x16xf32, #tpu.memory_space<hbm>> -> memref<1x8x16xf32, #tpu.memory_space<hbm>>
        %dma_start3A_2004 = tpu.memref_squeeze %dma_start3A_2003 : memref<1x8x16xf32, #tpu.memory_space<hbm>> -> memref<8x16xf32, #tpu.memory_space<hbm>>
        tpu.enqueue_dma source(%dma_start3A_2004 : memref<8x16xf32, #tpu.memory_space<hbm>>) target(%dma_start3A_2000 : memref<8x16xf32, #tpu.memory_space<vmem>>) target_semaphore(%arg18 : memref<!tpu.dma_semaphore, #tpu.memory_space<semaphore_mem>>)
        %slice3A_2005 = vector.extract_strided_slice %shift_right_arithmetic3A_1735 {offsets = [7], sizes = [1], strides = [1]} : vector<16xi32> to vector<1xi32>
        %squeeze3A_2006 = vector.extract %slice3A_2005[0] : i32 from vector<1xi32>
        %dma_start3A_2007 = arith.constant 7 : i32
        %dma_start3A_2008 = arith.constant 0 : i32
        %dma_start3A_2009 = arith.constant 0 : i32
        %dma_start3A_2010 = tpu.memref_slice %arg12[%sub3A_1642, %dma_start3A_2007, %dma_start3A_2008, %dma_start3A_2009] : memref<2x16x8x16xf32, #tpu.memory_space<vmem>> -> memref<1x1x8x16xf32, #tpu.memory_space<vmem>>
        %dma_start3A_2011 = tpu.memref_squeeze %dma_start3A_2010 : memref<1x1x8x16xf32, #tpu.memory_space<vmem>> -> memref<8x16xf32, #tpu.memory_space<vmem>>
        %dma_start3A_2012 = arith.constant 0 : i32
        %dma_start3A_2013 = arith.constant 0 : i32
        %dma_start3A_2014 = tpu.memref_slice %arg4[%squeeze3A_2006, %dma_start3A_2012, %dma_start3A_2013] : memref<125000x8x16xf32, #tpu.memory_space<hbm>> -> memref<1x8x16xf32, #tpu.memory_space<hbm>>
        %dma_start3A_2015 = tpu.memref_squeeze %dma_start3A_2014 : memref<1x8x16xf32, #tpu.memory_space<hbm>> -> memref<8x16xf32, #tpu.memory_space<hbm>>
        %dma_start3A_2016 = arith.constant 0 : i32
        %dma_start3A_2017 = arith.constant 0 : i32
        %dma_start3A_2018 = tpu.memref_slice %arg12[%sub3A_1642, %dma_start3A_2007, %dma_start3A_2016, %dma_start3A_2017] : memref<2x16x8x16xf32, #tpu.memory_space<vmem>> -> memref<1x1x8x16xf32, #tpu.memory_space<vmem>>
        %dma_start3A_2019 = tpu.memref_squeeze %dma_start3A_2018 : memref<1x1x8x16xf32, #tpu.memory_space<vmem>> -> memref<8x16xf32, #tpu.memory_space<vmem>>
        %dma_start3A_2020 = arith.constant 0 : i32
        %dma_start3A_2021 = arith.constant 0 : i32
        %dma_start3A_2022 = tpu.memref_slice %arg4[%squeeze3A_2006, %dma_start3A_2020, %dma_start3A_2021] : memref<125000x8x16xf32, #tpu.memory_space<hbm>> -> memref<1x8x16xf32, #tpu.memory_space<hbm>>
        %dma_start3A_2023 = tpu.memref_squeeze %dma_start3A_2022 : memref<1x8x16xf32, #tpu.memory_space<hbm>> -> memref<8x16xf32, #tpu.memory_space<hbm>>
        tpu.enqueue_dma source(%dma_start3A_2023 : memref<8x16xf32, #tpu.memory_space<hbm>>) target(%dma_start3A_2019 : memref<8x16xf32, #tpu.memory_space<vmem>>) target_semaphore(%arg18 : memref<!tpu.dma_semaphore, #tpu.memory_space<semaphore_mem>>)
        %slice3A_2024 = vector.extract_strided_slice %shift_right_arithmetic3A_1738 {offsets = [7], sizes = [1], strides = [1]} : vector<16xi32> to vector<1xi32>
        %squeeze3A_2025 = vector.extract %slice3A_2024[0] : i32 from vector<1xi32>
        %dma_start3A_2026 = arith.constant 7 : i32
        %dma_start3A_2027 = arith.constant 0 : i32
        %dma_start3A_2028 = arith.constant 0 : i32
        %dma_start3A_2029 = tpu.memref_slice %arg13[%sub3A_1642, %dma_start3A_2026, %dma_start3A_2027, %dma_start3A_2028] : memref<2x16x8x16xf32, #tpu.memory_space<vmem>> -> memref<1x1x8x16xf32, #tpu.memory_space<vmem>>
        %dma_start3A_2030 = tpu.memref_squeeze %dma_start3A_2029 : memref<1x1x8x16xf32, #tpu.memory_space<vmem>> -> memref<8x16xf32, #tpu.memory_space<vmem>>
        %dma_start3A_2031 = arith.constant 0 : i32
        %dma_start3A_2032 = arith.constant 0 : i32
        %dma_start3A_2033 = tpu.memref_slice %arg5[%squeeze3A_2025, %dma_start3A_2031, %dma_start3A_2032] : memref<12500x8x16xf32, #tpu.memory_space<hbm>> -> memref<1x8x16xf32, #tpu.memory_space<hbm>>
        %dma_start3A_2034 = tpu.memref_squeeze %dma_start3A_2033 : memref<1x8x16xf32, #tpu.memory_space<hbm>> -> memref<8x16xf32, #tpu.memory_space<hbm>>
        %dma_start3A_2035 = arith.constant 0 : i32
        %dma_start3A_2036 = arith.constant 0 : i32
        %dma_start3A_2037 = tpu.memref_slice %arg13[%sub3A_1642, %dma_start3A_2026, %dma_start3A_2035, %dma_start3A_2036] : memref<2x16x8x16xf32, #tpu.memory_space<vmem>> -> memref<1x1x8x16xf32, #tpu.memory_space<vmem>>
        %dma_start3A_2038 = tpu.memref_squeeze %dma_start3A_2037 : memref<1x1x8x16xf32, #tpu.memory_space<vmem>> -> memref<8x16xf32, #tpu.memory_space<vmem>>
        %dma_start3A_2039 = arith.constant 0 : i32
        %dma_start3A_2040 = arith.constant 0 : i32
        %dma_start3A_2041 = tpu.memref_slice %arg5[%squeeze3A_2025, %dma_start3A_2039, %dma_start3A_2040] : memref<12500x8x16xf32, #tpu.memory_space<hbm>> -> memref<1x8x16xf32, #tpu.memory_space<hbm>>
        %dma_start3A_2042 = tpu.memref_squeeze %dma_start3A_2041 : memref<1x8x16xf32, #tpu.memory_space<hbm>> -> memref<8x16xf32, #tpu.memory_space<hbm>>
        tpu.enqueue_dma source(%dma_start3A_2042 : memref<8x16xf32, #tpu.memory_space<hbm>>) target(%dma_start3A_2038 : memref<8x16xf32, #tpu.memory_space<vmem>>) target_semaphore(%arg18 : memref<!tpu.dma_semaphore, #tpu.memory_space<semaphore_mem>>)
        %slice3A_2043 = vector.extract_strided_slice %shift_right_arithmetic3A_1735 {offsets = [8], sizes = [1], strides = [1]} : vector<16xi32> to vector<1xi32>
        %squeeze3A_2044 = vector.extract %slice3A_2043[0] : i32 from vector<1xi32>
        %dma_start3A_2045 = arith.constant 8 : i32
        %dma_start3A_2046 = arith.constant 0 : i32
        %dma_start3A_2047 = arith.constant 0 : i32
        %dma_start3A_2048 = tpu.memref_slice %arg12[%sub3A_1642, %dma_start3A_2045, %dma_start3A_2046, %dma_start3A_2047] : memref<2x16x8x16xf32, #tpu.memory_space<vmem>> -> memref<1x1x8x16xf32, #tpu.memory_space<vmem>>
        %dma_start3A_2049 = tpu.memref_squeeze %dma_start3A_2048 : memref<1x1x8x16xf32, #tpu.memory_space<vmem>> -> memref<8x16xf32, #tpu.memory_space<vmem>>
        %dma_start3A_2050 = arith.constant 0 : i32
        %dma_start3A_2051 = arith.constant 0 : i32
        %dma_start3A_2052 = tpu.memref_slice %arg4[%squeeze3A_2044, %dma_start3A_2050, %dma_start3A_2051] : memref<125000x8x16xf32, #tpu.memory_space<hbm>> -> memref<1x8x16xf32, #tpu.memory_space<hbm>>
        %dma_start3A_2053 = tpu.memref_squeeze %dma_start3A_2052 : memref<1x8x16xf32, #tpu.memory_space<hbm>> -> memref<8x16xf32, #tpu.memory_space<hbm>>
        %dma_start3A_2054 = arith.constant 0 : i32
        %dma_start3A_2055 = arith.constant 0 : i32
        %dma_start3A_2056 = tpu.memref_slice %arg12[%sub3A_1642, %dma_start3A_2045, %dma_start3A_2054, %dma_start3A_2055] : memref<2x16x8x16xf32, #tpu.memory_space<vmem>> -> memref<1x1x8x16xf32, #tpu.memory_space<vmem>>
        %dma_start3A_2057 = tpu.memref_squeeze %dma_start3A_2056 : memref<1x1x8x16xf32, #tpu.memory_space<vmem>> -> memref<8x16xf32, #tpu.memory_space<vmem>>
        %dma_start3A_2058 = arith.constant 0 : i32
        %dma_start3A_2059 = arith.constant 0 : i32
        %dma_start3A_2060 = tpu.memref_slice %arg4[%squeeze3A_2044, %dma_start3A_2058, %dma_start3A_2059] : memref<125000x8x16xf32, #tpu.memory_space<hbm>> -> memref<1x8x16xf32, #tpu.memory_space<hbm>>
        %dma_start3A_2061 = tpu.memref_squeeze %dma_start3A_2060 : memref<1x8x16xf32, #tpu.memory_space<hbm>> -> memref<8x16xf32, #tpu.memory_space<hbm>>
        tpu.enqueue_dma source(%dma_start3A_2061 : memref<8x16xf32, #tpu.memory_space<hbm>>) target(%dma_start3A_2057 : memref<8x16xf32, #tpu.memory_space<vmem>>) target_semaphore(%arg18 : memref<!tpu.dma_semaphore, #tpu.memory_space<semaphore_mem>>)
        %slice3A_2062 = vector.extract_strided_slice %shift_right_arithmetic3A_1738 {offsets = [8], sizes = [1], strides = [1]} : vector<16xi32> to vector<1xi32>
        %squeeze3A_2063 = vector.extract %slice3A_2062[0] : i32 from vector<1xi32>
        %dma_start3A_2064 = arith.constant 8 : i32
        %dma_start3A_2065 = arith.constant 0 : i32
        %dma_start3A_2066 = arith.constant 0 : i32
        %dma_start3A_2067 = tpu.memref_slice %arg13[%sub3A_1642, %dma_start3A_2064, %dma_start3A_2065, %dma_start3A_2066] : memref<2x16x8x16xf32, #tpu.memory_space<vmem>> -> memref<1x1x8x16xf32, #tpu.memory_space<vmem>>
        %dma_start3A_2068 = tpu.memref_squeeze %dma_start3A_2067 : memref<1x1x8x16xf32, #tpu.memory_space<vmem>> -> memref<8x16xf32, #tpu.memory_space<vmem>>
        %dma_start3A_2069 = arith.constant 0 : i32
        %dma_start3A_2070 = arith.constant 0 : i32
        %dma_start3A_2071 = tpu.memref_slice %arg5[%squeeze3A_2063, %dma_start3A_2069, %dma_start3A_2070] : memref<12500x8x16xf32, #tpu.memory_space<hbm>> -> memref<1x8x16xf32, #tpu.memory_space<hbm>>
        %dma_start3A_2072 = tpu.memref_squeeze %dma_start3A_2071 : memref<1x8x16xf32, #tpu.memory_space<hbm>> -> memref<8x16xf32, #tpu.memory_space<hbm>>
        %dma_start3A_2073 = arith.constant 0 : i32
        %dma_start3A_2074 = arith.constant 0 : i32
        %dma_start3A_2075 = tpu.memref_slice %arg13[%sub3A_1642, %dma_start3A_2064, %dma_start3A_2073, %dma_start3A_2074] : memref<2x16x8x16xf32, #tpu.memory_space<vmem>> -> memref<1x1x8x16xf32, #tpu.memory_space<vmem>>
        %dma_start3A_2076 = tpu.memref_squeeze %dma_start3A_2075 : memref<1x1x8x16xf32, #tpu.memory_space<vmem>> -> memref<8x16xf32, #tpu.memory_space<vmem>>
        %dma_start3A_2077 = arith.constant 0 : i32
        %dma_start3A_2078 = arith.constant 0 : i32
        %dma_start3A_2079 = tpu.memref_slice %arg5[%squeeze3A_2063, %dma_start3A_2077, %dma_start3A_2078] : memref<12500x8x16xf32, #tpu.memory_space<hbm>> -> memref<1x8x16xf32, #tpu.memory_space<hbm>>
        %dma_start3A_2080 = tpu.memref_squeeze %dma_start3A_2079 : memref<1x8x16xf32, #tpu.memory_space<hbm>> -> memref<8x16xf32, #tpu.memory_space<hbm>>
        tpu.enqueue_dma source(%dma_start3A_2080 : memref<8x16xf32, #tpu.memory_space<hbm>>) target(%dma_start3A_2076 : memref<8x16xf32, #tpu.memory_space<vmem>>) target_semaphore(%arg18 : memref<!tpu.dma_semaphore, #tpu.memory_space<semaphore_mem>>)
        %slice3A_2081 = vector.extract_strided_slice %shift_right_arithmetic3A_1735 {offsets = [9], sizes = [1], strides = [1]} : vector<16xi32> to vector<1xi32>
        %squeeze3A_2082 = vector.extract %slice3A_2081[0] : i32 from vector<1xi32>
        %dma_start3A_2083 = arith.constant 9 : i32
        %dma_start3A_2084 = arith.constant 0 : i32
        %dma_start3A_2085 = arith.constant 0 : i32
        %dma_start3A_2086 = tpu.memref_slice %arg12[%sub3A_1642, %dma_start3A_2083, %dma_start3A_2084, %dma_start3A_2085] : memref<2x16x8x16xf32, #tpu.memory_space<vmem>> -> memref<1x1x8x16xf32, #tpu.memory_space<vmem>>
        %dma_start3A_2087 = tpu.memref_squeeze %dma_start3A_2086 : memref<1x1x8x16xf32, #tpu.memory_space<vmem>> -> memref<8x16xf32, #tpu.memory_space<vmem>>
        %dma_start3A_2088 = arith.constant 0 : i32
        %dma_start3A_2089 = arith.constant 0 : i32
        %dma_start3A_2090 = tpu.memref_slice %arg4[%squeeze3A_2082, %dma_start3A_2088, %dma_start3A_2089] : memref<125000x8x16xf32, #tpu.memory_space<hbm>> -> memref<1x8x16xf32, #tpu.memory_space<hbm>>
        %dma_start3A_2091 = tpu.memref_squeeze %dma_start3A_2090 : memref<1x8x16xf32, #tpu.memory_space<hbm>> -> memref<8x16xf32, #tpu.memory_space<hbm>>
        %dma_start3A_2092 = arith.constant 0 : i32
        %dma_start3A_2093 = arith.constant 0 : i32
        %dma_start3A_2094 = tpu.memref_slice %arg12[%sub3A_1642, %dma_start3A_2083, %dma_start3A_2092, %dma_start3A_2093] : memref<2x16x8x16xf32, #tpu.memory_space<vmem>> -> memref<1x1x8x16xf32, #tpu.memory_space<vmem>>
        %dma_start3A_2095 = tpu.memref_squeeze %dma_start3A_2094 : memref<1x1x8x16xf32, #tpu.memory_space<vmem>> -> memref<8x16xf32, #tpu.memory_space<vmem>>
        %dma_start3A_2096 = arith.constant 0 : i32
        %dma_start3A_2097 = arith.constant 0 : i32
        %dma_start3A_2098 = tpu.memref_slice %arg4[%squeeze3A_2082, %dma_start3A_2096, %dma_start3A_2097] : memref<125000x8x16xf32, #tpu.memory_space<hbm>> -> memref<1x8x16xf32, #tpu.memory_space<hbm>>
        %dma_start3A_2099 = tpu.memref_squeeze %dma_start3A_2098 : memref<1x8x16xf32, #tpu.memory_space<hbm>> -> memref<8x16xf32, #tpu.memory_space<hbm>>
        tpu.enqueue_dma source(%dma_start3A_2099 : memref<8x16xf32, #tpu.memory_space<hbm>>) target(%dma_start3A_2095 : memref<8x16xf32, #tpu.memory_space<vmem>>) target_semaphore(%arg18 : memref<!tpu.dma_semaphore, #tpu.memory_space<semaphore_mem>>)
        %slice3A_2100 = vector.extract_strided_slice %shift_right_arithmetic3A_1738 {offsets = [9], sizes = [1], strides = [1]} : vector<16xi32> to vector<1xi32>
        %squeeze3A_2101 = vector.extract %slice3A_2100[0] : i32 from vector<1xi32>
        %dma_start3A_2102 = arith.constant 9 : i32
        %dma_start3A_2103 = arith.constant 0 : i32
        %dma_start3A_2104 = arith.constant 0 : i32
        %dma_start3A_2105 = tpu.memref_slice %arg13[%sub3A_1642, %dma_start3A_2102, %dma_start3A_2103, %dma_start3A_2104] : memref<2x16x8x16xf32, #tpu.memory_space<vmem>> -> memref<1x1x8x16xf32, #tpu.memory_space<vmem>>
        %dma_start3A_2106 = tpu.memref_squeeze %dma_start3A_2105 : memref<1x1x8x16xf32, #tpu.memory_space<vmem>> -> memref<8x16xf32, #tpu.memory_space<vmem>>
        %dma_start3A_2107 = arith.constant 0 : i32
        %dma_start3A_2108 = arith.constant 0 : i32
        %dma_start3A_2109 = tpu.memref_slice %arg5[%squeeze3A_2101, %dma_start3A_2107, %dma_start3A_2108] : memref<12500x8x16xf32, #tpu.memory_space<hbm>> -> memref<1x8x16xf32, #tpu.memory_space<hbm>>
        %dma_start3A_2110 = tpu.memref_squeeze %dma_start3A_2109 : memref<1x8x16xf32, #tpu.memory_space<hbm>> -> memref<8x16xf32, #tpu.memory_space<hbm>>
        %dma_start3A_2111 = arith.constant 0 : i32
        %dma_start3A_2112 = arith.constant 0 : i32
        %dma_start3A_2113 = tpu.memref_slice %arg13[%sub3A_1642, %dma_start3A_2102, %dma_start3A_2111, %dma_start3A_2112] : memref<2x16x8x16xf32, #tpu.memory_space<vmem>> -> memref<1x1x8x16xf32, #tpu.memory_space<vmem>>
        %dma_start3A_2114 = tpu.memref_squeeze %dma_start3A_2113 : memref<1x1x8x16xf32, #tpu.memory_space<vmem>> -> memref<8x16xf32, #tpu.memory_space<vmem>>
        %dma_start3A_2115 = arith.constant 0 : i32
        %dma_start3A_2116 = arith.constant 0 : i32
        %dma_start3A_2117 = tpu.memref_slice %arg5[%squeeze3A_2101, %dma_start3A_2115, %dma_start3A_2116] : memref<12500x8x16xf32, #tpu.memory_space<hbm>> -> memref<1x8x16xf32, #tpu.memory_space<hbm>>
        %dma_start3A_2118 = tpu.memref_squeeze %dma_start3A_2117 : memref<1x8x16xf32, #tpu.memory_space<hbm>> -> memref<8x16xf32, #tpu.memory_space<hbm>>
        tpu.enqueue_dma source(%dma_start3A_2118 : memref<8x16xf32, #tpu.memory_space<hbm>>) target(%dma_start3A_2114 : memref<8x16xf32, #tpu.memory_space<vmem>>) target_semaphore(%arg18 : memref<!tpu.dma_semaphore, #tpu.memory_space<semaphore_mem>>)
        %slice3A_2119 = vector.extract_strided_slice %shift_right_arithmetic3A_1735 {offsets = [10], sizes = [1], strides = [1]} : vector<16xi32> to vector<1xi32>
        %squeeze3A_2120 = vector.extract %slice3A_2119[0] : i32 from vector<1xi32>
        %dma_start3A_2121 = arith.constant 10 : i32
        %dma_start3A_2122 = arith.constant 0 : i32
        %dma_start3A_2123 = arith.constant 0 : i32
        %dma_start3A_2124 = tpu.memref_slice %arg12[%sub3A_1642, %dma_start3A_2121, %dma_start3A_2122, %dma_start3A_2123] : memref<2x16x8x16xf32, #tpu.memory_space<vmem>> -> memref<1x1x8x16xf32, #tpu.memory_space<vmem>>
        %dma_start3A_2125 = tpu.memref_squeeze %dma_start3A_2124 : memref<1x1x8x16xf32, #tpu.memory_space<vmem>> -> memref<8x16xf32, #tpu.memory_space<vmem>>
        %dma_start3A_2126 = arith.constant 0 : i32
        %dma_start3A_2127 = arith.constant 0 : i32
        %dma_start3A_2128 = tpu.memref_slice %arg4[%squeeze3A_2120, %dma_start3A_2126, %dma_start3A_2127] : memref<125000x8x16xf32, #tpu.memory_space<hbm>> -> memref<1x8x16xf32, #tpu.memory_space<hbm>>
        %dma_start3A_2129 = tpu.memref_squeeze %dma_start3A_2128 : memref<1x8x16xf32, #tpu.memory_space<hbm>> -> memref<8x16xf32, #tpu.memory_space<hbm>>
        %dma_start3A_2130 = arith.constant 0 : i32
        %dma_start3A_2131 = arith.constant 0 : i32
        %dma_start3A_2132 = tpu.memref_slice %arg12[%sub3A_1642, %dma_start3A_2121, %dma_start3A_2130, %dma_start3A_2131] : memref<2x16x8x16xf32, #tpu.memory_space<vmem>> -> memref<1x1x8x16xf32, #tpu.memory_space<vmem>>
        %dma_start3A_2133 = tpu.memref_squeeze %dma_start3A_2132 : memref<1x1x8x16xf32, #tpu.memory_space<vmem>> -> memref<8x16xf32, #tpu.memory_space<vmem>>
        %dma_start3A_2134 = arith.constant 0 : i32
        %dma_start3A_2135 = arith.constant 0 : i32
        %dma_start3A_2136 = tpu.memref_slice %arg4[%squeeze3A_2120, %dma_start3A_2134, %dma_start3A_2135] : memref<125000x8x16xf32, #tpu.memory_space<hbm>> -> memref<1x8x16xf32, #tpu.memory_space<hbm>>
        %dma_start3A_2137 = tpu.memref_squeeze %dma_start3A_2136 : memref<1x8x16xf32, #tpu.memory_space<hbm>> -> memref<8x16xf32, #tpu.memory_space<hbm>>
        tpu.enqueue_dma source(%dma_start3A_2137 : memref<8x16xf32, #tpu.memory_space<hbm>>) target(%dma_start3A_2133 : memref<8x16xf32, #tpu.memory_space<vmem>>) target_semaphore(%arg18 : memref<!tpu.dma_semaphore, #tpu.memory_space<semaphore_mem>>)
        %slice3A_2138 = vector.extract_strided_slice %shift_right_arithmetic3A_1738 {offsets = [10], sizes = [1], strides = [1]} : vector<16xi32> to vector<1xi32>
        %squeeze3A_2139 = vector.extract %slice3A_2138[0] : i32 from vector<1xi32>
        %dma_start3A_2140 = arith.constant 10 : i32
        %dma_start3A_2141 = arith.constant 0 : i32
        %dma_start3A_2142 = arith.constant 0 : i32
        %dma_start3A_2143 = tpu.memref_slice %arg13[%sub3A_1642, %dma_start3A_2140, %dma_start3A_2141, %dma_start3A_2142] : memref<2x16x8x16xf32, #tpu.memory_space<vmem>> -> memref<1x1x8x16xf32, #tpu.memory_space<vmem>>
        %dma_start3A_2144 = tpu.memref_squeeze %dma_start3A_2143 : memref<1x1x8x16xf32, #tpu.memory_space<vmem>> -> memref<8x16xf32, #tpu.memory_space<vmem>>
        %dma_start3A_2145 = arith.constant 0 : i32
        %dma_start3A_2146 = arith.constant 0 : i32
        %dma_start3A_2147 = tpu.memref_slice %arg5[%squeeze3A_2139, %dma_start3A_2145, %dma_start3A_2146] : memref<12500x8x16xf32, #tpu.memory_space<hbm>> -> memref<1x8x16xf32, #tpu.memory_space<hbm>>
        %dma_start3A_2148 = tpu.memref_squeeze %dma_start3A_2147 : memref<1x8x16xf32, #tpu.memory_space<hbm>> -> memref<8x16xf32, #tpu.memory_space<hbm>>
        %dma_start3A_2149 = arith.constant 0 : i32
        %dma_start3A_2150 = arith.constant 0 : i32
        %dma_start3A_2151 = tpu.memref_slice %arg13[%sub3A_1642, %dma_start3A_2140, %dma_start3A_2149, %dma_start3A_2150] : memref<2x16x8x16xf32, #tpu.memory_space<vmem>> -> memref<1x1x8x16xf32, #tpu.memory_space<vmem>>
        %dma_start3A_2152 = tpu.memref_squeeze %dma_start3A_2151 : memref<1x1x8x16xf32, #tpu.memory_space<vmem>> -> memref<8x16xf32, #tpu.memory_space<vmem>>
        %dma_start3A_2153 = arith.constant 0 : i32
        %dma_start3A_2154 = arith.constant 0 : i32
        %dma_start3A_2155 = tpu.memref_slice %arg5[%squeeze3A_2139, %dma_start3A_2153, %dma_start3A_2154] : memref<12500x8x16xf32, #tpu.memory_space<hbm>> -> memref<1x8x16xf32, #tpu.memory_space<hbm>>
        %dma_start3A_2156 = tpu.memref_squeeze %dma_start3A_2155 : memref<1x8x16xf32, #tpu.memory_space<hbm>> -> memref<8x16xf32, #tpu.memory_space<hbm>>
        tpu.enqueue_dma source(%dma_start3A_2156 : memref<8x16xf32, #tpu.memory_space<hbm>>) target(%dma_start3A_2152 : memref<8x16xf32, #tpu.memory_space<vmem>>) target_semaphore(%arg18 : memref<!tpu.dma_semaphore, #tpu.memory_space<semaphore_mem>>)
        %slice3A_2157 = vector.extract_strided_slice %shift_right_arithmetic3A_1735 {offsets = [11], sizes = [1], strides = [1]} : vector<16xi32> to vector<1xi32>
        %squeeze3A_2158 = vector.extract %slice3A_2157[0] : i32 from vector<1xi32>
        %dma_start3A_2159 = arith.constant 11 : i32
        %dma_start3A_2160 = arith.constant 0 : i32
        %dma_start3A_2161 = arith.constant 0 : i32
        %dma_start3A_2162 = tpu.memref_slice %arg12[%sub3A_1642, %dma_start3A_2159, %dma_start3A_2160, %dma_start3A_2161] : memref<2x16x8x16xf32, #tpu.memory_space<vmem>> -> memref<1x1x8x16xf32, #tpu.memory_space<vmem>>
        %dma_start3A_2163 = tpu.memref_squeeze %dma_start3A_2162 : memref<1x1x8x16xf32, #tpu.memory_space<vmem>> -> memref<8x16xf32, #tpu.memory_space<vmem>>
        %dma_start3A_2164 = arith.constant 0 : i32
        %dma_start3A_2165 = arith.constant 0 : i32
        %dma_start3A_2166 = tpu.memref_slice %arg4[%squeeze3A_2158, %dma_start3A_2164, %dma_start3A_2165] : memref<125000x8x16xf32, #tpu.memory_space<hbm>> -> memref<1x8x16xf32, #tpu.memory_space<hbm>>
        %dma_start3A_2167 = tpu.memref_squeeze %dma_start3A_2166 : memref<1x8x16xf32, #tpu.memory_space<hbm>> -> memref<8x16xf32, #tpu.memory_space<hbm>>
        %dma_start3A_2168 = arith.constant 0 : i32
        %dma_start3A_2169 = arith.constant 0 : i32
        %dma_start3A_2170 = tpu.memref_slice %arg12[%sub3A_1642, %dma_start3A_2159, %dma_start3A_2168, %dma_start3A_2169] : memref<2x16x8x16xf32, #tpu.memory_space<vmem>> -> memref<1x1x8x16xf32, #tpu.memory_space<vmem>>
        %dma_start3A_2171 = tpu.memref_squeeze %dma_start3A_2170 : memref<1x1x8x16xf32, #tpu.memory_space<vmem>> -> memref<8x16xf32, #tpu.memory_space<vmem>>
        %dma_start3A_2172 = arith.constant 0 : i32
        %dma_start3A_2173 = arith.constant 0 : i32
        %dma_start3A_2174 = tpu.memref_slice %arg4[%squeeze3A_2158, %dma_start3A_2172, %dma_start3A_2173] : memref<125000x8x16xf32, #tpu.memory_space<hbm>> -> memref<1x8x16xf32, #tpu.memory_space<hbm>>
        %dma_start3A_2175 = tpu.memref_squeeze %dma_start3A_2174 : memref<1x8x16xf32, #tpu.memory_space<hbm>> -> memref<8x16xf32, #tpu.memory_space<hbm>>
        tpu.enqueue_dma source(%dma_start3A_2175 : memref<8x16xf32, #tpu.memory_space<hbm>>) target(%dma_start3A_2171 : memref<8x16xf32, #tpu.memory_space<vmem>>) target_semaphore(%arg18 : memref<!tpu.dma_semaphore, #tpu.memory_space<semaphore_mem>>)
        %slice3A_2176 = vector.extract_strided_slice %shift_right_arithmetic3A_1738 {offsets = [11], sizes = [1], strides = [1]} : vector<16xi32> to vector<1xi32>
        %squeeze3A_2177 = vector.extract %slice3A_2176[0] : i32 from vector<1xi32>
        %dma_start3A_2178 = arith.constant 11 : i32
        %dma_start3A_2179 = arith.constant 0 : i32
        %dma_start3A_2180 = arith.constant 0 : i32
        %dma_start3A_2181 = tpu.memref_slice %arg13[%sub3A_1642, %dma_start3A_2178, %dma_start3A_2179, %dma_start3A_2180] : memref<2x16x8x16xf32, #tpu.memory_space<vmem>> -> memref<1x1x8x16xf32, #tpu.memory_space<vmem>>
        %dma_start3A_2182 = tpu.memref_squeeze %dma_start3A_2181 : memref<1x1x8x16xf32, #tpu.memory_space<vmem>> -> memref<8x16xf32, #tpu.memory_space<vmem>>
        %dma_start3A_2183 = arith.constant 0 : i32
        %dma_start3A_2184 = arith.constant 0 : i32
        %dma_start3A_2185 = tpu.memref_slice %arg5[%squeeze3A_2177, %dma_start3A_2183, %dma_start3A_2184] : memref<12500x8x16xf32, #tpu.memory_space<hbm>> -> memref<1x8x16xf32, #tpu.memory_space<hbm>>
        %dma_start3A_2186 = tpu.memref_squeeze %dma_start3A_2185 : memref<1x8x16xf32, #tpu.memory_space<hbm>> -> memref<8x16xf32, #tpu.memory_space<hbm>>
        %dma_start3A_2187 = arith.constant 0 : i32
        %dma_start3A_2188 = arith.constant 0 : i32
        %dma_start3A_2189 = tpu.memref_slice %arg13[%sub3A_1642, %dma_start3A_2178, %dma_start3A_2187, %dma_start3A_2188] : memref<2x16x8x16xf32, #tpu.memory_space<vmem>> -> memref<1x1x8x16xf32, #tpu.memory_space<vmem>>
        %dma_start3A_2190 = tpu.memref_squeeze %dma_start3A_2189 : memref<1x1x8x16xf32, #tpu.memory_space<vmem>> -> memref<8x16xf32, #tpu.memory_space<vmem>>
        %dma_start3A_2191 = arith.constant 0 : i32
        %dma_start3A_2192 = arith.constant 0 : i32
        %dma_start3A_2193 = tpu.memref_slice %arg5[%squeeze3A_2177, %dma_start3A_2191, %dma_start3A_2192] : memref<12500x8x16xf32, #tpu.memory_space<hbm>> -> memref<1x8x16xf32, #tpu.memory_space<hbm>>
        %dma_start3A_2194 = tpu.memref_squeeze %dma_start3A_2193 : memref<1x8x16xf32, #tpu.memory_space<hbm>> -> memref<8x16xf32, #tpu.memory_space<hbm>>
        tpu.enqueue_dma source(%dma_start3A_2194 : memref<8x16xf32, #tpu.memory_space<hbm>>) target(%dma_start3A_2190 : memref<8x16xf32, #tpu.memory_space<vmem>>) target_semaphore(%arg18 : memref<!tpu.dma_semaphore, #tpu.memory_space<semaphore_mem>>)
        %slice3A_2195 = vector.extract_strided_slice %shift_right_arithmetic3A_1735 {offsets = [12], sizes = [1], strides = [1]} : vector<16xi32> to vector<1xi32>
        %squeeze3A_2196 = vector.extract %slice3A_2195[0] : i32 from vector<1xi32>
        %dma_start3A_2197 = arith.constant 12 : i32
        %dma_start3A_2198 = arith.constant 0 : i32
        %dma_start3A_2199 = arith.constant 0 : i32
        %dma_start3A_2200 = tpu.memref_slice %arg12[%sub3A_1642, %dma_start3A_2197, %dma_start3A_2198, %dma_start3A_2199] : memref<2x16x8x16xf32, #tpu.memory_space<vmem>> -> memref<1x1x8x16xf32, #tpu.memory_space<vmem>>
        %dma_start3A_2201 = tpu.memref_squeeze %dma_start3A_2200 : memref<1x1x8x16xf32, #tpu.memory_space<vmem>> -> memref<8x16xf32, #tpu.memory_space<vmem>>
        %dma_start3A_2202 = arith.constant 0 : i32
        %dma_start3A_2203 = arith.constant 0 : i32
        %dma_start3A_2204 = tpu.memref_slice %arg4[%squeeze3A_2196, %dma_start3A_2202, %dma_start3A_2203] : memref<125000x8x16xf32, #tpu.memory_space<hbm>> -> memref<1x8x16xf32, #tpu.memory_space<hbm>>
        %dma_start3A_2205 = tpu.memref_squeeze %dma_start3A_2204 : memref<1x8x16xf32, #tpu.memory_space<hbm>> -> memref<8x16xf32, #tpu.memory_space<hbm>>
        %dma_start3A_2206 = arith.constant 0 : i32
        %dma_start3A_2207 = arith.constant 0 : i32
        %dma_start3A_2208 = tpu.memref_slice %arg12[%sub3A_1642, %dma_start3A_2197, %dma_start3A_2206, %dma_start3A_2207] : memref<2x16x8x16xf32, #tpu.memory_space<vmem>> -> memref<1x1x8x16xf32, #tpu.memory_space<vmem>>
        %dma_start3A_2209 = tpu.memref_squeeze %dma_start3A_2208 : memref<1x1x8x16xf32, #tpu.memory_space<vmem>> -> memref<8x16xf32, #tpu.memory_space<vmem>>
        %dma_start3A_2210 = arith.constant 0 : i32
        %dma_start3A_2211 = arith.constant 0 : i32
        %dma_start3A_2212 = tpu.memref_slice %arg4[%squeeze3A_2196, %dma_start3A_2210, %dma_start3A_2211] : memref<125000x8x16xf32, #tpu.memory_space<hbm>> -> memref<1x8x16xf32, #tpu.memory_space<hbm>>
        %dma_start3A_2213 = tpu.memref_squeeze %dma_start3A_2212 : memref<1x8x16xf32, #tpu.memory_space<hbm>> -> memref<8x16xf32, #tpu.memory_space<hbm>>
        tpu.enqueue_dma source(%dma_start3A_2213 : memref<8x16xf32, #tpu.memory_space<hbm>>) target(%dma_start3A_2209 : memref<8x16xf32, #tpu.memory_space<vmem>>) target_semaphore(%arg18 : memref<!tpu.dma_semaphore, #tpu.memory_space<semaphore_mem>>)
        %slice3A_2214 = vector.extract_strided_slice %shift_right_arithmetic3A_1738 {offsets = [12], sizes = [1], strides = [1]} : vector<16xi32> to vector<1xi32>
        %squeeze3A_2215 = vector.extract %slice3A_2214[0] : i32 from vector<1xi32>
        %dma_start3A_2216 = arith.constant 12 : i32
        %dma_start3A_2217 = arith.constant 0 : i32
        %dma_start3A_2218 = arith.constant 0 : i32
        %dma_start3A_2219 = tpu.memref_slice %arg13[%sub3A_1642, %dma_start3A_2216, %dma_start3A_2217, %dma_start3A_2218] : memref<2x16x8x16xf32, #tpu.memory_space<vmem>> -> memref<1x1x8x16xf32, #tpu.memory_space<vmem>>
        %dma_start3A_2220 = tpu.memref_squeeze %dma_start3A_2219 : memref<1x1x8x16xf32, #tpu.memory_space<vmem>> -> memref<8x16xf32, #tpu.memory_space<vmem>>
        %dma_start3A_2221 = arith.constant 0 : i32
        %dma_start3A_2222 = arith.constant 0 : i32
        %dma_start3A_2223 = tpu.memref_slice %arg5[%squeeze3A_2215, %dma_start3A_2221, %dma_start3A_2222] : memref<12500x8x16xf32, #tpu.memory_space<hbm>> -> memref<1x8x16xf32, #tpu.memory_space<hbm>>
        %dma_start3A_2224 = tpu.memref_squeeze %dma_start3A_2223 : memref<1x8x16xf32, #tpu.memory_space<hbm>> -> memref<8x16xf32, #tpu.memory_space<hbm>>
        %dma_start3A_2225 = arith.constant 0 : i32
        %dma_start3A_2226 = arith.constant 0 : i32
        %dma_start3A_2227 = tpu.memref_slice %arg13[%sub3A_1642, %dma_start3A_2216, %dma_start3A_2225, %dma_start3A_2226] : memref<2x16x8x16xf32, #tpu.memory_space<vmem>> -> memref<1x1x8x16xf32, #tpu.memory_space<vmem>>
        %dma_start3A_2228 = tpu.memref_squeeze %dma_start3A_2227 : memref<1x1x8x16xf32, #tpu.memory_space<vmem>> -> memref<8x16xf32, #tpu.memory_space<vmem>>
        %dma_start3A_2229 = arith.constant 0 : i32
        %dma_start3A_2230 = arith.constant 0 : i32
        %dma_start3A_2231 = tpu.memref_slice %arg5[%squeeze3A_2215, %dma_start3A_2229, %dma_start3A_2230] : memref<12500x8x16xf32, #tpu.memory_space<hbm>> -> memref<1x8x16xf32, #tpu.memory_space<hbm>>
        %dma_start3A_2232 = tpu.memref_squeeze %dma_start3A_2231 : memref<1x8x16xf32, #tpu.memory_space<hbm>> -> memref<8x16xf32, #tpu.memory_space<hbm>>
        tpu.enqueue_dma source(%dma_start3A_2232 : memref<8x16xf32, #tpu.memory_space<hbm>>) target(%dma_start3A_2228 : memref<8x16xf32, #tpu.memory_space<vmem>>) target_semaphore(%arg18 : memref<!tpu.dma_semaphore, #tpu.memory_space<semaphore_mem>>)
        %slice3A_2233 = vector.extract_strided_slice %shift_right_arithmetic3A_1735 {offsets = [13], sizes = [1], strides = [1]} : vector<16xi32> to vector<1xi32>
        %squeeze3A_2234 = vector.extract %slice3A_2233[0] : i32 from vector<1xi32>
        %dma_start3A_2235 = arith.constant 13 : i32
        %dma_start3A_2236 = arith.constant 0 : i32
        %dma_start3A_2237 = arith.constant 0 : i32
        %dma_start3A_2238 = tpu.memref_slice %arg12[%sub3A_1642, %dma_start3A_2235, %dma_start3A_2236, %dma_start3A_2237] : memref<2x16x8x16xf32, #tpu.memory_space<vmem>> -> memref<1x1x8x16xf32, #tpu.memory_space<vmem>>
        %dma_start3A_2239 = tpu.memref_squeeze %dma_start3A_2238 : memref<1x1x8x16xf32, #tpu.memory_space<vmem>> -> memref<8x16xf32, #tpu.memory_space<vmem>>
        %dma_start3A_2240 = arith.constant 0 : i32
        %dma_start3A_2241 = arith.constant 0 : i32
        %dma_start3A_2242 = tpu.memref_slice %arg4[%squeeze3A_2234, %dma_start3A_2240, %dma_start3A_2241] : memref<125000x8x16xf32, #tpu.memory_space<hbm>> -> memref<1x8x16xf32, #tpu.memory_space<hbm>>
        %dma_start3A_2243 = tpu.memref_squeeze %dma_start3A_2242 : memref<1x8x16xf32, #tpu.memory_space<hbm>> -> memref<8x16xf32, #tpu.memory_space<hbm>>
        %dma_start3A_2244 = arith.constant 0 : i32
        %dma_start3A_2245 = arith.constant 0 : i32
        %dma_start3A_2246 = tpu.memref_slice %arg12[%sub3A_1642, %dma_start3A_2235, %dma_start3A_2244, %dma_start3A_2245] : memref<2x16x8x16xf32, #tpu.memory_space<vmem>> -> memref<1x1x8x16xf32, #tpu.memory_space<vmem>>
        %dma_start3A_2247 = tpu.memref_squeeze %dma_start3A_2246 : memref<1x1x8x16xf32, #tpu.memory_space<vmem>> -> memref<8x16xf32, #tpu.memory_space<vmem>>
        %dma_start3A_2248 = arith.constant 0 : i32
        %dma_start3A_2249 = arith.constant 0 : i32
        %dma_start3A_2250 = tpu.memref_slice %arg4[%squeeze3A_2234, %dma_start3A_2248, %dma_start3A_2249] : memref<125000x8x16xf32, #tpu.memory_space<hbm>> -> memref<1x8x16xf32, #tpu.memory_space<hbm>>
        %dma_start3A_2251 = tpu.memref_squeeze %dma_start3A_2250 : memref<1x8x16xf32, #tpu.memory_space<hbm>> -> memref<8x16xf32, #tpu.memory_space<hbm>>
        tpu.enqueue_dma source(%dma_start3A_2251 : memref<8x16xf32, #tpu.memory_space<hbm>>) target(%dma_start3A_2247 : memref<8x16xf32, #tpu.memory_space<vmem>>) target_semaphore(%arg18 : memref<!tpu.dma_semaphore, #tpu.memory_space<semaphore_mem>>)
        %slice3A_2252 = vector.extract_strided_slice %shift_right_arithmetic3A_1738 {offsets = [13], sizes = [1], strides = [1]} : vector<16xi32> to vector<1xi32>
        %squeeze3A_2253 = vector.extract %slice3A_2252[0] : i32 from vector<1xi32>
        %dma_start3A_2254 = arith.constant 13 : i32
        %dma_start3A_2255 = arith.constant 0 : i32
        %dma_start3A_2256 = arith.constant 0 : i32
        %dma_start3A_2257 = tpu.memref_slice %arg13[%sub3A_1642, %dma_start3A_2254, %dma_start3A_2255, %dma_start3A_2256] : memref<2x16x8x16xf32, #tpu.memory_space<vmem>> -> memref<1x1x8x16xf32, #tpu.memory_space<vmem>>
        %dma_start3A_2258 = tpu.memref_squeeze %dma_start3A_2257 : memref<1x1x8x16xf32, #tpu.memory_space<vmem>> -> memref<8x16xf32, #tpu.memory_space<vmem>>
        %dma_start3A_2259 = arith.constant 0 : i32
        %dma_start3A_2260 = arith.constant 0 : i32
        %dma_start3A_2261 = tpu.memref_slice %arg5[%squeeze3A_2253, %dma_start3A_2259, %dma_start3A_2260] : memref<12500x8x16xf32, #tpu.memory_space<hbm>> -> memref<1x8x16xf32, #tpu.memory_space<hbm>>
        %dma_start3A_2262 = tpu.memref_squeeze %dma_start3A_2261 : memref<1x8x16xf32, #tpu.memory_space<hbm>> -> memref<8x16xf32, #tpu.memory_space<hbm>>
        %dma_start3A_2263 = arith.constant 0 : i32
        %dma_start3A_2264 = arith.constant 0 : i32
        %dma_start3A_2265 = tpu.memref_slice %arg13[%sub3A_1642, %dma_start3A_2254, %dma_start3A_2263, %dma_start3A_2264] : memref<2x16x8x16xf32, #tpu.memory_space<vmem>> -> memref<1x1x8x16xf32, #tpu.memory_space<vmem>>
        %dma_start3A_2266 = tpu.memref_squeeze %dma_start3A_2265 : memref<1x1x8x16xf32, #tpu.memory_space<vmem>> -> memref<8x16xf32, #tpu.memory_space<vmem>>
        %dma_start3A_2267 = arith.constant 0 : i32
        %dma_start3A_2268 = arith.constant 0 : i32
        %dma_start3A_2269 = tpu.memref_slice %arg5[%squeeze3A_2253, %dma_start3A_2267, %dma_start3A_2268] : memref<12500x8x16xf32, #tpu.memory_space<hbm>> -> memref<1x8x16xf32, #tpu.memory_space<hbm>>
        %dma_start3A_2270 = tpu.memref_squeeze %dma_start3A_2269 : memref<1x8x16xf32, #tpu.memory_space<hbm>> -> memref<8x16xf32, #tpu.memory_space<hbm>>
        tpu.enqueue_dma source(%dma_start3A_2270 : memref<8x16xf32, #tpu.memory_space<hbm>>) target(%dma_start3A_2266 : memref<8x16xf32, #tpu.memory_space<vmem>>) target_semaphore(%arg18 : memref<!tpu.dma_semaphore, #tpu.memory_space<semaphore_mem>>)
        %slice3A_2271 = vector.extract_strided_slice %shift_right_arithmetic3A_1735 {offsets = [14], sizes = [1], strides = [1]} : vector<16xi32> to vector<1xi32>
        %squeeze3A_2272 = vector.extract %slice3A_2271[0] : i32 from vector<1xi32>
        %dma_start3A_2273 = arith.constant 14 : i32
        %dma_start3A_2274 = arith.constant 0 : i32
        %dma_start3A_2275 = arith.constant 0 : i32
        %dma_start3A_2276 = tpu.memref_slice %arg12[%sub3A_1642, %dma_start3A_2273, %dma_start3A_2274, %dma_start3A_2275] : memref<2x16x8x16xf32, #tpu.memory_space<vmem>> -> memref<1x1x8x16xf32, #tpu.memory_space<vmem>>
        %dma_start3A_2277 = tpu.memref_squeeze %dma_start3A_2276 : memref<1x1x8x16xf32, #tpu.memory_space<vmem>> -> memref<8x16xf32, #tpu.memory_space<vmem>>
        %dma_start3A_2278 = arith.constant 0 : i32
        %dma_start3A_2279 = arith.constant 0 : i32
        %dma_start3A_2280 = tpu.memref_slice %arg4[%squeeze3A_2272, %dma_start3A_2278, %dma_start3A_2279] : memref<125000x8x16xf32, #tpu.memory_space<hbm>> -> memref<1x8x16xf32, #tpu.memory_space<hbm>>
        %dma_start3A_2281 = tpu.memref_squeeze %dma_start3A_2280 : memref<1x8x16xf32, #tpu.memory_space<hbm>> -> memref<8x16xf32, #tpu.memory_space<hbm>>
        %dma_start3A_2282 = arith.constant 0 : i32
        %dma_start3A_2283 = arith.constant 0 : i32
        %dma_start3A_2284 = tpu.memref_slice %arg12[%sub3A_1642, %dma_start3A_2273, %dma_start3A_2282, %dma_start3A_2283] : memref<2x16x8x16xf32, #tpu.memory_space<vmem>> -> memref<1x1x8x16xf32, #tpu.memory_space<vmem>>
        %dma_start3A_2285 = tpu.memref_squeeze %dma_start3A_2284 : memref<1x1x8x16xf32, #tpu.memory_space<vmem>> -> memref<8x16xf32, #tpu.memory_space<vmem>>
        %dma_start3A_2286 = arith.constant 0 : i32
        %dma_start3A_2287 = arith.constant 0 : i32
        %dma_start3A_2288 = tpu.memref_slice %arg4[%squeeze3A_2272, %dma_start3A_2286, %dma_start3A_2287] : memref<125000x8x16xf32, #tpu.memory_space<hbm>> -> memref<1x8x16xf32, #tpu.memory_space<hbm>>
        %dma_start3A_2289 = tpu.memref_squeeze %dma_start3A_2288 : memref<1x8x16xf32, #tpu.memory_space<hbm>> -> memref<8x16xf32, #tpu.memory_space<hbm>>
        tpu.enqueue_dma source(%dma_start3A_2289 : memref<8x16xf32, #tpu.memory_space<hbm>>) target(%dma_start3A_2285 : memref<8x16xf32, #tpu.memory_space<vmem>>) target_semaphore(%arg18 : memref<!tpu.dma_semaphore, #tpu.memory_space<semaphore_mem>>)
        %slice3A_2290 = vector.extract_strided_slice %shift_right_arithmetic3A_1738 {offsets = [14], sizes = [1], strides = [1]} : vector<16xi32> to vector<1xi32>
        %squeeze3A_2291 = vector.extract %slice3A_2290[0] : i32 from vector<1xi32>
        %dma_start3A_2292 = arith.constant 14 : i32
        %dma_start3A_2293 = arith.constant 0 : i32
        %dma_start3A_2294 = arith.constant 0 : i32
        %dma_start3A_2295 = tpu.memref_slice %arg13[%sub3A_1642, %dma_start3A_2292, %dma_start3A_2293, %dma_start3A_2294] : memref<2x16x8x16xf32, #tpu.memory_space<vmem>> -> memref<1x1x8x16xf32, #tpu.memory_space<vmem>>
        %dma_start3A_2296 = tpu.memref_squeeze %dma_start3A_2295 : memref<1x1x8x16xf32, #tpu.memory_space<vmem>> -> memref<8x16xf32, #tpu.memory_space<vmem>>
        %dma_start3A_2297 = arith.constant 0 : i32
        %dma_start3A_2298 = arith.constant 0 : i32
        %dma_start3A_2299 = tpu.memref_slice %arg5[%squeeze3A_2291, %dma_start3A_2297, %dma_start3A_2298] : memref<12500x8x16xf32, #tpu.memory_space<hbm>> -> memref<1x8x16xf32, #tpu.memory_space<hbm>>
        %dma_start3A_2300 = tpu.memref_squeeze %dma_start3A_2299 : memref<1x8x16xf32, #tpu.memory_space<hbm>> -> memref<8x16xf32, #tpu.memory_space<hbm>>
        %dma_start3A_2301 = arith.constant 0 : i32
        %dma_start3A_2302 = arith.constant 0 : i32
        %dma_start3A_2303 = tpu.memref_slice %arg13[%sub3A_1642, %dma_start3A_2292, %dma_start3A_2301, %dma_start3A_2302] : memref<2x16x8x16xf32, #tpu.memory_space<vmem>> -> memref<1x1x8x16xf32, #tpu.memory_space<vmem>>
        %dma_start3A_2304 = tpu.memref_squeeze %dma_start3A_2303 : memref<1x1x8x16xf32, #tpu.memory_space<vmem>> -> memref<8x16xf32, #tpu.memory_space<vmem>>
        %dma_start3A_2305 = arith.constant 0 : i32
        %dma_start3A_2306 = arith.constant 0 : i32
        %dma_start3A_2307 = tpu.memref_slice %arg5[%squeeze3A_2291, %dma_start3A_2305, %dma_start3A_2306] : memref<12500x8x16xf32, #tpu.memory_space<hbm>> -> memref<1x8x16xf32, #tpu.memory_space<hbm>>
        %dma_start3A_2308 = tpu.memref_squeeze %dma_start3A_2307 : memref<1x8x16xf32, #tpu.memory_space<hbm>> -> memref<8x16xf32, #tpu.memory_space<hbm>>
        tpu.enqueue_dma source(%dma_start3A_2308 : memref<8x16xf32, #tpu.memory_space<hbm>>) target(%dma_start3A_2304 : memref<8x16xf32, #tpu.memory_space<vmem>>) target_semaphore(%arg18 : memref<!tpu.dma_semaphore, #tpu.memory_space<semaphore_mem>>)
        %slice3A_2309 = vector.extract_strided_slice %shift_right_arithmetic3A_1735 {offsets = [15], sizes = [1], strides = [1]} : vector<16xi32> to vector<1xi32>
        %squeeze3A_2310 = vector.extract %slice3A_2309[0] : i32 from vector<1xi32>
        %dma_start3A_2311 = arith.constant 15 : i32
        %dma_start3A_2312 = arith.constant 0 : i32
        %dma_start3A_2313 = arith.constant 0 : i32
        %dma_start3A_2314 = tpu.memref_slice %arg12[%sub3A_1642, %dma_start3A_2311, %dma_start3A_2312, %dma_start3A_2313] : memref<2x16x8x16xf32, #tpu.memory_space<vmem>> -> memref<1x1x8x16xf32, #tpu.memory_space<vmem>>
        %dma_start3A_2315 = tpu.memref_squeeze %dma_start3A_2314 : memref<1x1x8x16xf32, #tpu.memory_space<vmem>> -> memref<8x16xf32, #tpu.memory_space<vmem>>
        %dma_start3A_2316 = arith.constant 0 : i32
        %dma_start3A_2317 = arith.constant 0 : i32
        %dma_start3A_2318 = tpu.memref_slice %arg4[%squeeze3A_2310, %dma_start3A_2316, %dma_start3A_2317] : memref<125000x8x16xf32, #tpu.memory_space<hbm>> -> memref<1x8x16xf32, #tpu.memory_space<hbm>>
        %dma_start3A_2319 = tpu.memref_squeeze %dma_start3A_2318 : memref<1x8x16xf32, #tpu.memory_space<hbm>> -> memref<8x16xf32, #tpu.memory_space<hbm>>
        %dma_start3A_2320 = arith.constant 0 : i32
        %dma_start3A_2321 = arith.constant 0 : i32
        %dma_start3A_2322 = tpu.memref_slice %arg12[%sub3A_1642, %dma_start3A_2311, %dma_start3A_2320, %dma_start3A_2321] : memref<2x16x8x16xf32, #tpu.memory_space<vmem>> -> memref<1x1x8x16xf32, #tpu.memory_space<vmem>>
        %dma_start3A_2323 = tpu.memref_squeeze %dma_start3A_2322 : memref<1x1x8x16xf32, #tpu.memory_space<vmem>> -> memref<8x16xf32, #tpu.memory_space<vmem>>
        %dma_start3A_2324 = arith.constant 0 : i32
        %dma_start3A_2325 = arith.constant 0 : i32
        %dma_start3A_2326 = tpu.memref_slice %arg4[%squeeze3A_2310, %dma_start3A_2324, %dma_start3A_2325] : memref<125000x8x16xf32, #tpu.memory_space<hbm>> -> memref<1x8x16xf32, #tpu.memory_space<hbm>>
        %dma_start3A_2327 = tpu.memref_squeeze %dma_start3A_2326 : memref<1x8x16xf32, #tpu.memory_space<hbm>> -> memref<8x16xf32, #tpu.memory_space<hbm>>
        tpu.enqueue_dma source(%dma_start3A_2327 : memref<8x16xf32, #tpu.memory_space<hbm>>) target(%dma_start3A_2323 : memref<8x16xf32, #tpu.memory_space<vmem>>) target_semaphore(%arg18 : memref<!tpu.dma_semaphore, #tpu.memory_space<semaphore_mem>>)
        %slice3A_2328 = vector.extract_strided_slice %shift_right_arithmetic3A_1738 {offsets = [15], sizes = [1], strides = [1]} : vector<16xi32> to vector<1xi32>
        %squeeze3A_2329 = vector.extract %slice3A_2328[0] : i32 from vector<1xi32>
        %dma_start3A_2330 = arith.constant 15 : i32
        %dma_start3A_2331 = arith.constant 0 : i32
        %dma_start3A_2332 = arith.constant 0 : i32
        %dma_start3A_2333 = tpu.memref_slice %arg13[%sub3A_1642, %dma_start3A_2330, %dma_start3A_2331, %dma_start3A_2332] : memref<2x16x8x16xf32, #tpu.memory_space<vmem>> -> memref<1x1x8x16xf32, #tpu.memory_space<vmem>>
        %dma_start3A_2334 = tpu.memref_squeeze %dma_start3A_2333 : memref<1x1x8x16xf32, #tpu.memory_space<vmem>> -> memref<8x16xf32, #tpu.memory_space<vmem>>
        %dma_start3A_2335 = arith.constant 0 : i32
        %dma_start3A_2336 = arith.constant 0 : i32
        %dma_start3A_2337 = tpu.memref_slice %arg5[%squeeze3A_2329, %dma_start3A_2335, %dma_start3A_2336] : memref<12500x8x16xf32, #tpu.memory_space<hbm>> -> memref<1x8x16xf32, #tpu.memory_space<hbm>>
        %dma_start3A_2338 = tpu.memref_squeeze %dma_start3A_2337 : memref<1x8x16xf32, #tpu.memory_space<hbm>> -> memref<8x16xf32, #tpu.memory_space<hbm>>
        %dma_start3A_2339 = arith.constant 0 : i32
        %dma_start3A_2340 = arith.constant 0 : i32
        %dma_start3A_2341 = tpu.memref_slice %arg13[%sub3A_1642, %dma_start3A_2330, %dma_start3A_2339, %dma_start3A_2340] : memref<2x16x8x16xf32, #tpu.memory_space<vmem>> -> memref<1x1x8x16xf32, #tpu.memory_space<vmem>>
        %dma_start3A_2342 = tpu.memref_squeeze %dma_start3A_2341 : memref<1x1x8x16xf32, #tpu.memory_space<vmem>> -> memref<8x16xf32, #tpu.memory_space<vmem>>
        %dma_start3A_2343 = arith.constant 0 : i32
        %dma_start3A_2344 = arith.constant 0 : i32
        %dma_start3A_2345 = tpu.memref_slice %arg5[%squeeze3A_2329, %dma_start3A_2343, %dma_start3A_2344] : memref<12500x8x16xf32, #tpu.memory_space<hbm>> -> memref<1x8x16xf32, #tpu.memory_space<hbm>>
        %dma_start3A_2346 = tpu.memref_squeeze %dma_start3A_2345 : memref<1x8x16xf32, #tpu.memory_space<hbm>> -> memref<8x16xf32, #tpu.memory_space<hbm>>
        tpu.enqueue_dma source(%dma_start3A_2346 : memref<8x16xf32, #tpu.memory_space<hbm>>) target(%dma_start3A_2342 : memref<8x16xf32, #tpu.memory_space<vmem>>) target_semaphore(%arg18 : memref<!tpu.dma_semaphore, #tpu.memory_space<semaphore_mem>>)
        %shift_right_arithmetic3A_2347 = arith.constant 7 : i32
        %shift_right_arithmetic3A_2348 = vector.broadcast %shift_right_arithmetic3A_2347 : i32 to vector<16xi32>
        %shift_right_arithmetic3A_2349 = arith.shrsi %get3A_1687, %shift_right_arithmetic3A_2348 : vector<16xi32>
        %dma_start3A_2350 = arith.constant 0 : i32
        %dma_start3A_2351 = arith.constant 0 : i32
        %dma_start3A_2352 = tpu.memref_slice %arg14[%sub3A_1642, %dma_start3A_2350, %dma_start3A_2351] : memref<2x16x128xf32, #tpu.memory_space<vmem>> -> memref<1x16x128xf32, #tpu.memory_space<vmem>>
        %dma_start3A_2353 = tpu.memref_squeeze %dma_start3A_2352 : memref<1x16x128xf32, #tpu.memory_space<vmem>> -> memref<16x128xf32, #tpu.memory_space<vmem>>
        %dma_start3A_2354 = arith.constant 0 : i32
        %dma_start3A_2355 = arith.constant 0 : i32
        %dma_start3A_2356 = tpu.memref_slice %arg6[%dma_start3A_2354, %dma_start3A_2355] : memref<7813x128xf32, #tpu.memory_space<hbm>> -> memref<7813x128xf32, #tpu.memory_space<hbm>>
        tpu.enqueue_indirect_dma source(%dma_start3A_2356 : memref<7813x128xf32, #tpu.memory_space<hbm>>) target(%dma_start3A_2353 : memref<16x128xf32, #tpu.memory_space<vmem>>) offsets(%shift_right_arithmetic3A_2349 : vector<16xi32>) semaphore(%arg18 : memref<!tpu.dma_semaphore, #tpu.memory_space<semaphore_mem>>)
        %shift_right_arithmetic3A_2357 = arith.constant 7 : i32
        %shift_right_arithmetic3A_2358 = vector.broadcast %shift_right_arithmetic3A_2357 : i32 to vector<16xi32>
        %shift_right_arithmetic3A_2359 = arith.shrsi %get3A_1732, %shift_right_arithmetic3A_2358 : vector<16xi32>
        %dma_start3A_2360 = arith.constant 0 : i32
        %dma_start3A_2361 = arith.constant 0 : i32
        %dma_start3A_2362 = tpu.memref_slice %arg15[%sub3A_1642, %dma_start3A_2360, %dma_start3A_2361] : memref<2x16x128xf32, #tpu.memory_space<vmem>> -> memref<1x16x128xf32, #tpu.memory_space<vmem>>
        %dma_start3A_2363 = tpu.memref_squeeze %dma_start3A_2362 : memref<1x16x128xf32, #tpu.memory_space<vmem>> -> memref<16x128xf32, #tpu.memory_space<vmem>>
        %dma_start3A_2364 = arith.constant 0 : i32
        %dma_start3A_2365 = arith.constant 0 : i32
        %dma_start3A_2366 = tpu.memref_slice %arg7[%dma_start3A_2364, %dma_start3A_2365] : memref<782x128xf32, #tpu.memory_space<hbm>> -> memref<782x128xf32, #tpu.memory_space<hbm>>
        tpu.enqueue_indirect_dma source(%dma_start3A_2366 : memref<782x128xf32, #tpu.memory_space<hbm>>) target(%dma_start3A_2363 : memref<16x128xf32, #tpu.memory_space<vmem>>) offsets(%shift_right_arithmetic3A_2359 : vector<16xi32>) semaphore(%arg18 : memref<!tpu.dma_semaphore, #tpu.memory_space<semaphore_mem>>)
      } else {
      }
      %jit3A = arith.constant 8 : i32
      %div3A = arith.divsi %scan3A_679, %jit3A : i32
      %sign3A = arith.constant 0 : i32
      %sign3A_1274 = arith.cmpi sgt, %scan3A_679, %sign3A : i32
      %sign3A_1275 = arith.extui %sign3A_1274 : i1 to i32
      %sign3A_1276 = arith.constant 0 : i32
      %sign3A_1277 = arith.cmpi slt, %scan3A_679, %sign3A_1276 : i32
      %sign3A_1278 = arith.extui %sign3A_1277 : i1 to i32
      %sign3A_1279 = arith.subi %sign3A_1275, %sign3A_1278 : i32
      %sign3A_1280 = arith.constant 0 : i32
      %sign3A_1281 = arith.cmpi sgt, %jit3A, %sign3A_1280 : i32
      %sign3A_1282 = arith.extui %sign3A_1281 : i1 to i32
      %sign3A_1283 = arith.constant 0 : i32
      %sign3A_1284 = arith.cmpi slt, %jit3A, %sign3A_1283 : i32
      %sign3A_1285 = arith.extui %sign3A_1284 : i1 to i32
      %sign3A_1286 = arith.subi %sign3A_1282, %sign3A_1285 : i32
      %ne3A = arith.cmpi ne, %sign3A_1279, %sign3A_1286 : i32
      %rem3A_1287 = arith.remsi %scan3A_679, %jit3A : i32
      %ne3A_1288 = arith.constant 0 : i32
      %ne3A_1289 = arith.cmpi ne, %rem3A_1287, %ne3A_1288 : i32
      %and3A = arith.andi %ne3A, %ne3A_1289 : i1
      %sub3A = arith.constant 1 : i32
      %sub3A_1290 = arith.subi %div3A, %sub3A : i32
      %select_n3A = arith.select %and3A, %sub3A_1290, %div3A : i32
      %jit3A_1291 = arith.constant 8 : i32
      %eq3A = arith.constant 0 : i32
      %eq3A_1292 = arith.cmpi eq, %jit3A_1291, %eq3A : i32
      %jit3A_1293 = arith.constant 1 : i32
      %select_n3A_1294 = arith.select %eq3A_1292, %jit3A_1293, %jit3A_1291 : i32
      %rem3A_1295 = arith.remsi %scan3A_679, %select_n3A_1294 : i32
      %ne3A_1296 = arith.constant 0 : i32
      %ne3A_1297 = arith.cmpi ne, %rem3A_1295, %ne3A_1296 : i32
      %lt3A_1298 = arith.constant 0 : i32
      %lt3A_1299 = arith.cmpi slt, %rem3A_1295, %lt3A_1298 : i32
      %lt3A_1300 = arith.constant 0 : i32
      %lt3A_1301 = arith.cmpi slt, %select_n3A_1294, %lt3A_1300 : i32
      %ne3A_1302 = arith.xori %lt3A_1299, %lt3A_1301 : i1
      %and3A_1303 = arith.andi %ne3A_1302, %ne3A_1297 : i1
      %add3A_1304 = arith.addi %rem3A_1295, %select_n3A_1294 : i32
      %select_n3A_1305 = arith.select %and3A_1303, %add3A_1304, %rem3A_1295 : i32
      %mul3A_1306 = arith.constant 16 : i32
      %mul3A_1307 = arith.muli %select_n3A_1305, %mul3A_1306 : i32
      %get3A_1308 = arith.index_cast %select_n3A : i32 to index
      %get3A_1309 = arith.index_cast %mul3A_1307 : i32 to index
      %get3A_1310 = tpu.vector_load %arg10[%get3A_1308, %get3A_1309] {strides = array<i32>} : memref<4x128xi32, #tpu.memory_space<vmem>>, vector<16xi32>,
      %jit3A_1311 = arith.constant 8 : i32
      %div3A_1312 = arith.divsi %scan3A_679, %jit3A_1311 : i32
      %sign3A_1313 = arith.constant 0 : i32
      %sign3A_1314 = arith.cmpi sgt, %scan3A_679, %sign3A_1313 : i32
      %sign3A_1315 = arith.extui %sign3A_1314 : i1 to i32
      %sign3A_1316 = arith.constant 0 : i32
      %sign3A_1317 = arith.cmpi slt, %scan3A_679, %sign3A_1316 : i32
      %sign3A_1318 = arith.extui %sign3A_1317 : i1 to i32
      %sign3A_1319 = arith.subi %sign3A_1315, %sign3A_1318 : i32
      %sign3A_1320 = arith.constant 0 : i32
      %sign3A_1321 = arith.cmpi sgt, %jit3A_1311, %sign3A_1320 : i32
      %sign3A_1322 = arith.extui %sign3A_1321 : i1 to i32
      %sign3A_1323 = arith.constant 0 : i32
      %sign3A_1324 = arith.cmpi slt, %jit3A_1311, %sign3A_1323 : i32
      %sign3A_1325 = arith.extui %sign3A_1324 : i1 to i32
      %sign3A_1326 = arith.subi %sign3A_1322, %sign3A_1325 : i32
      %ne3A_1327 = arith.cmpi ne, %sign3A_1319, %sign3A_1326 : i32
      %rem3A_1328 = arith.remsi %scan3A_679, %jit3A_1311 : i32
      %ne3A_1329 = arith.constant 0 : i32
      %ne3A_1330 = arith.cmpi ne, %rem3A_1328, %ne3A_1329 : i32
      %and3A_1331 = arith.andi %ne3A_1327, %ne3A_1330 : i1
      %sub3A_1332 = arith.constant 1 : i32
      %sub3A_1333 = arith.subi %div3A_1312, %sub3A_1332 : i32
      %select_n3A_1334 = arith.select %and3A_1331, %sub3A_1333, %div3A_1312 : i32
      %jit3A_1335 = arith.constant 8 : i32
      %eq3A_1336 = arith.constant 0 : i32
      %eq3A_1337 = arith.cmpi eq, %jit3A_1335, %eq3A_1336 : i32
      %jit3A_1338 = arith.constant 1 : i32
      %select_n3A_1339 = arith.select %eq3A_1337, %jit3A_1338, %jit3A_1335 : i32
      %rem3A_1340 = arith.remsi %scan3A_679, %select_n3A_1339 : i32
      %ne3A_1341 = arith.constant 0 : i32
      %ne3A_1342 = arith.cmpi ne, %rem3A_1340, %ne3A_1341 : i32
      %lt3A_1343 = arith.constant 0 : i32
      %lt3A_1344 = arith.cmpi slt, %rem3A_1340, %lt3A_1343 : i32
      %lt3A_1345 = arith.constant 0 : i32
      %lt3A_1346 = arith.cmpi slt, %select_n3A_1339, %lt3A_1345 : i32
      %ne3A_1347 = arith.xori %lt3A_1344, %lt3A_1346 : i1
      %and3A_1348 = arith.andi %ne3A_1347, %ne3A_1342 : i1
      %add3A_1349 = arith.addi %rem3A_1340, %select_n3A_1339 : i32
      %select_n3A_1350 = arith.select %and3A_1348, %add3A_1349, %rem3A_1340 : i32
      %mul3A_1351 = arith.constant 16 : i32
      %mul3A_1352 = arith.muli %select_n3A_1350, %mul3A_1351 : i32
      %get3A_1353 = arith.index_cast %select_n3A_1334 : i32 to index
      %get3A_1354 = arith.index_cast %mul3A_1352 : i32 to index
      %get3A_1355 = tpu.vector_load %arg11[%get3A_1353, %get3A_1354] {strides = array<i32>} : memref<4x128xi32, #tpu.memory_space<vmem>>, vector<16xi32>,
      %and3A_1356 = arith.constant 7 : i32
      %and3A_1357 = vector.broadcast %and3A_1356 : i32 to vector<16xi32>
      %and3A_1358 = arith.andi %get3A_1310, %and3A_1357 : vector<16xi32>
      %and3A_1359 = arith.constant 7 : i32
      %and3A_1360 = vector.broadcast %and3A_1359 : i32 to vector<16xi32>
      %and3A_1361 = arith.andi %get3A_1355, %and3A_1360 : vector<16xi32>
      %get3A_1362 = arith.constant 0 : index
      %get3A_1363 = tpu.vector_load %arg16[%get3A_1362] {strides = array<i32>} : memref<16xf32, #tpu.memory_space<vmem>>, vector<16xf32>,
      %and3A_1364 = arith.constant 127 : i32
      %and3A_1365 = vector.broadcast %and3A_1364 : i32 to vector<16xi32>
      %and3A_1366 = arith.andi %get3A_1310, %and3A_1365 : vector<16xi32>
      %gather3A = arith.constant 0 : i32
      %gather3A_1367 = arith.constant 0 : i32
      %gather3A_1368 = tpu.memref_slice %arg14[%rem3A_680, %gather3A, %gather3A_1367] : memref<2x16x128xf32, #tpu.memory_space<vmem>> -> memref<1x16x128xf32, #tpu.memory_space<vmem>>
      %gather3A_1369 = tpu.memref_squeeze %gather3A_1368 : memref<1x16x128xf32, #tpu.memory_space<vmem>> -> memref<16x128xf32, #tpu.memory_space<vmem>>
      %gather3A_1370 = tpu.vector_load_idx %gather3A_1369[%iota3A, %and3A_1366] : memref<16x128xf32, #tpu.memory_space<vmem>>[vector<16xi32>, vector<16xi32>], vector<16xf32>,
      %add3A_1371 = arith.addf %get3A_1363, %gather3A_1370 : vector<16xf32>
      %and3A_1372 = arith.constant 127 : i32
      %and3A_1373 = vector.broadcast %and3A_1372 : i32 to vector<16xi32>
      %and3A_1374 = arith.andi %get3A_1355, %and3A_1373 : vector<16xi32>
      %gather3A_1375 = arith.constant 0 : i32
      %gather3A_1376 = arith.constant 0 : i32
      %gather3A_1377 = tpu.memref_slice %arg15[%rem3A_680, %gather3A_1375, %gather3A_1376] : memref<2x16x128xf32, #tpu.memory_space<vmem>> -> memref<1x16x128xf32, #tpu.memory_space<vmem>>
      %gather3A_1378 = tpu.memref_squeeze %gather3A_1377 : memref<1x16x128xf32, #tpu.memory_space<vmem>> -> memref<16x128xf32, #tpu.memory_space<vmem>>
      %gather3A_1379 = tpu.vector_load_idx %gather3A_1378[%iota3A, %and3A_1374] : memref<16x128xf32, #tpu.memory_space<vmem>>[vector<16xi32>, vector<16xi32>], vector<16xf32>,
      %add3A_1380 = arith.addf %add3A_1371, %gather3A_1379 : vector<16xf32>
      %broadcast_in_dim3A = arith.constant 0 : i32
      %broadcast_in_dim3A_1381 = vector.broadcast %broadcast_in_dim3A : i32 to vector<16xi32>
      %gather3A_1382 = arith.constant 0 : i32
      %gather3A_1383 = arith.constant 0 : i32
      %gather3A_1384 = arith.constant 0 : i32
      %gather3A_1385 = tpu.memref_slice %arg12[%rem3A_680, %gather3A_1382, %gather3A_1383, %gather3A_1384] : memref<2x16x8x16xf32, #tpu.memory_space<vmem>> -> memref<1x16x8x16xf32, #tpu.memory_space<vmem>>
      %gather3A_1386 = tpu.memref_squeeze %gather3A_1385 : memref<1x16x8x16xf32, #tpu.memory_space<vmem>> -> memref<16x8x16xf32, #tpu.memory_space<vmem>>
      %gather3A_1387 = tpu.vector_load_idx %gather3A_1386[%iota3A, %and3A_1358, %broadcast_in_dim3A_1381] : memref<16x8x16xf32, #tpu.memory_space<vmem>>[vector<16xi32>, vector<16xi32>, vector<16xi32>], vector<16xf32>,
      %gather3A_1388 = arith.constant 0 : i32
      %gather3A_1389 = arith.constant 0 : i32
      %gather3A_1390 = arith.constant 0 : i32
      %gather3A_1391 = tpu.memref_slice %arg13[%rem3A_680, %gather3A_1388, %gather3A_1389, %gather3A_1390] : memref<2x16x8x16xf32, #tpu.memory_space<vmem>> -> memref<1x16x8x16xf32, #tpu.memory_space<vmem>>
      %gather3A_1392 = tpu.memref_squeeze %gather3A_1391 : memref<1x16x8x16xf32, #tpu.memory_space<vmem>> -> memref<16x8x16xf32, #tpu.memory_space<vmem>>
      %gather3A_1393 = tpu.vector_load_idx %gather3A_1392[%iota3A, %and3A_1361, %broadcast_in_dim3A_1381] : memref<16x8x16xf32, #tpu.memory_space<vmem>>[vector<16xi32>, vector<16xi32>, vector<16xi32>], vector<16xf32>,
      %mul3A_1394 = arith.mulf %gather3A_1387, %gather3A_1393 : vector<16xf32>
      %add3A_1395 = arith.addf %add3A_1380, %mul3A_1394 : vector<16xf32>
      %broadcast_in_dim3A_1396 = arith.constant 1 : i32
      %broadcast_in_dim3A_1397 = vector.broadcast %broadcast_in_dim3A_1396 : i32 to vector<16xi32>
      %gather3A_1398 = arith.constant 0 : i32
      %gather3A_1399 = arith.constant 0 : i32
      %gather3A_1400 = arith.constant 0 : i32
      %gather3A_1401 = tpu.memref_slice %arg12[%rem3A_680, %gather3A_1398, %gather3A_1399, %gather3A_1400] : memref<2x16x8x16xf32, #tpu.memory_space<vmem>> -> memref<1x16x8x16xf32, #tpu.memory_space<vmem>>
      %gather3A_1402 = tpu.memref_squeeze %gather3A_1401 : memref<1x16x8x16xf32, #tpu.memory_space<vmem>> -> memref<16x8x16xf32, #tpu.memory_space<vmem>>
      %gather3A_1403 = tpu.vector_load_idx %gather3A_1402[%iota3A, %and3A_1358, %broadcast_in_dim3A_1397] : memref<16x8x16xf32, #tpu.memory_space<vmem>>[vector<16xi32>, vector<16xi32>, vector<16xi32>], vector<16xf32>,
      %gather3A_1404 = arith.constant 0 : i32
      %gather3A_1405 = arith.constant 0 : i32
      %gather3A_1406 = arith.constant 0 : i32
      %gather3A_1407 = tpu.memref_slice %arg13[%rem3A_680, %gather3A_1404, %gather3A_1405, %gather3A_1406] : memref<2x16x8x16xf32, #tpu.memory_space<vmem>> -> memref<1x16x8x16xf32, #tpu.memory_space<vmem>>
      %gather3A_1408 = tpu.memref_squeeze %gather3A_1407 : memref<1x16x8x16xf32, #tpu.memory_space<vmem>> -> memref<16x8x16xf32, #tpu.memory_space<vmem>>
      %gather3A_1409 = tpu.vector_load_idx %gather3A_1408[%iota3A, %and3A_1361, %broadcast_in_dim3A_1397] : memref<16x8x16xf32, #tpu.memory_space<vmem>>[vector<16xi32>, vector<16xi32>, vector<16xi32>], vector<16xf32>,
      %mul3A_1410 = arith.mulf %gather3A_1403, %gather3A_1409 : vector<16xf32>
      %add3A_1411 = arith.addf %add3A_1395, %mul3A_1410 : vector<16xf32>
      %broadcast_in_dim3A_1412 = arith.constant 2 : i32
      %broadcast_in_dim3A_1413 = vector.broadcast %broadcast_in_dim3A_1412 : i32 to vector<16xi32>
      %gather3A_1414 = arith.constant 0 : i32
      %gather3A_1415 = arith.constant 0 : i32
      %gather3A_1416 = arith.constant 0 : i32
      %gather3A_1417 = tpu.memref_slice %arg12[%rem3A_680, %gather3A_1414, %gather3A_1415, %gather3A_1416] : memref<2x16x8x16xf32, #tpu.memory_space<vmem>> -> memref<1x16x8x16xf32, #tpu.memory_space<vmem>>
      %gather3A_1418 = tpu.memref_squeeze %gather3A_1417 : memref<1x16x8x16xf32, #tpu.memory_space<vmem>> -> memref<16x8x16xf32, #tpu.memory_space<vmem>>
      %gather3A_1419 = tpu.vector_load_idx %gather3A_1418[%iota3A, %and3A_1358, %broadcast_in_dim3A_1413] : memref<16x8x16xf32, #tpu.memory_space<vmem>>[vector<16xi32>, vector<16xi32>, vector<16xi32>], vector<16xf32>,
      %gather3A_1420 = arith.constant 0 : i32
      %gather3A_1421 = arith.constant 0 : i32
      %gather3A_1422 = arith.constant 0 : i32
      %gather3A_1423 = tpu.memref_slice %arg13[%rem3A_680, %gather3A_1420, %gather3A_1421, %gather3A_1422] : memref<2x16x8x16xf32, #tpu.memory_space<vmem>> -> memref<1x16x8x16xf32, #tpu.memory_space<vmem>>
      %gather3A_1424 = tpu.memref_squeeze %gather3A_1423 : memref<1x16x8x16xf32, #tpu.memory_space<vmem>> -> memref<16x8x16xf32, #tpu.memory_space<vmem>>
      %gather3A_1425 = tpu.vector_load_idx %gather3A_1424[%iota3A, %and3A_1361, %broadcast_in_dim3A_1413] : memref<16x8x16xf32, #tpu.memory_space<vmem>>[vector<16xi32>, vector<16xi32>, vector<16xi32>], vector<16xf32>,
      %mul3A_1426 = arith.mulf %gather3A_1419, %gather3A_1425 : vector<16xf32>
      %add3A_1427 = arith.addf %add3A_1411, %mul3A_1426 : vector<16xf32>
      %broadcast_in_dim3A_1428 = arith.constant 3 : i32
      %broadcast_in_dim3A_1429 = vector.broadcast %broadcast_in_dim3A_1428 : i32 to vector<16xi32>
      %gather3A_1430 = arith.constant 0 : i32
      %gather3A_1431 = arith.constant 0 : i32
      %gather3A_1432 = arith.constant 0 : i32
      %gather3A_1433 = tpu.memref_slice %arg12[%rem3A_680, %gather3A_1430, %gather3A_1431, %gather3A_1432] : memref<2x16x8x16xf32, #tpu.memory_space<vmem>> -> memref<1x16x8x16xf32, #tpu.memory_space<vmem>>
      %gather3A_1434 = tpu.memref_squeeze %gather3A_1433 : memref<1x16x8x16xf32, #tpu.memory_space<vmem>> -> memref<16x8x16xf32, #tpu.memory_space<vmem>>
      %gather3A_1435 = tpu.vector_load_idx %gather3A_1434[%iota3A, %and3A_1358, %broadcast_in_dim3A_1429] : memref<16x8x16xf32, #tpu.memory_space<vmem>>[vector<16xi32>, vector<16xi32>, vector<16xi32>], vector<16xf32>,
      %gather3A_1436 = arith.constant 0 : i32
      %gather3A_1437 = arith.constant 0 : i32
      %gather3A_1438 = arith.constant 0 : i32
      %gather3A_1439 = tpu.memref_slice %arg13[%rem3A_680, %gather3A_1436, %gather3A_1437, %gather3A_1438] : memref<2x16x8x16xf32, #tpu.memory_space<vmem>> -> memref<1x16x8x16xf32, #tpu.memory_space<vmem>>
      %gather3A_1440 = tpu.memref_squeeze %gather3A_1439 : memref<1x16x8x16xf32, #tpu.memory_space<vmem>> -> memref<16x8x16xf32, #tpu.memory_space<vmem>>
      %gather3A_1441 = tpu.vector_load_idx %gather3A_1440[%iota3A, %and3A_1361, %broadcast_in_dim3A_1429] : memref<16x8x16xf32, #tpu.memory_space<vmem>>[vector<16xi32>, vector<16xi32>, vector<16xi32>], vector<16xf32>,
      %mul3A_1442 = arith.mulf %gather3A_1435, %gather3A_1441 : vector<16xf32>
      %add3A_1443 = arith.addf %add3A_1427, %mul3A_1442 : vector<16xf32>
      %broadcast_in_dim3A_1444 = arith.constant 4 : i32
      %broadcast_in_dim3A_1445 = vector.broadcast %broadcast_in_dim3A_1444 : i32 to vector<16xi32>
      %gather3A_1446 = arith.constant 0 : i32
      %gather3A_1447 = arith.constant 0 : i32
      %gather3A_1448 = arith.constant 0 : i32
      %gather3A_1449 = tpu.memref_slice %arg12[%rem3A_680, %gather3A_1446, %gather3A_1447, %gather3A_1448] : memref<2x16x8x16xf32, #tpu.memory_space<vmem>> -> memref<1x16x8x16xf32, #tpu.memory_space<vmem>>
      %gather3A_1450 = tpu.memref_squeeze %gather3A_1449 : memref<1x16x8x16xf32, #tpu.memory_space<vmem>> -> memref<16x8x16xf32, #tpu.memory_space<vmem>>
      %gather3A_1451 = tpu.vector_load_idx %gather3A_1450[%iota3A, %and3A_1358, %broadcast_in_dim3A_1445] : memref<16x8x16xf32, #tpu.memory_space<vmem>>[vector<16xi32>, vector<16xi32>, vector<16xi32>], vector<16xf32>,
      %gather3A_1452 = arith.constant 0 : i32
      %gather3A_1453 = arith.constant 0 : i32
      %gather3A_1454 = arith.constant 0 : i32
      %gather3A_1455 = tpu.memref_slice %arg13[%rem3A_680, %gather3A_1452, %gather3A_1453, %gather3A_1454] : memref<2x16x8x16xf32, #tpu.memory_space<vmem>> -> memref<1x16x8x16xf32, #tpu.memory_space<vmem>>
      %gather3A_1456 = tpu.memref_squeeze %gather3A_1455 : memref<1x16x8x16xf32, #tpu.memory_space<vmem>> -> memref<16x8x16xf32, #tpu.memory_space<vmem>>
      %gather3A_1457 = tpu.vector_load_idx %gather3A_1456[%iota3A, %and3A_1361, %broadcast_in_dim3A_1445] : memref<16x8x16xf32, #tpu.memory_space<vmem>>[vector<16xi32>, vector<16xi32>, vector<16xi32>], vector<16xf32>,
      %mul3A_1458 = arith.mulf %gather3A_1451, %gather3A_1457 : vector<16xf32>
      %add3A_1459 = arith.addf %add3A_1443, %mul3A_1458 : vector<16xf32>
      %broadcast_in_dim3A_1460 = arith.constant 5 : i32
      %broadcast_in_dim3A_1461 = vector.broadcast %broadcast_in_dim3A_1460 : i32 to vector<16xi32>
      %gather3A_1462 = arith.constant 0 : i32
      %gather3A_1463 = arith.constant 0 : i32
      %gather3A_1464 = arith.constant 0 : i32
      %gather3A_1465 = tpu.memref_slice %arg12[%rem3A_680, %gather3A_1462, %gather3A_1463, %gather3A_1464] : memref<2x16x8x16xf32, #tpu.memory_space<vmem>> -> memref<1x16x8x16xf32, #tpu.memory_space<vmem>>
      %gather3A_1466 = tpu.memref_squeeze %gather3A_1465 : memref<1x16x8x16xf32, #tpu.memory_space<vmem>> -> memref<16x8x16xf32, #tpu.memory_space<vmem>>
      %gather3A_1467 = tpu.vector_load_idx %gather3A_1466[%iota3A, %and3A_1358, %broadcast_in_dim3A_1461] : memref<16x8x16xf32, #tpu.memory_space<vmem>>[vector<16xi32>, vector<16xi32>, vector<16xi32>], vector<16xf32>,
      %gather3A_1468 = arith.constant 0 : i32
      %gather3A_1469 = arith.constant 0 : i32
      %gather3A_1470 = arith.constant 0 : i32
      %gather3A_1471 = tpu.memref_slice %arg13[%rem3A_680, %gather3A_1468, %gather3A_1469, %gather3A_1470] : memref<2x16x8x16xf32, #tpu.memory_space<vmem>> -> memref<1x16x8x16xf32, #tpu.memory_space<vmem>>
      %gather3A_1472 = tpu.memref_squeeze %gather3A_1471 : memref<1x16x8x16xf32, #tpu.memory_space<vmem>> -> memref<16x8x16xf32, #tpu.memory_space<vmem>>
      %gather3A_1473 = tpu.vector_load_idx %gather3A_1472[%iota3A, %and3A_1361, %broadcast_in_dim3A_1461] : memref<16x8x16xf32, #tpu.memory_space<vmem>>[vector<16xi32>, vector<16xi32>, vector<16xi32>], vector<16xf32>,
      %mul3A_1474 = arith.mulf %gather3A_1467, %gather3A_1473 : vector<16xf32>
      %add3A_1475 = arith.addf %add3A_1459, %mul3A_1474 : vector<16xf32>
      %broadcast_in_dim3A_1476 = arith.constant 6 : i32
      %broadcast_in_dim3A_1477 = vector.broadcast %broadcast_in_dim3A_1476 : i32 to vector<16xi32>
      %gather3A_1478 = arith.constant 0 : i32
      %gather3A_1479 = arith.constant 0 : i32
      %gather3A_1480 = arith.constant 0 : i32
      %gather3A_1481 = tpu.memref_slice %arg12[%rem3A_680, %gather3A_1478, %gather3A_1479, %gather3A_1480] : memref<2x16x8x16xf32, #tpu.memory_space<vmem>> -> memref<1x16x8x16xf32, #tpu.memory_space<vmem>>
      %gather3A_1482 = tpu.memref_squeeze %gather3A_1481 : memref<1x16x8x16xf32, #tpu.memory_space<vmem>> -> memref<16x8x16xf32, #tpu.memory_space<vmem>>
      %gather3A_1483 = tpu.vector_load_idx %gather3A_1482[%iota3A, %and3A_1358, %broadcast_in_dim3A_1477] : memref<16x8x16xf32, #tpu.memory_space<vmem>>[vector<16xi32>, vector<16xi32>, vector<16xi32>], vector<16xf32>,
      %gather3A_1484 = arith.constant 0 : i32
      %gather3A_1485 = arith.constant 0 : i32
      %gather3A_1486 = arith.constant 0 : i32
      %gather3A_1487 = tpu.memref_slice %arg13[%rem3A_680, %gather3A_1484, %gather3A_1485, %gather3A_1486] : memref<2x16x8x16xf32, #tpu.memory_space<vmem>> -> memref<1x16x8x16xf32, #tpu.memory_space<vmem>>
      %gather3A_1488 = tpu.memref_squeeze %gather3A_1487 : memref<1x16x8x16xf32, #tpu.memory_space<vmem>> -> memref<16x8x16xf32, #tpu.memory_space<vmem>>
      %gather3A_1489 = tpu.vector_load_idx %gather3A_1488[%iota3A, %and3A_1361, %broadcast_in_dim3A_1477] : memref<16x8x16xf32, #tpu.memory_space<vmem>>[vector<16xi32>, vector<16xi32>, vector<16xi32>], vector<16xf32>,
      %mul3A_1490 = arith.mulf %gather3A_1483, %gather3A_1489 : vector<16xf32>
      %add3A_1491 = arith.addf %add3A_1475, %mul3A_1490 : vector<16xf32>
      %broadcast_in_dim3A_1492 = arith.constant 7 : i32
      %broadcast_in_dim3A_1493 = vector.broadcast %broadcast_in_dim3A_1492 : i32 to vector<16xi32>
      %gather3A_1494 = arith.constant 0 : i32
      %gather3A_1495 = arith.constant 0 : i32
      %gather3A_1496 = arith.constant 0 : i32
      %gather3A_1497 = tpu.memref_slice %arg12[%rem3A_680, %gather3A_1494, %gather3A_1495, %gather3A_1496] : memref<2x16x8x16xf32, #tpu.memory_space<vmem>> -> memref<1x16x8x16xf32, #tpu.memory_space<vmem>>
      %gather3A_1498 = tpu.memref_squeeze %gather3A_1497 : memref<1x16x8x16xf32, #tpu.memory_space<vmem>> -> memref<16x8x16xf32, #tpu.memory_space<vmem>>
      %gather3A_1499 = tpu.vector_load_idx %gather3A_1498[%iota3A, %and3A_1358, %broadcast_in_dim3A_1493] : memref<16x8x16xf32, #tpu.memory_space<vmem>>[vector<16xi32>, vector<16xi32>, vector<16xi32>], vector<16xf32>,
      %gather3A_1500 = arith.constant 0 : i32
      %gather3A_1501 = arith.constant 0 : i32
      %gather3A_1502 = arith.constant 0 : i32
      %gather3A_1503 = tpu.memref_slice %arg13[%rem3A_680, %gather3A_1500, %gather3A_1501, %gather3A_1502] : memref<2x16x8x16xf32, #tpu.memory_space<vmem>> -> memref<1x16x8x16xf32, #tpu.memory_space<vmem>>
      %gather3A_1504 = tpu.memref_squeeze %gather3A_1503 : memref<1x16x8x16xf32, #tpu.memory_space<vmem>> -> memref<16x8x16xf32, #tpu.memory_space<vmem>>
      %gather3A_1505 = tpu.vector_load_idx %gather3A_1504[%iota3A, %and3A_1361, %broadcast_in_dim3A_1493] : memref<16x8x16xf32, #tpu.memory_space<vmem>>[vector<16xi32>, vector<16xi32>, vector<16xi32>], vector<16xf32>,
      %mul3A_1506 = arith.mulf %gather3A_1499, %gather3A_1505 : vector<16xf32>
      %add3A_1507 = arith.addf %add3A_1491, %mul3A_1506 : vector<16xf32>
      %broadcast_in_dim3A_1508 = arith.constant 8 : i32
      %broadcast_in_dim3A_1509 = vector.broadcast %broadcast_in_dim3A_1508 : i32 to vector<16xi32>
      %gather3A_1510 = arith.constant 0 : i32
      %gather3A_1511 = arith.constant 0 : i32
      %gather3A_1512 = arith.constant 0 : i32
      %gather3A_1513 = tpu.memref_slice %arg12[%rem3A_680, %gather3A_1510, %gather3A_1511, %gather3A_1512] : memref<2x16x8x16xf32, #tpu.memory_space<vmem>> -> memref<1x16x8x16xf32, #tpu.memory_space<vmem>>
      %gather3A_1514 = tpu.memref_squeeze %gather3A_1513 : memref<1x16x8x16xf32, #tpu.memory_space<vmem>> -> memref<16x8x16xf32, #tpu.memory_space<vmem>>
      %gather3A_1515 = tpu.vector_load_idx %gather3A_1514[%iota3A, %and3A_1358, %broadcast_in_dim3A_1509] : memref<16x8x16xf32, #tpu.memory_space<vmem>>[vector<16xi32>, vector<16xi32>, vector<16xi32>], vector<16xf32>,
      %gather3A_1516 = arith.constant 0 : i32
      %gather3A_1517 = arith.constant 0 : i32
      %gather3A_1518 = arith.constant 0 : i32
      %gather3A_1519 = tpu.memref_slice %arg13[%rem3A_680, %gather3A_1516, %gather3A_1517, %gather3A_1518] : memref<2x16x8x16xf32, #tpu.memory_space<vmem>> -> memref<1x16x8x16xf32, #tpu.memory_space<vmem>>
      %gather3A_1520 = tpu.memref_squeeze %gather3A_1519 : memref<1x16x8x16xf32, #tpu.memory_space<vmem>> -> memref<16x8x16xf32, #tpu.memory_space<vmem>>
      %gather3A_1521 = tpu.vector_load_idx %gather3A_1520[%iota3A, %and3A_1361, %broadcast_in_dim3A_1509] : memref<16x8x16xf32, #tpu.memory_space<vmem>>[vector<16xi32>, vector<16xi32>, vector<16xi32>], vector<16xf32>,
      %mul3A_1522 = arith.mulf %gather3A_1515, %gather3A_1521 : vector<16xf32>
      %add3A_1523 = arith.addf %add3A_1507, %mul3A_1522 : vector<16xf32>
      %broadcast_in_dim3A_1524 = arith.constant 9 : i32
      %broadcast_in_dim3A_1525 = vector.broadcast %broadcast_in_dim3A_1524 : i32 to vector<16xi32>
      %gather3A_1526 = arith.constant 0 : i32
      %gather3A_1527 = arith.constant 0 : i32
      %gather3A_1528 = arith.constant 0 : i32
      %gather3A_1529 = tpu.memref_slice %arg12[%rem3A_680, %gather3A_1526, %gather3A_1527, %gather3A_1528] : memref<2x16x8x16xf32, #tpu.memory_space<vmem>> -> memref<1x16x8x16xf32, #tpu.memory_space<vmem>>
      %gather3A_1530 = tpu.memref_squeeze %gather3A_1529 : memref<1x16x8x16xf32, #tpu.memory_space<vmem>> -> memref<16x8x16xf32, #tpu.memory_space<vmem>>
      %gather3A_1531 = tpu.vector_load_idx %gather3A_1530[%iota3A, %and3A_1358, %broadcast_in_dim3A_1525] : memref<16x8x16xf32, #tpu.memory_space<vmem>>[vector<16xi32>, vector<16xi32>, vector<16xi32>], vector<16xf32>,
      %gather3A_1532 = arith.constant 0 : i32
      %gather3A_1533 = arith.constant 0 : i32
      %gather3A_1534 = arith.constant 0 : i32
      %gather3A_1535 = tpu.memref_slice %arg13[%rem3A_680, %gather3A_1532, %gather3A_1533, %gather3A_1534] : memref<2x16x8x16xf32, #tpu.memory_space<vmem>> -> memref<1x16x8x16xf32, #tpu.memory_space<vmem>>
      %gather3A_1536 = tpu.memref_squeeze %gather3A_1535 : memref<1x16x8x16xf32, #tpu.memory_space<vmem>> -> memref<16x8x16xf32, #tpu.memory_space<vmem>>
      %gather3A_1537 = tpu.vector_load_idx %gather3A_1536[%iota3A, %and3A_1361, %broadcast_in_dim3A_1525] : memref<16x8x16xf32, #tpu.memory_space<vmem>>[vector<16xi32>, vector<16xi32>, vector<16xi32>], vector<16xf32>,
      %mul3A_1538 = arith.mulf %gather3A_1531, %gather3A_1537 : vector<16xf32>
      %add3A_1539 = arith.addf %add3A_1523, %mul3A_1538 : vector<16xf32>
      %broadcast_in_dim3A_1540 = arith.constant 10 : i32
      %broadcast_in_dim3A_1541 = vector.broadcast %broadcast_in_dim3A_1540 : i32 to vector<16xi32>
      %gather3A_1542 = arith.constant 0 : i32
      %gather3A_1543 = arith.constant 0 : i32
      %gather3A_1544 = arith.constant 0 : i32
      %gather3A_1545 = tpu.memref_slice %arg12[%rem3A_680, %gather3A_1542, %gather3A_1543, %gather3A_1544] : memref<2x16x8x16xf32, #tpu.memory_space<vmem>> -> memref<1x16x8x16xf32, #tpu.memory_space<vmem>>
      %gather3A_1546 = tpu.memref_squeeze %gather3A_1545 : memref<1x16x8x16xf32, #tpu.memory_space<vmem>> -> memref<16x8x16xf32, #tpu.memory_space<vmem>>
      %gather3A_1547 = tpu.vector_load_idx %gather3A_1546[%iota3A, %and3A_1358, %broadcast_in_dim3A_1541] : memref<16x8x16xf32, #tpu.memory_space<vmem>>[vector<16xi32>, vector<16xi32>, vector<16xi32>], vector<16xf32>,
      %gather3A_1548 = arith.constant 0 : i32
      %gather3A_1549 = arith.constant 0 : i32
      %gather3A_1550 = arith.constant 0 : i32
      %gather3A_1551 = tpu.memref_slice %arg13[%rem3A_680, %gather3A_1548, %gather3A_1549, %gather3A_1550] : memref<2x16x8x16xf32, #tpu.memory_space<vmem>> -> memref<1x16x8x16xf32, #tpu.memory_space<vmem>>
      %gather3A_1552 = tpu.memref_squeeze %gather3A_1551 : memref<1x16x8x16xf32, #tpu.memory_space<vmem>> -> memref<16x8x16xf32, #tpu.memory_space<vmem>>
      %gather3A_1553 = tpu.vector_load_idx %gather3A_1552[%iota3A, %and3A_1361, %broadcast_in_dim3A_1541] : memref<16x8x16xf32, #tpu.memory_space<vmem>>[vector<16xi32>, vector<16xi32>, vector<16xi32>], vector<16xf32>,
      %mul3A_1554 = arith.mulf %gather3A_1547, %gather3A_1553 : vector<16xf32>
      %add3A_1555 = arith.addf %add3A_1539, %mul3A_1554 : vector<16xf32>
      %broadcast_in_dim3A_1556 = arith.constant 11 : i32
      %broadcast_in_dim3A_1557 = vector.broadcast %broadcast_in_dim3A_1556 : i32 to vector<16xi32>
      %gather3A_1558 = arith.constant 0 : i32
      %gather3A_1559 = arith.constant 0 : i32
      %gather3A_1560 = arith.constant 0 : i32
      %gather3A_1561 = tpu.memref_slice %arg12[%rem3A_680, %gather3A_1558, %gather3A_1559, %gather3A_1560] : memref<2x16x8x16xf32, #tpu.memory_space<vmem>> -> memref<1x16x8x16xf32, #tpu.memory_space<vmem>>
      %gather3A_1562 = tpu.memref_squeeze %gather3A_1561 : memref<1x16x8x16xf32, #tpu.memory_space<vmem>> -> memref<16x8x16xf32, #tpu.memory_space<vmem>>
      %gather3A_1563 = tpu.vector_load_idx %gather3A_1562[%iota3A, %and3A_1358, %broadcast_in_dim3A_1557] : memref<16x8x16xf32, #tpu.memory_space<vmem>>[vector<16xi32>, vector<16xi32>, vector<16xi32>], vector<16xf32>,
      %gather3A_1564 = arith.constant 0 : i32
      %gather3A_1565 = arith.constant 0 : i32
      %gather3A_1566 = arith.constant 0 : i32
      %gather3A_1567 = tpu.memref_slice %arg13[%rem3A_680, %gather3A_1564, %gather3A_1565, %gather3A_1566] : memref<2x16x8x16xf32, #tpu.memory_space<vmem>> -> memref<1x16x8x16xf32, #tpu.memory_space<vmem>>
      %gather3A_1568 = tpu.memref_squeeze %gather3A_1567 : memref<1x16x8x16xf32, #tpu.memory_space<vmem>> -> memref<16x8x16xf32, #tpu.memory_space<vmem>>
      %gather3A_1569 = tpu.vector_load_idx %gather3A_1568[%iota3A, %and3A_1361, %broadcast_in_dim3A_1557] : memref<16x8x16xf32, #tpu.memory_space<vmem>>[vector<16xi32>, vector<16xi32>, vector<16xi32>], vector<16xf32>,
      %mul3A_1570 = arith.mulf %gather3A_1563, %gather3A_1569 : vector<16xf32>
      %add3A_1571 = arith.addf %add3A_1555, %mul3A_1570 : vector<16xf32>
      %broadcast_in_dim3A_1572 = arith.constant 12 : i32
      %broadcast_in_dim3A_1573 = vector.broadcast %broadcast_in_dim3A_1572 : i32 to vector<16xi32>
      %gather3A_1574 = arith.constant 0 : i32
      %gather3A_1575 = arith.constant 0 : i32
      %gather3A_1576 = arith.constant 0 : i32
      %gather3A_1577 = tpu.memref_slice %arg12[%rem3A_680, %gather3A_1574, %gather3A_1575, %gather3A_1576] : memref<2x16x8x16xf32, #tpu.memory_space<vmem>> -> memref<1x16x8x16xf32, #tpu.memory_space<vmem>>
      %gather3A_1578 = tpu.memref_squeeze %gather3A_1577 : memref<1x16x8x16xf32, #tpu.memory_space<vmem>> -> memref<16x8x16xf32, #tpu.memory_space<vmem>>
      %gather3A_1579 = tpu.vector_load_idx %gather3A_1578[%iota3A, %and3A_1358, %broadcast_in_dim3A_1573] : memref<16x8x16xf32, #tpu.memory_space<vmem>>[vector<16xi32>, vector<16xi32>, vector<16xi32>], vector<16xf32>,
      %gather3A_1580 = arith.constant 0 : i32
      %gather3A_1581 = arith.constant 0 : i32
      %gather3A_1582 = arith.constant 0 : i32
      %gather3A_1583 = tpu.memref_slice %arg13[%rem3A_680, %gather3A_1580, %gather3A_1581, %gather3A_1582] : memref<2x16x8x16xf32, #tpu.memory_space<vmem>> -> memref<1x16x8x16xf32, #tpu.memory_space<vmem>>
      %gather3A_1584 = tpu.memref_squeeze %gather3A_1583 : memref<1x16x8x16xf32, #tpu.memory_space<vmem>> -> memref<16x8x16xf32, #tpu.memory_space<vmem>>
      %gather3A_1585 = tpu.vector_load_idx %gather3A_1584[%iota3A, %and3A_1361, %broadcast_in_dim3A_1573] : memref<16x8x16xf32, #tpu.memory_space<vmem>>[vector<16xi32>, vector<16xi32>, vector<16xi32>], vector<16xf32>,
      %mul3A_1586 = arith.mulf %gather3A_1579, %gather3A_1585 : vector<16xf32>
      %add3A_1587 = arith.addf %add3A_1571, %mul3A_1586 : vector<16xf32>
      %broadcast_in_dim3A_1588 = arith.constant 13 : i32
      %broadcast_in_dim3A_1589 = vector.broadcast %broadcast_in_dim3A_1588 : i32 to vector<16xi32>
      %gather3A_1590 = arith.constant 0 : i32
      %gather3A_1591 = arith.constant 0 : i32
      %gather3A_1592 = arith.constant 0 : i32
      %gather3A_1593 = tpu.memref_slice %arg12[%rem3A_680, %gather3A_1590, %gather3A_1591, %gather3A_1592] : memref<2x16x8x16xf32, #tpu.memory_space<vmem>> -> memref<1x16x8x16xf32, #tpu.memory_space<vmem>>
      %gather3A_1594 = tpu.memref_squeeze %gather3A_1593 : memref<1x16x8x16xf32, #tpu.memory_space<vmem>> -> memref<16x8x16xf32, #tpu.memory_space<vmem>>
      %gather3A_1595 = tpu.vector_load_idx %gather3A_1594[%iota3A, %and3A_1358, %broadcast_in_dim3A_1589] : memref<16x8x16xf32, #tpu.memory_space<vmem>>[vector<16xi32>, vector<16xi32>, vector<16xi32>], vector<16xf32>,
      %gather3A_1596 = arith.constant 0 : i32
      %gather3A_1597 = arith.constant 0 : i32
      %gather3A_1598 = arith.constant 0 : i32
      %gather3A_1599 = tpu.memref_slice %arg13[%rem3A_680, %gather3A_1596, %gather3A_1597, %gather3A_1598] : memref<2x16x8x16xf32, #tpu.memory_space<vmem>> -> memref<1x16x8x16xf32, #tpu.memory_space<vmem>>
      %gather3A_1600 = tpu.memref_squeeze %gather3A_1599 : memref<1x16x8x16xf32, #tpu.memory_space<vmem>> -> memref<16x8x16xf32, #tpu.memory_space<vmem>>
      %gather3A_1601 = tpu.vector_load_idx %gather3A_1600[%iota3A, %and3A_1361, %broadcast_in_dim3A_1589] : memref<16x8x16xf32, #tpu.memory_space<vmem>>[vector<16xi32>, vector<16xi32>, vector<16xi32>], vector<16xf32>,
      %mul3A_1602 = arith.mulf %gather3A_1595, %gather3A_1601 : vector<16xf32>
      %add3A_1603 = arith.addf %add3A_1587, %mul3A_1602 : vector<16xf32>
      %broadcast_in_dim3A_1604 = arith.constant 14 : i32
      %broadcast_in_dim3A_1605 = vector.broadcast %broadcast_in_dim3A_1604 : i32 to vector<16xi32>
      %gather3A_1606 = arith.constant 0 : i32
      %gather3A_1607 = arith.constant 0 : i32
      %gather3A_1608 = arith.constant 0 : i32
      %gather3A_1609 = tpu.memref_slice %arg12[%rem3A_680, %gather3A_1606, %gather3A_1607, %gather3A_1608] : memref<2x16x8x16xf32, #tpu.memory_space<vmem>> -> memref<1x16x8x16xf32, #tpu.memory_space<vmem>>
      %gather3A_1610 = tpu.memref_squeeze %gather3A_1609 : memref<1x16x8x16xf32, #tpu.memory_space<vmem>> -> memref<16x8x16xf32, #tpu.memory_space<vmem>>
      %gather3A_1611 = tpu.vector_load_idx %gather3A_1610[%iota3A, %and3A_1358, %broadcast_in_dim3A_1605] : memref<16x8x16xf32, #tpu.memory_space<vmem>>[vector<16xi32>, vector<16xi32>, vector<16xi32>], vector<16xf32>,
      %gather3A_1612 = arith.constant 0 : i32
      %gather3A_1613 = arith.constant 0 : i32
      %gather3A_1614 = arith.constant 0 : i32
      %gather3A_1615 = tpu.memref_slice %arg13[%rem3A_680, %gather3A_1612, %gather3A_1613, %gather3A_1614] : memref<2x16x8x16xf32, #tpu.memory_space<vmem>> -> memref<1x16x8x16xf32, #tpu.memory_space<vmem>>
      %gather3A_1616 = tpu.memref_squeeze %gather3A_1615 : memref<1x16x8x16xf32, #tpu.memory_space<vmem>> -> memref<16x8x16xf32, #tpu.memory_space<vmem>>
      %gather3A_1617 = tpu.vector_load_idx %gather3A_1616[%iota3A, %and3A_1361, %broadcast_in_dim3A_1605] : memref<16x8x16xf32, #tpu.memory_space<vmem>>[vector<16xi32>, vector<16xi32>, vector<16xi32>], vector<16xf32>,
      %mul3A_1618 = arith.mulf %gather3A_1611, %gather3A_1617 : vector<16xf32>
      %add3A_1619 = arith.addf %add3A_1603, %mul3A_1618 : vector<16xf32>
      %broadcast_in_dim3A_1620 = arith.constant 15 : i32
      %broadcast_in_dim3A_1621 = vector.broadcast %broadcast_in_dim3A_1620 : i32 to vector<16xi32>
      %gather3A_1622 = arith.constant 0 : i32
      %gather3A_1623 = arith.constant 0 : i32
      %gather3A_1624 = arith.constant 0 : i32
      %gather3A_1625 = tpu.memref_slice %arg12[%rem3A_680, %gather3A_1622, %gather3A_1623, %gather3A_1624] : memref<2x16x8x16xf32, #tpu.memory_space<vmem>> -> memref<1x16x8x16xf32, #tpu.memory_space<vmem>>
      %gather3A_1626 = tpu.memref_squeeze %gather3A_1625 : memref<1x16x8x16xf32, #tpu.memory_space<vmem>> -> memref<16x8x16xf32, #tpu.memory_space<vmem>>
      %gather3A_1627 = tpu.vector_load_idx %gather3A_1626[%iota3A, %and3A_1358, %broadcast_in_dim3A_1621] : memref<16x8x16xf32, #tpu.memory_space<vmem>>[vector<16xi32>, vector<16xi32>, vector<16xi32>], vector<16xf32>,
      %gather3A_1628 = arith.constant 0 : i32
      %gather3A_1629 = arith.constant 0 : i32
      %gather3A_1630 = arith.constant 0 : i32
      %gather3A_1631 = tpu.memref_slice %arg13[%rem3A_680, %gather3A_1628, %gather3A_1629, %gather3A_1630] : memref<2x16x8x16xf32, #tpu.memory_space<vmem>> -> memref<1x16x8x16xf32, #tpu.memory_space<vmem>>
      %gather3A_1632 = tpu.memref_squeeze %gather3A_1631 : memref<1x16x8x16xf32, #tpu.memory_space<vmem>> -> memref<16x8x16xf32, #tpu.memory_space<vmem>>
      %gather3A_1633 = tpu.vector_load_idx %gather3A_1632[%iota3A, %and3A_1361, %broadcast_in_dim3A_1621] : memref<16x8x16xf32, #tpu.memory_space<vmem>>[vector<16xi32>, vector<16xi32>, vector<16xi32>], vector<16xf32>,
      %mul3A_1634 = arith.mulf %gather3A_1627, %gather3A_1633 : vector<16xf32>
      %add3A_1635 = arith.addf %add3A_1619, %mul3A_1634 : vector<16xf32>
      %mul3A_1636 = arith.constant 16 : i32
      %mul3A_1637 = arith.muli %scan3A_679, %mul3A_1636 : i32
      %swap3A = arith.index_cast %mul3A_1637 : i32 to index
      %swap3A_1638 = tpu.vector_load %arg17[%swap3A] {strides = array<i32>} : memref<512xf32, #tpu.memory_space<vmem>>, vector<16xf32>,
      tpu.vector_store %arg17[%swap3A], %add3A_1635 {strides = array<i32>} : memref<512xf32, #tpu.memory_space<vmem>>, vector<16xf32>,
    }
    %scan3A_678 = arith.constant 32 : i32
    "tpu.region"() ({
      %run_scoped3A = tpu.sem_alloc : memref<!tpu.dma_semaphore, #tpu.memory_space<semaphore_mem>>
      %dma_start3A_679 = tpu.memref_slice %arg9[%mul3A_2] : memref<16384xf32, #tpu.memory_space<hbm>> -> memref<512xf32, #tpu.memory_space<hbm>>
      %dma_start3A_680 = tpu.memref_slice %arg9[%mul3A_2] : memref<16384xf32, #tpu.memory_space<hbm>> -> memref<512xf32, #tpu.memory_space<hbm>>
      tpu.enqueue_dma source(%arg17 : memref<512xf32, #tpu.memory_space<vmem>>) target(%dma_start3A_680 : memref<512xf32, #tpu.memory_space<hbm>>) target_semaphore(%run_scoped3A : memref<!tpu.dma_semaphore, #tpu.memory_space<semaphore_mem>>)
      %dma_wait3A = tpu.memref_slice %arg9[%mul3A_2] : memref<16384xf32, #tpu.memory_space<hbm>> -> memref<512xf32, #tpu.memory_space<hbm>>
      %dma_wait3A_681 = tpu.memref_slice %arg9[%mul3A_2] : memref<16384xf32, #tpu.memory_space<hbm>> -> memref<512xf32, #tpu.memory_space<hbm>>
      tpu.wait_dma2 semaphore(%run_scoped3A : memref<!tpu.dma_semaphore, #tpu.memory_space<semaphore_mem>>) src(%arg17 : memref<512xf32, #tpu.memory_space<vmem>>) dst(%dma_wait3A_681 : memref<512xf32, #tpu.memory_space<hbm>>)
      tpu.yield
    }) : () -> ()
    return
  }
}

</mosaic_0001>

<sc_bundles>
// kernel: _mf.3.cloned.1.call-start
scs
__scs_entry_jumppad:
0x0: {  	(pc) =	sbr.rel $0x88, $3  }
0x1: {  	(tag) =	ssettag $0x0;
	lr =	simm.s32 $0x1  }
0x2: {  	[smem:$0x3F9A] =	sst lr;
	_ =	strace $0xD0000000  }
0x3: {  	_ = 	snop  }
0x4: {  	_ = 	snop  }
0x5: {  	_ = 	snop  }
0x6: {  	_ = 	snop  }
0x7: {  	_ = 	snop  }
__scs_overlays_trampoline_lowered:
0x8: {  	[smem:$0x3FA9] =	sst s0  }
0x9: {  	[smem:$0x3FAA] =	sst s1  }
0xa: {  	[smem:$0x3FAB] =	sst s2  }
0xb: {  	[smem:$0x3FAC] =	sst s3  }
0xc: {  	[smem:$0x3FAD] =	sst s4  }
0xd: {  	[smem:$0x3FAE] =	sst s5  }
0xe: {  	[smem:$0x3FAF] =	sst s6  }
0xf: {  	[smem:$0x3FB0] =	sst s7  }
0x10: {  	[smem:$0x3FB1] =	sst s8  }
0x11: {  	[smem:$0x3FB2] =	sst s9;
	s0 =	simm.s32 @!p0 $0x0  }
0x12: {  	s1 =	sld [smem:$0x3F98];
	s0 =	simm.s32 @p0 $0x1  }
0x13: {  	[smem:$0x3FB3] =	sst s0;
	s0 =	simm.s32 @!p1 $0x0  }
0x14: {  	s2 =	sld [smem:$0x3F97];
	s0 =	simm.s32 @p1 $0x1  }
0x15: {  	[smem:$0x3FB4] =	sst s0;
	s0 =	simm.s32 @!p2 $0x0  }
0x16: {  	s3 =	sld [smem:$0x3FDB];
	s0 =	simm.s32 @p2 $0x1  }
0x17: {  	s4 =	simm.s32 $0x1BF5;
	[smem:$0x3FB6] =	sst s0  }
0x18: {  	s0 =	sld [smem:$0x3F99];
	_ =	swait.ge [sflag:s4], $0x0  }
0x19: {  	s7 =	sld [smem:$0x3F9A]  }
0x1a: {  	s8 =	sadd.s32 $0xFFFFE003, lr  }
0x1b: {  	s9 =	sadd.s32 $0xFFFFFEF7, lr;
	s5 =	simm.s32 $0xFFFFFFFF;
	p2 =	slt.u32 s8, $0xFFFFF086  }
0x1c: {  	p1 =	slt.u32 s9, $0xF7A;
	s5 =	simm.s32 @!p2 $0x0  }
0x1d: {  	s5 =	simm.s32 @p1 $0x1;
	p0 =	seq.s32 s7, s2  }
0x1e: {  	s7 =	smul.u32 @!p0 $0xF7A, s2;
	p2 =	seq.s32 @!p0 s5, $0x0  }
0x1f: {  	s9 =	smul.u32 $0xF7A, s1;
	s8 =	simm.s32 @!p0 $0x1BF5;
	p2 =	por !p2, p0  }
0x20: {  	[sflag:s8] =	ssyncset.s32 @!p0 $0xFFFFF086;
	s6 =	sadd.s32 @!p0 s3, s7;
	s7 =	simm.s32 @!p0 $0x108  }
0x21: {  	s3 =	sadd.s32 s3, s9;
	s6 =	sadd.s32 @!p0 $0x88, s6;
	s7 =	simm.s32 @p2 $0x1082  }
0x22: {  	[simem:s7], [sflag:s8] =	dma.local @!p0 [hbm:s6], $0xF7A  }
0x23: {  	s9 =	sor.u32 $0xD0000000, s2;
	s6 =	simm.s32 $0x108;
	_ =	swait.ge @!p0 [sflag:s8], $0x0  }
0x24: {  	s3 =	sadd.s32 $0x88, s3;
	s6 =	simm.s32 @!p1 $0x1082;
	[sflag:s4] =	ssyncset.s32 $0xFFFFF086  }
0x25: {  	[simem:s6], [sflag:s4] =	dma.local [hbm:s3], $0xF7A  }
0x26: {  	[smem:$0x3F9A] =	sst s1;
	(tag) =	ssettag s2;
	_ =	strace s9  }
0x27: {  	s1 =	sld [smem:$0x3FAA]  }
0x28: {  	s2 =	sld [smem:$0x3FAB]  }
0x29: {  	s4 =	sld [smem:$0x3FAD]  }
0x2a: {  	p0 =	seq.s32 s5, $0x0;
	s5 =	sld [smem:$0x3FAE]  }
0x2b: {  	s6 =	sld [smem:$0x3FAF]  }
0x2c: {  	s7 =	sld [smem:$0x3FB0]  }
0x2d: {  	s3 =	simm.s32 $0x108;
	s8 =	sld [smem:$0x3FB1]  }
0x2e: {  	s3 =	simm.s32 @!p0 $0x1082;
	s9 =	sld [smem:$0x3FB2]  }
0x2f: {  	lr =	sadd.s32 s0, s3;
	s0 =	sld [smem:$0x3FA9]  }
0x30: {  	s3 =	sld [smem:$0x3FAC]  }
0x31: {  	[smem:$0x3FB5] =	sst s10  }
0x32: {  	s10 =	sld [smem:$0x3FB3];
	_ =	sdelay $0x3  }
0x33: {  	p0 =	seq.s32 s10, $0x1;
	s10 =	sld [smem:$0x3FB5];
	_ =	sdelay $0x3  }
0x34: {  	[smem:$0x3FB5] =	sst s10  }
0x35: {  	s10 =	sld [smem:$0x3FB4];
	_ =	sdelay $0x3  }
0x36: {  	p1 =	seq.s32 s10, $0x1;
	s10 =	sld [smem:$0x3FB5];
	_ =	sdelay $0x3  }
0x37: {  	[smem:$0x3FB5] =	sst s10  }
0x38: {  	s10 =	sld [smem:$0x3FB6]  }
0x39: {  	_ = 	snop;
	(pc) =	sbr.ind lr, $3  }
0x3a: {  	_ = 	snop  }
0x3b: {  	_ = 	snop  }
0x3c: {  	p2 =	seq.s32 s10, $0x1;
	s10 =	sld [smem:$0x3FB5]  }
0x3d: {  	_ =	shalt  }
0x3e: {  	_ =	shalt  }
0x3f: {  	_ =	shalt  }
0x40: {  	_ =	shalt  }
0x41: {  	_ =	shalt  }
0x42: {  	_ =	shalt  }
0x43: {  	_ =	shalt  }
0x44: {  	_ =	shalt  }
0x45: {  	_ =	shalt  }
0x46: {  	_ =	shalt  }
0x47: {  	_ =	shalt  }
0x48: {  	_ =	shalt  }
0x49: {  	_ =	shalt  }
0x4a: {  	_ =	shalt  }
0x4b: {  	_ =	shalt  }
0x4c: {  	_ =	shalt  }
0x4d: {  	_ =	shalt  }
0x4e: {  	_ =	shalt  }
0x4f: {  	_ =	shalt  }
0x50: {  	_ =	shalt  }
0x51: {  	_ =	shalt  }
0x52: {  	_ =	shalt  }
0x53: {  	_ =	shalt  }
0x54: {  	_ =	shalt  }
0x55: {  	_ =	shalt  }
0x56: {  	_ =	shalt  }
0x57: {  	_ =	shalt  }
0x58: {  	_ =	shalt  }
0x59: {  	_ =	shalt  }
0x5a: {  	_ =	shalt  }
0x5b: {  	_ =	shalt  }
0x5c: {  	_ =	shalt  }
0x5d: {  	_ =	shalt  }
0x5e: {  	_ =	shalt  }
0x5f: {  	_ =	shalt  }
0x60: {  	_ =	shalt  }
0x61: {  	_ =	shalt  }
0x62: {  	_ =	shalt  }
0x63: {  	_ =	shalt  }
0x64: {  	_ =	shalt  }
0x65: {  	_ =	shalt  }
0x66: {  	_ =	shalt  }
0x67: {  	_ =	shalt  }
0x68: {  	_ =	shalt  }
0x69: {  	_ =	shalt  }
0x6a: {  	_ =	shalt  }
0x6b: {  	_ =	shalt  }
0x6c: {  	_ =	shalt  }
0x6d: {  	_ =	shalt  }
0x6e: {  	_ =	shalt  }
0x6f: {  	_ =	shalt  }
0x70: {  	_ =	shalt  }
0x71: {  	_ =	shalt  }
0x72: {  	_ =	shalt  }
0x73: {  	_ =	shalt  }
0x74: {  	_ =	shalt  }
0x75: {  	_ =	shalt  }
0x76: {  	_ =	shalt  }
0x77: {  	_ =	shalt  }
0x78: {  	_ =	shalt  }
0x79: {  	_ =	shalt  }
0x7a: {  	_ =	shalt  }
0x7b: {  	_ =	shalt  }
0x7c: {  	_ =	shalt  }
0x7d: {  	_ =	shalt  }
0x7e: {  	_ =	shalt  }
0x7f: {  	_ =	shalt  }
0x80: {  	_ =	shalt  }
0x81: {  	_ =	shalt  }
0x82: {  	_ =	shalt  }
0x83: {  	_ =	shalt  }
0x84: {  	_ =	shalt  }
0x85: {  	_ =	shalt  }
0x86: {  	_ =	shalt  }
0x87: {  	_ =	shalt  }
.Lfunc_end0:
.L_simem_size_0:
called_computation_lowered:
.L_overlay_start_0:
0x88: {  	s2 =	sld [smem:$0x3FD9]  }
0x89: {  	s3 =	sld [smem:$0x3FFE];
	_ =	sdelay $0x1  }
0x8a: {  	s1 =	srdreg.scid  }
0x8b: {  	s0 =	sand.u32 $0x1, s1  }
0x8c: {  	s17 =	sshll.u32 s0, $0xA;
	s2 =	sadd.s32 s3, s2  }
0x8d: {  	s2 =	sadd.s32 s2, s17  }
0x8e: {  	[smem:$0x3FC1] =	sst s2  }
0x8f: {  	_ = 	snop  }
0x90: {  	s2 =	sld [smem:$0x3FC9]  }
0x91: {  	s18 =	sld [smem:$0x3FC8]  }
0x92: {  	s4 =	sld [smem:$0x3FC5]  }
0x93: {  	s5 =	sld [smem:$0x3FC4]  }
0x94: {  	s6 =	sld [smem:$0x3FC3]  }
0x95: {  	s7 =	sld [smem:$0x3FD0];
	(tm) =	ssettm $0x1  }
0x96: {  	s8 =	sld [smem:$0x3FFB];
	_ =	sdelay $0x3  }
0x97: {  	_ =	strace s8  }
0x98: {  	s8 =	sld [smem:$0x3FFC];
	_ =	sdelay $0x3  }
0x99: {  	_ =	strace s8  }
0x9a: {  	s8 =	sld [smem:$0x3FFD];
	_ =	sdelay $0x3  }
0x9b: {  	_ =	strace s8  }
0x9c: {  	_ =	strace $0x8FFFFFFF  }
0x9d: {  	s19 =	sld [smem:$0x3FDB];
	_ =	sdelay $0x1  }
0x9e: {  	s9 =	simm.s32 $_scs_section_size  }
0x9f: {  	s10 =	simm.s32 $_size__tile_overlayer_lowered;
	s11 =	simm.s32 $_tile_overlayer_lowered  }
0xa0: {  	s22 =	simm.s32 $0x1BFF;
	s21 =	sshll.u32 s11, $0x1;
	s8 =	sadd.s32 s9, s19  }
0xa1: {  	s12 =	simm.s32 $0x0;
	s20 =	sshll.u32 s10, $0x1;
	s10 =	sadd.s32 s21, s8  }
0xa2: {  	[timem:s12], [sflag:s22] =	dma.local [hbm:s10], s20  }
0xa3: {  	_ =	swait.ge [sflag:s22], s20  }
0xa4: {  	s9 =	ssub.s32 $0x0, s20;
	[sflag:s22] =	ssyncset.done $0x0  }
0xa5: {  	[sflag:s22] =	ssyncadd.s32 s9;
	_ =	sdelay $0x1  }
0xa6: {  	s23 =	simm.s32 $0x1B8B  }
0xa7: {  	_ =	swait.ge [sflag:s23], $0x1  }
0xa8: {  	[sflag:s23] =	ssyncset.done $0x0  }
0xa9: {  	s25 =	simm.s32 $0x1B8E;
	s24 =	sld [smem:$0x3FFE];
	[sflag:s23] =	ssyncadd.s32 $0xFFFFFFFF  }
0xaa: {  	s26 =	simm.s32 $execute0_lowered;
	[smem:$0x3FD2] =	sst s25  }
0xab: {  	s10 =	sshll.u32 s26, $0x1;
	_ =	strace $0x80000046;
	[dreg:$0x1] =	wrdreg $0xFFFFFFFF  }
0xac: {  	s28 =	simm.s32 $_size_execute0_lowered;
	s8 =	sadd.s32 s8, s10;
	[dreg:$0x0] =	wrdreg $0x0  }
0xad: {  	s10 =	sshll.u32 s28, $0x1;
	[dreg:$0x2] =	wrdreg s8  }
0xae: {  	[dreg:$0x3] =	wrdreg s10  }
0xaf: {  	[dreg:$0x4] =	wrdreg $0xC0  }
0xb0: {  	_ =	task [dreg:s12], $0x5FFFF  }
0xb1: {  	[dreg:$0x1] =	wrdreg $0xFFFFFFFF  }
0xb2: {  	[dreg:$0x0] =	wrdreg $0x60  }
0xb3: {  	[dreg:$0x2] =	wrdreg s2  }
0xb4: {  	[dreg:$0x3] =	wrdreg s18  }
0xb5: {  	[dreg:$0x4] =	wrdreg s24  }
0xb6: {  	[dreg:$0x5] =	wrdreg s4  }
0xb7: {  	[dreg:$0x6] =	wrdreg s5  }
0xb8: {  	[dreg:$0x7] =	wrdreg s6  }
0xb9: {  	[dreg:$0x8] =	wrdreg s7  }
0xba: {  	[dreg:$0x9] =	wrdreg $0x9  }
0xbb: {  	_ =	task.clear_ibuf [dreg:s12], $0xAFFFF;
	_ =	strace $0x90000046  }
0xbc: {  	s29 =	simm.s32 $0x9;
	_ =	strace $0x80000048  }
0xbd: {  	_ =	swait.ge [sflag:s29], $0x1  }
0xbe: {  	[sflag:s29] =	ssyncadd.s32 $0xFFFFFFFF  }
0xbf: {  	_ =	strace $0x90000048  }
0xc0: {  	_ =	sfence  }
0xc1: {  	s30 =	sld [smem:$0x0];
	_ =	sdelay $0x2  }
0xc2: {  	s31 =	sshll.u32 s1, $0xD;
	s1 =	sshrl.u32 s1, $0x2  }
0xc3: {  	s3 =	sand.u32 $0x4000, s31;
	s1 =	sadd.s32 s1, s30  }
0xc4: {  	s0 =	sor.u32 s3, s0;
	s1 =	sshll.u32 s1, $0x11  }
0xc5: {  	s0 =	sor.u32 s1, s0  }
0xc6: {  	s0 =	sadd.s32 $0x8F2B, s0  }
0xc7: {  	[sflag:s0] =	ssyncadd.remote.s32 $0x1  }
0xc8: {  	_ =	sfence.sel $0xFFFF  }
0xc9: {  	[dreg:$0x0] =	wrdreg $0xFFFFFFFF;
	(pc) =	sbr.abs _section_cstart, $3  }
0xca: {  	[dreg:$0x1] =	wrdreg $0xFFFFFFFF  }
0xcb: {  	_ =	task.clear_ibuf [dreg:s12], $0x2FFFF;
	_ =	strace $0x9FFFFFFF  }
0xcc: {  	(tm) =	ssettm $0x7FFFFFFF  }
0xcd: {  	_ =	shalt  }
tec
execute0_lowered:
.L_overlay_start_1:
0x0: {  	(tag) =	ssettag $0x1  }
0x1: {  	s0 =	rddreg [dreg:$0x0]  }
0x2: {  	s3 =	rddreg [dreg:$0x1]  }
0x3: {  	s5 =	rddreg [dreg:$0x2]  }
0x4: {  	s1 =	rddreg [dreg:$0x3]  }
0x5: {  	s2 =	rddreg [dreg:$0x4]  }
0x6: {  	s10 =	rddreg [dreg:$0x6];
	s4 =	simm.s32 $0x0;
	s7 =	srdreg.scid  }
0x7: {  	s9 =	stileid.u32;
	s12 =	simm.s32 $0x2;
	s19 =	simm.s32 $0xB400  }
0x8: {  	s20 =	simm.s32 $0x3800;
	s21 =	simm.s32 $0xB800;
	s22 =	simm.s32 $0x3C00  }
0x9: {  	v1 =	vlaneseq.u32;
	s23 =	simm.s32 $0xBC00;
	s24 =	simm.s32 $0x4000;
	s25 =	simm.s32 $0xC000  }
0xa: {  	s28 =	simm.s32 $0x11400;
	s29 =	simm.s32 $0x1;
	s30 =	simm.s32 $0x12480;
	v0 =	vmul.u32 $0x400, v1  }
0xb: {  	vm0 =	vmmov $0xffff;
	s31 =	simm.s32 $0x0;
	[smem:$0x7FF] =	sst s4;
	s6 =	sadd.s32 $0x186E00, s5;
	v1 =	vmul.u32 $0x80, v1  }
.Ltmp0:
0xc: {  	s7 =	sand.u32 $0x1, s7;
	s9 =	sshll.u32 s9, $0x7;
	v2 =	vor.u32 $0x1, v0;
	v3 =	vor.u32 $0x2, v0;
	v4 =	vor.u32 $0x3, v0;
	(pc) =	sbr.rel .LBB2_1-.Ltmp0, $4  }
0xd: {  	_ =	strace $0x80000047;
	s8 =	ssub.s32 $0x2, s7;
	s11 =	sshll.u32 s7, $0x6;
	v5 =	vor.u32 $0x4, v0;
	v6 =	vor.u32 $0x5, v0;
	v7 =	vor.u32 $0x6, v0  }
0xe: {  	s7 =	sadd.s32 $0x400, s5;
	s26 =	sshrl.u32 s8, $0x1;
	s11 =	sor.u32 s11, s9;
	v8 =	vor.u32 $0x7, v0;
	v9 =	vor.u32 $0x8, v0;
	v10 =	vor.u32 $0x9, v0  }
0xf: {  	v11 =	vor.u32 $0xA, v0;
	v12 =	vor.u32 $0xB, v0;
	v13 =	vor.u32 $0xC, v0;
	s5 =	ssub.s32 s8, s26;
	s8 =	sadd.s32 s0, s11;
	s9 =	sadd.s32 s3, s11  }
0x10: {  	v14 =	vor.u32 $0xD, v0;
	v15 =	vor.u32 $0xE, v0;
	v16 =	vor.u32 $0xF, v0;
	s10 =	sadd.s32 s10, s11;
	s26 =	simm.s32 $0x10400;
	s11 =	smax.u32 s5, $0x1  }
.LBB2_5:
0x11: {  	s31 =	sadd.s32 $0x1, s31  }
0x12: {  	p0 =	sne.s32 s31, s11  }
.Ltmp1:
0x13: {  	_ = 	snop;
	(pc) =	sbr.rel @!p0 .LBB2_6-.Ltmp1, $4  }
0x14: {  	[hbm4b:s10+s4] =	stream.linear.scatter [tilespmem:s30], [sflag:$0x2], $0x200, $0x38;
	[tilespmem:$0x12680] =	vst v63  }
0x15: {  	_ =	swait.ge [sflag:s12], $0x200  }
0x16: {  	[sflag:s12] =	ssyncset.done $0x0  }
0x17: {  	[sflag:s12] =	ssyncadd.s32 $0xFFFFFE00  }
.LBB2_1:
0x18: {  	[tilespmem:s4], [sflag:$0x2] =	stream.linear.gather [hbm4b:s8+s4], $0x200, $0x38;
	[tilespmem:$0x12680] =	vst v63  }
0x19: {  	_ =	swait.ge [sflag:s12], $0x200  }
0x1a: {  	[sflag:s12] =	ssyncset.done $0x0  }
0x1b: {  	s0 =	simm.s32 $0x200;
	[sflag:s12] =	ssyncadd.s32 $0xFFFFFE00  }
0x1c: {  	[tilespmem:s0], [sflag:$0x2] =	stream.linear.gather [hbm4b:s9+s4], $0x200, $0x38;
	[tilespmem:$0x12680] =	vst v63  }
0x1d: {  	_ =	swait.ge [sflag:s12], $0x200  }
0x1e: {  	[sflag:s12] =	ssyncset.done $0x0  }
0x1f: {  	[sflag:s12] =	ssyncadd.s32 $0xFFFFFE00  }
0x20: {  	s3 =	simm.s32 $0x12400;
	s5 =	rddreg [dreg:$0x5]  }
0x21: {  	[tilespmem:s3], [sflag:$0x2] =	stream.linear.gather [hbm4b:s5+s4], $0x80, $0x38;
	[tilespmem:$0x12680] =	vst v63  }
0x22: {  	_ =	swait.ge [sflag:s12], $0x80  }
0x23: {  	[sflag:s12] =	ssyncset.done $0x0  }
0x24: {  	[sflag:s12] =	ssyncadd.s32 $0xFFFFFF80  }
0x25: {  	v18 =	vld [tilespmem:$0x0]  }
0x26: {  	v17 =	vld [tilespmem:$0x200];
	_ =	sdelay $0x3  }
0x27: {  	v19 =	vshrl.u32 v18, $0x3  }
0x28: {  	v20 =	vshll.u32 v19, $0x7;
	v19 =	vshrl.u32 v17, $0x3  }
0x29: {  	(v2sf) =	vpush v20, $0x0;
	v19 =	vshll.u32 v19, $0x7  }
0x2a: {  	(v2sf) =	vpush v19, $0x0;
	_ =	sdelay $0x6  }
0x2b: {  	(v2sf) =	vpush v20, $0x1  }
0x2c: {  	(v2sf) =	vpush v19, $0x1;
	_ =	sdelay $0x5  }
0x2d: {  	s13 =	spop (v2sf);
	(v2sf) =	vpush v20, $0x2  }
0x2e: {  	s15 =	spop (v2sf);
	(v2sf) =	vpush v19, $0x2;
	_ =	sdelay $0x5  }
0x2f: {  	(v2sf) =	vpush v20, $0x3  }
0x30: {  	s17 =	spop (v2sf)  }
0x31: {  	s3 =	spop (v2sf);
	(v2sf) =	vpush v19, $0x3;
	_ =	sdelay $0x2  }
0x32: {  	s0 =	sand.u32 $0x1FFFFF80, s13  }
0x33: {  	s14 =	simm.s32 $0x400;
	s0 =	sadd.s32 s6, s0  }
0x34: {  	[tilespmem:s14], [sflag:$0x1] =	stream.linear.gather [hbm4b:s0+s4], $0x400, $0x38;
	[tilespmem:$0x12680] =	vst v63  }
0x35: {  	s13 =	spop (v2sf);
	(v2sf) =	vpush v20, $0x4  }
0x36: {  	s0 =	sand.u32 $0x1FFFFF80, s15;
	s15 =	spop (v2sf);
	(v2sf) =	vpush v19, $0x4;
	_ =	sdelay $0x2  }
0x37: {  	s16 =	simm.s32 $0x8400;
	s0 =	sadd.s32 s7, s0  }
0x38: {  	[tilespmem:s16], [sflag:$0x1] =	stream.linear.gather [hbm4b:s0+s4], $0x400, $0x38;
	[tilespmem:$0x12680] =	vst v63  }
0x39: {  	s0 =	sand.u32 $0x1FFFFF80, s17  }
0x3a: {  	s18 =	simm.s32 $0x800;
	s0 =	sadd.s32 s6, s0;
	s17 =	spop (v2sf);
	(v2sf) =	vpush v20, $0x5  }
0x3b: {  	[tilespmem:s18], [sflag:$0x1] =	stream.linear.gather [hbm4b:s0+s4], $0x400, $0x38;
	[tilespmem:$0x12680] =	vst v63  }
0x3c: {  	s0 =	sand.u32 $0x1FFFFF80, s3;
	s3 =	spop (v2sf);
	(v2sf) =	vpush v19, $0x5  }
0x3d: {  	s5 =	simm.s32 $0x8800;
	s0 =	sadd.s32 s7, s0  }
0x3e: {  	[tilespmem:s5], [sflag:$0x1] =	stream.linear.gather [hbm4b:s0+s4], $0x400, $0x38;
	[tilespmem:$0x12680] =	vst v63  }
0x3f: {  	s0 =	sand.u32 $0x1FFFFF80, s13  }
0x40: {  	s14 =	simm.s32 $0xC00;
	s0 =	sadd.s32 s6, s0  }
0x41: {  	[tilespmem:s14], [sflag:$0x1] =	stream.linear.gather [hbm4b:s0+s4], $0x400, $0x38;
	[tilespmem:$0x12680] =	vst v63  }
0x42: {  	s13 =	spop (v2sf);
	(v2sf) =	vpush v20, $0x6  }
0x43: {  	s0 =	sand.u32 $0x1FFFFF80, s15;
	s15 =	spop (v2sf);
	(v2sf) =	vpush v19, $0x6;
	_ =	sdelay $0x2  }
0x44: {  	s16 =	simm.s32 $0x8C00;
	s0 =	sadd.s32 s7, s0  }
0x45: {  	[tilespmem:s16], [sflag:$0x1] =	stream.linear.gather [hbm4b:s0+s4], $0x400, $0x38;
	[tilespmem:$0x12680] =	vst v63  }
0x46: {  	s0 =	sand.u32 $0x1FFFFF80, s17  }
0x47: {  	s18 =	simm.s32 $0x1000;
	s0 =	sadd.s32 s6, s0;
	s17 =	spop (v2sf);
	(v2sf) =	vpush v20, $0x7  }
0x48: {  	[tilespmem:s18], [sflag:$0x1] =	stream.linear.gather [hbm4b:s0+s4], $0x400, $0x38;
	[tilespmem:$0x12680] =	vst v63  }
0x49: {  	s0 =	sand.u32 $0x1FFFFF80, s3;
	s3 =	spop (v2sf);
	(v2sf) =	vpush v19, $0x7  }
0x4a: {  	s5 =	simm.s32 $0x9000;
	s0 =	sadd.s32 s7, s0  }
0x4b: {  	[tilespmem:s5], [sflag:$0x1] =	stream.linear.gather [hbm4b:s0+s4], $0x400, $0x38;
	[tilespmem:$0x12680] =	vst v63  }
0x4c: {  	s0 =	sand.u32 $0x1FFFFF80, s13  }
0x4d: {  	s14 =	simm.s32 $0x1400;
	s0 =	sadd.s32 s6, s0  }
0x4e: {  	[tilespmem:s14], [sflag:$0x1] =	stream.linear.gather [hbm4b:s0+s4], $0x400, $0x38;
	[tilespmem:$0x12680] =	vst v63  }
0x4f: {  	s0 =	sand.u32 $0x1FFFFF80, s15;
	s13 =	spop (v2sf);
	(v2sf) =	vpush v20, $0x8  }
0x50: {  	s16 =	simm.s32 $0x9400;
	s0 =	sadd.s32 s7, s0;
	s15 =	spop (v2sf);
	(v2sf) =	vpush v19, $0x8  }
0x51: {  	[tilespmem:s16], [sflag:$0x1] =	stream.linear.gather [hbm4b:s0+s4], $0x400, $0x38;
	[tilespmem:$0x12680] =	vst v63  }
0x52: {  	s0 =	sand.u32 $0x1FFFFF80, s17  }
0x53: {  	s18 =	simm.s32 $0x1800;
	s0 =	sadd.s32 s6, s0  }
0x54: {  	[tilespmem:s18], [sflag:$0x1] =	stream.linear.gather [hbm4b:s0+s4], $0x400, $0x38;
	[tilespmem:$0x12680] =	vst v63  }
0x55: {  	s0 =	sand.u32 $0x1FFFFF80, s3  }
0x56: {  	s5 =	simm.s32 $0x9800;
	s0 =	sadd.s32 s7, s0;
	s17 =	spop (v2sf);
	(v2sf) =	vpush v20, $0x9  }
0x57: {  	[tilespmem:s5], [sflag:$0x1] =	stream.linear.gather [hbm4b:s0+s4], $0x400, $0x38;
	[tilespmem:$0x12680] =	vst v63  }
0x58: {  	s0 =	sand.u32 $0x1FFFFF80, s13;
	s3 =	spop (v2sf);
	(v2sf) =	vpush v19, $0x9  }
0x59: {  	s14 =	simm.s32 $0x1C00;
	s0 =	sadd.s32 s6, s0  }
0x5a: {  	[tilespmem:s14], [sflag:$0x1] =	stream.linear.gather [hbm4b:s0+s4], $0x400, $0x38;
	[tilespmem:$0x12680] =	vst v63  }
0x5b: {  	s0 =	sand.u32 $0x1FFFFF80, s15  }
0x5c: {  	s16 =	simm.s32 $0x9C00;
	s0 =	sadd.s32 s7, s0  }
0x5d: {  	[tilespmem:s16], [sflag:$0x1] =	stream.linear.gather [hbm4b:s0+s4], $0x400, $0x38;
	[tilespmem:$0x12680] =	vst v63  }
0x5e: {  	s0 =	sand.u32 $0x1FFFFF80, s17;
	s13 =	spop (v2sf);
	(v2sf) =	vpush v20, $0xA  }
0x5f: {  	s18 =	simm.s32 $0x2000;
	s0 =	sadd.s32 s6, s0;
	s15 =	spop (v2sf);
	(v2sf) =	vpush v19, $0xA  }
0x60: {  	[tilespmem:s18], [sflag:$0x1] =	stream.linear.gather [hbm4b:s0+s4], $0x400, $0x38;
	[tilespmem:$0x12680] =	vst v63  }
0x61: {  	s0 =	sand.u32 $0x1FFFFF80, s3  }
0x62: {  	s5 =	simm.s32 $0xA000;
	s0 =	sadd.s32 s7, s0  }
0x63: {  	[tilespmem:s5], [sflag:$0x1] =	stream.linear.gather [hbm4b:s0+s4], $0x400, $0x38;
	[tilespmem:$0x12680] =	vst v63  }
0x64: {  	s0 =	sand.u32 $0x1FFFFF80, s13  }
0x65: {  	s14 =	simm.s32 $0x2400;
	s0 =	sadd.s32 s6, s0;
	s17 =	spop (v2sf);
	(v2sf) =	vpush v20, $0xB  }
0x66: {  	[tilespmem:s14], [sflag:$0x1] =	stream.linear.gather [hbm4b:s0+s4], $0x400, $0x38;
	[tilespmem:$0x12680] =	vst v63  }
0x67: {  	s0 =	sand.u32 $0x1FFFFF80, s15;
	s3 =	spop (v2sf);
	(v2sf) =	vpush v19, $0xB  }
0x68: {  	s16 =	simm.s32 $0xA400;
	s0 =	sadd.s32 s7, s0  }
0x69: {  	[tilespmem:s16], [sflag:$0x1] =	stream.linear.gather [hbm4b:s0+s4], $0x400, $0x38;
	[tilespmem:$0x12680] =	vst v63  }
0x6a: {  	s0 =	sand.u32 $0x1FFFFF80, s17  }
0x6b: {  	s18 =	simm.s32 $0x2800;
	s0 =	sadd.s32 s6, s0  }
0x6c: {  	[tilespmem:s18], [sflag:$0x1] =	stream.linear.gather [hbm4b:s0+s4], $0x400, $0x38;
	[tilespmem:$0x12680] =	vst v63  }
0x6d: {  	s0 =	sand.u32 $0x1FFFFF80, s3;
	s13 =	spop (v2sf);
	(v2sf) =	vpush v20, $0xC  }
0x6e: {  	s5 =	simm.s32 $0xA800;
	s0 =	sadd.s32 s7, s0;
	s15 =	spop (v2sf);
	(v2sf) =	vpush v19, $0xC  }
0x6f: {  	[tilespmem:s5], [sflag:$0x1] =	stream.linear.gather [hbm4b:s0+s4], $0x400, $0x38;
	[tilespmem:$0x12680] =	vst v63  }
0x70: {  	s0 =	sand.u32 $0x1FFFFF80, s13;
	(v2sf) =	vpush v20, $0xD  }
0x71: {  	s14 =	simm.s32 $0x2C00;
	s0 =	sadd.s32 s6, s0  }
0x72: {  	[tilespmem:s14], [sflag:$0x1] =	stream.linear.gather [hbm4b:s0+s4], $0x400, $0x38;
	[tilespmem:$0x12680] =	vst v63  }
0x73: {  	s0 =	sand.u32 $0x1FFFFF80, s15  }
0x74: {  	s16 =	simm.s32 $0xAC00;
	s17 =	spop (v2sf);
	s0 =	sadd.s32 s7, s0  }
0x75: {  	(v2sf) =	vpush v19, $0xD;
	[tilespmem:s16], [sflag:$0x1] =	stream.linear.gather [hbm4b:s0+s4], $0x400, $0x38;
	[tilespmem:$0x12680] =	vst v63  }
0x76: {  	s5 =	spop (v2sf);
	(v2sf) =	vpush v20, $0xE;
	s0 =	sand.u32 $0x1FFFFF80, s17  }
0x77: {  	s18 =	simm.s32 $0x3000;
	s0 =	sadd.s32 s6, s0  }
0x78: {  	[tilespmem:s18], [sflag:$0x1] =	stream.linear.gather [hbm4b:s0+s4], $0x400, $0x38;
	[tilespmem:$0x12680] =	vst v63  }
0x79: {  	s0 =	sand.u32 $0x1FFFFF80, s5  }
0x7a: {  	s13 =	simm.s32 $0xB000;
	s0 =	sadd.s32 s7, s0  }
0x7b: {  	[tilespmem:s13], [sflag:$0x1] =	stream.linear.gather [hbm4b:s0+s4], $0x400, $0x38;
	[tilespmem:$0x12680] =	vst v63  }
0x7c: {  	s14 =	spop (v2sf);
	(v2sf) =	vpush v19, $0xE  }
0x7d: {  	s16 =	spop (v2sf);
	(v2sf) =	vpush v20, $0xF  }
0x7e: {  	s0 =	sand.u32 $0x1FFFFF80, s14  }
0x7f: {  	s15 =	simm.s32 $0x3400;
	s0 =	sadd.s32 s6, s0;
	s17 =	spop (v2sf)  }
0x80: {  	(v2sf) =	vpush v19, $0xF;
	[tilespmem:s15], [sflag:$0x1] =	stream.linear.gather [hbm4b:s0+s4], $0x400, $0x38;
	[tilespmem:$0x12680] =	vst v63  }
0x81: {  	s0 =	sand.u32 $0x1FFFFF80, s16  }
0x82: {  	s0 =	sadd.s32 s7, s0  }
0x83: {  	[tilespmem:s19], [sflag:$0x1] =	stream.linear.gather [hbm4b:s0+s4], $0x400, $0x38;
	[tilespmem:$0x12680] =	vst v63  }
0x84: {  	s18 =	spop (v2sf);
	s0 =	sand.u32 $0x1FFFFF80, s17  }
0x85: {  	s3 =	sand.u32 $0x1FFFFF80, s18;
	s5 =	spop (v2sf);
	s0 =	sadd.s32 s6, s0  }
0x86: {  	[tilespmem:s20], [sflag:$0x1] =	stream.linear.gather [hbm4b:s0+s4], $0x400, $0x38;
	[tilespmem:$0x12680] =	vst v63  }
0x87: {  	s13 =	sand.u32 $0x1FFFFF80, s5;
	s0 =	sadd.s32 s7, s3  }
0x88: {  	[tilespmem:s21], [sflag:$0x1] =	stream.linear.gather [hbm4b:s0+s4], $0x400, $0x38;
	[tilespmem:$0x12680] =	vst v63  }
0x89: {  	s0 =	sadd.s32 s6, s13  }
0x8a: {  	[tilespmem:s22], [sflag:$0x1] =	stream.linear.gather [hbm4b:s0+s4], $0x400, $0x38;
	[tilespmem:$0x12680] =	vst v63  }
0x8b: {  	s14 =	spop (v2sf)  }
0x8c: {  	s15 =	sand.u32 $0x1FFFFF80, s14;
	s16 =	spop (v2sf)  }
0x8d: {  	s0 =	sadd.s32 s7, s15;
	s17 =	sand.u32 $0x1FFFFF80, s16  }
0x8e: {  	[tilespmem:s23], [sflag:$0x1] =	stream.linear.gather [hbm4b:s0+s4], $0x400, $0x38;
	[tilespmem:$0x12680] =	vst v63  }
0x8f: {  	s18 =	spop (v2sf);
	s0 =	sadd.s32 s6, s17  }
0x90: {  	[tilespmem:s24], [sflag:$0x1] =	stream.linear.gather [hbm4b:s0+s4], $0x400, $0x38;
	[tilespmem:$0x12680] =	vst v63  }
0x91: {  	v18 =	vshra.s32 v18, $0x7;
	s0 =	sand.u32 $0x1FFFFF80, s18  }
0x92: {  	s0 =	sadd.s32 s7, s0  }
0x93: {  	v17 =	vshra.s32 v17, $0x7;
	[tilespmem:s25], [sflag:$0x1] =	stream.linear.gather [hbm4b:s0+s4], $0x400, $0x38;
	[tilespmem:$0x12680] =	vst v63  }
.Ltmp2:
0x94: {  	_ = 	snop;
	(pc) =	sbr.rel .LBB2_2-.Ltmp2, $4  }
0x95: {  	s5 =	simm.s32 $0x210  }
0x96: {  	[tilespmem:s26], [sflag:$0x1] =	stream.indirect_vreg.gather [hbm4b:s1+s4], $0x80, v18, vm0, $0xb8;
	[tilespmem:$0x12680] =	vst v63  }
0x97: {  	s3 =	simm.s32 $0x12480;
	s13 =	simm.s32 $0x0;
	s0 =	simm.s32 $0x10  }
0x98: {  	[tilespmem:s28], [sflag:$0x1] =	stream.indirect_vreg.gather [hbm4b:s2+s4], $0x80, v17, vm0, $0xb8;
	[tilespmem:$0x12680] =	vst v63  }
.LBB2_4:
0x99: {  	v17 =	vld [tilespmem:s0+$0xFFFFFFF0]  }
0x9a: {  	v18 =	vld [tilespmem:s5+$0xFFFFFFF0];
	_ =	sdelay $0x3  }
0x9b: {  	v19 =	vand.u32 $0x7F, v17  }
0x9c: {  	v20 =	vand.u32 $0x7F, v18;
	v17 =	vshll.u32 v17, $0x7;
	v19 =	vor.u32 v1, v19  }
0x9d: {  	v18 =	vshll.u32 v18, $0x7;
	v20 =	vor.u32 v1, v20;
	v17 =	vand.u32 $0x380, v17  }
0x9e: {  	v18 =	vand.u32 $0x380, v18;
	v21 =	vor.u32 v0, v17  }
0x9f: {  	s15 =	sshll.u32 s14, $0xB;
	v22 =	vor.u32 v0, v18  }
0xa0: {  	v23 =	vld [tilespmem:$0x12400];
	s16 =	sor.u32 $0x10400, s15;
	v24 =	vor.u32 v2, v17  }
0xa1: {  	s17 =	sshll.u32 s14, $0xE;
	s15 =	sor.u32 $0x11400, s15;
	v25 =	vor.u32 v2, v18;
	v19 =	vld.idx.msk [tilespmem:v19+s16+$0x0], $0xffff  }
0xa2: {  	s14 =	sor.u32 $0x400, s17;
	v26 =	vor.u32 v3, v17;
	v20 =	vld.idx.msk [tilespmem:v20+s15+$0x0], $0xffff  }
0xa3: {  	s18 =	sor.u32 $0x8400, s17;
	v27 =	vor.u32 v3, v18;
	v21 =	vld.idx.msk [tilespmem:v21+s14+$0x0], $0xffff  }
0xa4: {  	v28 =	vor.u32 v4, v17;
	v22 =	vld.idx.msk [tilespmem:v22+s18+$0x0], $0xffff  }
0xa5: {  	v29 =	vor.u32 v4, v18;
	v24 =	vld.idx.msk [tilespmem:v24+s14+$0x0], $0xffff  }
0xa6: {  	v30 =	vor.u32 v5, v17;
	v25 =	vld.idx.msk [tilespmem:v25+s18+$0x0], $0xffff  }
0xa7: {  	v45 =	vor.u32 v5, v18;
	v44 =	vld.idx.msk [tilespmem:v26+s14+$0x0], $0xffff;
	v19 =	vadd.f32 v19, v23  }
0xa8: {  	v31 =	vor.u32 v6, v17;
	v27 =	vld.idx.msk [tilespmem:v27+s18+$0x0], $0xffff  }
0xa9: {  	v48 =	vor.u32 v6, v18;
	v47 =	vld.idx.msk [tilespmem:v28+s14+$0x0], $0xffff;
	v46 =	vmul.f32 v22, v21;
	v19 =	vadd.f32 v20, v19  }
0xaa: {  	v50 =	vor.u32 v7, v17;
	v49 =	vld.idx.msk [tilespmem:v29+s18+$0x0], $0xffff  }
0xab: {  	v53 =	vor.u32 v7, v18;
	v52 =	vld.idx.msk [tilespmem:v30+s14+$0x0], $0xffff;
	v51 =	vmul.f32 v25, v24;
	v19 =	vadd.f32 v46, v19  }
0xac: {  	v54 =	vor.u32 v8, v17;
	v26 =	vld.idx.msk [tilespmem:v45+s18+$0x0], $0xffff  }
0xad: {  	v57 =	vor.u32 v8, v18;
	v56 =	vld.idx.msk [tilespmem:v31+s14+$0x0], $0xffff;
	v55 =	vmul.f32 v27, v44;
	v19 =	vadd.f32 v51, v19  }
0xae: {  	v58 =	vor.u32 v9, v17;
	v22 =	vld.idx.msk [tilespmem:v48+s18+$0x0], $0xffff  }
0xaf: {  	v61 =	vor.u32 v9, v18;
	v60 =	vld.idx.msk [tilespmem:v50+s14+$0x0], $0xffff;
	v59 =	vmul.f32 v49, v47;
	v19 =	vadd.f32 v55, v19  }
0xb0: {  	v62 =	vor.u32 v10, v17;
	v25 =	vld.idx.msk [tilespmem:v53+s18+$0x0], $0xffff  }
0xb1: {  	v34 =	vor.u32 v10, v18;
	v33 =	vld.idx.msk [tilespmem:v54+s14+$0x0], $0xffff;
	v63 =	vmul.f32 v26, v52;
	v19 =	vadd.f32 v59, v19  }
0xb2: {  	v35 =	vor.u32 v11, v17;
	v27 =	vld.idx.msk [tilespmem:v57+s18+$0x0], $0xffff  }
0xb3: {  	v38 =	vor.u32 v11, v18;
	v37 =	vld.idx.msk [tilespmem:v58+s14+$0x0], $0xffff;
	v36 =	vmul.f32 v22, v56;
	v19 =	vadd.f32 v63, v19  }
0xb4: {  	v39 =	vor.u32 v12, v17;
	v28 =	vld.idx.msk [tilespmem:v61+s18+$0x0], $0xffff  }
0xb5: {  	v42 =	vor.u32 v12, v18;
	v41 =	vld.idx.msk [tilespmem:v62+s14+$0x0], $0xffff;
	v40 =	vmul.f32 v25, v60;
	v19 =	vadd.f32 v36, v19  }
0xb6: {  	v43 =	vor.u32 v13, v17;
	v26 =	vld.idx.msk [tilespmem:v34+s18+$0x0], $0xffff  }
0xb7: {  	v45 =	vld.idx.msk [tilespmem:v35+s14+$0x0], $0xffff;
	v46 =	vor.u32 v13, v18;
	v44 =	vmul.f32 v27, v33;
	v19 =	vadd.f32 v40, v19  }
0xb8: {  	v50 =	vor.u32 v14, v18;
	v23 =	vld.idx.msk [tilespmem:v38+s18+$0x0], $0xffff  }
0xb9: {  	v47 =	vor.u32 v14, v17;
	v48 =	vmul.f32 v28, v37;
	v49 =	vld.idx.msk [tilespmem:v39+s14+$0x0], $0xffff;
	v19 =	vadd.f32 v44, v19  }
0xba: {  	v54 =	vor.u32 v15, v18;
	v25 =	vld.idx.msk [tilespmem:v42+s18+$0x0], $0xffff  }
0xbb: {  	v53 =	vld.idx.msk [tilespmem:v43+s14+$0x0], $0xffff;
	v51 =	vor.u32 v15, v17;
	v52 =	vmul.f32 v26, v41;
	v19 =	vadd.f32 v48, v19  }
0xbc: {  	v18 =	vor.u32 v16, v18;
	v27 =	vld.idx.msk [tilespmem:v46+s18+$0x0], $0xffff  }
0xbd: {  	v57 =	vld.idx.msk [tilespmem:v50+s18+$0x0], $0xffff;
	v17 =	vor.u32 v16, v17;
	v55 =	vmul.f32 v23, v45;
	v19 =	vadd.f32 v52, v19  }
0xbe: {  	v56 =	vld.idx.msk [tilespmem:v47+s14+$0x0], $0xffff  }
0xbf: {  	v60 =	vld.idx.msk [tilespmem:v54+s18+$0x0], $0xffff;
	v58 =	vmul.f32 v25, v49;
	v19 =	vadd.f32 v55, v19  }
0xc0: {  	v59 =	vld.idx.msk [tilespmem:v51+s14+$0x0], $0xffff  }
0xc1: {  	v18 =	vld.idx.msk [tilespmem:v18+s18+$0x0], $0xffff;
	v61 =	vmul.f32 v27, v53;
	v19 =	vadd.f32 v58, v19  }
0xc2: {  	v17 =	vld.idx.msk [tilespmem:v17+s14+$0x0], $0xffff  }
0xc3: {  	v62 =	vmul.f32 v57, v56;
	v19 =	vadd.f32 v61, v19;
	_ =	sdelay $0x1  }
0xc4: {  	s13 =	sadd.s32 $0x1, s13;
	v63 =	vmul.f32 v60, v59;
	v19 =	vadd.f32 v62, v19  }
0xc5: {  	p0 =	sne.s32 s13, $0x20  }
.Ltmp3:
0xc6: {  	v17 =	vmul.f32 v18, v17;
	v19 =	vadd.f32 v63, v19;
	(pc) =	sbr.rel @!p0 .LBB2_5-.Ltmp3, $3  }
0xc7: {  	_ = 	snop  }
0xc8: {  	v17 =	vadd.f32 v17, v19;
	_ =	sdelay $0x1  }
0xc9: {  	s0 =	sadd.s32 $0x10, s0;
	s5 =	sadd.s32 $0x10, s5;
	[tilespmem:s3+$0x0] =	vst v17;
	s3 =	sadd.s32 $0x10, s3  }
.LBB2_2:
0xca: {  	_ =	swait.ge [sflag:s29], $0x400  }
0xcb: {  	[sflag:s29] =	ssyncset.done $0x0  }
0xcc: {  	[sflag:s29] =	ssyncadd.s32 $0xFFFFFC00  }
0xcd: {  	_ =	swait.ge [sflag:s29], $0x400  }
0xce: {  	[sflag:s29] =	ssyncset.done $0x0  }
0xcf: {  	[sflag:s29] =	ssyncadd.s32 $0xFFFFFC00  }
0xd0: {  	_ =	swait.ge [sflag:s29], $0x400  }
0xd1: {  	[sflag:s29] =	ssyncset.done $0x0  }
0xd2: {  	[sflag:s29] =	ssyncadd.s32 $0xFFFFFC00  }
0xd3: {  	_ =	swait.ge [sflag:s29], $0x400  }
0xd4: {  	[sflag:s29] =	ssyncset.done $0x0  }
0xd5: {  	[sflag:s29] =	ssyncadd.s32 $0xFFFFFC00  }
0xd6: {  	_ =	swait.ge [sflag:s29], $0x400  }
0xd7: {  	[sflag:s29] =	ssyncset.done $0x0  }
0xd8: {  	[sflag:s29] =	ssyncadd.s32 $0xFFFFFC00  }
0xd9: {  	_ =	swait.ge [sflag:s29], $0x400  }
0xda: {  	[sflag:s29] =	ssyncset.done $0x0  }
0xdb: {  	[sflag:s29] =	ssyncadd.s32 $0xFFFFFC00  }
0xdc: {  	_ =	swait.ge [sflag:s29], $0x400  }
0xdd: {  	[sflag:s29] =	ssyncset.done $0x0  }
0xde: {  	[sflag:s29] =	ssyncadd.s32 $0xFFFFFC00  }
0xdf: {  	_ =	swait.ge [sflag:s29], $0x400  }
0xe0: {  	[sflag:s29] =	ssyncset.done $0x0  }
0xe1: {  	[sflag:s29] =	ssyncadd.s32 $0xFFFFFC00  }
0xe2: {  	_ =	swait.ge [sflag:s29], $0x400  }
0xe3: {  	[sflag:s29] =	ssyncset.done $0x0  }
0xe4: {  	[sflag:s29] =	ssyncadd.s32 $0xFFFFFC00  }
0xe5: {  	_ =	swait.ge [sflag:s29], $0x400  }
0xe6: {  	[sflag:s29] =	ssyncset.done $0x0  }
0xe7: {  	[sflag:s29] =	ssyncadd.s32 $0xFFFFFC00  }
0xe8: {  	_ =	swait.ge [sflag:s29], $0x400  }
0xe9: {  	[sflag:s29] =	ssyncset.done $0x0  }
0xea: {  	[sflag:s29] =	ssyncadd.s32 $0xFFFFFC00  }
0xeb: {  	_ =	swait.ge [sflag:s29], $0x400  }
0xec: {  	[sflag:s29] =	ssyncset.done $0x0  }
0xed: {  	[sflag:s29] =	ssyncadd.s32 $0xFFFFFC00  }
0xee: {  	_ =	swait.ge [sflag:s29], $0x400  }
0xef: {  	[sflag:s29] =	ssyncset.done $0x0  }
0xf0: {  	[sflag:s29] =	ssyncadd.s32 $0xFFFFFC00  }
0xf1: {  	_ =	swait.ge [sflag:s29], $0x400  }
0xf2: {  	[sflag:s29] =	ssyncset.done $0x0  }
0xf3: {  	[sflag:s29] =	ssyncadd.s32 $0xFFFFFC00  }
0xf4: {  	_ =	swait.ge [sflag:s29], $0x400  }
0xf5: {  	[sflag:s29] =	ssyncset.done $0x0  }
0xf6: {  	[sflag:s29] =	ssyncadd.s32 $0xFFFFFC00  }
0xf7: {  	_ =	swait.ge [sflag:s29], $0x400  }
0xf8: {  	[sflag:s29] =	ssyncset.done $0x0  }
0xf9: {  	[sflag:s29] =	ssyncadd.s32 $0xFFFFFC00  }
0xfa: {  	_ =	swait.ge [sflag:s29], $0x400  }
0xfb: {  	[sflag:s29] =	ssyncset.done $0x0  }
0xfc: {  	[sflag:s29] =	ssyncadd.s32 $0xFFFFFC00  }
0xfd: {  	_ =	swait.ge [sflag:s29], $0x400  }
0xfe: {  	[sflag:s29] =	ssyncset.done $0x0  }
0xff: {  	[sflag:s29] =	ssyncadd.s32 $0xFFFFFC00  }
0x100: {  	_ =	swait.ge [sflag:s29], $0x400  }
0x101: {  	[sflag:s29] =	ssyncset.done $0x0  }
0x102: {  	[sflag:s29] =	ssyncadd.s32 $0xFFFFFC00  }
0x103: {  	_ =	swait.ge [sflag:s29], $0x400  }
0x104: {  	[sflag:s29] =	ssyncset.done $0x0  }
0x105: {  	[sflag:s29] =	ssyncadd.s32 $0xFFFFFC00  }
0x106: {  	_ =	swait.ge [sflag:s29], $0x400  }
0x107: {  	[sflag:s29] =	ssyncset.done $0x0  }
0x108: {  	[sflag:s29] =	ssyncadd.s32 $0xFFFFFC00  }
0x109: {  	_ =	swait.ge [sflag:s29], $0x400  }
0x10a: {  	[sflag:s29] =	ssyncset.done $0x0  }
0x10b: {  	[sflag:s29] =	ssyncadd.s32 $0xFFFFFC00  }
0x10c: {  	_ =	swait.ge [sflag:s29], $0x400  }
0x10d: {  	[sflag:s29] =	ssyncset.done $0x0  }
0x10e: {  	[sflag:s29] =	ssyncadd.s32 $0xFFFFFC00  }
0x10f: {  	_ =	swait.ge [sflag:s29], $0x400  }
0x110: {  	[sflag:s29] =	ssyncset.done $0x0  }
0x111: {  	[sflag:s29] =	ssyncadd.s32 $0xFFFFFC00  }
0x112: {  	_ =	swait.ge [sflag:s29], $0x400  }
0x113: {  	[sflag:s29] =	ssyncset.done $0x0  }
0x114: {  	[sflag:s29] =	ssyncadd.s32 $0xFFFFFC00  }
0x115: {  	_ =	swait.ge [sflag:s29], $0x400  }
0x116: {  	[sflag:s29] =	ssyncset.done $0x0  }
0x117: {  	[sflag:s29] =	ssyncadd.s32 $0xFFFFFC00  }
0x118: {  	_ =	swait.ge [sflag:s29], $0x400  }
0x119: {  	[sflag:s29] =	ssyncset.done $0x0  }
0x11a: {  	[sflag:s29] =	ssyncadd.s32 $0xFFFFFC00  }
0x11b: {  	_ =	swait.ge [sflag:s29], $0x400  }
0x11c: {  	[sflag:s29] =	ssyncset.done $0x0  }
0x11d: {  	[sflag:s29] =	ssyncadd.s32 $0xFFFFFC00  }
0x11e: {  	_ =	swait.ge [sflag:s29], $0x400  }
0x11f: {  	[sflag:s29] =	ssyncset.done $0x0  }
0x120: {  	[sflag:s29] =	ssyncadd.s32 $0xFFFFFC00  }
0x121: {  	_ =	swait.ge [sflag:s29], $0x400  }
0x122: {  	[sflag:s29] =	ssyncset.done $0x0  }
0x123: {  	[sflag:s29] =	ssyncadd.s32 $0xFFFFFC00  }
0x124: {  	_ =	swait.ge [sflag:s29], $0x400  }
0x125: {  	[sflag:s29] =	ssyncset.done $0x0  }
0x126: {  	[sflag:s29] =	ssyncadd.s32 $0xFFFFFC00  }
0x127: {  	_ =	swait.ge [sflag:s29], $0x400  }
0x128: {  	[sflag:s29] =	ssyncset.done $0x0  }
0x129: {  	[sflag:s29] =	ssyncadd.s32 $0xFFFFFC00  }
0x12a: {  	p0 =	seq.s32 s13, $0x1F;
	_ =	swait.ge [sflag:s29], $0x800  }
.Ltmp4:
0x12b: {  	[sflag:s29] =	ssyncset.done $0x0;
	(pc) =	sbr.rel @p0 .LBB2_4-.Ltmp4, $4  }
0x12c: {  	[sflag:s29] =	ssyncadd.s32 $0xFFFFF800  }
0x12d: {  	_ =	swait.ge [sflag:s29], $0x800  }
0x12e: {  	[sflag:s29] =	ssyncset.done $0x0  }
0x12f: {  	s14 =	sand.u32 $0x1, s13;
	[sflag:s29] =	ssyncadd.s32 $0xFFFFF800  }
0x130: {  	v18 =	vld [tilespmem:s0+$0x0];
	_ =	sdelay $0x3  }
0x131: {  	v17 =	vld [tilespmem:s5+$0x0]  }
0x132: {  	v19 =	vshrl.u32 v18, $0x3  }
0x133: {  	v20 =	vshll.u32 v19, $0x7  }
0x134: {  	(v2sf) =	vpush v20, $0x0;
	_ =	sdelay $0x1  }
0x135: {  	v19 =	vshrl.u32 v17, $0x3  }
0x136: {  	v19 =	vshll.u32 v19, $0x7  }
0x137: {  	(v2sf) =	vpush v19, $0x0;
	_ =	sdelay $0x3  }
0x138: {  	(v2sf) =	vpush v20, $0x1;
	_ =	sdelay $0x3  }
0x139: {  	(v2sf) =	vpush v19, $0x1;
	_ =	sdelay $0x2  }
0x13a: {  	s15 =	sxor.u32 $0x1, s14;
	s17 =	spop (v2sf)  }
0x13b: {  	s16 =	sshll.u32 s15, $0xE;
	(v2sf) =	vpush v20, $0x2;
	s17 =	sand.u32 $0x1FFFFF80, s17  }
0x13c: {  	s18 =	sor.u32 $0x400, s16;
	s17 =	sadd.s32 s6, s17  }
0x13d: {  	[tilespmem:s18], [sflag:$0x1] =	stream.linear.gather [hbm4b:s17+s4], $0x400, $0x38;
	[tilespmem:$0x12680] =	vst v63  }
0x13e: {  	s18 =	spop (v2sf)  }
0x13f: {  	(v2sf) =	vpush v19, $0x2;
	s17 =	sand.u32 $0x1FFFFF80, s18  }
0x140: {  	s18 =	sor.u32 $0x8400, s16;
	s17 =	sadd.s32 s7, s17  }
0x141: {  	[tilespmem:s18], [sflag:$0x1] =	stream.linear.gather [hbm4b:s17+s4], $0x400, $0x38;
	[tilespmem:$0x12680] =	vst v63  }
0x142: {  	s18 =	spop (v2sf)  }
0x143: {  	(v2sf) =	vpush v20, $0x3;
	s17 =	sand.u32 $0x1FFFFF80, s18  }
0x144: {  	s18 =	sor.u32 $0x800, s16;
	s17 =	sadd.s32 s6, s17  }
0x145: {  	[tilespmem:s18], [sflag:$0x1] =	stream.linear.gather [hbm4b:s17+s4], $0x400, $0x38;
	[tilespmem:$0x12680] =	vst v63  }
0x146: {  	s18 =	spop (v2sf)  }
0x147: {  	(v2sf) =	vpush v19, $0x3;
	s17 =	sand.u32 $0x1FFFFF80, s18  }
0x148: {  	s18 =	sor.u32 $0x8800, s16;
	s17 =	sadd.s32 s7, s17  }
0x149: {  	[tilespmem:s18], [sflag:$0x1] =	stream.linear.gather [hbm4b:s17+s4], $0x400, $0x38;
	[tilespmem:$0x12680] =	vst v63  }
0x14a: {  	s18 =	spop (v2sf)  }
0x14b: {  	(v2sf) =	vpush v20, $0x4;
	s17 =	sand.u32 $0x1FFFFF80, s18  }
0x14c: {  	s18 =	sor.u32 $0xC00, s16;
	s17 =	sadd.s32 s6, s17  }
0x14d: {  	[tilespmem:s18], [sflag:$0x1] =	stream.linear.gather [hbm4b:s17+s4], $0x400, $0x38;
	[tilespmem:$0x12680] =	vst v63  }
0x14e: {  	s18 =	spop (v2sf)  }
0x14f: {  	(v2sf) =	vpush v19, $0x4;
	s17 =	sand.u32 $0x1FFFFF80, s18  }
0x150: {  	s18 =	sor.u32 $0x8C00, s16;
	s17 =	sadd.s32 s7, s17  }
0x151: {  	[tilespmem:s18], [sflag:$0x1] =	stream.linear.gather [hbm4b:s17+s4], $0x400, $0x38;
	[tilespmem:$0x12680] =	vst v63  }
0x152: {  	s18 =	spop (v2sf)  }
0x153: {  	(v2sf) =	vpush v20, $0x5;
	s17 =	sand.u32 $0x1FFFFF80, s18  }
0x154: {  	s18 =	sor.u32 $0x1000, s16;
	s17 =	sadd.s32 s6, s17  }
0x155: {  	[tilespmem:s18], [sflag:$0x1] =	stream.linear.gather [hbm4b:s17+s4], $0x400, $0x38;
	[tilespmem:$0x12680] =	vst v63  }
0x156: {  	s18 =	spop (v2sf)  }
0x157: {  	(v2sf) =	vpush v19, $0x5;
	s17 =	sand.u32 $0x1FFFFF80, s18  }
0x158: {  	s18 =	sor.u32 $0x9000, s16;
	s17 =	sadd.s32 s7, s17  }
0x159: {  	[tilespmem:s18], [sflag:$0x1] =	stream.linear.gather [hbm4b:s17+s4], $0x400, $0x38;
	[tilespmem:$0x12680] =	vst v63  }
0x15a: {  	s18 =	spop (v2sf)  }
0x15b: {  	(v2sf) =	vpush v20, $0x6;
	s17 =	sand.u32 $0x1FFFFF80, s18  }
0x15c: {  	s18 =	sor.u32 $0x1400, s16;
	s17 =	sadd.s32 s6, s17  }
0x15d: {  	[tilespmem:s18], [sflag:$0x1] =	stream.linear.gather [hbm4b:s17+s4], $0x400, $0x38;
	[tilespmem:$0x12680] =	vst v63  }
0x15e: {  	s18 =	spop (v2sf)  }
0x15f: {  	(v2sf) =	vpush v19, $0x6;
	s17 =	sand.u32 $0x1FFFFF80, s18  }
0x160: {  	s18 =	sor.u32 $0x9400, s16;
	s17 =	sadd.s32 s7, s17  }
0x161: {  	[tilespmem:s18], [sflag:$0x1] =	stream.linear.gather [hbm4b:s17+s4], $0x400, $0x38;
	[tilespmem:$0x12680] =	vst v63  }
0x162: {  	s18 =	spop (v2sf)  }
0x163: {  	(v2sf) =	vpush v20, $0x7;
	s17 =	sand.u32 $0x1FFFFF80, s18  }
0x164: {  	s18 =	sor.u32 $0x1800, s16;
	s17 =	sadd.s32 s6, s17  }
0x165: {  	[tilespmem:s18], [sflag:$0x1] =	stream.linear.gather [hbm4b:s17+s4], $0x400, $0x38;
	[tilespmem:$0x12680] =	vst v63  }
0x166: {  	s18 =	spop (v2sf)  }
0x167: {  	(v2sf) =	vpush v19, $0x7;
	s17 =	sand.u32 $0x1FFFFF80, s18  }
0x168: {  	s18 =	sor.u32 $0x9800, s16;
	s17 =	sadd.s32 s7, s17  }
0x169: {  	[tilespmem:s18], [sflag:$0x1] =	stream.linear.gather [hbm4b:s17+s4], $0x400, $0x38;
	[tilespmem:$0x12680] =	vst v63  }
0x16a: {  	s18 =	spop (v2sf)  }
0x16b: {  	(v2sf) =	vpush v20, $0x8;
	s17 =	sand.u32 $0x1FFFFF80, s18  }
0x16c: {  	s18 =	sor.u32 $0x1C00, s16;
	s17 =	sadd.s32 s6, s17  }
0x16d: {  	[tilespmem:s18], [sflag:$0x1] =	stream.linear.gather [hbm4b:s17+s4], $0x400, $0x38;
	[tilespmem:$0x12680] =	vst v63  }
0x16e: {  	s18 =	spop (v2sf)  }
0x16f: {  	(v2sf) =	vpush v19, $0x8;
	s17 =	sand.u32 $0x1FFFFF80, s18  }
0x170: {  	s18 =	sor.u32 $0x9C00, s16;
	s17 =	sadd.s32 s7, s17  }
0x171: {  	[tilespmem:s18], [sflag:$0x1] =	stream.linear.gather [hbm4b:s17+s4], $0x400, $0x38;
	[tilespmem:$0x12680] =	vst v63  }
0x172: {  	s18 =	spop (v2sf)  }
0x173: {  	(v2sf) =	vpush v20, $0x9;
	s17 =	sand.u32 $0x1FFFFF80, s18  }
0x174: {  	s18 =	sor.u32 $0x2000, s16;
	s17 =	sadd.s32 s6, s17  }
0x175: {  	[tilespmem:s18], [sflag:$0x1] =	stream.linear.gather [hbm4b:s17+s4], $0x400, $0x38;
	[tilespmem:$0x12680] =	vst v63  }
0x176: {  	s18 =	spop (v2sf)  }
0x177: {  	(v2sf) =	vpush v19, $0x9;
	s17 =	sand.u32 $0x1FFFFF80, s18  }
0x178: {  	s18 =	sor.u32 $0xA000, s16;
	s17 =	sadd.s32 s7, s17  }
0x179: {  	[tilespmem:s18], [sflag:$0x1] =	stream.linear.gather [hbm4b:s17+s4], $0x400, $0x38;
	[tilespmem:$0x12680] =	vst v63  }
0x17a: {  	s18 =	spop (v2sf)  }
0x17b: {  	(v2sf) =	vpush v20, $0xA;
	s17 =	sand.u32 $0x1FFFFF80, s18  }
0x17c: {  	s18 =	sor.u32 $0x2400, s16;
	s17 =	sadd.s32 s6, s17  }
0x17d: {  	[tilespmem:s18], [sflag:$0x1] =	stream.linear.gather [hbm4b:s17+s4], $0x400, $0x38;
	[tilespmem:$0x12680] =	vst v63  }
0x17e: {  	s18 =	spop (v2sf)  }
0x17f: {  	(v2sf) =	vpush v19, $0xA;
	s17 =	sand.u32 $0x1FFFFF80, s18  }
0x180: {  	s18 =	sor.u32 $0xA400, s16;
	s17 =	sadd.s32 s7, s17  }
0x181: {  	[tilespmem:s18], [sflag:$0x1] =	stream.linear.gather [hbm4b:s17+s4], $0x400, $0x38;
	[tilespmem:$0x12680] =	vst v63  }
0x182: {  	s18 =	spop (v2sf)  }
0x183: {  	(v2sf) =	vpush v20, $0xB;
	s17 =	sand.u32 $0x1FFFFF80, s18  }
0x184: {  	s18 =	sor.u32 $0x2800, s16;
	s17 =	sadd.s32 s6, s17  }
0x185: {  	[tilespmem:s18], [sflag:$0x1] =	stream.linear.gather [hbm4b:s17+s4], $0x400, $0x38;
	[tilespmem:$0x12680] =	vst v63  }
0x186: {  	s18 =	spop (v2sf)  }
0x187: {  	(v2sf) =	vpush v19, $0xB;
	s17 =	sand.u32 $0x1FFFFF80, s18  }
0x188: {  	s18 =	sor.u32 $0xA800, s16;
	s17 =	sadd.s32 s7, s17  }
0x189: {  	[tilespmem:s18], [sflag:$0x1] =	stream.linear.gather [hbm4b:s17+s4], $0x400, $0x38;
	[tilespmem:$0x12680] =	vst v63  }
0x18a: {  	s18 =	spop (v2sf)  }
0x18b: {  	(v2sf) =	vpush v20, $0xC;
	s17 =	sand.u32 $0x1FFFFF80, s18  }
0x18c: {  	s18 =	sor.u32 $0x2C00, s16;
	s17 =	sadd.s32 s6, s17  }
0x18d: {  	[tilespmem:s18], [sflag:$0x1] =	stream.linear.gather [hbm4b:s17+s4], $0x400, $0x38;
	[tilespmem:$0x12680] =	vst v63  }
0x18e: {  	s18 =	spop (v2sf)  }
0x18f: {  	(v2sf) =	vpush v19, $0xC;
	s17 =	sand.u32 $0x1FFFFF80, s18  }
0x190: {  	s18 =	sor.u32 $0xAC00, s16;
	s17 =	sadd.s32 s7, s17  }
0x191: {  	[tilespmem:s18], [sflag:$0x1] =	stream.linear.gather [hbm4b:s17+s4], $0x400, $0x38;
	[tilespmem:$0x12680] =	vst v63  }
0x192: {  	s18 =	spop (v2sf)  }
0x193: {  	(v2sf) =	vpush v20, $0xD;
	s17 =	sand.u32 $0x1FFFFF80, s18  }
0x194: {  	s18 =	sor.u32 $0x3000, s16;
	s17 =	sadd.s32 s6, s17  }
0x195: {  	[tilespmem:s18], [sflag:$0x1] =	stream.linear.gather [hbm4b:s17+s4], $0x400, $0x38;
	[tilespmem:$0x12680] =	vst v63  }
0x196: {  	s18 =	spop (v2sf)  }
0x197: {  	(v2sf) =	vpush v19, $0xD;
	s17 =	sand.u32 $0x1FFFFF80, s18  }
0x198: {  	s18 =	sor.u32 $0xB000, s16;
	s17 =	sadd.s32 s7, s17  }
0x199: {  	[tilespmem:s18], [sflag:$0x1] =	stream.linear.gather [hbm4b:s17+s4], $0x400, $0x38;
	[tilespmem:$0x12680] =	vst v63  }
0x19a: {  	s18 =	spop (v2sf)  }
0x19b: {  	(v2sf) =	vpush v20, $0xE;
	s17 =	sand.u32 $0x1FFFFF80, s18  }
0x19c: {  	s18 =	sor.u32 $0x3400, s16;
	s17 =	sadd.s32 s6, s17  }
0x19d: {  	[tilespmem:s18], [sflag:$0x1] =	stream.linear.gather [hbm4b:s17+s4], $0x400, $0x38;
	[tilespmem:$0x12680] =	vst v63  }
0x19e: {  	s18 =	spop (v2sf)  }
0x19f: {  	(v2sf) =	vpush v19, $0xE;
	s17 =	sand.u32 $0x1FFFFF80, s18  }
0x1a0: {  	s18 =	sor.u32 $0xB400, s16;
	s17 =	sadd.s32 s7, s17  }
0x1a1: {  	[tilespmem:s18], [sflag:$0x1] =	stream.linear.gather [hbm4b:s17+s4], $0x400, $0x38;
	[tilespmem:$0x12680] =	vst v63  }
0x1a2: {  	s18 =	spop (v2sf)  }
0x1a3: {  	(v2sf) =	vpush v20, $0xF;
	s17 =	sand.u32 $0x1FFFFF80, s18  }
0x1a4: {  	s18 =	sor.u32 $0x3800, s16;
	s17 =	sadd.s32 s6, s17  }
0x1a5: {  	[tilespmem:s18], [sflag:$0x1] =	stream.linear.gather [hbm4b:s17+s4], $0x400, $0x38;
	[tilespmem:$0x12680] =	vst v63  }
0x1a6: {  	s18 =	spop (v2sf)  }
0x1a7: {  	(v2sf) =	vpush v19, $0xF;
	s17 =	sand.u32 $0x1FFFFF80, s18  }
0x1a8: {  	s18 =	sor.u32 $0xB800, s16;
	s17 =	sadd.s32 s7, s17  }
0x1a9: {  	[tilespmem:s18], [sflag:$0x1] =	stream.linear.gather [hbm4b:s17+s4], $0x400, $0x38;
	[tilespmem:$0x12680] =	vst v63  }
0x1aa: {  	s18 =	spop (v2sf)  }
0x1ab: {  	s17 =	sand.u32 $0x1FFFFF80, s18  }
0x1ac: {  	s18 =	sor.u32 $0x3C00, s16;
	s17 =	sadd.s32 s6, s17  }
0x1ad: {  	[tilespmem:s18], [sflag:$0x1] =	stream.linear.gather [hbm4b:s17+s4], $0x400, $0x38;
	[tilespmem:$0x12680] =	vst v63  }
0x1ae: {  	s18 =	spop (v2sf)  }
0x1af: {  	s17 =	sand.u32 $0x1FFFFF80, s18  }
0x1b0: {  	s18 =	sor.u32 $0xBC00, s16;
	s17 =	sadd.s32 s7, s17  }
0x1b1: {  	[tilespmem:s18], [sflag:$0x1] =	stream.linear.gather [hbm4b:s17+s4], $0x400, $0x38;
	[tilespmem:$0x12680] =	vst v63  }
0x1b2: {  	s18 =	spop (v2sf)  }
0x1b3: {  	s17 =	sand.u32 $0x1FFFFF80, s18  }
0x1b4: {  	s18 =	sadd.s32 $0x4000, s16;
	s17 =	sadd.s32 s6, s17  }
0x1b5: {  	[tilespmem:s18], [sflag:$0x1] =	stream.linear.gather [hbm4b:s17+s4], $0x400, $0x38;
	[tilespmem:$0x12680] =	vst v63  }
0x1b6: {  	s18 =	spop (v2sf)  }
0x1b7: {  	v18 =	vshra.s32 v18, $0x7;
	s17 =	sand.u32 $0x1FFFFF80, s18  }
0x1b8: {  	s16 =	sadd.s32 $0xC000, s16;
	s17 =	sadd.s32 s7, s17  }
0x1b9: {  	v17 =	vshra.s32 v17, $0x7;
	[tilespmem:s16], [sflag:$0x1] =	stream.linear.gather [hbm4b:s17+s4], $0x400, $0x38;
	[tilespmem:$0x12680] =	vst v63  }
.Ltmp5:
0x1ba: {  	s15 =	sshll.u32 s15, $0xB;
	(pc) =	sbr.rel .LBB2_4-.Ltmp5, $4  }
0x1bb: {  	s18 =	sor.u32 $0x10400, s15  }
0x1bc: {  	[tilespmem:s18], [sflag:$0x1] =	stream.indirect_vreg.gather [hbm4b:s1+s4], $0x80, v18, vm0, $0xb8;
	[tilespmem:$0x12680] =	vst v63  }
0x1bd: {  	s15 =	sor.u32 $0x11400, s15  }
0x1be: {  	[tilespmem:s15], [sflag:$0x1] =	stream.indirect_vreg.gather [hbm4b:s2+s4], $0x80, v17, vm0, $0xb8;
	[tilespmem:$0x12680] =	vst v63  }
.LBB2_6:
0x1bf: {  	_ =	sfence.sel $0x180000  }
0x1c0: {  	[bflag:$0x0] =	sbarrier.arrive $0xFFFF  }
0x1c1: {  	_ =	strace $0x90000047  }
0x1c2: {  	s0 =	stileid.u32;
	[bflag:$0x2] =	sbarrier.arrive $0xFFFF  }
0x1c3: {  	p0 =	sne.s32 s0, $0x0;
	s0 =	rddreg [dreg:$0x7]  }
0x1c4: {  	s0 =	sadd.s32 @!p0 $0x100000, s0  }
0x1c5: {  	[sflag:s0] =	ssyncadd.tile.s32 @!p0 $0x1;
	_ =	shalt  }
.Lfunc_end2:
_tile_overlayer_lowered:
.L_overlay_start_2:
0x1c6: {  	(tag) =	ssettag $0x2  }
0x1c7: {  	s0 =	rddreg [dreg:$0x0];
	s2 =	stileid.u32  }
0x1c8: {  	s1 =	rddreg [dreg:$0x1];
	p0 =	sne.s32 s2, $0x0  }
0x1c9: {  	s3 =	rddreg [dreg:$0x2];
	[bflag:$0x3] =	sbarrier.arrive $0xFFFF;
	s2 =	simm.s32 @!p0 $0x1C02  }
0x1ca: {  	[timem:s3], [sflag:s2] =	dma.local @!p0 [hbm:s0], s1  }
0x1cb: {  	s0 =	simm.s32 @!p0 $0x2  }
0x1cc: {  	_ =	swait.ge @!p0 [sflag:s0], s1  }
0x1cd: {  	s1 =	ssub.s32 @!p0 $0x0, s1;
	[sflag:s0] =	ssyncset.done @!p0 $0x0  }
0x1ce: {  	[sflag:s0] =	ssyncadd.s32 @!p0 s1  }
0x1cf: {  	[bflag:$0x3] =	sbarrier.arrive $0xFFFF  }
0x1d0: {  	_ =	shalt  }

</sc_bundles>
